<compile_context>
chip_gen: v7x
topology: tpu7x:2x2x1
jax: 0.10.2.dev20260603
libtpu: 0.0.44.dev20260713+nightly
codegen_flags: <defaults>
</compile_context>

<pallas_src>
import functools

import jax
import jax.numpy as jnp
from jax import lax
from jax.experimental import pallas as pl
from jax.experimental.pallas import tpu as pltpu
from jax.experimental.pallas import tpu_sc as plsc

B = 8
H = 360
W = 357
SINSZ = H * W
NPIX = 65536
OUT = 256
KLEN = 713
NNZ = 2000000

NCORES = 2
NSUB = 16
NW = NCORES * NSUB
CB = 2000
NBLK = NNZ // CB
FULL_ROUNDS = NBLK // NW
LEFTOVER = NBLK - FULL_ROUNDS * NW

SINSZ_P = 131072
TC_PX = 512
TC_CHUNKS = SINSZ_P // TC_PX
TC_FULL = SINSZ // TC_PX


def _filter_body(sin_ref, cos_ref, m_ref, b_ref, out_ref):
    r = sin_ref[...] * cos_ref[...][None]
    x = r.reshape(B * H, W)
    y = lax.dot_general(x, m_ref[...], (((1,), (1,)), ((), ())),
                        preferred_element_type=jnp.float32)
    out_ref[...] = y + b_ref[0]


def _combine_sc(parts_flat):
    mesh = plsc.VectorSubcoreMesh(core_axis_name="c", subcore_axis_name="s",
                                  num_cores=NCORES, num_subcores=NSUB)
    PC = NPIX // NW

    @functools.partial(
        pl.kernel,
        out_type=jax.ShapeDtypeStruct((B, NPIX), jnp.float32),
        mesh=mesh,
        compiler_params=pltpu.CompilerParams(needs_layout_passes=False,
                                             use_tc_tiling_on_sc=False),
        scratch_types=[
            pltpu.VMEM((PC * B,), jnp.float32),
            pltpu.VMEM((PC * B,), jnp.float32),
            pltpu.VMEM((B, PC), jnp.float32),
        ],
    )
    def combine_kernel(p_hbm, out_hbm, a0, a1, ob):
        cid = lax.axis_index("c")
        sid = lax.axis_index("s")
        wid = cid * NSUB + sid
        p0 = wid * PC

        pltpu.sync_copy(p_hbm.at[pl.ds(p0 * B, PC * B)], a0)
        pltpu.sync_copy(p_hbm.at[pl.ds((NPIX + p0) * B, PC * B)], a1)

        io = lax.iota(jnp.int32, 16)
        for b in range(B):
            idx0 = io * B + b

            @pl.loop(0, PC // 16, unroll=8)
            def _(g):
                idx = g * (16 * B) + idx0
                v = plsc.load_gather(a0, [idx]) + plsc.load_gather(a1, [idx])
                ob[b, pl.ds(g * 16, 16)] = jnp.clip(v, 0.0, 1.0)

        pltpu.sync_copy(ob, out_hbm.at[:, pl.ds(p0, PC)])

    return combine_kernel(parts_flat)


def _spmm_sc(y2, rows, cols, data, zeros):
    mesh = plsc.VectorSubcoreMesh(core_axis_name="c", subcore_axis_name="s",
                                  num_cores=NCORES, num_subcores=NSUB)
    NSTEP = FULL_ROUNDS + 1

    @functools.partial(
        pl.kernel,
        out_type=(jax.ShapeDtypeStruct((NCORES * NPIX, B), jnp.float32),
                  jax.ShapeDtypeStruct((SINSZ_P, B), jnp.float32)),
        mesh=mesh,
        compiler_params=pltpu.CompilerParams(needs_layout_passes=False,
                                             use_tc_tiling_on_sc=False),
        scratch_types=[
            pltpu.VMEM_SHARED((NPIX, B), jnp.float32),
            pltpu.VMEM((2, CB), jnp.int32),
            pltpu.VMEM((4, CB), jnp.int32),
            pltpu.VMEM((2, CB), jnp.float32),
            pltpu.VMEM((2, CB, B), jnp.float32),
            pltpu.VMEM((2, CB, B), jnp.float32),
            pltpu.VMEM((B, TC_PX), jnp.float32),
            pltpu.VMEM((TC_PX, B), jnp.float32),
            pltpu.SemaphoreType.DMA,
            pltpu.SemaphoreType.DMA,
            pltpu.SemaphoreType.DMA,
            pltpu.SemaphoreType.DMA,
            pltpu.SemaphoreType.DMA,
            pltpu.SemaphoreType.DMA,
        ],
    )
    def spmm_kernel(y2_hbm, rows_hbm, cols_hbm, data_hbm, z_hbm,
                    out_hbm, stab_hbm,
                    acc, col_v, row_v, dat_v, gath_v, scl_v,
                    ybuf, tbuf,
                    sem_i0, sem_i1, sem_g0, sem_g1, sem_s0, sem_s1):
        cid = lax.axis_index("c")
        sid = lax.axis_index("s")
        wid = cid * NSUB + sid
        rows_per = NPIX // NSUB
        sem_i = (sem_i0, sem_i1)
        sem_g = (sem_g0, sem_g1)
        sem_s = (sem_s0, sem_s1)

        io = lax.iota(jnp.int32, 16)
        hi = io // 8
        colg = io % 8

        def block_id(k):
            return jnp.where(k < FULL_ROUNDS, k * NW + wid,
                             jnp.where(wid < LEFTOVER,
                                       FULL_ROUNDS * NW + wid, wid))

        def idx_copies(k, p, q):
            base = block_id(k) * CB
            return (
                pltpu.make_async_copy(cols_hbm.at[pl.ds(base, CB)],
                                      col_v.at[p], sem_i[p]),
                pltpu.make_async_copy(rows_hbm.at[pl.ds(base, CB)],
                                      row_v.at[q], sem_i[p]),
                pltpu.make_async_copy(data_hbm.at[pl.ds(base, CB)],
                                      dat_v.at[p], sem_i[p]),
            )

        def gather_copy(p):
            return pltpu.make_async_copy(stab_hbm.at[col_v.at[p]],
                                         gath_v.at[p], sem_g[p])

        def scatter_start(p, q):
            pltpu.async_copy(scl_v.at[p], acc.at[row_v.at[q]], sem_s[p],
                             add=True)

        def scatter_wait(p, q):
            pltpu.make_async_copy(scl_v.at[p],
                                  acc.at[row_v.at[q]], sem_s[p]).wait()

        def issue_idx(k, p, q):
            for c in idx_copies(k, p, q):
                c.start()

        def wait_idx(k, p, q):
            for c in idx_copies(k, p, q):
                c.wait()

        issue_idx(0, 0, 0)
        issue_idx(1, 1, 1)

        @pl.loop(0, TC_CHUNKS // NSUB)
        def _(r):
            chunk = r * NSUB + sid
            p0 = chunk * TC_PX

            @pl.when(chunk < TC_FULL)
            def _():
                pltpu.sync_copy(y2_hbm.at[:, pl.ds(p0, TC_PX)], ybuf)

            @pl.when(chunk == TC_FULL)
            def _():
                pltpu.sync_copy(y2_hbm.at[:, pl.ds(SINSZ - 8, 8)],
                                ybuf.at[:, pl.ds(0, 8)])

            @pl.when(chunk <= TC_FULL)
            def _():
                for b in range(B):
                    bcol = jnp.full((16,), b, jnp.int32)

                    @pl.loop(0, TC_PX // 16)
                    def _(g):
                        v = ybuf[b, pl.ds(g * 16, 16)]
                        plsc.store_scatter(tbuf, [g * 16 + io, bcol], v)
                pltpu.sync_copy(tbuf, stab_hbm.at[pl.ds(p0, TC_PX)])

        pltpu.sync_copy(z_hbm,
                        acc.at[pl.ds(sid * rows_per, rows_per)])
        plsc.subcore_barrier()
        wait_idx(0, 0, 0)
        gather_copy(0).start()

        def step(k, a, q):
            b = 1 - a
            @pl.when(k < NSTEP - 1)
            def _():
                wait_idx(k + 1, b, (q + 1) % 4)
                gather_copy(b).start()

            gather_copy(a).wait()

            @pl.when(k >= 2)
            def _():
                scatter_wait(a, (q + 2) % 4)

            valid = jnp.logical_or(k < FULL_ROUNDS, wid < LEFTOVER)
            f = jnp.where(valid, 1.0, 0.0).astype(jnp.float32)

            @pl.loop(0, CB // 2, unroll=8)
            def _(g):
                rowg = g * 2 + hi
                dv = plsc.load_gather(dat_v.at[a], [rowg])
                sv = plsc.load_gather(gath_v.at[a], [rowg, colg])
                plsc.store_scatter(scl_v.at[a], [rowg, colg], sv * dv * f)

            scatter_start(a, q)

            @pl.when(k < NSTEP - 2)
            def _():
                issue_idx(k + 2, a, (q + 2) % 4)

        @pl.loop(0, NSTEP // 4)
        def _(r):
            for j in range(4):
                step(r * 4 + j, j % 2, j)

        scatter_wait(0, 2)
        scatter_wait(1, 3)

        plsc.subcore_barrier()
        pltpu.sync_copy(
            acc.at[pl.ds(sid * rows_per, rows_per)],
            out_hbm.at[pl.ds(cid * NPIX + sid * rows_per, rows_per)])

    parts, _ = spmm_kernel(y2, rows, cols, data, zeros)
    return parts


def kernel(sin_fan, cos, filt_w, filt_b, A_rows, A_cols, A_data):
    vp = jnp.concatenate([filt_w, jnp.zeros((1,), jnp.float32)])
    flat = jnp.broadcast_to(vp, (W, KLEN + 1)).reshape(-1)
    m = flat[: W * KLEN].reshape(W, KLEN)[:, (KLEN - 1) // 2:]

    y = pl.pallas_call(
        _filter_body,
        out_shape=jax.ShapeDtypeStruct((B * H, W), jnp.float32),
    )(sin_fan, cos, m, filt_b)

    y2 = y.reshape(B, SINSZ)

    zeros = jnp.zeros((NPIX // NSUB, B), jnp.float32)
    parts = _spmm_sc(y2, A_rows, A_cols, A_data, zeros)

    fbp = _combine_sc(parts.reshape(NCORES * NPIX * B))
    return fbp.reshape(B, OUT, OUT, 1)

# --- scband reference (transcript-rebuilt; emitter-appended) ---
"""Pipeline reference for scband-fbp-layer-29884382446441 (READ-ONLY COPY).

The authoritative reference and input builder live on the scoring server;
editing this copy changes nothing except your own understanding.
"""

import jax, jax.numpy as jnp
import numpy as np

B = 8
H = 360   # projection angles
W = 357   # detector bins (fan-beam); 360*357 = 128520
SINSZ = H * W
NPIX = 65536  # 256x256 reconstruction
OUT = 256
KLEN = 713    # ramp filter length = 2*W - 1
NNZ = 2000000


def setup_inputs(seed: int = 0) -> dict:
    key = jax.random.key(seed)
    ks = jax.random.split(key, 7)
    sin_fan = jax.random.normal(ks[0], (B, H, W), dtype=jnp.float32)
    cos = jax.random.uniform(ks[1], (H, W), dtype=jnp.float32, minval=0.5, maxval=1.0)
    filt_w = jax.random.normal(ks[2], (KLEN,), dtype=jnp.float32) * 0.01
    filt_b = jnp.zeros((1,), dtype=jnp.float32)
    A_rows = jax.random.randint(ks[3], (NNZ,), 0, NPIX, dtype=jnp.int32)
    A_cols = jax.random.randint(ks[4], (NNZ,), 0, SINSZ, dtype=jnp.int32)
    A_data = jax.random.uniform(ks[5], (NNZ,), dtype=jnp.float32) * 1e-3
    return {"sin_fan": sin_fan, "cos": cos, "filt_w": filt_w, "filt_b": filt_b,
            "A_rows": A_rows, "A_cols": A_cols, "A_data": A_data}


def reference(sin_fan, cos, filt_w, filt_b, A_rows, A_cols, A_data):
    # sin_fan: [B, H, W] -> unsqueeze channel dim
    r = sin_fan[:, None, :, :] * cos[None, None, :, :]  # [B, 1, H, W]
    b, _, h, w = r.shape
    klen = filt_w.shape[0]
    # FBP ramp filter: conv of length klen along detector axis, 'same' padding.
    # The kernel is 1 x klen (no coupling across angles), so apply it as a
    # rank-1 convolution per (batch, angle) row: identical per-element reduction.
    rhs = filt_w.reshape(1, 1, klen)
    flt = jax.lax.conv_general_dilated(r.reshape(b * h, 1, w), rhs,
                                       window_strides=(1,), padding='SAME')
    flt = flt.reshape(b, 1, h, w)
    flt = flt + filt_b.reshape(1, 1, 1, 1)  # [B, 1, H, W]
    # permute(0,2,3,1) -> [B, H, W, 1], flatten to [B, SINSZ], transpose -> [SINSZ, B]
    s = jnp.transpose(flt, (0, 2, 3, 1)).reshape(-1, SINSZ).T
    # sparse.mm(A, s): A is COO (rows, cols, data) of shape [NPIX, SINSZ]
    gathered = s[A_cols] * A_data[:, None]  # [NNZ, B]
    fbp = jax.ops.segment_sum(gathered, A_rows, num_segments=NPIX)  # [NPIX, B]
    fbp = fbp.T.reshape(-1, OUT, OUT, 1)
    fbp = jnp.clip(fbp, 0.0, 1.0)
    return fbp

if __name__ == "__main__":
    import jax
    _d = setup_inputs()
    print(jax.jit(kernel)(*tuple(_d.values())))

</pallas_src>

<mosaic_0001>
#map = affine_map<(d0, d1) -> (0)>
#map1 = affine_map<(d0, d1) -> (0, 0)>
module attributes {stable_mosaic.version = 14 : i64} {
  func.func @combine_kernel(%arg0: i32, %arg1: i32, %arg2: memref<1048576xf32, #tpu.memory_space<hbm>>, %arg3: memref<8x65536xf32, #tpu.memory_space<hbm>>, %arg4: memref<16384xf32, #tpu.memory_space<vmem>>, %arg5: memref<16384xf32, #tpu.memory_space<vmem>>, %arg6: memref<8x2048xf32, #tpu.memory_space<vmem>>) attributes {dimension_semantics = [#tpu.dimension_semantics<core_parallel>, #tpu.dimension_semantics<subcore_parallel>], iteration_bounds = array<i64: 2, 16>, scalar_prefetch = 0 : i64, scratch_operands = 3 : i64, tpu.core_type = #tpu.core_type<sc_vector_subcore>, window_params = [{transform_indices = #map}, {transform_indices = #map1}]} {
    %mul3A = arith.constant 16 : i32
    %mul3A_0 = arith.muli %arg0, %mul3A : i32
    %add3A = arith.addi %mul3A_0, %arg1 : i32
    %mul3A_1 = arith.constant 2048 : i32
    %mul3A_2 = arith.muli %add3A, %mul3A_1 : i32
    %mul3A_3 = arith.constant 8 : i32
    %mul3A_4 = arith.muli %mul3A_2, %mul3A_3 : i32
    "tpu.region"() ({
      %run_scoped3A = tpu.sem_alloc : memref<!tpu.dma_semaphore, #tpu.memory_space<semaphore_mem>>
      %dma_start3A = tpu.memref_slice %arg2[%mul3A_4] : memref<1048576xf32, #tpu.memory_space<hbm>> -> memref<16384xf32, #tpu.memory_space<hbm>>
      %dma_start3A_96 = tpu.memref_slice %arg2[%mul3A_4] : memref<1048576xf32, #tpu.memory_space<hbm>> -> memref<16384xf32, #tpu.memory_space<hbm>>
      tpu.enqueue_dma source(%dma_start3A_96 : memref<16384xf32, #tpu.memory_space<hbm>>) target(%arg4 : memref<16384xf32, #tpu.memory_space<vmem>>) target_semaphore(%run_scoped3A : memref<!tpu.dma_semaphore, #tpu.memory_space<semaphore_mem>>)
      %dma_wait3A = tpu.memref_slice %arg2[%mul3A_4] : memref<1048576xf32, #tpu.memory_space<hbm>> -> memref<16384xf32, #tpu.memory_space<hbm>>
      %dma_wait3A_97 = tpu.memref_slice %arg2[%mul3A_4] : memref<1048576xf32, #tpu.memory_space<hbm>> -> memref<16384xf32, #tpu.memory_space<hbm>>
      tpu.wait_dma2 semaphore(%run_scoped3A : memref<!tpu.dma_semaphore, #tpu.memory_space<semaphore_mem>>) src(%dma_wait3A_97 : memref<16384xf32, #tpu.memory_space<hbm>>) dst(%arg4 : memref<16384xf32, #tpu.memory_space<vmem>>)
      tpu.yield
    }) : () -> ()
    %add3A_5 = arith.constant 65536 : i32
    %add3A_6 = arith.addi %add3A_5, %mul3A_2 : i32
    %mul3A_7 = arith.constant 8 : i32
    %mul3A_8 = arith.muli %add3A_6, %mul3A_7 : i32
    "tpu.region"() ({
      %run_scoped3A = tpu.sem_alloc : memref<!tpu.dma_semaphore, #tpu.memory_space<semaphore_mem>>
      %dma_start3A = tpu.memref_slice %arg2[%mul3A_8] : memref<1048576xf32, #tpu.memory_space<hbm>> -> memref<16384xf32, #tpu.memory_space<hbm>>
      %dma_start3A_96 = tpu.memref_slice %arg2[%mul3A_8] : memref<1048576xf32, #tpu.memory_space<hbm>> -> memref<16384xf32, #tpu.memory_space<hbm>>
      tpu.enqueue_dma source(%dma_start3A_96 : memref<16384xf32, #tpu.memory_space<hbm>>) target(%arg5 : memref<16384xf32, #tpu.memory_space<vmem>>) target_semaphore(%run_scoped3A : memref<!tpu.dma_semaphore, #tpu.memory_space<semaphore_mem>>)
      %dma_wait3A = tpu.memref_slice %arg2[%mul3A_8] : memref<1048576xf32, #tpu.memory_space<hbm>> -> memref<16384xf32, #tpu.memory_space<hbm>>
      %dma_wait3A_97 = tpu.memref_slice %arg2[%mul3A_8] : memref<1048576xf32, #tpu.memory_space<hbm>> -> memref<16384xf32, #tpu.memory_space<hbm>>
      tpu.wait_dma2 semaphore(%run_scoped3A : memref<!tpu.dma_semaphore, #tpu.memory_space<semaphore_mem>>) src(%dma_wait3A_97 : memref<16384xf32, #tpu.memory_space<hbm>>) dst(%arg5 : memref<16384xf32, #tpu.memory_space<vmem>>)
      tpu.yield
    }) : () -> ()
    %iota3A = tpu.iota {dimensions = array<i32: 0>} : vector<16xi32>
    %mul3A_9 = arith.constant 8 : i32
    %mul3A_10 = vector.broadcast %mul3A_9 : i32 to vector<16xi32>
    %mul3A_11 = arith.muli %iota3A, %mul3A_10 : vector<16xi32>
    %add3A_12 = arith.constant 0 : i32
    %add3A_13 = vector.broadcast %add3A_12 : i32 to vector<16xi32>
    %add3A_14 = arith.addi %mul3A_11, %add3A_13 : vector<16xi32>
    %scan3A = arith.constant 0 : i32
    %scan3A_15 = arith.constant 128 : i32
    %scan3A_16 = arith.addi %scan3A, %scan3A_15 : i32
    %scan3A_17 = arith.constant 8 : i32
    scf.for %scan3A_96 = %scan3A to %scan3A_16 step %scan3A_17  : i32 {
      %mul3A_97 = arith.constant 1 : i32
      %mul3A_98 = arith.muli %scan3A_96, %mul3A_97 : i32
      %add3A_99 = arith.constant 0 : i32
      %add3A_100 = arith.addi %add3A_99, %mul3A_98 : i32
      %mul3A_101 = arith.constant 128 : i32
      %mul3A_102 = arith.muli %add3A_100, %mul3A_101 : i32
      %add3A_103 = vector.broadcast %mul3A_102 : i32 to vector<16xi32>
      %add3A_104 = arith.addi %add3A_103, %add3A_14 : vector<16xi32>
      %gather3A = tpu.vector_load_idx %arg4[%add3A_104] : memref<16384xf32, #tpu.memory_space<vmem>>[vector<16xi32>], vector<16xf32>,
      %gather3A_105 = tpu.vector_load_idx %arg5[%add3A_104] : memref<16384xf32, #tpu.memory_space<vmem>>[vector<16xi32>], vector<16xf32>,
      %add3A_106 = arith.addf %gather3A, %gather3A_105 : vector<16xf32>
      %jit3A = arith.constant 0.000000e+00 : f32
      %jit3A_107 = arith.constant 1.000000e+00 : f32
      %max3A = vector.broadcast %jit3A : f32 to vector<16xf32>
      %max3A_108 = arith.maximumf %max3A, %add3A_106 : vector<16xf32>
      %min3A = vector.broadcast %jit3A_107 : f32 to vector<16xf32>
      %min3A_109 = arith.minimumf %min3A, %max3A_108 : vector<16xf32>
      %mul3A_110 = arith.constant 16 : i32
      %mul3A_111 = arith.muli %add3A_100, %mul3A_110 : i32
      %swap3A = arith.constant 0 : i32
      %swap3A_112 = arith.index_cast %swap3A : i32 to index
      %swap3A_113 = arith.index_cast %mul3A_111 : i32 to index
      %swap3A_114 = tpu.vector_load %arg6[%swap3A_112, %swap3A_113] {strides = array<i32>} : memref<8x2048xf32, #tpu.memory_space<vmem>>, vector<16xf32>,
      tpu.vector_store %arg6[%swap3A_112, %swap3A_113], %min3A_109 {strides = array<i32>} : memref<8x2048xf32, #tpu.memory_space<vmem>>, vector<16xf32>,
      %scan3A_115 = arith.constant 1 : i32
      %scan3A_116 = arith.addi %scan3A_96, %scan3A_115 : i32
      %mul3A_117 = arith.constant 1 : i32
      %mul3A_118 = arith.muli %scan3A_116, %mul3A_117 : i32
      %add3A_119 = arith.constant 0 : i32
      %add3A_120 = arith.addi %add3A_119, %mul3A_118 : i32
      %mul3A_121 = arith.constant 128 : i32
      %mul3A_122 = arith.muli %add3A_120, %mul3A_121 : i32
      %add3A_123 = vector.broadcast %mul3A_122 : i32 to vector<16xi32>
      %add3A_124 = arith.addi %add3A_123, %add3A_14 : vector<16xi32>
      %gather3A_125 = tpu.vector_load_idx %arg4[%add3A_124] : memref<16384xf32, #tpu.memory_space<vmem>>[vector<16xi32>], vector<16xf32>,
      %gather3A_126 = tpu.vector_load_idx %arg5[%add3A_124] : memref<16384xf32, #tpu.memory_space<vmem>>[vector<16xi32>], vector<16xf32>,
      %add3A_127 = arith.addf %gather3A_125, %gather3A_126 : vector<16xf32>
      %jit3A_128 = arith.constant 0.000000e+00 : f32
      %jit3A_129 = arith.constant 1.000000e+00 : f32
      %max3A_130 = vector.broadcast %jit3A_128 : f32 to vector<16xf32>
      %max3A_131 = arith.maximumf %max3A_130, %add3A_127 : vector<16xf32>
      %min3A_132 = vector.broadcast %jit3A_129 : f32 to vector<16xf32>
      %min3A_133 = arith.minimumf %min3A_132, %max3A_131 : vector<16xf32>
      %mul3A_134 = arith.constant 16 : i32
      %mul3A_135 = arith.muli %add3A_120, %mul3A_134 : i32
      %swap3A_136 = arith.constant 0 : i32
      %swap3A_137 = arith.index_cast %swap3A_136 : i32 to index
      %swap3A_138 = arith.index_cast %mul3A_135 : i32 to index
      %swap3A_139 = tpu.vector_load %arg6[%swap3A_137, %swap3A_138] {strides = array<i32>} : memref<8x2048xf32, #tpu.memory_space<vmem>>, vector<16xf32>,
      tpu.vector_store %arg6[%swap3A_137, %swap3A_138], %min3A_133 {strides = array<i32>} : memref<8x2048xf32, #tpu.memory_space<vmem>>, vector<16xf32>,
      %scan3A_140 = arith.constant 2 : i32
      %scan3A_141 = arith.addi %scan3A_96, %scan3A_140 : i32
      %mul3A_142 = arith.constant 1 : i32
      %mul3A_143 = arith.muli %scan3A_141, %mul3A_142 : i32
      %add3A_144 = arith.constant 0 : i32
      %add3A_145 = arith.addi %add3A_144, %mul3A_143 : i32
      %mul3A_146 = arith.constant 128 : i32
      %mul3A_147 = arith.muli %add3A_145, %mul3A_146 : i32
      %add3A_148 = vector.broadcast %mul3A_147 : i32 to vector<16xi32>
      %add3A_149 = arith.addi %add3A_148, %add3A_14 : vector<16xi32>
      %gather3A_150 = tpu.vector_load_idx %arg4[%add3A_149] : memref<16384xf32, #tpu.memory_space<vmem>>[vector<16xi32>], vector<16xf32>,
      %gather3A_151 = tpu.vector_load_idx %arg5[%add3A_149] : memref<16384xf32, #tpu.memory_space<vmem>>[vector<16xi32>], vector<16xf32>,
      %add3A_152 = arith.addf %gather3A_150, %gather3A_151 : vector<16xf32>
      %jit3A_153 = arith.constant 0.000000e+00 : f32
      %jit3A_154 = arith.constant 1.000000e+00 : f32
      %max3A_155 = vector.broadcast %jit3A_153 : f32 to vector<16xf32>
      %max3A_156 = arith.maximumf %max3A_155, %add3A_152 : vector<16xf32>
      %min3A_157 = vector.broadcast %jit3A_154 : f32 to vector<16xf32>
      %min3A_158 = arith.minimumf %min3A_157, %max3A_156 : vector<16xf32>
      %mul3A_159 = arith.constant 16 : i32
      %mul3A_160 = arith.muli %add3A_145, %mul3A_159 : i32
      %swap3A_161 = arith.constant 0 : i32
      %swap3A_162 = arith.index_cast %swap3A_161 : i32 to index
      %swap3A_163 = arith.index_cast %mul3A_160 : i32 to index
      %swap3A_164 = tpu.vector_load %arg6[%swap3A_162, %swap3A_163] {strides = array<i32>} : memref<8x2048xf32, #tpu.memory_space<vmem>>, vector<16xf32>,
      tpu.vector_store %arg6[%swap3A_162, %swap3A_163], %min3A_158 {strides = array<i32>} : memref<8x2048xf32, #tpu.memory_space<vmem>>, vector<16xf32>,
      %scan3A_165 = arith.constant 3 : i32
      %scan3A_166 = arith.addi %scan3A_96, %scan3A_165 : i32
      %mul3A_167 = arith.constant 1 : i32
      %mul3A_168 = arith.muli %scan3A_166, %mul3A_167 : i32
      %add3A_169 = arith.constant 0 : i32
      %add3A_170 = arith.addi %add3A_169, %mul3A_168 : i32
      %mul3A_171 = arith.constant 128 : i32
      %mul3A_172 = arith.muli %add3A_170, %mul3A_171 : i32
      %add3A_173 = vector.broadcast %mul3A_172 : i32 to vector<16xi32>
      %add3A_174 = arith.addi %add3A_173, %add3A_14 : vector<16xi32>
      %gather3A_175 = tpu.vector_load_idx %arg4[%add3A_174] : memref<16384xf32, #tpu.memory_space<vmem>>[vector<16xi32>], vector<16xf32>,
      %gather3A_176 = tpu.vector_load_idx %arg5[%add3A_174] : memref<16384xf32, #tpu.memory_space<vmem>>[vector<16xi32>], vector<16xf32>,
      %add3A_177 = arith.addf %gather3A_175, %gather3A_176 : vector<16xf32>
      %jit3A_178 = arith.constant 0.000000e+00 : f32
      %jit3A_179 = arith.constant 1.000000e+00 : f32
      %max3A_180 = vector.broadcast %jit3A_178 : f32 to vector<16xf32>
      %max3A_181 = arith.maximumf %max3A_180, %add3A_177 : vector<16xf32>
      %min3A_182 = vector.broadcast %jit3A_179 : f32 to vector<16xf32>
      %min3A_183 = arith.minimumf %min3A_182, %max3A_181 : vector<16xf32>
      %mul3A_184 = arith.constant 16 : i32
      %mul3A_185 = arith.muli %add3A_170, %mul3A_184 : i32
      %swap3A_186 = arith.constant 0 : i32
      %swap3A_187 = arith.index_cast %swap3A_186 : i32 to index
      %swap3A_188 = arith.index_cast %mul3A_185 : i32 to index
      %swap3A_189 = tpu.vector_load %arg6[%swap3A_187, %swap3A_188] {strides = array<i32>} : memref<8x2048xf32, #tpu.memory_space<vmem>>, vector<16xf32>,
      tpu.vector_store %arg6[%swap3A_187, %swap3A_188], %min3A_183 {strides = array<i32>} : memref<8x2048xf32, #tpu.memory_space<vmem>>, vector<16xf32>,
      %scan3A_190 = arith.constant 4 : i32
      %scan3A_191 = arith.addi %scan3A_96, %scan3A_190 : i32
      %mul3A_192 = arith.constant 1 : i32
      %mul3A_193 = arith.muli %scan3A_191, %mul3A_192 : i32
      %add3A_194 = arith.constant 0 : i32
      %add3A_195 = arith.addi %add3A_194, %mul3A_193 : i32
      %mul3A_196 = arith.constant 128 : i32
      %mul3A_197 = arith.muli %add3A_195, %mul3A_196 : i32
      %add3A_198 = vector.broadcast %mul3A_197 : i32 to vector<16xi32>
      %add3A_199 = arith.addi %add3A_198, %add3A_14 : vector<16xi32>
      %gather3A_200 = tpu.vector_load_idx %arg4[%add3A_199] : memref<16384xf32, #tpu.memory_space<vmem>>[vector<16xi32>], vector<16xf32>,
      %gather3A_201 = tpu.vector_load_idx %arg5[%add3A_199] : memref<16384xf32, #tpu.memory_space<vmem>>[vector<16xi32>], vector<16xf32>,
      %add3A_202 = arith.addf %gather3A_200, %gather3A_201 : vector<16xf32>
      %jit3A_203 = arith.constant 0.000000e+00 : f32
      %jit3A_204 = arith.constant 1.000000e+00 : f32
      %max3A_205 = vector.broadcast %jit3A_203 : f32 to vector<16xf32>
      %max3A_206 = arith.maximumf %max3A_205, %add3A_202 : vector<16xf32>
      %min3A_207 = vector.broadcast %jit3A_204 : f32 to vector<16xf32>
      %min3A_208 = arith.minimumf %min3A_207, %max3A_206 : vector<16xf32>
      %mul3A_209 = arith.constant 16 : i32
      %mul3A_210 = arith.muli %add3A_195, %mul3A_209 : i32
      %swap3A_211 = arith.constant 0 : i32
      %swap3A_212 = arith.index_cast %swap3A_211 : i32 to index
      %swap3A_213 = arith.index_cast %mul3A_210 : i32 to index
      %swap3A_214 = tpu.vector_load %arg6[%swap3A_212, %swap3A_213] {strides = array<i32>} : memref<8x2048xf32, #tpu.memory_space<vmem>>, vector<16xf32>,
      tpu.vector_store %arg6[%swap3A_212, %swap3A_213], %min3A_208 {strides = array<i32>} : memref<8x2048xf32, #tpu.memory_space<vmem>>, vector<16xf32>,
      %scan3A_215 = arith.constant 5 : i32
      %scan3A_216 = arith.addi %scan3A_96, %scan3A_215 : i32
      %mul3A_217 = arith.constant 1 : i32
      %mul3A_218 = arith.muli %scan3A_216, %mul3A_217 : i32
      %add3A_219 = arith.constant 0 : i32
      %add3A_220 = arith.addi %add3A_219, %mul3A_218 : i32
      %mul3A_221 = arith.constant 128 : i32
      %mul3A_222 = arith.muli %add3A_220, %mul3A_221 : i32
      %add3A_223 = vector.broadcast %mul3A_222 : i32 to vector<16xi32>
      %add3A_224 = arith.addi %add3A_223, %add3A_14 : vector<16xi32>
      %gather3A_225 = tpu.vector_load_idx %arg4[%add3A_224] : memref<16384xf32, #tpu.memory_space<vmem>>[vector<16xi32>], vector<16xf32>,
      %gather3A_226 = tpu.vector_load_idx %arg5[%add3A_224] : memref<16384xf32, #tpu.memory_space<vmem>>[vector<16xi32>], vector<16xf32>,
      %add3A_227 = arith.addf %gather3A_225, %gather3A_226 : vector<16xf32>
      %jit3A_228 = arith.constant 0.000000e+00 : f32
      %jit3A_229 = arith.constant 1.000000e+00 : f32
      %max3A_230 = vector.broadcast %jit3A_228 : f32 to vector<16xf32>
      %max3A_231 = arith.maximumf %max3A_230, %add3A_227 : vector<16xf32>
      %min3A_232 = vector.broadcast %jit3A_229 : f32 to vector<16xf32>
      %min3A_233 = arith.minimumf %min3A_232, %max3A_231 : vector<16xf32>
      %mul3A_234 = arith.constant 16 : i32
      %mul3A_235 = arith.muli %add3A_220, %mul3A_234 : i32
      %swap3A_236 = arith.constant 0 : i32
      %swap3A_237 = arith.index_cast %swap3A_236 : i32 to index
      %swap3A_238 = arith.index_cast %mul3A_235 : i32 to index
      %swap3A_239 = tpu.vector_load %arg6[%swap3A_237, %swap3A_238] {strides = array<i32>} : memref<8x2048xf32, #tpu.memory_space<vmem>>, vector<16xf32>,
      tpu.vector_store %arg6[%swap3A_237, %swap3A_238], %min3A_233 {strides = array<i32>} : memref<8x2048xf32, #tpu.memory_space<vmem>>, vector<16xf32>,
      %scan3A_240 = arith.constant 6 : i32
      %scan3A_241 = arith.addi %scan3A_96, %scan3A_240 : i32
      %mul3A_242 = arith.constant 1 : i32
      %mul3A_243 = arith.muli %scan3A_241, %mul3A_242 : i32
      %add3A_244 = arith.constant 0 : i32
      %add3A_245 = arith.addi %add3A_244, %mul3A_243 : i32
      %mul3A_246 = arith.constant 128 : i32
      %mul3A_247 = arith.muli %add3A_245, %mul3A_246 : i32
      %add3A_248 = vector.broadcast %mul3A_247 : i32 to vector<16xi32>
      %add3A_249 = arith.addi %add3A_248, %add3A_14 : vector<16xi32>
      %gather3A_250 = tpu.vector_load_idx %arg4[%add3A_249] : memref<16384xf32, #tpu.memory_space<vmem>>[vector<16xi32>], vector<16xf32>,
      %gather3A_251 = tpu.vector_load_idx %arg5[%add3A_249] : memref<16384xf32, #tpu.memory_space<vmem>>[vector<16xi32>], vector<16xf32>,
      %add3A_252 = arith.addf %gather3A_250, %gather3A_251 : vector<16xf32>
      %jit3A_253 = arith.constant 0.000000e+00 : f32
      %jit3A_254 = arith.constant 1.000000e+00 : f32
      %max3A_255 = vector.broadcast %jit3A_253 : f32 to vector<16xf32>
      %max3A_256 = arith.maximumf %max3A_255, %add3A_252 : vector<16xf32>
      %min3A_257 = vector.broadcast %jit3A_254 : f32 to vector<16xf32>
      %min3A_258 = arith.minimumf %min3A_257, %max3A_256 : vector<16xf32>
      %mul3A_259 = arith.constant 16 : i32
      %mul3A_260 = arith.muli %add3A_245, %mul3A_259 : i32
      %swap3A_261 = arith.constant 0 : i32
      %swap3A_262 = arith.index_cast %swap3A_261 : i32 to index
      %swap3A_263 = arith.index_cast %mul3A_260 : i32 to index
      %swap3A_264 = tpu.vector_load %arg6[%swap3A_262, %swap3A_263] {strides = array<i32>} : memref<8x2048xf32, #tpu.memory_space<vmem>>, vector<16xf32>,
      tpu.vector_store %arg6[%swap3A_262, %swap3A_263], %min3A_258 {strides = array<i32>} : memref<8x2048xf32, #tpu.memory_space<vmem>>, vector<16xf32>,
      %scan3A_265 = arith.constant 7 : i32
      %scan3A_266 = arith.addi %scan3A_96, %scan3A_265 : i32
      %mul3A_267 = arith.constant 1 : i32
      %mul3A_268 = arith.muli %scan3A_266, %mul3A_267 : i32
      %add3A_269 = arith.constant 0 : i32
      %add3A_270 = arith.addi %add3A_269, %mul3A_268 : i32
      %mul3A_271 = arith.constant 128 : i32
      %mul3A_272 = arith.muli %add3A_270, %mul3A_271 : i32
      %add3A_273 = vector.broadcast %mul3A_272 : i32 to vector<16xi32>
      %add3A_274 = arith.addi %add3A_273, %add3A_14 : vector<16xi32>
      %gather3A_275 = tpu.vector_load_idx %arg4[%add3A_274] : memref<16384xf32, #tpu.memory_space<vmem>>[vector<16xi32>], vector<16xf32>,
      %gather3A_276 = tpu.vector_load_idx %arg5[%add3A_274] : memref<16384xf32, #tpu.memory_space<vmem>>[vector<16xi32>], vector<16xf32>,
      %add3A_277 = arith.addf %gather3A_275, %gather3A_276 : vector<16xf32>
      %jit3A_278 = arith.constant 0.000000e+00 : f32
      %jit3A_279 = arith.constant 1.000000e+00 : f32
      %max3A_280 = vector.broadcast %jit3A_278 : f32 to vector<16xf32>
      %max3A_281 = arith.maximumf %max3A_280, %add3A_277 : vector<16xf32>
      %min3A_282 = vector.broadcast %jit3A_279 : f32 to vector<16xf32>
      %min3A_283 = arith.minimumf %min3A_282, %max3A_281 : vector<16xf32>
      %mul3A_284 = arith.constant 16 : i32
      %mul3A_285 = arith.muli %add3A_270, %mul3A_284 : i32
      %swap3A_286 = arith.constant 0 : i32
      %swap3A_287 = arith.index_cast %swap3A_286 : i32 to index
      %swap3A_288 = arith.index_cast %mul3A_285 : i32 to index
      %swap3A_289 = tpu.vector_load %arg6[%swap3A_287, %swap3A_288] {strides = array<i32>} : memref<8x2048xf32, #tpu.memory_space<vmem>>, vector<16xf32>,
      tpu.vector_store %arg6[%swap3A_287, %swap3A_288], %min3A_283 {strides = array<i32>} : memref<8x2048xf32, #tpu.memory_space<vmem>>, vector<16xf32>,
    }
    %scan3A_18 = arith.constant 128 : i32
    %mul3A_19 = arith.constant 8 : i32
    %mul3A_20 = vector.broadcast %mul3A_19 : i32 to vector<16xi32>
    %mul3A_21 = arith.muli %iota3A, %mul3A_20 : vector<16xi32>
    %add3A_22 = arith.constant 1 : i32
    %add3A_23 = vector.broadcast %add3A_22 : i32 to vector<16xi32>
    %add3A_24 = arith.addi %mul3A_21, %add3A_23 : vector<16xi32>
    %scan3A_25 = arith.constant 0 : i32
    %scan3A_26 = arith.constant 128 : i32
    %scan3A_27 = arith.addi %scan3A_25, %scan3A_26 : i32
    %scan3A_28 = arith.constant 8 : i32
    scf.for %scan3A_96 = %scan3A_25 to %scan3A_27 step %scan3A_28  : i32 {
      %mul3A_97 = arith.constant 1 : i32
      %mul3A_98 = arith.muli %scan3A_96, %mul3A_97 : i32
      %add3A_99 = arith.constant 0 : i32
      %add3A_100 = arith.addi %add3A_99, %mul3A_98 : i32
      %mul3A_101 = arith.constant 128 : i32
      %mul3A_102 = arith.muli %add3A_100, %mul3A_101 : i32
      %add3A_103 = vector.broadcast %mul3A_102 : i32 to vector<16xi32>
      %add3A_104 = arith.addi %add3A_103, %add3A_24 : vector<16xi32>
      %gather3A = tpu.vector_load_idx %arg4[%add3A_104] : memref<16384xf32, #tpu.memory_space<vmem>>[vector<16xi32>], vector<16xf32>,
      %gather3A_105 = tpu.vector_load_idx %arg5[%add3A_104] : memref<16384xf32, #tpu.memory_space<vmem>>[vector<16xi32>], vector<16xf32>,
      %add3A_106 = arith.addf %gather3A, %gather3A_105 : vector<16xf32>
      %jit3A = arith.constant 0.000000e+00 : f32
      %jit3A_107 = arith.constant 1.000000e+00 : f32
      %max3A = vector.broadcast %jit3A : f32 to vector<16xf32>
      %max3A_108 = arith.maximumf %max3A, %add3A_106 : vector<16xf32>
      %min3A = vector.broadcast %jit3A_107 : f32 to vector<16xf32>
      %min3A_109 = arith.minimumf %min3A, %max3A_108 : vector<16xf32>
      %mul3A_110 = arith.constant 16 : i32
      %mul3A_111 = arith.muli %add3A_100, %mul3A_110 : i32
      %swap3A = arith.constant 1 : i32
      %swap3A_112 = arith.index_cast %swap3A : i32 to index
      %swap3A_113 = arith.index_cast %mul3A_111 : i32 to index
      %swap3A_114 = tpu.vector_load %arg6[%swap3A_112, %swap3A_113] {strides = array<i32>} : memref<8x2048xf32, #tpu.memory_space<vmem>>, vector<16xf32>,
      tpu.vector_store %arg6[%swap3A_112, %swap3A_113], %min3A_109 {strides = array<i32>} : memref<8x2048xf32, #tpu.memory_space<vmem>>, vector<16xf32>,
      %scan3A_115 = arith.constant 1 : i32
      %scan3A_116 = arith.addi %scan3A_96, %scan3A_115 : i32
      %mul3A_117 = arith.constant 1 : i32
      %mul3A_118 = arith.muli %scan3A_116, %mul3A_117 : i32
      %add3A_119 = arith.constant 0 : i32
      %add3A_120 = arith.addi %add3A_119, %mul3A_118 : i32
      %mul3A_121 = arith.constant 128 : i32
      %mul3A_122 = arith.muli %add3A_120, %mul3A_121 : i32
      %add3A_123 = vector.broadcast %mul3A_122 : i32 to vector<16xi32>
      %add3A_124 = arith.addi %add3A_123, %add3A_24 : vector<16xi32>
      %gather3A_125 = tpu.vector_load_idx %arg4[%add3A_124] : memref<16384xf32, #tpu.memory_space<vmem>>[vector<16xi32>], vector<16xf32>,
      %gather3A_126 = tpu.vector_load_idx %arg5[%add3A_124] : memref<16384xf32, #tpu.memory_space<vmem>>[vector<16xi32>], vector<16xf32>,
      %add3A_127 = arith.addf %gather3A_125, %gather3A_126 : vector<16xf32>
      %jit3A_128 = arith.constant 0.000000e+00 : f32
      %jit3A_129 = arith.constant 1.000000e+00 : f32
      %max3A_130 = vector.broadcast %jit3A_128 : f32 to vector<16xf32>
      %max3A_131 = arith.maximumf %max3A_130, %add3A_127 : vector<16xf32>
      %min3A_132 = vector.broadcast %jit3A_129 : f32 to vector<16xf32>
      %min3A_133 = arith.minimumf %min3A_132, %max3A_131 : vector<16xf32>
      %mul3A_134 = arith.constant 16 : i32
      %mul3A_135 = arith.muli %add3A_120, %mul3A_134 : i32
      %swap3A_136 = arith.constant 1 : i32
      %swap3A_137 = arith.index_cast %swap3A_136 : i32 to index
      %swap3A_138 = arith.index_cast %mul3A_135 : i32 to index
      %swap3A_139 = tpu.vector_load %arg6[%swap3A_137, %swap3A_138] {strides = array<i32>} : memref<8x2048xf32, #tpu.memory_space<vmem>>, vector<16xf32>,
      tpu.vector_store %arg6[%swap3A_137, %swap3A_138], %min3A_133 {strides = array<i32>} : memref<8x2048xf32, #tpu.memory_space<vmem>>, vector<16xf32>,
      %scan3A_140 = arith.constant 2 : i32
      %scan3A_141 = arith.addi %scan3A_96, %scan3A_140 : i32
      %mul3A_142 = arith.constant 1 : i32
      %mul3A_143 = arith.muli %scan3A_141, %mul3A_142 : i32
      %add3A_144 = arith.constant 0 : i32
      %add3A_145 = arith.addi %add3A_144, %mul3A_143 : i32
      %mul3A_146 = arith.constant 128 : i32
      %mul3A_147 = arith.muli %add3A_145, %mul3A_146 : i32
      %add3A_148 = vector.broadcast %mul3A_147 : i32 to vector<16xi32>
      %add3A_149 = arith.addi %add3A_148, %add3A_24 : vector<16xi32>
      %gather3A_150 = tpu.vector_load_idx %arg4[%add3A_149] : memref<16384xf32, #tpu.memory_space<vmem>>[vector<16xi32>], vector<16xf32>,
      %gather3A_151 = tpu.vector_load_idx %arg5[%add3A_149] : memref<16384xf32, #tpu.memory_space<vmem>>[vector<16xi32>], vector<16xf32>,
      %add3A_152 = arith.addf %gather3A_150, %gather3A_151 : vector<16xf32>
      %jit3A_153 = arith.constant 0.000000e+00 : f32
      %jit3A_154 = arith.constant 1.000000e+00 : f32
      %max3A_155 = vector.broadcast %jit3A_153 : f32 to vector<16xf32>
      %max3A_156 = arith.maximumf %max3A_155, %add3A_152 : vector<16xf32>
      %min3A_157 = vector.broadcast %jit3A_154 : f32 to vector<16xf32>
      %min3A_158 = arith.minimumf %min3A_157, %max3A_156 : vector<16xf32>
      %mul3A_159 = arith.constant 16 : i32
      %mul3A_160 = arith.muli %add3A_145, %mul3A_159 : i32
      %swap3A_161 = arith.constant 1 : i32
      %swap3A_162 = arith.index_cast %swap3A_161 : i32 to index
      %swap3A_163 = arith.index_cast %mul3A_160 : i32 to index
      %swap3A_164 = tpu.vector_load %arg6[%swap3A_162, %swap3A_163] {strides = array<i32>} : memref<8x2048xf32, #tpu.memory_space<vmem>>, vector<16xf32>,
      tpu.vector_store %arg6[%swap3A_162, %swap3A_163], %min3A_158 {strides = array<i32>} : memref<8x2048xf32, #tpu.memory_space<vmem>>, vector<16xf32>,
      %scan3A_165 = arith.constant 3 : i32
      %scan3A_166 = arith.addi %scan3A_96, %scan3A_165 : i32
      %mul3A_167 = arith.constant 1 : i32
      %mul3A_168 = arith.muli %scan3A_166, %mul3A_167 : i32
      %add3A_169 = arith.constant 0 : i32
      %add3A_170 = arith.addi %add3A_169, %mul3A_168 : i32
      %mul3A_171 = arith.constant 128 : i32
      %mul3A_172 = arith.muli %add3A_170, %mul3A_171 : i32
      %add3A_173 = vector.broadcast %mul3A_172 : i32 to vector<16xi32>
      %add3A_174 = arith.addi %add3A_173, %add3A_24 : vector<16xi32>
      %gather3A_175 = tpu.vector_load_idx %arg4[%add3A_174] : memref<16384xf32, #tpu.memory_space<vmem>>[vector<16xi32>], vector<16xf32>,
      %gather3A_176 = tpu.vector_load_idx %arg5[%add3A_174] : memref<16384xf32, #tpu.memory_space<vmem>>[vector<16xi32>], vector<16xf32>,
      %add3A_177 = arith.addf %gather3A_175, %gather3A_176 : vector<16xf32>
      %jit3A_178 = arith.constant 0.000000e+00 : f32
      %jit3A_179 = arith.constant 1.000000e+00 : f32
      %max3A_180 = vector.broadcast %jit3A_178 : f32 to vector<16xf32>
      %max3A_181 = arith.maximumf %max3A_180, %add3A_177 : vector<16xf32>
      %min3A_182 = vector.broadcast %jit3A_179 : f32 to vector<16xf32>
      %min3A_183 = arith.minimumf %min3A_182, %max3A_181 : vector<16xf32>
      %mul3A_184 = arith.constant 16 : i32
      %mul3A_185 = arith.muli %add3A_170, %mul3A_184 : i32
      %swap3A_186 = arith.constant 1 : i32
      %swap3A_187 = arith.index_cast %swap3A_186 : i32 to index
      %swap3A_188 = arith.index_cast %mul3A_185 : i32 to index
      %swap3A_189 = tpu.vector_load %arg6[%swap3A_187, %swap3A_188] {strides = array<i32>} : memref<8x2048xf32, #tpu.memory_space<vmem>>, vector<16xf32>,
      tpu.vector_store %arg6[%swap3A_187, %swap3A_188], %min3A_183 {strides = array<i32>} : memref<8x2048xf32, #tpu.memory_space<vmem>>, vector<16xf32>,
      %scan3A_190 = arith.constant 4 : i32
      %scan3A_191 = arith.addi %scan3A_96, %scan3A_190 : i32
      %mul3A_192 = arith.constant 1 : i32
      %mul3A_193 = arith.muli %scan3A_191, %mul3A_192 : i32
      %add3A_194 = arith.constant 0 : i32
      %add3A_195 = arith.addi %add3A_194, %mul3A_193 : i32
      %mul3A_196 = arith.constant 128 : i32
      %mul3A_197 = arith.muli %add3A_195, %mul3A_196 : i32
      %add3A_198 = vector.broadcast %mul3A_197 : i32 to vector<16xi32>
      %add3A_199 = arith.addi %add3A_198, %add3A_24 : vector<16xi32>
      %gather3A_200 = tpu.vector_load_idx %arg4[%add3A_199] : memref<16384xf32, #tpu.memory_space<vmem>>[vector<16xi32>], vector<16xf32>,
      %gather3A_201 = tpu.vector_load_idx %arg5[%add3A_199] : memref<16384xf32, #tpu.memory_space<vmem>>[vector<16xi32>], vector<16xf32>,
      %add3A_202 = arith.addf %gather3A_200, %gather3A_201 : vector<16xf32>
      %jit3A_203 = arith.constant 0.000000e+00 : f32
      %jit3A_204 = arith.constant 1.000000e+00 : f32
      %max3A_205 = vector.broadcast %jit3A_203 : f32 to vector<16xf32>
      %max3A_206 = arith.maximumf %max3A_205, %add3A_202 : vector<16xf32>
      %min3A_207 = vector.broadcast %jit3A_204 : f32 to vector<16xf32>
      %min3A_208 = arith.minimumf %min3A_207, %max3A_206 : vector<16xf32>
      %mul3A_209 = arith.constant 16 : i32
      %mul3A_210 = arith.muli %add3A_195, %mul3A_209 : i32
      %swap3A_211 = arith.constant 1 : i32
      %swap3A_212 = arith.index_cast %swap3A_211 : i32 to index
      %swap3A_213 = arith.index_cast %mul3A_210 : i32 to index
      %swap3A_214 = tpu.vector_load %arg6[%swap3A_212, %swap3A_213] {strides = array<i32>} : memref<8x2048xf32, #tpu.memory_space<vmem>>, vector<16xf32>,
      tpu.vector_store %arg6[%swap3A_212, %swap3A_213], %min3A_208 {strides = array<i32>} : memref<8x2048xf32, #tpu.memory_space<vmem>>, vector<16xf32>,
      %scan3A_215 = arith.constant 5 : i32
      %scan3A_216 = arith.addi %scan3A_96, %scan3A_215 : i32
      %mul3A_217 = arith.constant 1 : i32
      %mul3A_218 = arith.muli %scan3A_216, %mul3A_217 : i32
      %add3A_219 = arith.constant 0 : i32
      %add3A_220 = arith.addi %add3A_219, %mul3A_218 : i32
      %mul3A_221 = arith.constant 128 : i32
      %mul3A_222 = arith.muli %add3A_220, %mul3A_221 : i32
      %add3A_223 = vector.broadcast %mul3A_222 : i32 to vector<16xi32>
      %add3A_224 = arith.addi %add3A_223, %add3A_24 : vector<16xi32>
      %gather3A_225 = tpu.vector_load_idx %arg4[%add3A_224] : memref<16384xf32, #tpu.memory_space<vmem>>[vector<16xi32>], vector<16xf32>,
      %gather3A_226 = tpu.vector_load_idx %arg5[%add3A_224] : memref<16384xf32, #tpu.memory_space<vmem>>[vector<16xi32>], vector<16xf32>,
      %add3A_227 = arith.addf %gather3A_225, %gather3A_226 : vector<16xf32>
      %jit3A_228 = arith.constant 0.000000e+00 : f32
      %jit3A_229 = arith.constant 1.000000e+00 : f32
      %max3A_230 = vector.broadcast %jit3A_228 : f32 to vector<16xf32>
      %max3A_231 = arith.maximumf %max3A_230, %add3A_227 : vector<16xf32>
      %min3A_232 = vector.broadcast %jit3A_229 : f32 to vector<16xf32>
      %min3A_233 = arith.minimumf %min3A_232, %max3A_231 : vector<16xf32>
      %mul3A_234 = arith.constant 16 : i32
      %mul3A_235 = arith.muli %add3A_220, %mul3A_234 : i32
      %swap3A_236 = arith.constant 1 : i32
      %swap3A_237 = arith.index_cast %swap3A_236 : i32 to index
      %swap3A_238 = arith.index_cast %mul3A_235 : i32 to index
      %swap3A_239 = tpu.vector_load %arg6[%swap3A_237, %swap3A_238] {strides = array<i32>} : memref<8x2048xf32, #tpu.memory_space<vmem>>, vector<16xf32>,
      tpu.vector_store %arg6[%swap3A_237, %swap3A_238], %min3A_233 {strides = array<i32>} : memref<8x2048xf32, #tpu.memory_space<vmem>>, vector<16xf32>,
      %scan3A_240 = arith.constant 6 : i32
      %scan3A_241 = arith.addi %scan3A_96, %scan3A_240 : i32
      %mul3A_242 = arith.constant 1 : i32
      %mul3A_243 = arith.muli %scan3A_241, %mul3A_242 : i32
      %add3A_244 = arith.constant 0 : i32
      %add3A_245 = arith.addi %add3A_244, %mul3A_243 : i32
      %mul3A_246 = arith.constant 128 : i32
      %mul3A_247 = arith.muli %add3A_245, %mul3A_246 : i32
      %add3A_248 = vector.broadcast %mul3A_247 : i32 to vector<16xi32>
      %add3A_249 = arith.addi %add3A_248, %add3A_24 : vector<16xi32>
      %gather3A_250 = tpu.vector_load_idx %arg4[%add3A_249] : memref<16384xf32, #tpu.memory_space<vmem>>[vector<16xi32>], vector<16xf32>,
      %gather3A_251 = tpu.vector_load_idx %arg5[%add3A_249] : memref<16384xf32, #tpu.memory_space<vmem>>[vector<16xi32>], vector<16xf32>,
      %add3A_252 = arith.addf %gather3A_250, %gather3A_251 : vector<16xf32>
      %jit3A_253 = arith.constant 0.000000e+00 : f32
      %jit3A_254 = arith.constant 1.000000e+00 : f32
      %max3A_255 = vector.broadcast %jit3A_253 : f32 to vector<16xf32>
      %max3A_256 = arith.maximumf %max3A_255, %add3A_252 : vector<16xf32>
      %min3A_257 = vector.broadcast %jit3A_254 : f32 to vector<16xf32>
      %min3A_258 = arith.minimumf %min3A_257, %max3A_256 : vector<16xf32>
      %mul3A_259 = arith.constant 16 : i32
      %mul3A_260 = arith.muli %add3A_245, %mul3A_259 : i32
      %swap3A_261 = arith.constant 1 : i32
      %swap3A_262 = arith.index_cast %swap3A_261 : i32 to index
      %swap3A_263 = arith.index_cast %mul3A_260 : i32 to index
      %swap3A_264 = tpu.vector_load %arg6[%swap3A_262, %swap3A_263] {strides = array<i32>} : memref<8x2048xf32, #tpu.memory_space<vmem>>, vector<16xf32>,
      tpu.vector_store %arg6[%swap3A_262, %swap3A_263], %min3A_258 {strides = array<i32>} : memref<8x2048xf32, #tpu.memory_space<vmem>>, vector<16xf32>,
      %scan3A_265 = arith.constant 7 : i32
      %scan3A_266 = arith.addi %scan3A_96, %scan3A_265 : i32
      %mul3A_267 = arith.constant 1 : i32
      %mul3A_268 = arith.muli %scan3A_266, %mul3A_267 : i32
      %add3A_269 = arith.constant 0 : i32
      %add3A_270 = arith.addi %add3A_269, %mul3A_268 : i32
      %mul3A_271 = arith.constant 128 : i32
      %mul3A_272 = arith.muli %add3A_270, %mul3A_271 : i32
      %add3A_273 = vector.broadcast %mul3A_272 : i32 to vector<16xi32>
      %add3A_274 = arith.addi %add3A_273, %add3A_24 : vector<16xi32>
      %gather3A_275 = tpu.vector_load_idx %arg4[%add3A_274] : memref<16384xf32, #tpu.memory_space<vmem>>[vector<16xi32>], vector<16xf32>,
      %gather3A_276 = tpu.vector_load_idx %arg5[%add3A_274] : memref<16384xf32, #tpu.memory_space<vmem>>[vector<16xi32>], vector<16xf32>,
      %add3A_277 = arith.addf %gather3A_275, %gather3A_276 : vector<16xf32>
      %jit3A_278 = arith.constant 0.000000e+00 : f32
      %jit3A_279 = arith.constant 1.000000e+00 : f32
      %max3A_280 = vector.broadcast %jit3A_278 : f32 to vector<16xf32>
      %max3A_281 = arith.maximumf %max3A_280, %add3A_277 : vector<16xf32>
      %min3A_282 = vector.broadcast %jit3A_279 : f32 to vector<16xf32>
      %min3A_283 = arith.minimumf %min3A_282, %max3A_281 : vector<16xf32>
      %mul3A_284 = arith.constant 16 : i32
      %mul3A_285 = arith.muli %add3A_270, %mul3A_284 : i32
      %swap3A_286 = arith.constant 1 : i32
      %swap3A_287 = arith.index_cast %swap3A_286 : i32 to index
      %swap3A_288 = arith.index_cast %mul3A_285 : i32 to index
      %swap3A_289 = tpu.vector_load %arg6[%swap3A_287, %swap3A_288] {strides = array<i32>} : memref<8x2048xf32, #tpu.memory_space<vmem>>, vector<16xf32>,
      tpu.vector_store %arg6[%swap3A_287, %swap3A_288], %min3A_283 {strides = array<i32>} : memref<8x2048xf32, #tpu.memory_space<vmem>>, vector<16xf32>,
    }
    %scan3A_29 = arith.constant 128 : i32
    %mul3A_30 = arith.constant 8 : i32
    %mul3A_31 = vector.broadcast %mul3A_30 : i32 to vector<16xi32>
    %mul3A_32 = arith.muli %iota3A, %mul3A_31 : vector<16xi32>
    %add3A_33 = arith.constant 2 : i32
    %add3A_34 = vector.broadcast %add3A_33 : i32 to vector<16xi32>
    %add3A_35 = arith.addi %mul3A_32, %add3A_34 : vector<16xi32>
    %scan3A_36 = arith.constant 0 : i32
    %scan3A_37 = arith.constant 128 : i32
    %scan3A_38 = arith.addi %scan3A_36, %scan3A_37 : i32
    %scan3A_39 = arith.constant 8 : i32
    scf.for %scan3A_96 = %scan3A_36 to %scan3A_38 step %scan3A_39  : i32 {
      %mul3A_97 = arith.constant 1 : i32
      %mul3A_98 = arith.muli %scan3A_96, %mul3A_97 : i32
      %add3A_99 = arith.constant 0 : i32
      %add3A_100 = arith.addi %add3A_99, %mul3A_98 : i32
      %mul3A_101 = arith.constant 128 : i32
      %mul3A_102 = arith.muli %add3A_100, %mul3A_101 : i32
      %add3A_103 = vector.broadcast %mul3A_102 : i32 to vector<16xi32>
      %add3A_104 = arith.addi %add3A_103, %add3A_35 : vector<16xi32>
      %gather3A = tpu.vector_load_idx %arg4[%add3A_104] : memref<16384xf32, #tpu.memory_space<vmem>>[vector<16xi32>], vector<16xf32>,
      %gather3A_105 = tpu.vector_load_idx %arg5[%add3A_104] : memref<16384xf32, #tpu.memory_space<vmem>>[vector<16xi32>], vector<16xf32>,
      %add3A_106 = arith.addf %gather3A, %gather3A_105 : vector<16xf32>
      %jit3A = arith.constant 0.000000e+00 : f32
      %jit3A_107 = arith.constant 1.000000e+00 : f32
      %max3A = vector.broadcast %jit3A : f32 to vector<16xf32>
      %max3A_108 = arith.maximumf %max3A, %add3A_106 : vector<16xf32>
      %min3A = vector.broadcast %jit3A_107 : f32 to vector<16xf32>
      %min3A_109 = arith.minimumf %min3A, %max3A_108 : vector<16xf32>
      %mul3A_110 = arith.constant 16 : i32
      %mul3A_111 = arith.muli %add3A_100, %mul3A_110 : i32
      %swap3A = arith.constant 2 : i32
      %swap3A_112 = arith.index_cast %swap3A : i32 to index
      %swap3A_113 = arith.index_cast %mul3A_111 : i32 to index
      %swap3A_114 = tpu.vector_load %arg6[%swap3A_112, %swap3A_113] {strides = array<i32>} : memref<8x2048xf32, #tpu.memory_space<vmem>>, vector<16xf32>,
      tpu.vector_store %arg6[%swap3A_112, %swap3A_113], %min3A_109 {strides = array<i32>} : memref<8x2048xf32, #tpu.memory_space<vmem>>, vector<16xf32>,
      %scan3A_115 = arith.constant 1 : i32
      %scan3A_116 = arith.addi %scan3A_96, %scan3A_115 : i32
      %mul3A_117 = arith.constant 1 : i32
      %mul3A_118 = arith.muli %scan3A_116, %mul3A_117 : i32
      %add3A_119 = arith.constant 0 : i32
      %add3A_120 = arith.addi %add3A_119, %mul3A_118 : i32
      %mul3A_121 = arith.constant 128 : i32
      %mul3A_122 = arith.muli %add3A_120, %mul3A_121 : i32
      %add3A_123 = vector.broadcast %mul3A_122 : i32 to vector<16xi32>
      %add3A_124 = arith.addi %add3A_123, %add3A_35 : vector<16xi32>
      %gather3A_125 = tpu.vector_load_idx %arg4[%add3A_124] : memref<16384xf32, #tpu.memory_space<vmem>>[vector<16xi32>], vector<16xf32>,
      %gather3A_126 = tpu.vector_load_idx %arg5[%add3A_124] : memref<16384xf32, #tpu.memory_space<vmem>>[vector<16xi32>], vector<16xf32>,
      %add3A_127 = arith.addf %gather3A_125, %gather3A_126 : vector<16xf32>
      %jit3A_128 = arith.constant 0.000000e+00 : f32
      %jit3A_129 = arith.constant 1.000000e+00 : f32
      %max3A_130 = vector.broadcast %jit3A_128 : f32 to vector<16xf32>
      %max3A_131 = arith.maximumf %max3A_130, %add3A_127 : vector<16xf32>
      %min3A_132 = vector.broadcast %jit3A_129 : f32 to vector<16xf32>
      %min3A_133 = arith.minimumf %min3A_132, %max3A_131 : vector<16xf32>
      %mul3A_134 = arith.constant 16 : i32
      %mul3A_135 = arith.muli %add3A_120, %mul3A_134 : i32
      %swap3A_136 = arith.constant 2 : i32
      %swap3A_137 = arith.index_cast %swap3A_136 : i32 to index
      %swap3A_138 = arith.index_cast %mul3A_135 : i32 to index
      %swap3A_139 = tpu.vector_load %arg6[%swap3A_137, %swap3A_138] {strides = array<i32>} : memref<8x2048xf32, #tpu.memory_space<vmem>>, vector<16xf32>,
      tpu.vector_store %arg6[%swap3A_137, %swap3A_138], %min3A_133 {strides = array<i32>} : memref<8x2048xf32, #tpu.memory_space<vmem>>, vector<16xf32>,
      %scan3A_140 = arith.constant 2 : i32
      %scan3A_141 = arith.addi %scan3A_96, %scan3A_140 : i32
      %mul3A_142 = arith.constant 1 : i32
      %mul3A_143 = arith.muli %scan3A_141, %mul3A_142 : i32
      %add3A_144 = arith.constant 0 : i32
      %add3A_145 = arith.addi %add3A_144, %mul3A_143 : i32
      %mul3A_146 = arith.constant 128 : i32
      %mul3A_147 = arith.muli %add3A_145, %mul3A_146 : i32
      %add3A_148 = vector.broadcast %mul3A_147 : i32 to vector<16xi32>
      %add3A_149 = arith.addi %add3A_148, %add3A_35 : vector<16xi32>
      %gather3A_150 = tpu.vector_load_idx %arg4[%add3A_149] : memref<16384xf32, #tpu.memory_space<vmem>>[vector<16xi32>], vector<16xf32>,
      %gather3A_151 = tpu.vector_load_idx %arg5[%add3A_149] : memref<16384xf32, #tpu.memory_space<vmem>>[vector<16xi32>], vector<16xf32>,
      %add3A_152 = arith.addf %gather3A_150, %gather3A_151 : vector<16xf32>
      %jit3A_153 = arith.constant 0.000000e+00 : f32
      %jit3A_154 = arith.constant 1.000000e+00 : f32
      %max3A_155 = vector.broadcast %jit3A_153 : f32 to vector<16xf32>
      %max3A_156 = arith.maximumf %max3A_155, %add3A_152 : vector<16xf32>
      %min3A_157 = vector.broadcast %jit3A_154 : f32 to vector<16xf32>
      %min3A_158 = arith.minimumf %min3A_157, %max3A_156 : vector<16xf32>
      %mul3A_159 = arith.constant 16 : i32
      %mul3A_160 = arith.muli %add3A_145, %mul3A_159 : i32
      %swap3A_161 = arith.constant 2 : i32
      %swap3A_162 = arith.index_cast %swap3A_161 : i32 to index
      %swap3A_163 = arith.index_cast %mul3A_160 : i32 to index
      %swap3A_164 = tpu.vector_load %arg6[%swap3A_162, %swap3A_163] {strides = array<i32>} : memref<8x2048xf32, #tpu.memory_space<vmem>>, vector<16xf32>,
      tpu.vector_store %arg6[%swap3A_162, %swap3A_163], %min3A_158 {strides = array<i32>} : memref<8x2048xf32, #tpu.memory_space<vmem>>, vector<16xf32>,
      %scan3A_165 = arith.constant 3 : i32
      %scan3A_166 = arith.addi %scan3A_96, %scan3A_165 : i32
      %mul3A_167 = arith.constant 1 : i32
      %mul3A_168 = arith.muli %scan3A_166, %mul3A_167 : i32
      %add3A_169 = arith.constant 0 : i32
      %add3A_170 = arith.addi %add3A_169, %mul3A_168 : i32
      %mul3A_171 = arith.constant 128 : i32
      %mul3A_172 = arith.muli %add3A_170, %mul3A_171 : i32
      %add3A_173 = vector.broadcast %mul3A_172 : i32 to vector<16xi32>
      %add3A_174 = arith.addi %add3A_173, %add3A_35 : vector<16xi32>
      %gather3A_175 = tpu.vector_load_idx %arg4[%add3A_174] : memref<16384xf32, #tpu.memory_space<vmem>>[vector<16xi32>], vector<16xf32>,
      %gather3A_176 = tpu.vector_load_idx %arg5[%add3A_174] : memref<16384xf32, #tpu.memory_space<vmem>>[vector<16xi32>], vector<16xf32>,
      %add3A_177 = arith.addf %gather3A_175, %gather3A_176 : vector<16xf32>
      %jit3A_178 = arith.constant 0.000000e+00 : f32
      %jit3A_179 = arith.constant 1.000000e+00 : f32
      %max3A_180 = vector.broadcast %jit3A_178 : f32 to vector<16xf32>
      %max3A_181 = arith.maximumf %max3A_180, %add3A_177 : vector<16xf32>
      %min3A_182 = vector.broadcast %jit3A_179 : f32 to vector<16xf32>
      %min3A_183 = arith.minimumf %min3A_182, %max3A_181 : vector<16xf32>
      %mul3A_184 = arith.constant 16 : i32
      %mul3A_185 = arith.muli %add3A_170, %mul3A_184 : i32
      %swap3A_186 = arith.constant 2 : i32
      %swap3A_187 = arith.index_cast %swap3A_186 : i32 to index
      %swap3A_188 = arith.index_cast %mul3A_185 : i32 to index
      %swap3A_189 = tpu.vector_load %arg6[%swap3A_187, %swap3A_188] {strides = array<i32>} : memref<8x2048xf32, #tpu.memory_space<vmem>>, vector<16xf32>,
      tpu.vector_store %arg6[%swap3A_187, %swap3A_188], %min3A_183 {strides = array<i32>} : memref<8x2048xf32, #tpu.memory_space<vmem>>, vector<16xf32>,
      %scan3A_190 = arith.constant 4 : i32
      %scan3A_191 = arith.addi %scan3A_96, %scan3A_190 : i32
      %mul3A_192 = arith.constant 1 : i32
      %mul3A_193 = arith.muli %scan3A_191, %mul3A_192 : i32
      %add3A_194 = arith.constant 0 : i32
      %add3A_195 = arith.addi %add3A_194, %mul3A_193 : i32
      %mul3A_196 = arith.constant 128 : i32
      %mul3A_197 = arith.muli %add3A_195, %mul3A_196 : i32
      %add3A_198 = vector.broadcast %mul3A_197 : i32 to vector<16xi32>
      %add3A_199 = arith.addi %add3A_198, %add3A_35 : vector<16xi32>
      %gather3A_200 = tpu.vector_load_idx %arg4[%add3A_199] : memref<16384xf32, #tpu.memory_space<vmem>>[vector<16xi32>], vector<16xf32>,
      %gather3A_201 = tpu.vector_load_idx %arg5[%add3A_199] : memref<16384xf32, #tpu.memory_space<vmem>>[vector<16xi32>], vector<16xf32>,
      %add3A_202 = arith.addf %gather3A_200, %gather3A_201 : vector<16xf32>
      %jit3A_203 = arith.constant 0.000000e+00 : f32
      %jit3A_204 = arith.constant 1.000000e+00 : f32
      %max3A_205 = vector.broadcast %jit3A_203 : f32 to vector<16xf32>
      %max3A_206 = arith.maximumf %max3A_205, %add3A_202 : vector<16xf32>
      %min3A_207 = vector.broadcast %jit3A_204 : f32 to vector<16xf32>
      %min3A_208 = arith.minimumf %min3A_207, %max3A_206 : vector<16xf32>
      %mul3A_209 = arith.constant 16 : i32
      %mul3A_210 = arith.muli %add3A_195, %mul3A_209 : i32
      %swap3A_211 = arith.constant 2 : i32
      %swap3A_212 = arith.index_cast %swap3A_211 : i32 to index
      %swap3A_213 = arith.index_cast %mul3A_210 : i32 to index
      %swap3A_214 = tpu.vector_load %arg6[%swap3A_212, %swap3A_213] {strides = array<i32>} : memref<8x2048xf32, #tpu.memory_space<vmem>>, vector<16xf32>,
      tpu.vector_store %arg6[%swap3A_212, %swap3A_213], %min3A_208 {strides = array<i32>} : memref<8x2048xf32, #tpu.memory_space<vmem>>, vector<16xf32>,
      %scan3A_215 = arith.constant 5 : i32
      %scan3A_216 = arith.addi %scan3A_96, %scan3A_215 : i32
      %mul3A_217 = arith.constant 1 : i32
      %mul3A_218 = arith.muli %scan3A_216, %mul3A_217 : i32
      %add3A_219 = arith.constant 0 : i32
      %add3A_220 = arith.addi %add3A_219, %mul3A_218 : i32
      %mul3A_221 = arith.constant 128 : i32
      %mul3A_222 = arith.muli %add3A_220, %mul3A_221 : i32
      %add3A_223 = vector.broadcast %mul3A_222 : i32 to vector<16xi32>
      %add3A_224 = arith.addi %add3A_223, %add3A_35 : vector<16xi32>
      %gather3A_225 = tpu.vector_load_idx %arg4[%add3A_224] : memref<16384xf32, #tpu.memory_space<vmem>>[vector<16xi32>], vector<16xf32>,
      %gather3A_226 = tpu.vector_load_idx %arg5[%add3A_224] : memref<16384xf32, #tpu.memory_space<vmem>>[vector<16xi32>], vector<16xf32>,
      %add3A_227 = arith.addf %gather3A_225, %gather3A_226 : vector<16xf32>
      %jit3A_228 = arith.constant 0.000000e+00 : f32
      %jit3A_229 = arith.constant 1.000000e+00 : f32
      %max3A_230 = vector.broadcast %jit3A_228 : f32 to vector<16xf32>
      %max3A_231 = arith.maximumf %max3A_230, %add3A_227 : vector<16xf32>
      %min3A_232 = vector.broadcast %jit3A_229 : f32 to vector<16xf32>
      %min3A_233 = arith.minimumf %min3A_232, %max3A_231 : vector<16xf32>
      %mul3A_234 = arith.constant 16 : i32
      %mul3A_235 = arith.muli %add3A_220, %mul3A_234 : i32
      %swap3A_236 = arith.constant 2 : i32
      %swap3A_237 = arith.index_cast %swap3A_236 : i32 to index
      %swap3A_238 = arith.index_cast %mul3A_235 : i32 to index
      %swap3A_239 = tpu.vector_load %arg6[%swap3A_237, %swap3A_238] {strides = array<i32>} : memref<8x2048xf32, #tpu.memory_space<vmem>>, vector<16xf32>,
      tpu.vector_store %arg6[%swap3A_237, %swap3A_238], %min3A_233 {strides = array<i32>} : memref<8x2048xf32, #tpu.memory_space<vmem>>, vector<16xf32>,
      %scan3A_240 = arith.constant 6 : i32
      %scan3A_241 = arith.addi %scan3A_96, %scan3A_240 : i32
      %mul3A_242 = arith.constant 1 : i32
      %mul3A_243 = arith.muli %scan3A_241, %mul3A_242 : i32
      %add3A_244 = arith.constant 0 : i32
      %add3A_245 = arith.addi %add3A_244, %mul3A_243 : i32
      %mul3A_246 = arith.constant 128 : i32
      %mul3A_247 = arith.muli %add3A_245, %mul3A_246 : i32
      %add3A_248 = vector.broadcast %mul3A_247 : i32 to vector<16xi32>
      %add3A_249 = arith.addi %add3A_248, %add3A_35 : vector<16xi32>
      %gather3A_250 = tpu.vector_load_idx %arg4[%add3A_249] : memref<16384xf32, #tpu.memory_space<vmem>>[vector<16xi32>], vector<16xf32>,
      %gather3A_251 = tpu.vector_load_idx %arg5[%add3A_249] : memref<16384xf32, #tpu.memory_space<vmem>>[vector<16xi32>], vector<16xf32>,
      %add3A_252 = arith.addf %gather3A_250, %gather3A_251 : vector<16xf32>
      %jit3A_253 = arith.constant 0.000000e+00 : f32
      %jit3A_254 = arith.constant 1.000000e+00 : f32
      %max3A_255 = vector.broadcast %jit3A_253 : f32 to vector<16xf32>
      %max3A_256 = arith.maximumf %max3A_255, %add3A_252 : vector<16xf32>
      %min3A_257 = vector.broadcast %jit3A_254 : f32 to vector<16xf32>
      %min3A_258 = arith.minimumf %min3A_257, %max3A_256 : vector<16xf32>
      %mul3A_259 = arith.constant 16 : i32
      %mul3A_260 = arith.muli %add3A_245, %mul3A_259 : i32
      %swap3A_261 = arith.constant 2 : i32
      %swap3A_262 = arith.index_cast %swap3A_261 : i32 to index
      %swap3A_263 = arith.index_cast %mul3A_260 : i32 to index
      %swap3A_264 = tpu.vector_load %arg6[%swap3A_262, %swap3A_263] {strides = array<i32>} : memref<8x2048xf32, #tpu.memory_space<vmem>>, vector<16xf32>,
      tpu.vector_store %arg6[%swap3A_262, %swap3A_263], %min3A_258 {strides = array<i32>} : memref<8x2048xf32, #tpu.memory_space<vmem>>, vector<16xf32>,
      %scan3A_265 = arith.constant 7 : i32
      %scan3A_266 = arith.addi %scan3A_96, %scan3A_265 : i32
      %mul3A_267 = arith.constant 1 : i32
      %mul3A_268 = arith.muli %scan3A_266, %mul3A_267 : i32
      %add3A_269 = arith.constant 0 : i32
      %add3A_270 = arith.addi %add3A_269, %mul3A_268 : i32
      %mul3A_271 = arith.constant 128 : i32
      %mul3A_272 = arith.muli %add3A_270, %mul3A_271 : i32
      %add3A_273 = vector.broadcast %mul3A_272 : i32 to vector<16xi32>
      %add3A_274 = arith.addi %add3A_273, %add3A_35 : vector<16xi32>
      %gather3A_275 = tpu.vector_load_idx %arg4[%add3A_274] : memref<16384xf32, #tpu.memory_space<vmem>>[vector<16xi32>], vector<16xf32>,
      %gather3A_276 = tpu.vector_load_idx %arg5[%add3A_274] : memref<16384xf32, #tpu.memory_space<vmem>>[vector<16xi32>], vector<16xf32>,
      %add3A_277 = arith.addf %gather3A_275, %gather3A_276 : vector<16xf32>
      %jit3A_278 = arith.constant 0.000000e+00 : f32
      %jit3A_279 = arith.constant 1.000000e+00 : f32
      %max3A_280 = vector.broadcast %jit3A_278 : f32 to vector<16xf32>
      %max3A_281 = arith.maximumf %max3A_280, %add3A_277 : vector<16xf32>
      %min3A_282 = vector.broadcast %jit3A_279 : f32 to vector<16xf32>
      %min3A_283 = arith.minimumf %min3A_282, %max3A_281 : vector<16xf32>
      %mul3A_284 = arith.constant 16 : i32
      %mul3A_285 = arith.muli %add3A_270, %mul3A_284 : i32
      %swap3A_286 = arith.constant 2 : i32
      %swap3A_287 = arith.index_cast %swap3A_286 : i32 to index
      %swap3A_288 = arith.index_cast %mul3A_285 : i32 to index
      %swap3A_289 = tpu.vector_load %arg6[%swap3A_287, %swap3A_288] {strides = array<i32>} : memref<8x2048xf32, #tpu.memory_space<vmem>>, vector<16xf32>,
      tpu.vector_store %arg6[%swap3A_287, %swap3A_288], %min3A_283 {strides = array<i32>} : memref<8x2048xf32, #tpu.memory_space<vmem>>, vector<16xf32>,
    }
    %scan3A_40 = arith.constant 128 : i32
    %mul3A_41 = arith.constant 8 : i32
    %mul3A_42 = vector.broadcast %mul3A_41 : i32 to vector<16xi32>
    %mul3A_43 = arith.muli %iota3A, %mul3A_42 : vector<16xi32>
    %add3A_44 = arith.constant 3 : i32
    %add3A_45 = vector.broadcast %add3A_44 : i32 to vector<16xi32>
    %add3A_46 = arith.addi %mul3A_43, %add3A_45 : vector<16xi32>
    %scan3A_47 = arith.constant 0 : i32
    %scan3A_48 = arith.constant 128 : i32
    %scan3A_49 = arith.addi %scan3A_47, %scan3A_48 : i32
    %scan3A_50 = arith.constant 8 : i32
    scf.for %scan3A_96 = %scan3A_47 to %scan3A_49 step %scan3A_50  : i32 {
      %mul3A_97 = arith.constant 1 : i32
      %mul3A_98 = arith.muli %scan3A_96, %mul3A_97 : i32
      %add3A_99 = arith.constant 0 : i32
      %add3A_100 = arith.addi %add3A_99, %mul3A_98 : i32
      %mul3A_101 = arith.constant 128 : i32
      %mul3A_102 = arith.muli %add3A_100, %mul3A_101 : i32
      %add3A_103 = vector.broadcast %mul3A_102 : i32 to vector<16xi32>
      %add3A_104 = arith.addi %add3A_103, %add3A_46 : vector<16xi32>
      %gather3A = tpu.vector_load_idx %arg4[%add3A_104] : memref<16384xf32, #tpu.memory_space<vmem>>[vector<16xi32>], vector<16xf32>,
      %gather3A_105 = tpu.vector_load_idx %arg5[%add3A_104] : memref<16384xf32, #tpu.memory_space<vmem>>[vector<16xi32>], vector<16xf32>,
      %add3A_106 = arith.addf %gather3A, %gather3A_105 : vector<16xf32>
      %jit3A = arith.constant 0.000000e+00 : f32
      %jit3A_107 = arith.constant 1.000000e+00 : f32
      %max3A = vector.broadcast %jit3A : f32 to vector<16xf32>
      %max3A_108 = arith.maximumf %max3A, %add3A_106 : vector<16xf32>
      %min3A = vector.broadcast %jit3A_107 : f32 to vector<16xf32>
      %min3A_109 = arith.minimumf %min3A, %max3A_108 : vector<16xf32>
      %mul3A_110 = arith.constant 16 : i32
      %mul3A_111 = arith.muli %add3A_100, %mul3A_110 : i32
      %swap3A = arith.constant 3 : i32
      %swap3A_112 = arith.index_cast %swap3A : i32 to index
      %swap3A_113 = arith.index_cast %mul3A_111 : i32 to index
      %swap3A_114 = tpu.vector_load %arg6[%swap3A_112, %swap3A_113] {strides = array<i32>} : memref<8x2048xf32, #tpu.memory_space<vmem>>, vector<16xf32>,
      tpu.vector_store %arg6[%swap3A_112, %swap3A_113], %min3A_109 {strides = array<i32>} : memref<8x2048xf32, #tpu.memory_space<vmem>>, vector<16xf32>,
      %scan3A_115 = arith.constant 1 : i32
      %scan3A_116 = arith.addi %scan3A_96, %scan3A_115 : i32
      %mul3A_117 = arith.constant 1 : i32
      %mul3A_118 = arith.muli %scan3A_116, %mul3A_117 : i32
      %add3A_119 = arith.constant 0 : i32
      %add3A_120 = arith.addi %add3A_119, %mul3A_118 : i32
      %mul3A_121 = arith.constant 128 : i32
      %mul3A_122 = arith.muli %add3A_120, %mul3A_121 : i32
      %add3A_123 = vector.broadcast %mul3A_122 : i32 to vector<16xi32>
      %add3A_124 = arith.addi %add3A_123, %add3A_46 : vector<16xi32>
      %gather3A_125 = tpu.vector_load_idx %arg4[%add3A_124] : memref<16384xf32, #tpu.memory_space<vmem>>[vector<16xi32>], vector<16xf32>,
      %gather3A_126 = tpu.vector_load_idx %arg5[%add3A_124] : memref<16384xf32, #tpu.memory_space<vmem>>[vector<16xi32>], vector<16xf32>,
      %add3A_127 = arith.addf %gather3A_125, %gather3A_126 : vector<16xf32>
      %jit3A_128 = arith.constant 0.000000e+00 : f32
      %jit3A_129 = arith.constant 1.000000e+00 : f32
      %max3A_130 = vector.broadcast %jit3A_128 : f32 to vector<16xf32>
      %max3A_131 = arith.maximumf %max3A_130, %add3A_127 : vector<16xf32>
      %min3A_132 = vector.broadcast %jit3A_129 : f32 to vector<16xf32>
      %min3A_133 = arith.minimumf %min3A_132, %max3A_131 : vector<16xf32>
      %mul3A_134 = arith.constant 16 : i32
      %mul3A_135 = arith.muli %add3A_120, %mul3A_134 : i32
      %swap3A_136 = arith.constant 3 : i32
      %swap3A_137 = arith.index_cast %swap3A_136 : i32 to index
      %swap3A_138 = arith.index_cast %mul3A_135 : i32 to index
      %swap3A_139 = tpu.vector_load %arg6[%swap3A_137, %swap3A_138] {strides = array<i32>} : memref<8x2048xf32, #tpu.memory_space<vmem>>, vector<16xf32>,
      tpu.vector_store %arg6[%swap3A_137, %swap3A_138], %min3A_133 {strides = array<i32>} : memref<8x2048xf32, #tpu.memory_space<vmem>>, vector<16xf32>,
      %scan3A_140 = arith.constant 2 : i32
      %scan3A_141 = arith.addi %scan3A_96, %scan3A_140 : i32
      %mul3A_142 = arith.constant 1 : i32
      %mul3A_143 = arith.muli %scan3A_141, %mul3A_142 : i32
      %add3A_144 = arith.constant 0 : i32
      %add3A_145 = arith.addi %add3A_144, %mul3A_143 : i32
      %mul3A_146 = arith.constant 128 : i32
      %mul3A_147 = arith.muli %add3A_145, %mul3A_146 : i32
      %add3A_148 = vector.broadcast %mul3A_147 : i32 to vector<16xi32>
      %add3A_149 = arith.addi %add3A_148, %add3A_46 : vector<16xi32>
      %gather3A_150 = tpu.vector_load_idx %arg4[%add3A_149] : memref<16384xf32, #tpu.memory_space<vmem>>[vector<16xi32>], vector<16xf32>,
      %gather3A_151 = tpu.vector_load_idx %arg5[%add3A_149] : memref<16384xf32, #tpu.memory_space<vmem>>[vector<16xi32>], vector<16xf32>,
      %add3A_152 = arith.addf %gather3A_150, %gather3A_151 : vector<16xf32>
      %jit3A_153 = arith.constant 0.000000e+00 : f32
      %jit3A_154 = arith.constant 1.000000e+00 : f32
      %max3A_155 = vector.broadcast %jit3A_153 : f32 to vector<16xf32>
      %max3A_156 = arith.maximumf %max3A_155, %add3A_152 : vector<16xf32>
      %min3A_157 = vector.broadcast %jit3A_154 : f32 to vector<16xf32>
      %min3A_158 = arith.minimumf %min3A_157, %max3A_156 : vector<16xf32>
      %mul3A_159 = arith.constant 16 : i32
      %mul3A_160 = arith.muli %add3A_145, %mul3A_159 : i32
      %swap3A_161 = arith.constant 3 : i32
      %swap3A_162 = arith.index_cast %swap3A_161 : i32 to index
      %swap3A_163 = arith.index_cast %mul3A_160 : i32 to index
      %swap3A_164 = tpu.vector_load %arg6[%swap3A_162, %swap3A_163] {strides = array<i32>} : memref<8x2048xf32, #tpu.memory_space<vmem>>, vector<16xf32>,
      tpu.vector_store %arg6[%swap3A_162, %swap3A_163], %min3A_158 {strides = array<i32>} : memref<8x2048xf32, #tpu.memory_space<vmem>>, vector<16xf32>,
      %scan3A_165 = arith.constant 3 : i32
      %scan3A_166 = arith.addi %scan3A_96, %scan3A_165 : i32
      %mul3A_167 = arith.constant 1 : i32
      %mul3A_168 = arith.muli %scan3A_166, %mul3A_167 : i32
      %add3A_169 = arith.constant 0 : i32
      %add3A_170 = arith.addi %add3A_169, %mul3A_168 : i32
      %mul3A_171 = arith.constant 128 : i32
      %mul3A_172 = arith.muli %add3A_170, %mul3A_171 : i32
      %add3A_173 = vector.broadcast %mul3A_172 : i32 to vector<16xi32>
      %add3A_174 = arith.addi %add3A_173, %add3A_46 : vector<16xi32>
      %gather3A_175 = tpu.vector_load_idx %arg4[%add3A_174] : memref<16384xf32, #tpu.memory_space<vmem>>[vector<16xi32>], vector<16xf32>,
      %gather3A_176 = tpu.vector_load_idx %arg5[%add3A_174] : memref<16384xf32, #tpu.memory_space<vmem>>[vector<16xi32>], vector<16xf32>,
      %add3A_177 = arith.addf %gather3A_175, %gather3A_176 : vector<16xf32>
      %jit3A_178 = arith.constant 0.000000e+00 : f32
      %jit3A_179 = arith.constant 1.000000e+00 : f32
      %max3A_180 = vector.broadcast %jit3A_178 : f32 to vector<16xf32>
      %max3A_181 = arith.maximumf %max3A_180, %add3A_177 : vector<16xf32>
      %min3A_182 = vector.broadcast %jit3A_179 : f32 to vector<16xf32>
      %min3A_183 = arith.minimumf %min3A_182, %max3A_181 : vector<16xf32>
      %mul3A_184 = arith.constant 16 : i32
      %mul3A_185 = arith.muli %add3A_170, %mul3A_184 : i32
      %swap3A_186 = arith.constant 3 : i32
      %swap3A_187 = arith.index_cast %swap3A_186 : i32 to index
      %swap3A_188 = arith.index_cast %mul3A_185 : i32 to index
      %swap3A_189 = tpu.vector_load %arg6[%swap3A_187, %swap3A_188] {strides = array<i32>} : memref<8x2048xf32, #tpu.memory_space<vmem>>, vector<16xf32>,
      tpu.vector_store %arg6[%swap3A_187, %swap3A_188], %min3A_183 {strides = array<i32>} : memref<8x2048xf32, #tpu.memory_space<vmem>>, vector<16xf32>,
      %scan3A_190 = arith.constant 4 : i32
      %scan3A_191 = arith.addi %scan3A_96, %scan3A_190 : i32
      %mul3A_192 = arith.constant 1 : i32
      %mul3A_193 = arith.muli %scan3A_191, %mul3A_192 : i32
      %add3A_194 = arith.constant 0 : i32
      %add3A_195 = arith.addi %add3A_194, %mul3A_193 : i32
      %mul3A_196 = arith.constant 128 : i32
      %mul3A_197 = arith.muli %add3A_195, %mul3A_196 : i32
      %add3A_198 = vector.broadcast %mul3A_197 : i32 to vector<16xi32>
      %add3A_199 = arith.addi %add3A_198, %add3A_46 : vector<16xi32>
      %gather3A_200 = tpu.vector_load_idx %arg4[%add3A_199] : memref<16384xf32, #tpu.memory_space<vmem>>[vector<16xi32>], vector<16xf32>,
      %gather3A_201 = tpu.vector_load_idx %arg5[%add3A_199] : memref<16384xf32, #tpu.memory_space<vmem>>[vector<16xi32>], vector<16xf32>,
      %add3A_202 = arith.addf %gather3A_200, %gather3A_201 : vector<16xf32>
      %jit3A_203 = arith.constant 0.000000e+00 : f32
      %jit3A_204 = arith.constant 1.000000e+00 : f32
      %max3A_205 = vector.broadcast %jit3A_203 : f32 to vector<16xf32>
      %max3A_206 = arith.maximumf %max3A_205, %add3A_202 : vector<16xf32>
      %min3A_207 = vector.broadcast %jit3A_204 : f32 to vector<16xf32>
      %min3A_208 = arith.minimumf %min3A_207, %max3A_206 : vector<16xf32>
      %mul3A_209 = arith.constant 16 : i32
      %mul3A_210 = arith.muli %add3A_195, %mul3A_209 : i32
      %swap3A_211 = arith.constant 3 : i32
      %swap3A_212 = arith.index_cast %swap3A_211 : i32 to index
      %swap3A_213 = arith.index_cast %mul3A_210 : i32 to index
      %swap3A_214 = tpu.vector_load %arg6[%swap3A_212, %swap3A_213] {strides = array<i32>} : memref<8x2048xf32, #tpu.memory_space<vmem>>, vector<16xf32>,
      tpu.vector_store %arg6[%swap3A_212, %swap3A_213], %min3A_208 {strides = array<i32>} : memref<8x2048xf32, #tpu.memory_space<vmem>>, vector<16xf32>,
      %scan3A_215 = arith.constant 5 : i32
      %scan3A_216 = arith.addi %scan3A_96, %scan3A_215 : i32
      %mul3A_217 = arith.constant 1 : i32
      %mul3A_218 = arith.muli %scan3A_216, %mul3A_217 : i32
      %add3A_219 = arith.constant 0 : i32
      %add3A_220 = arith.addi %add3A_219, %mul3A_218 : i32
      %mul3A_221 = arith.constant 128 : i32
      %mul3A_222 = arith.muli %add3A_220, %mul3A_221 : i32
      %add3A_223 = vector.broadcast %mul3A_222 : i32 to vector<16xi32>
      %add3A_224 = arith.addi %add3A_223, %add3A_46 : vector<16xi32>
      %gather3A_225 = tpu.vector_load_idx %arg4[%add3A_224] : memref<16384xf32, #tpu.memory_space<vmem>>[vector<16xi32>], vector<16xf32>,
      %gather3A_226 = tpu.vector_load_idx %arg5[%add3A_224] : memref<16384xf32, #tpu.memory_space<vmem>>[vector<16xi32>], vector<16xf32>,
      %add3A_227 = arith.addf %gather3A_225, %gather3A_226 : vector<16xf32>
      %jit3A_228 = arith.constant 0.000000e+00 : f32
      %jit3A_229 = arith.constant 1.000000e+00 : f32
      %max3A_230 = vector.broadcast %jit3A_228 : f32 to vector<16xf32>
      %max3A_231 = arith.maximumf %max3A_230, %add3A_227 : vector<16xf32>
      %min3A_232 = vector.broadcast %jit3A_229 : f32 to vector<16xf32>
      %min3A_233 = arith.minimumf %min3A_232, %max3A_231 : vector<16xf32>
      %mul3A_234 = arith.constant 16 : i32
      %mul3A_235 = arith.muli %add3A_220, %mul3A_234 : i32
      %swap3A_236 = arith.constant 3 : i32
      %swap3A_237 = arith.index_cast %swap3A_236 : i32 to index
      %swap3A_238 = arith.index_cast %mul3A_235 : i32 to index
      %swap3A_239 = tpu.vector_load %arg6[%swap3A_237, %swap3A_238] {strides = array<i32>} : memref<8x2048xf32, #tpu.memory_space<vmem>>, vector<16xf32>,
      tpu.vector_store %arg6[%swap3A_237, %swap3A_238], %min3A_233 {strides = array<i32>} : memref<8x2048xf32, #tpu.memory_space<vmem>>, vector<16xf32>,
      %scan3A_240 = arith.constant 6 : i32
      %scan3A_241 = arith.addi %scan3A_96, %scan3A_240 : i32
      %mul3A_242 = arith.constant 1 : i32
      %mul3A_243 = arith.muli %scan3A_241, %mul3A_242 : i32
      %add3A_244 = arith.constant 0 : i32
      %add3A_245 = arith.addi %add3A_244, %mul3A_243 : i32
      %mul3A_246 = arith.constant 128 : i32
      %mul3A_247 = arith.muli %add3A_245, %mul3A_246 : i32
      %add3A_248 = vector.broadcast %mul3A_247 : i32 to vector<16xi32>
      %add3A_249 = arith.addi %add3A_248, %add3A_46 : vector<16xi32>
      %gather3A_250 = tpu.vector_load_idx %arg4[%add3A_249] : memref<16384xf32, #tpu.memory_space<vmem>>[vector<16xi32>], vector<16xf32>,
      %gather3A_251 = tpu.vector_load_idx %arg5[%add3A_249] : memref<16384xf32, #tpu.memory_space<vmem>>[vector<16xi32>], vector<16xf32>,
      %add3A_252 = arith.addf %gather3A_250, %gather3A_251 : vector<16xf32>
      %jit3A_253 = arith.constant 0.000000e+00 : f32
      %jit3A_254 = arith.constant 1.000000e+00 : f32
      %max3A_255 = vector.broadcast %jit3A_253 : f32 to vector<16xf32>
      %max3A_256 = arith.maximumf %max3A_255, %add3A_252 : vector<16xf32>
      %min3A_257 = vector.broadcast %jit3A_254 : f32 to vector<16xf32>
      %min3A_258 = arith.minimumf %min3A_257, %max3A_256 : vector<16xf32>
      %mul3A_259 = arith.constant 16 : i32
      %mul3A_260 = arith.muli %add3A_245, %mul3A_259 : i32
      %swap3A_261 = arith.constant 3 : i32
      %swap3A_262 = arith.index_cast %swap3A_261 : i32 to index
      %swap3A_263 = arith.index_cast %mul3A_260 : i32 to index
      %swap3A_264 = tpu.vector_load %arg6[%swap3A_262, %swap3A_263] {strides = array<i32>} : memref<8x2048xf32, #tpu.memory_space<vmem>>, vector<16xf32>,
      tpu.vector_store %arg6[%swap3A_262, %swap3A_263], %min3A_258 {strides = array<i32>} : memref<8x2048xf32, #tpu.memory_space<vmem>>, vector<16xf32>,
      %scan3A_265 = arith.constant 7 : i32
      %scan3A_266 = arith.addi %scan3A_96, %scan3A_265 : i32
      %mul3A_267 = arith.constant 1 : i32
      %mul3A_268 = arith.muli %scan3A_266, %mul3A_267 : i32
      %add3A_269 = arith.constant 0 : i32
      %add3A_270 = arith.addi %add3A_269, %mul3A_268 : i32
      %mul3A_271 = arith.constant 128 : i32
      %mul3A_272 = arith.muli %add3A_270, %mul3A_271 : i32
      %add3A_273 = vector.broadcast %mul3A_272 : i32 to vector<16xi32>
      %add3A_274 = arith.addi %add3A_273, %add3A_46 : vector<16xi32>
      %gather3A_275 = tpu.vector_load_idx %arg4[%add3A_274] : memref<16384xf32, #tpu.memory_space<vmem>>[vector<16xi32>], vector<16xf32>,
      %gather3A_276 = tpu.vector_load_idx %arg5[%add3A_274] : memref<16384xf32, #tpu.memory_space<vmem>>[vector<16xi32>], vector<16xf32>,
      %add3A_277 = arith.addf %gather3A_275, %gather3A_276 : vector<16xf32>
      %jit3A_278 = arith.constant 0.000000e+00 : f32
      %jit3A_279 = arith.constant 1.000000e+00 : f32
      %max3A_280 = vector.broadcast %jit3A_278 : f32 to vector<16xf32>
      %max3A_281 = arith.maximumf %max3A_280, %add3A_277 : vector<16xf32>
      %min3A_282 = vector.broadcast %jit3A_279 : f32 to vector<16xf32>
      %min3A_283 = arith.minimumf %min3A_282, %max3A_281 : vector<16xf32>
      %mul3A_284 = arith.constant 16 : i32
      %mul3A_285 = arith.muli %add3A_270, %mul3A_284 : i32
      %swap3A_286 = arith.constant 3 : i32
      %swap3A_287 = arith.index_cast %swap3A_286 : i32 to index
      %swap3A_288 = arith.index_cast %mul3A_285 : i32 to index
      %swap3A_289 = tpu.vector_load %arg6[%swap3A_287, %swap3A_288] {strides = array<i32>} : memref<8x2048xf32, #tpu.memory_space<vmem>>, vector<16xf32>,
      tpu.vector_store %arg6[%swap3A_287, %swap3A_288], %min3A_283 {strides = array<i32>} : memref<8x2048xf32, #tpu.memory_space<vmem>>, vector<16xf32>,
    }
    %scan3A_51 = arith.constant 128 : i32
    %mul3A_52 = arith.constant 8 : i32
    %mul3A_53 = vector.broadcast %mul3A_52 : i32 to vector<16xi32>
    %mul3A_54 = arith.muli %iota3A, %mul3A_53 : vector<16xi32>
    %add3A_55 = arith.constant 4 : i32
    %add3A_56 = vector.broadcast %add3A_55 : i32 to vector<16xi32>
    %add3A_57 = arith.addi %mul3A_54, %add3A_56 : vector<16xi32>
    %scan3A_58 = arith.constant 0 : i32
    %scan3A_59 = arith.constant 128 : i32
    %scan3A_60 = arith.addi %scan3A_58, %scan3A_59 : i32
    %scan3A_61 = arith.constant 8 : i32
    scf.for %scan3A_96 = %scan3A_58 to %scan3A_60 step %scan3A_61  : i32 {
      %mul3A_97 = arith.constant 1 : i32
      %mul3A_98 = arith.muli %scan3A_96, %mul3A_97 : i32
      %add3A_99 = arith.constant 0 : i32
      %add3A_100 = arith.addi %add3A_99, %mul3A_98 : i32
      %mul3A_101 = arith.constant 128 : i32
      %mul3A_102 = arith.muli %add3A_100, %mul3A_101 : i32
      %add3A_103 = vector.broadcast %mul3A_102 : i32 to vector<16xi32>
      %add3A_104 = arith.addi %add3A_103, %add3A_57 : vector<16xi32>
      %gather3A = tpu.vector_load_idx %arg4[%add3A_104] : memref<16384xf32, #tpu.memory_space<vmem>>[vector<16xi32>], vector<16xf32>,
      %gather3A_105 = tpu.vector_load_idx %arg5[%add3A_104] : memref<16384xf32, #tpu.memory_space<vmem>>[vector<16xi32>], vector<16xf32>,
      %add3A_106 = arith.addf %gather3A, %gather3A_105 : vector<16xf32>
      %jit3A = arith.constant 0.000000e+00 : f32
      %jit3A_107 = arith.constant 1.000000e+00 : f32
      %max3A = vector.broadcast %jit3A : f32 to vector<16xf32>
      %max3A_108 = arith.maximumf %max3A, %add3A_106 : vector<16xf32>
      %min3A = vector.broadcast %jit3A_107 : f32 to vector<16xf32>
      %min3A_109 = arith.minimumf %min3A, %max3A_108 : vector<16xf32>
      %mul3A_110 = arith.constant 16 : i32
      %mul3A_111 = arith.muli %add3A_100, %mul3A_110 : i32
      %swap3A = arith.constant 4 : i32
      %swap3A_112 = arith.index_cast %swap3A : i32 to index
      %swap3A_113 = arith.index_cast %mul3A_111 : i32 to index
      %swap3A_114 = tpu.vector_load %arg6[%swap3A_112, %swap3A_113] {strides = array<i32>} : memref<8x2048xf32, #tpu.memory_space<vmem>>, vector<16xf32>,
      tpu.vector_store %arg6[%swap3A_112, %swap3A_113], %min3A_109 {strides = array<i32>} : memref<8x2048xf32, #tpu.memory_space<vmem>>, vector<16xf32>,
      %scan3A_115 = arith.constant 1 : i32
      %scan3A_116 = arith.addi %scan3A_96, %scan3A_115 : i32
      %mul3A_117 = arith.constant 1 : i32
      %mul3A_118 = arith.muli %scan3A_116, %mul3A_117 : i32
      %add3A_119 = arith.constant 0 : i32
      %add3A_120 = arith.addi %add3A_119, %mul3A_118 : i32
      %mul3A_121 = arith.constant 128 : i32
      %mul3A_122 = arith.muli %add3A_120, %mul3A_121 : i32
      %add3A_123 = vector.broadcast %mul3A_122 : i32 to vector<16xi32>
      %add3A_124 = arith.addi %add3A_123, %add3A_57 : vector<16xi32>
      %gather3A_125 = tpu.vector_load_idx %arg4[%add3A_124] : memref<16384xf32, #tpu.memory_space<vmem>>[vector<16xi32>], vector<16xf32>,
      %gather3A_126 = tpu.vector_load_idx %arg5[%add3A_124] : memref<16384xf32, #tpu.memory_space<vmem>>[vector<16xi32>], vector<16xf32>,
      %add3A_127 = arith.addf %gather3A_125, %gather3A_126 : vector<16xf32>
      %jit3A_128 = arith.constant 0.000000e+00 : f32
      %jit3A_129 = arith.constant 1.000000e+00 : f32
      %max3A_130 = vector.broadcast %jit3A_128 : f32 to vector<16xf32>
      %max3A_131 = arith.maximumf %max3A_130, %add3A_127 : vector<16xf32>
      %min3A_132 = vector.broadcast %jit3A_129 : f32 to vector<16xf32>
      %min3A_133 = arith.minimumf %min3A_132, %max3A_131 : vector<16xf32>
      %mul3A_134 = arith.constant 16 : i32
      %mul3A_135 = arith.muli %add3A_120, %mul3A_134 : i32
      %swap3A_136 = arith.constant 4 : i32
      %swap3A_137 = arith.index_cast %swap3A_136 : i32 to index
      %swap3A_138 = arith.index_cast %mul3A_135 : i32 to index
      %swap3A_139 = tpu.vector_load %arg6[%swap3A_137, %swap3A_138] {strides = array<i32>} : memref<8x2048xf32, #tpu.memory_space<vmem>>, vector<16xf32>,
      tpu.vector_store %arg6[%swap3A_137, %swap3A_138], %min3A_133 {strides = array<i32>} : memref<8x2048xf32, #tpu.memory_space<vmem>>, vector<16xf32>,
      %scan3A_140 = arith.constant 2 : i32
      %scan3A_141 = arith.addi %scan3A_96, %scan3A_140 : i32
      %mul3A_142 = arith.constant 1 : i32
      %mul3A_143 = arith.muli %scan3A_141, %mul3A_142 : i32
      %add3A_144 = arith.constant 0 : i32
      %add3A_145 = arith.addi %add3A_144, %mul3A_143 : i32
      %mul3A_146 = arith.constant 128 : i32
      %mul3A_147 = arith.muli %add3A_145, %mul3A_146 : i32
      %add3A_148 = vector.broadcast %mul3A_147 : i32 to vector<16xi32>
      %add3A_149 = arith.addi %add3A_148, %add3A_57 : vector<16xi32>
      %gather3A_150 = tpu.vector_load_idx %arg4[%add3A_149] : memref<16384xf32, #tpu.memory_space<vmem>>[vector<16xi32>], vector<16xf32>,
      %gather3A_151 = tpu.vector_load_idx %arg5[%add3A_149] : memref<16384xf32, #tpu.memory_space<vmem>>[vector<16xi32>], vector<16xf32>,
      %add3A_152 = arith.addf %gather3A_150, %gather3A_151 : vector<16xf32>
      %jit3A_153 = arith.constant 0.000000e+00 : f32
      %jit3A_154 = arith.constant 1.000000e+00 : f32
      %max3A_155 = vector.broadcast %jit3A_153 : f32 to vector<16xf32>
      %max3A_156 = arith.maximumf %max3A_155, %add3A_152 : vector<16xf32>
      %min3A_157 = vector.broadcast %jit3A_154 : f32 to vector<16xf32>
      %min3A_158 = arith.minimumf %min3A_157, %max3A_156 : vector<16xf32>
      %mul3A_159 = arith.constant 16 : i32
      %mul3A_160 = arith.muli %add3A_145, %mul3A_159 : i32
      %swap3A_161 = arith.constant 4 : i32
      %swap3A_162 = arith.index_cast %swap3A_161 : i32 to index
      %swap3A_163 = arith.index_cast %mul3A_160 : i32 to index
      %swap3A_164 = tpu.vector_load %arg6[%swap3A_162, %swap3A_163] {strides = array<i32>} : memref<8x2048xf32, #tpu.memory_space<vmem>>, vector<16xf32>,
      tpu.vector_store %arg6[%swap3A_162, %swap3A_163], %min3A_158 {strides = array<i32>} : memref<8x2048xf32, #tpu.memory_space<vmem>>, vector<16xf32>,
      %scan3A_165 = arith.constant 3 : i32
      %scan3A_166 = arith.addi %scan3A_96, %scan3A_165 : i32
      %mul3A_167 = arith.constant 1 : i32
      %mul3A_168 = arith.muli %scan3A_166, %mul3A_167 : i32
      %add3A_169 = arith.constant 0 : i32
      %add3A_170 = arith.addi %add3A_169, %mul3A_168 : i32
      %mul3A_171 = arith.constant 128 : i32
      %mul3A_172 = arith.muli %add3A_170, %mul3A_171 : i32
      %add3A_173 = vector.broadcast %mul3A_172 : i32 to vector<16xi32>
      %add3A_174 = arith.addi %add3A_173, %add3A_57 : vector<16xi32>
      %gather3A_175 = tpu.vector_load_idx %arg4[%add3A_174] : memref<16384xf32, #tpu.memory_space<vmem>>[vector<16xi32>], vector<16xf32>,
      %gather3A_176 = tpu.vector_load_idx %arg5[%add3A_174] : memref<16384xf32, #tpu.memory_space<vmem>>[vector<16xi32>], vector<16xf32>,
      %add3A_177 = arith.addf %gather3A_175, %gather3A_176 : vector<16xf32>
      %jit3A_178 = arith.constant 0.000000e+00 : f32
      %jit3A_179 = arith.constant 1.000000e+00 : f32
      %max3A_180 = vector.broadcast %jit3A_178 : f32 to vector<16xf32>
      %max3A_181 = arith.maximumf %max3A_180, %add3A_177 : vector<16xf32>
      %min3A_182 = vector.broadcast %jit3A_179 : f32 to vector<16xf32>
      %min3A_183 = arith.minimumf %min3A_182, %max3A_181 : vector<16xf32>
      %mul3A_184 = arith.constant 16 : i32
      %mul3A_185 = arith.muli %add3A_170, %mul3A_184 : i32
      %swap3A_186 = arith.constant 4 : i32
      %swap3A_187 = arith.index_cast %swap3A_186 : i32 to index
      %swap3A_188 = arith.index_cast %mul3A_185 : i32 to index
      %swap3A_189 = tpu.vector_load %arg6[%swap3A_187, %swap3A_188] {strides = array<i32>} : memref<8x2048xf32, #tpu.memory_space<vmem>>, vector<16xf32>,
      tpu.vector_store %arg6[%swap3A_187, %swap3A_188], %min3A_183 {strides = array<i32>} : memref<8x2048xf32, #tpu.memory_space<vmem>>, vector<16xf32>,
      %scan3A_190 = arith.constant 4 : i32
      %scan3A_191 = arith.addi %scan3A_96, %scan3A_190 : i32
      %mul3A_192 = arith.constant 1 : i32
      %mul3A_193 = arith.muli %scan3A_191, %mul3A_192 : i32
      %add3A_194 = arith.constant 0 : i32
      %add3A_195 = arith.addi %add3A_194, %mul3A_193 : i32
      %mul3A_196 = arith.constant 128 : i32
      %mul3A_197 = arith.muli %add3A_195, %mul3A_196 : i32
      %add3A_198 = vector.broadcast %mul3A_197 : i32 to vector<16xi32>
      %add3A_199 = arith.addi %add3A_198, %add3A_57 : vector<16xi32>
      %gather3A_200 = tpu.vector_load_idx %arg4[%add3A_199] : memref<16384xf32, #tpu.memory_space<vmem>>[vector<16xi32>], vector<16xf32>,
      %gather3A_201 = tpu.vector_load_idx %arg5[%add3A_199] : memref<16384xf32, #tpu.memory_space<vmem>>[vector<16xi32>], vector<16xf32>,
      %add3A_202 = arith.addf %gather3A_200, %gather3A_201 : vector<16xf32>
      %jit3A_203 = arith.constant 0.000000e+00 : f32
      %jit3A_204 = arith.constant 1.000000e+00 : f32
      %max3A_205 = vector.broadcast %jit3A_203 : f32 to vector<16xf32>
      %max3A_206 = arith.maximumf %max3A_205, %add3A_202 : vector<16xf32>
      %min3A_207 = vector.broadcast %jit3A_204 : f32 to vector<16xf32>
      %min3A_208 = arith.minimumf %min3A_207, %max3A_206 : vector<16xf32>
      %mul3A_209 = arith.constant 16 : i32
      %mul3A_210 = arith.muli %add3A_195, %mul3A_209 : i32
      %swap3A_211 = arith.constant 4 : i32
      %swap3A_212 = arith.index_cast %swap3A_211 : i32 to index
      %swap3A_213 = arith.index_cast %mul3A_210 : i32 to index
      %swap3A_214 = tpu.vector_load %arg6[%swap3A_212, %swap3A_213] {strides = array<i32>} : memref<8x2048xf32, #tpu.memory_space<vmem>>, vector<16xf32>,
      tpu.vector_store %arg6[%swap3A_212, %swap3A_213], %min3A_208 {strides = array<i32>} : memref<8x2048xf32, #tpu.memory_space<vmem>>, vector<16xf32>,
      %scan3A_215 = arith.constant 5 : i32
      %scan3A_216 = arith.addi %scan3A_96, %scan3A_215 : i32
      %mul3A_217 = arith.constant 1 : i32
      %mul3A_218 = arith.muli %scan3A_216, %mul3A_217 : i32
      %add3A_219 = arith.constant 0 : i32
      %add3A_220 = arith.addi %add3A_219, %mul3A_218 : i32
      %mul3A_221 = arith.constant 128 : i32
      %mul3A_222 = arith.muli %add3A_220, %mul3A_221 : i32
      %add3A_223 = vector.broadcast %mul3A_222 : i32 to vector<16xi32>
      %add3A_224 = arith.addi %add3A_223, %add3A_57 : vector<16xi32>
      %gather3A_225 = tpu.vector_load_idx %arg4[%add3A_224] : memref<16384xf32, #tpu.memory_space<vmem>>[vector<16xi32>], vector<16xf32>,
      %gather3A_226 = tpu.vector_load_idx %arg5[%add3A_224] : memref<16384xf32, #tpu.memory_space<vmem>>[vector<16xi32>], vector<16xf32>,
      %add3A_227 = arith.addf %gather3A_225, %gather3A_226 : vector<16xf32>
      %jit3A_228 = arith.constant 0.000000e+00 : f32
      %jit3A_229 = arith.constant 1.000000e+00 : f32
      %max3A_230 = vector.broadcast %jit3A_228 : f32 to vector<16xf32>
      %max3A_231 = arith.maximumf %max3A_230, %add3A_227 : vector<16xf32>
      %min3A_232 = vector.broadcast %jit3A_229 : f32 to vector<16xf32>
      %min3A_233 = arith.minimumf %min3A_232, %max3A_231 : vector<16xf32>
      %mul3A_234 = arith.constant 16 : i32
      %mul3A_235 = arith.muli %add3A_220, %mul3A_234 : i32
      %swap3A_236 = arith.constant 4 : i32
      %swap3A_237 = arith.index_cast %swap3A_236 : i32 to index
      %swap3A_238 = arith.index_cast %mul3A_235 : i32 to index
      %swap3A_239 = tpu.vector_load %arg6[%swap3A_237, %swap3A_238] {strides = array<i32>} : memref<8x2048xf32, #tpu.memory_space<vmem>>, vector<16xf32>,
      tpu.vector_store %arg6[%swap3A_237, %swap3A_238], %min3A_233 {strides = array<i32>} : memref<8x2048xf32, #tpu.memory_space<vmem>>, vector<16xf32>,
      %scan3A_240 = arith.constant 6 : i32
      %scan3A_241 = arith.addi %scan3A_96, %scan3A_240 : i32
      %mul3A_242 = arith.constant 1 : i32
      %mul3A_243 = arith.muli %scan3A_241, %mul3A_242 : i32
      %add3A_244 = arith.constant 0 : i32
      %add3A_245 = arith.addi %add3A_244, %mul3A_243 : i32
      %mul3A_246 = arith.constant 128 : i32
      %mul3A_247 = arith.muli %add3A_245, %mul3A_246 : i32
      %add3A_248 = vector.broadcast %mul3A_247 : i32 to vector<16xi32>
      %add3A_249 = arith.addi %add3A_248, %add3A_57 : vector<16xi32>
      %gather3A_250 = tpu.vector_load_idx %arg4[%add3A_249] : memref<16384xf32, #tpu.memory_space<vmem>>[vector<16xi32>], vector<16xf32>,
      %gather3A_251 = tpu.vector_load_idx %arg5[%add3A_249] : memref<16384xf32, #tpu.memory_space<vmem>>[vector<16xi32>], vector<16xf32>,
      %add3A_252 = arith.addf %gather3A_250, %gather3A_251 : vector<16xf32>
      %jit3A_253 = arith.constant 0.000000e+00 : f32
      %jit3A_254 = arith.constant 1.000000e+00 : f32
      %max3A_255 = vector.broadcast %jit3A_253 : f32 to vector<16xf32>
      %max3A_256 = arith.maximumf %max3A_255, %add3A_252 : vector<16xf32>
      %min3A_257 = vector.broadcast %jit3A_254 : f32 to vector<16xf32>
      %min3A_258 = arith.minimumf %min3A_257, %max3A_256 : vector<16xf32>
      %mul3A_259 = arith.constant 16 : i32
      %mul3A_260 = arith.muli %add3A_245, %mul3A_259 : i32
      %swap3A_261 = arith.constant 4 : i32
      %swap3A_262 = arith.index_cast %swap3A_261 : i32 to index
      %swap3A_263 = arith.index_cast %mul3A_260 : i32 to index
      %swap3A_264 = tpu.vector_load %arg6[%swap3A_262, %swap3A_263] {strides = array<i32>} : memref<8x2048xf32, #tpu.memory_space<vmem>>, vector<16xf32>,
      tpu.vector_store %arg6[%swap3A_262, %swap3A_263], %min3A_258 {strides = array<i32>} : memref<8x2048xf32, #tpu.memory_space<vmem>>, vector<16xf32>,
      %scan3A_265 = arith.constant 7 : i32
      %scan3A_266 = arith.addi %scan3A_96, %scan3A_265 : i32
      %mul3A_267 = arith.constant 1 : i32
      %mul3A_268 = arith.muli %scan3A_266, %mul3A_267 : i32
      %add3A_269 = arith.constant 0 : i32
      %add3A_270 = arith.addi %add3A_269, %mul3A_268 : i32
      %mul3A_271 = arith.constant 128 : i32
      %mul3A_272 = arith.muli %add3A_270, %mul3A_271 : i32
      %add3A_273 = vector.broadcast %mul3A_272 : i32 to vector<16xi32>
      %add3A_274 = arith.addi %add3A_273, %add3A_57 : vector<16xi32>
      %gather3A_275 = tpu.vector_load_idx %arg4[%add3A_274] : memref<16384xf32, #tpu.memory_space<vmem>>[vector<16xi32>], vector<16xf32>,
      %gather3A_276 = tpu.vector_load_idx %arg5[%add3A_274] : memref<16384xf32, #tpu.memory_space<vmem>>[vector<16xi32>], vector<16xf32>,
      %add3A_277 = arith.addf %gather3A_275, %gather3A_276 : vector<16xf32>
      %jit3A_278 = arith.constant 0.000000e+00 : f32
      %jit3A_279 = arith.constant 1.000000e+00 : f32
      %max3A_280 = vector.broadcast %jit3A_278 : f32 to vector<16xf32>
      %max3A_281 = arith.maximumf %max3A_280, %add3A_277 : vector<16xf32>
      %min3A_282 = vector.broadcast %jit3A_279 : f32 to vector<16xf32>
      %min3A_283 = arith.minimumf %min3A_282, %max3A_281 : vector<16xf32>
      %mul3A_284 = arith.constant 16 : i32
      %mul3A_285 = arith.muli %add3A_270, %mul3A_284 : i32
      %swap3A_286 = arith.constant 4 : i32
      %swap3A_287 = arith.index_cast %swap3A_286 : i32 to index
      %swap3A_288 = arith.index_cast %mul3A_285 : i32 to index
      %swap3A_289 = tpu.vector_load %arg6[%swap3A_287, %swap3A_288] {strides = array<i32>} : memref<8x2048xf32, #tpu.memory_space<vmem>>, vector<16xf32>,
      tpu.vector_store %arg6[%swap3A_287, %swap3A_288], %min3A_283 {strides = array<i32>} : memref<8x2048xf32, #tpu.memory_space<vmem>>, vector<16xf32>,
    }
    %scan3A_62 = arith.constant 128 : i32
    %mul3A_63 = arith.constant 8 : i32
    %mul3A_64 = vector.broadcast %mul3A_63 : i32 to vector<16xi32>
    %mul3A_65 = arith.muli %iota3A, %mul3A_64 : vector<16xi32>
    %add3A_66 = arith.constant 5 : i32
    %add3A_67 = vector.broadcast %add3A_66 : i32 to vector<16xi32>
    %add3A_68 = arith.addi %mul3A_65, %add3A_67 : vector<16xi32>
    %scan3A_69 = arith.constant 0 : i32
    %scan3A_70 = arith.constant 128 : i32
    %scan3A_71 = arith.addi %scan3A_69, %scan3A_70 : i32
    %scan3A_72 = arith.constant 8 : i32
    scf.for %scan3A_96 = %scan3A_69 to %scan3A_71 step %scan3A_72  : i32 {
      %mul3A_97 = arith.constant 1 : i32
      %mul3A_98 = arith.muli %scan3A_96, %mul3A_97 : i32
      %add3A_99 = arith.constant 0 : i32
      %add3A_100 = arith.addi %add3A_99, %mul3A_98 : i32
      %mul3A_101 = arith.constant 128 : i32
      %mul3A_102 = arith.muli %add3A_100, %mul3A_101 : i32
      %add3A_103 = vector.broadcast %mul3A_102 : i32 to vector<16xi32>
      %add3A_104 = arith.addi %add3A_103, %add3A_68 : vector<16xi32>
      %gather3A = tpu.vector_load_idx %arg4[%add3A_104] : memref<16384xf32, #tpu.memory_space<vmem>>[vector<16xi32>], vector<16xf32>,
      %gather3A_105 = tpu.vector_load_idx %arg5[%add3A_104] : memref<16384xf32, #tpu.memory_space<vmem>>[vector<16xi32>], vector<16xf32>,
      %add3A_106 = arith.addf %gather3A, %gather3A_105 : vector<16xf32>
      %jit3A = arith.constant 0.000000e+00 : f32
      %jit3A_107 = arith.constant 1.000000e+00 : f32
      %max3A = vector.broadcast %jit3A : f32 to vector<16xf32>
      %max3A_108 = arith.maximumf %max3A, %add3A_106 : vector<16xf32>
      %min3A = vector.broadcast %jit3A_107 : f32 to vector<16xf32>
      %min3A_109 = arith.minimumf %min3A, %max3A_108 : vector<16xf32>
      %mul3A_110 = arith.constant 16 : i32
      %mul3A_111 = arith.muli %add3A_100, %mul3A_110 : i32
      %swap3A = arith.constant 5 : i32
      %swap3A_112 = arith.index_cast %swap3A : i32 to index
      %swap3A_113 = arith.index_cast %mul3A_111 : i32 to index
      %swap3A_114 = tpu.vector_load %arg6[%swap3A_112, %swap3A_113] {strides = array<i32>} : memref<8x2048xf32, #tpu.memory_space<vmem>>, vector<16xf32>,
      tpu.vector_store %arg6[%swap3A_112, %swap3A_113], %min3A_109 {strides = array<i32>} : memref<8x2048xf32, #tpu.memory_space<vmem>>, vector<16xf32>,
      %scan3A_115 = arith.constant 1 : i32
      %scan3A_116 = arith.addi %scan3A_96, %scan3A_115 : i32
      %mul3A_117 = arith.constant 1 : i32
      %mul3A_118 = arith.muli %scan3A_116, %mul3A_117 : i32
      %add3A_119 = arith.constant 0 : i32
      %add3A_120 = arith.addi %add3A_119, %mul3A_118 : i32
      %mul3A_121 = arith.constant 128 : i32
      %mul3A_122 = arith.muli %add3A_120, %mul3A_121 : i32
      %add3A_123 = vector.broadcast %mul3A_122 : i32 to vector<16xi32>
      %add3A_124 = arith.addi %add3A_123, %add3A_68 : vector<16xi32>
      %gather3A_125 = tpu.vector_load_idx %arg4[%add3A_124] : memref<16384xf32, #tpu.memory_space<vmem>>[vector<16xi32>], vector<16xf32>,
      %gather3A_126 = tpu.vector_load_idx %arg5[%add3A_124] : memref<16384xf32, #tpu.memory_space<vmem>>[vector<16xi32>], vector<16xf32>,
      %add3A_127 = arith.addf %gather3A_125, %gather3A_126 : vector<16xf32>
      %jit3A_128 = arith.constant 0.000000e+00 : f32
      %jit3A_129 = arith.constant 1.000000e+00 : f32
      %max3A_130 = vector.broadcast %jit3A_128 : f32 to vector<16xf32>
      %max3A_131 = arith.maximumf %max3A_130, %add3A_127 : vector<16xf32>
      %min3A_132 = vector.broadcast %jit3A_129 : f32 to vector<16xf32>
      %min3A_133 = arith.minimumf %min3A_132, %max3A_131 : vector<16xf32>
      %mul3A_134 = arith.constant 16 : i32
      %mul3A_135 = arith.muli %add3A_120, %mul3A_134 : i32
      %swap3A_136 = arith.constant 5 : i32
      %swap3A_137 = arith.index_cast %swap3A_136 : i32 to index
      %swap3A_138 = arith.index_cast %mul3A_135 : i32 to index
      %swap3A_139 = tpu.vector_load %arg6[%swap3A_137, %swap3A_138] {strides = array<i32>} : memref<8x2048xf32, #tpu.memory_space<vmem>>, vector<16xf32>,
      tpu.vector_store %arg6[%swap3A_137, %swap3A_138], %min3A_133 {strides = array<i32>} : memref<8x2048xf32, #tpu.memory_space<vmem>>, vector<16xf32>,
      %scan3A_140 = arith.constant 2 : i32
      %scan3A_141 = arith.addi %scan3A_96, %scan3A_140 : i32
      %mul3A_142 = arith.constant 1 : i32
      %mul3A_143 = arith.muli %scan3A_141, %mul3A_142 : i32
      %add3A_144 = arith.constant 0 : i32
      %add3A_145 = arith.addi %add3A_144, %mul3A_143 : i32
      %mul3A_146 = arith.constant 128 : i32
      %mul3A_147 = arith.muli %add3A_145, %mul3A_146 : i32
      %add3A_148 = vector.broadcast %mul3A_147 : i32 to vector<16xi32>
      %add3A_149 = arith.addi %add3A_148, %add3A_68 : vector<16xi32>
      %gather3A_150 = tpu.vector_load_idx %arg4[%add3A_149] : memref<16384xf32, #tpu.memory_space<vmem>>[vector<16xi32>], vector<16xf32>,
      %gather3A_151 = tpu.vector_load_idx %arg5[%add3A_149] : memref<16384xf32, #tpu.memory_space<vmem>>[vector<16xi32>], vector<16xf32>,
      %add3A_152 = arith.addf %gather3A_150, %gather3A_151 : vector<16xf32>
      %jit3A_153 = arith.constant 0.000000e+00 : f32
      %jit3A_154 = arith.constant 1.000000e+00 : f32
      %max3A_155 = vector.broadcast %jit3A_153 : f32 to vector<16xf32>
      %max3A_156 = arith.maximumf %max3A_155, %add3A_152 : vector<16xf32>
      %min3A_157 = vector.broadcast %jit3A_154 : f32 to vector<16xf32>
      %min3A_158 = arith.minimumf %min3A_157, %max3A_156 : vector<16xf32>
      %mul3A_159 = arith.constant 16 : i32
      %mul3A_160 = arith.muli %add3A_145, %mul3A_159 : i32
      %swap3A_161 = arith.constant 5 : i32
      %swap3A_162 = arith.index_cast %swap3A_161 : i32 to index
      %swap3A_163 = arith.index_cast %mul3A_160 : i32 to index
      %swap3A_164 = tpu.vector_load %arg6[%swap3A_162, %swap3A_163] {strides = array<i32>} : memref<8x2048xf32, #tpu.memory_space<vmem>>, vector<16xf32>,
      tpu.vector_store %arg6[%swap3A_162, %swap3A_163], %min3A_158 {strides = array<i32>} : memref<8x2048xf32, #tpu.memory_space<vmem>>, vector<16xf32>,
      %scan3A_165 = arith.constant 3 : i32
      %scan3A_166 = arith.addi %scan3A_96, %scan3A_165 : i32
      %mul3A_167 = arith.constant 1 : i32
      %mul3A_168 = arith.muli %scan3A_166, %mul3A_167 : i32
      %add3A_169 = arith.constant 0 : i32
      %add3A_170 = arith.addi %add3A_169, %mul3A_168 : i32
      %mul3A_171 = arith.constant 128 : i32
      %mul3A_172 = arith.muli %add3A_170, %mul3A_171 : i32
      %add3A_173 = vector.broadcast %mul3A_172 : i32 to vector<16xi32>
      %add3A_174 = arith.addi %add3A_173, %add3A_68 : vector<16xi32>
      %gather3A_175 = tpu.vector_load_idx %arg4[%add3A_174] : memref<16384xf32, #tpu.memory_space<vmem>>[vector<16xi32>], vector<16xf32>,
      %gather3A_176 = tpu.vector_load_idx %arg5[%add3A_174] : memref<16384xf32, #tpu.memory_space<vmem>>[vector<16xi32>], vector<16xf32>,
      %add3A_177 = arith.addf %gather3A_175, %gather3A_176 : vector<16xf32>
      %jit3A_178 = arith.constant 0.000000e+00 : f32
      %jit3A_179 = arith.constant 1.000000e+00 : f32
      %max3A_180 = vector.broadcast %jit3A_178 : f32 to vector<16xf32>
      %max3A_181 = arith.maximumf %max3A_180, %add3A_177 : vector<16xf32>
      %min3A_182 = vector.broadcast %jit3A_179 : f32 to vector<16xf32>
      %min3A_183 = arith.minimumf %min3A_182, %max3A_181 : vector<16xf32>
      %mul3A_184 = arith.constant 16 : i32
      %mul3A_185 = arith.muli %add3A_170, %mul3A_184 : i32
      %swap3A_186 = arith.constant 5 : i32
      %swap3A_187 = arith.index_cast %swap3A_186 : i32 to index
      %swap3A_188 = arith.index_cast %mul3A_185 : i32 to index
      %swap3A_189 = tpu.vector_load %arg6[%swap3A_187, %swap3A_188] {strides = array<i32>} : memref<8x2048xf32, #tpu.memory_space<vmem>>, vector<16xf32>,
      tpu.vector_store %arg6[%swap3A_187, %swap3A_188], %min3A_183 {strides = array<i32>} : memref<8x2048xf32, #tpu.memory_space<vmem>>, vector<16xf32>,
      %scan3A_190 = arith.constant 4 : i32
      %scan3A_191 = arith.addi %scan3A_96, %scan3A_190 : i32
      %mul3A_192 = arith.constant 1 : i32
      %mul3A_193 = arith.muli %scan3A_191, %mul3A_192 : i32
      %add3A_194 = arith.constant 0 : i32
      %add3A_195 = arith.addi %add3A_194, %mul3A_193 : i32
      %mul3A_196 = arith.constant 128 : i32
      %mul3A_197 = arith.muli %add3A_195, %mul3A_196 : i32
      %add3A_198 = vector.broadcast %mul3A_197 : i32 to vector<16xi32>
      %add3A_199 = arith.addi %add3A_198, %add3A_68 : vector<16xi32>
      %gather3A_200 = tpu.vector_load_idx %arg4[%add3A_199] : memref<16384xf32, #tpu.memory_space<vmem>>[vector<16xi32>], vector<16xf32>,
      %gather3A_201 = tpu.vector_load_idx %arg5[%add3A_199] : memref<16384xf32, #tpu.memory_space<vmem>>[vector<16xi32>], vector<16xf32>,
      %add3A_202 = arith.addf %gather3A_200, %gather3A_201 : vector<16xf32>
      %jit3A_203 = arith.constant 0.000000e+00 : f32
      %jit3A_204 = arith.constant 1.000000e+00 : f32
      %max3A_205 = vector.broadcast %jit3A_203 : f32 to vector<16xf32>
      %max3A_206 = arith.maximumf %max3A_205, %add3A_202 : vector<16xf32>
      %min3A_207 = vector.broadcast %jit3A_204 : f32 to vector<16xf32>
      %min3A_208 = arith.minimumf %min3A_207, %max3A_206 : vector<16xf32>
      %mul3A_209 = arith.constant 16 : i32
      %mul3A_210 = arith.muli %add3A_195, %mul3A_209 : i32
      %swap3A_211 = arith.constant 5 : i32
      %swap3A_212 = arith.index_cast %swap3A_211 : i32 to index
      %swap3A_213 = arith.index_cast %mul3A_210 : i32 to index
      %swap3A_214 = tpu.vector_load %arg6[%swap3A_212, %swap3A_213] {strides = array<i32>} : memref<8x2048xf32, #tpu.memory_space<vmem>>, vector<16xf32>,
      tpu.vector_store %arg6[%swap3A_212, %swap3A_213], %min3A_208 {strides = array<i32>} : memref<8x2048xf32, #tpu.memory_space<vmem>>, vector<16xf32>,
      %scan3A_215 = arith.constant 5 : i32
      %scan3A_216 = arith.addi %scan3A_96, %scan3A_215 : i32
      %mul3A_217 = arith.constant 1 : i32
      %mul3A_218 = arith.muli %scan3A_216, %mul3A_217 : i32
      %add3A_219 = arith.constant 0 : i32
      %add3A_220 = arith.addi %add3A_219, %mul3A_218 : i32
      %mul3A_221 = arith.constant 128 : i32
      %mul3A_222 = arith.muli %add3A_220, %mul3A_221 : i32
      %add3A_223 = vector.broadcast %mul3A_222 : i32 to vector<16xi32>
      %add3A_224 = arith.addi %add3A_223, %add3A_68 : vector<16xi32>
      %gather3A_225 = tpu.vector_load_idx %arg4[%add3A_224] : memref<16384xf32, #tpu.memory_space<vmem>>[vector<16xi32>], vector<16xf32>,
      %gather3A_226 = tpu.vector_load_idx %arg5[%add3A_224] : memref<16384xf32, #tpu.memory_space<vmem>>[vector<16xi32>], vector<16xf32>,
      %add3A_227 = arith.addf %gather3A_225, %gather3A_226 : vector<16xf32>
      %jit3A_228 = arith.constant 0.000000e+00 : f32
      %jit3A_229 = arith.constant 1.000000e+00 : f32
      %max3A_230 = vector.broadcast %jit3A_228 : f32 to vector<16xf32>
      %max3A_231 = arith.maximumf %max3A_230, %add3A_227 : vector<16xf32>
      %min3A_232 = vector.broadcast %jit3A_229 : f32 to vector<16xf32>
      %min3A_233 = arith.minimumf %min3A_232, %max3A_231 : vector<16xf32>
      %mul3A_234 = arith.constant 16 : i32
      %mul3A_235 = arith.muli %add3A_220, %mul3A_234 : i32
      %swap3A_236 = arith.constant 5 : i32
      %swap3A_237 = arith.index_cast %swap3A_236 : i32 to index
      %swap3A_238 = arith.index_cast %mul3A_235 : i32 to index
      %swap3A_239 = tpu.vector_load %arg6[%swap3A_237, %swap3A_238] {strides = array<i32>} : memref<8x2048xf32, #tpu.memory_space<vmem>>, vector<16xf32>,
      tpu.vector_store %arg6[%swap3A_237, %swap3A_238], %min3A_233 {strides = array<i32>} : memref<8x2048xf32, #tpu.memory_space<vmem>>, vector<16xf32>,
      %scan3A_240 = arith.constant 6 : i32
      %scan3A_241 = arith.addi %scan3A_96, %scan3A_240 : i32
      %mul3A_242 = arith.constant 1 : i32
      %mul3A_243 = arith.muli %scan3A_241, %mul3A_242 : i32
      %add3A_244 = arith.constant 0 : i32
      %add3A_245 = arith.addi %add3A_244, %mul3A_243 : i32
      %mul3A_246 = arith.constant 128 : i32
      %mul3A_247 = arith.muli %add3A_245, %mul3A_246 : i32
      %add3A_248 = vector.broadcast %mul3A_247 : i32 to vector<16xi32>
      %add3A_249 = arith.addi %add3A_248, %add3A_68 : vector<16xi32>
      %gather3A_250 = tpu.vector_load_idx %arg4[%add3A_249] : memref<16384xf32, #tpu.memory_space<vmem>>[vector<16xi32>], vector<16xf32>,
      %gather3A_251 = tpu.vector_load_idx %arg5[%add3A_249] : memref<16384xf32, #tpu.memory_space<vmem>>[vector<16xi32>], vector<16xf32>,
      %add3A_252 = arith.addf %gather3A_250, %gather3A_251 : vector<16xf32>
      %jit3A_253 = arith.constant 0.000000e+00 : f32
      %jit3A_254 = arith.constant 1.000000e+00 : f32
      %max3A_255 = vector.broadcast %jit3A_253 : f32 to vector<16xf32>
      %max3A_256 = arith.maximumf %max3A_255, %add3A_252 : vector<16xf32>
      %min3A_257 = vector.broadcast %jit3A_254 : f32 to vector<16xf32>
      %min3A_258 = arith.minimumf %min3A_257, %max3A_256 : vector<16xf32>
      %mul3A_259 = arith.constant 16 : i32
      %mul3A_260 = arith.muli %add3A_245, %mul3A_259 : i32
      %swap3A_261 = arith.constant 5 : i32
      %swap3A_262 = arith.index_cast %swap3A_261 : i32 to index
      %swap3A_263 = arith.index_cast %mul3A_260 : i32 to index
      %swap3A_264 = tpu.vector_load %arg6[%swap3A_262, %swap3A_263] {strides = array<i32>} : memref<8x2048xf32, #tpu.memory_space<vmem>>, vector<16xf32>,
      tpu.vector_store %arg6[%swap3A_262, %swap3A_263], %min3A_258 {strides = array<i32>} : memref<8x2048xf32, #tpu.memory_space<vmem>>, vector<16xf32>,
      %scan3A_265 = arith.constant 7 : i32
      %scan3A_266 = arith.addi %scan3A_96, %scan3A_265 : i32
      %mul3A_267 = arith.constant 1 : i32
      %mul3A_268 = arith.muli %scan3A_266, %mul3A_267 : i32
      %add3A_269 = arith.constant 0 : i32
      %add3A_270 = arith.addi %add3A_269, %mul3A_268 : i32
      %mul3A_271 = arith.constant 128 : i32
      %mul3A_272 = arith.muli %add3A_270, %mul3A_271 : i32
      %add3A_273 = vector.broadcast %mul3A_272 : i32 to vector<16xi32>
      %add3A_274 = arith.addi %add3A_273, %add3A_68 : vector<16xi32>
      %gather3A_275 = tpu.vector_load_idx %arg4[%add3A_274] : memref<16384xf32, #tpu.memory_space<vmem>>[vector<16xi32>], vector<16xf32>,
      %gather3A_276 = tpu.vector_load_idx %arg5[%add3A_274] : memref<16384xf32, #tpu.memory_space<vmem>>[vector<16xi32>], vector<16xf32>,
      %add3A_277 = arith.addf %gather3A_275, %gather3A_276 : vector<16xf32>
      %jit3A_278 = arith.constant 0.000000e+00 : f32
      %jit3A_279 = arith.constant 1.000000e+00 : f32
      %max3A_280 = vector.broadcast %jit3A_278 : f32 to vector<16xf32>
      %max3A_281 = arith.maximumf %max3A_280, %add3A_277 : vector<16xf32>
      %min3A_282 = vector.broadcast %jit3A_279 : f32 to vector<16xf32>
      %min3A_283 = arith.minimumf %min3A_282, %max3A_281 : vector<16xf32>
      %mul3A_284 = arith.constant 16 : i32
      %mul3A_285 = arith.muli %add3A_270, %mul3A_284 : i32
      %swap3A_286 = arith.constant 5 : i32
      %swap3A_287 = arith.index_cast %swap3A_286 : i32 to index
      %swap3A_288 = arith.index_cast %mul3A_285 : i32 to index
      %swap3A_289 = tpu.vector_load %arg6[%swap3A_287, %swap3A_288] {strides = array<i32>} : memref<8x2048xf32, #tpu.memory_space<vmem>>, vector<16xf32>,
      tpu.vector_store %arg6[%swap3A_287, %swap3A_288], %min3A_283 {strides = array<i32>} : memref<8x2048xf32, #tpu.memory_space<vmem>>, vector<16xf32>,
    }
    %scan3A_73 = arith.constant 128 : i32
    %mul3A_74 = arith.constant 8 : i32
    %mul3A_75 = vector.broadcast %mul3A_74 : i32 to vector<16xi32>
    %mul3A_76 = arith.muli %iota3A, %mul3A_75 : vector<16xi32>
    %add3A_77 = arith.constant 6 : i32
    %add3A_78 = vector.broadcast %add3A_77 : i32 to vector<16xi32>
    %add3A_79 = arith.addi %mul3A_76, %add3A_78 : vector<16xi32>
    %scan3A_80 = arith.constant 0 : i32
    %scan3A_81 = arith.constant 128 : i32
    %scan3A_82 = arith.addi %scan3A_80, %scan3A_81 : i32
    %scan3A_83 = arith.constant 8 : i32
    scf.for %scan3A_96 = %scan3A_80 to %scan3A_82 step %scan3A_83  : i32 {
      %mul3A_97 = arith.constant 1 : i32
      %mul3A_98 = arith.muli %scan3A_96, %mul3A_97 : i32
      %add3A_99 = arith.constant 0 : i32
      %add3A_100 = arith.addi %add3A_99, %mul3A_98 : i32
      %mul3A_101 = arith.constant 128 : i32
      %mul3A_102 = arith.muli %add3A_100, %mul3A_101 : i32
      %add3A_103 = vector.broadcast %mul3A_102 : i32 to vector<16xi32>
      %add3A_104 = arith.addi %add3A_103, %add3A_79 : vector<16xi32>
      %gather3A = tpu.vector_load_idx %arg4[%add3A_104] : memref<16384xf32, #tpu.memory_space<vmem>>[vector<16xi32>], vector<16xf32>,
      %gather3A_105 = tpu.vector_load_idx %arg5[%add3A_104] : memref<16384xf32, #tpu.memory_space<vmem>>[vector<16xi32>], vector<16xf32>,
      %add3A_106 = arith.addf %gather3A, %gather3A_105 : vector<16xf32>
      %jit3A = arith.constant 0.000000e+00 : f32
      %jit3A_107 = arith.constant 1.000000e+00 : f32
      %max3A = vector.broadcast %jit3A : f32 to vector<16xf32>
      %max3A_108 = arith.maximumf %max3A, %add3A_106 : vector<16xf32>
      %min3A = vector.broadcast %jit3A_107 : f32 to vector<16xf32>
      %min3A_109 = arith.minimumf %min3A, %max3A_108 : vector<16xf32>
      %mul3A_110 = arith.constant 16 : i32
      %mul3A_111 = arith.muli %add3A_100, %mul3A_110 : i32
      %swap3A = arith.constant 6 : i32
      %swap3A_112 = arith.index_cast %swap3A : i32 to index
      %swap3A_113 = arith.index_cast %mul3A_111 : i32 to index
      %swap3A_114 = tpu.vector_load %arg6[%swap3A_112, %swap3A_113] {strides = array<i32>} : memref<8x2048xf32, #tpu.memory_space<vmem>>, vector<16xf32>,
      tpu.vector_store %arg6[%swap3A_112, %swap3A_113], %min3A_109 {strides = array<i32>} : memref<8x2048xf32, #tpu.memory_space<vmem>>, vector<16xf32>,
      %scan3A_115 = arith.constant 1 : i32
      %scan3A_116 = arith.addi %scan3A_96, %scan3A_115 : i32
      %mul3A_117 = arith.constant 1 : i32
      %mul3A_118 = arith.muli %scan3A_116, %mul3A_117 : i32
      %add3A_119 = arith.constant 0 : i32
      %add3A_120 = arith.addi %add3A_119, %mul3A_118 : i32
      %mul3A_121 = arith.constant 128 : i32
      %mul3A_122 = arith.muli %add3A_120, %mul3A_121 : i32
      %add3A_123 = vector.broadcast %mul3A_122 : i32 to vector<16xi32>
      %add3A_124 = arith.addi %add3A_123, %add3A_79 : vector<16xi32>
      %gather3A_125 = tpu.vector_load_idx %arg4[%add3A_124] : memref<16384xf32, #tpu.memory_space<vmem>>[vector<16xi32>], vector<16xf32>,
      %gather3A_126 = tpu.vector_load_idx %arg5[%add3A_124] : memref<16384xf32, #tpu.memory_space<vmem>>[vector<16xi32>], vector<16xf32>,
      %add3A_127 = arith.addf %gather3A_125, %gather3A_126 : vector<16xf32>
      %jit3A_128 = arith.constant 0.000000e+00 : f32
      %jit3A_129 = arith.constant 1.000000e+00 : f32
      %max3A_130 = vector.broadcast %jit3A_128 : f32 to vector<16xf32>
      %max3A_131 = arith.maximumf %max3A_130, %add3A_127 : vector<16xf32>
      %min3A_132 = vector.broadcast %jit3A_129 : f32 to vector<16xf32>
      %min3A_133 = arith.minimumf %min3A_132, %max3A_131 : vector<16xf32>
      %mul3A_134 = arith.constant 16 : i32
      %mul3A_135 = arith.muli %add3A_120, %mul3A_134 : i32
      %swap3A_136 = arith.constant 6 : i32
      %swap3A_137 = arith.index_cast %swap3A_136 : i32 to index
      %swap3A_138 = arith.index_cast %mul3A_135 : i32 to index
      %swap3A_139 = tpu.vector_load %arg6[%swap3A_137, %swap3A_138] {strides = array<i32>} : memref<8x2048xf32, #tpu.memory_space<vmem>>, vector<16xf32>,
      tpu.vector_store %arg6[%swap3A_137, %swap3A_138], %min3A_133 {strides = array<i32>} : memref<8x2048xf32, #tpu.memory_space<vmem>>, vector<16xf32>,
      %scan3A_140 = arith.constant 2 : i32
      %scan3A_141 = arith.addi %scan3A_96, %scan3A_140 : i32
      %mul3A_142 = arith.constant 1 : i32
      %mul3A_143 = arith.muli %scan3A_141, %mul3A_142 : i32
      %add3A_144 = arith.constant 0 : i32
      %add3A_145 = arith.addi %add3A_144, %mul3A_143 : i32
      %mul3A_146 = arith.constant 128 : i32
      %mul3A_147 = arith.muli %add3A_145, %mul3A_146 : i32
      %add3A_148 = vector.broadcast %mul3A_147 : i32 to vector<16xi32>
      %add3A_149 = arith.addi %add3A_148, %add3A_79 : vector<16xi32>
      %gather3A_150 = tpu.vector_load_idx %arg4[%add3A_149] : memref<16384xf32, #tpu.memory_space<vmem>>[vector<16xi32>], vector<16xf32>,
      %gather3A_151 = tpu.vector_load_idx %arg5[%add3A_149] : memref<16384xf32, #tpu.memory_space<vmem>>[vector<16xi32>], vector<16xf32>,
      %add3A_152 = arith.addf %gather3A_150, %gather3A_151 : vector<16xf32>
      %jit3A_153 = arith.constant 0.000000e+00 : f32
      %jit3A_154 = arith.constant 1.000000e+00 : f32
      %max3A_155 = vector.broadcast %jit3A_153 : f32 to vector<16xf32>
      %max3A_156 = arith.maximumf %max3A_155, %add3A_152 : vector<16xf32>
      %min3A_157 = vector.broadcast %jit3A_154 : f32 to vector<16xf32>
      %min3A_158 = arith.minimumf %min3A_157, %max3A_156 : vector<16xf32>
      %mul3A_159 = arith.constant 16 : i32
      %mul3A_160 = arith.muli %add3A_145, %mul3A_159 : i32
      %swap3A_161 = arith.constant 6 : i32
      %swap3A_162 = arith.index_cast %swap3A_161 : i32 to index
      %swap3A_163 = arith.index_cast %mul3A_160 : i32 to index
      %swap3A_164 = tpu.vector_load %arg6[%swap3A_162, %swap3A_163] {strides = array<i32>} : memref<8x2048xf32, #tpu.memory_space<vmem>>, vector<16xf32>,
      tpu.vector_store %arg6[%swap3A_162, %swap3A_163], %min3A_158 {strides = array<i32>} : memref<8x2048xf32, #tpu.memory_space<vmem>>, vector<16xf32>,
      %scan3A_165 = arith.constant 3 : i32
      %scan3A_166 = arith.addi %scan3A_96, %scan3A_165 : i32
      %mul3A_167 = arith.constant 1 : i32
      %mul3A_168 = arith.muli %scan3A_166, %mul3A_167 : i32
      %add3A_169 = arith.constant 0 : i32
      %add3A_170 = arith.addi %add3A_169, %mul3A_168 : i32
      %mul3A_171 = arith.constant 128 : i32
      %mul3A_172 = arith.muli %add3A_170, %mul3A_171 : i32
      %add3A_173 = vector.broadcast %mul3A_172 : i32 to vector<16xi32>
      %add3A_174 = arith.addi %add3A_173, %add3A_79 : vector<16xi32>
      %gather3A_175 = tpu.vector_load_idx %arg4[%add3A_174] : memref<16384xf32, #tpu.memory_space<vmem>>[vector<16xi32>], vector<16xf32>,
      %gather3A_176 = tpu.vector_load_idx %arg5[%add3A_174] : memref<16384xf32, #tpu.memory_space<vmem>>[vector<16xi32>], vector<16xf32>,
      %add3A_177 = arith.addf %gather3A_175, %gather3A_176 : vector<16xf32>
      %jit3A_178 = arith.constant 0.000000e+00 : f32
      %jit3A_179 = arith.constant 1.000000e+00 : f32
      %max3A_180 = vector.broadcast %jit3A_178 : f32 to vector<16xf32>
      %max3A_181 = arith.maximumf %max3A_180, %add3A_177 : vector<16xf32>
      %min3A_182 = vector.broadcast %jit3A_179 : f32 to vector<16xf32>
      %min3A_183 = arith.minimumf %min3A_182, %max3A_181 : vector<16xf32>
      %mul3A_184 = arith.constant 16 : i32
      %mul3A_185 = arith.muli %add3A_170, %mul3A_184 : i32
      %swap3A_186 = arith.constant 6 : i32
      %swap3A_187 = arith.index_cast %swap3A_186 : i32 to index
      %swap3A_188 = arith.index_cast %mul3A_185 : i32 to index
      %swap3A_189 = tpu.vector_load %arg6[%swap3A_187, %swap3A_188] {strides = array<i32>} : memref<8x2048xf32, #tpu.memory_space<vmem>>, vector<16xf32>,
      tpu.vector_store %arg6[%swap3A_187, %swap3A_188], %min3A_183 {strides = array<i32>} : memref<8x2048xf32, #tpu.memory_space<vmem>>, vector<16xf32>,
      %scan3A_190 = arith.constant 4 : i32
      %scan3A_191 = arith.addi %scan3A_96, %scan3A_190 : i32
      %mul3A_192 = arith.constant 1 : i32
      %mul3A_193 = arith.muli %scan3A_191, %mul3A_192 : i32
      %add3A_194 = arith.constant 0 : i32
      %add3A_195 = arith.addi %add3A_194, %mul3A_193 : i32
      %mul3A_196 = arith.constant 128 : i32
      %mul3A_197 = arith.muli %add3A_195, %mul3A_196 : i32
      %add3A_198 = vector.broadcast %mul3A_197 : i32 to vector<16xi32>
      %add3A_199 = arith.addi %add3A_198, %add3A_79 : vector<16xi32>
      %gather3A_200 = tpu.vector_load_idx %arg4[%add3A_199] : memref<16384xf32, #tpu.memory_space<vmem>>[vector<16xi32>], vector<16xf32>,
      %gather3A_201 = tpu.vector_load_idx %arg5[%add3A_199] : memref<16384xf32, #tpu.memory_space<vmem>>[vector<16xi32>], vector<16xf32>,
      %add3A_202 = arith.addf %gather3A_200, %gather3A_201 : vector<16xf32>
      %jit3A_203 = arith.constant 0.000000e+00 : f32
      %jit3A_204 = arith.constant 1.000000e+00 : f32
      %max3A_205 = vector.broadcast %jit3A_203 : f32 to vector<16xf32>
      %max3A_206 = arith.maximumf %max3A_205, %add3A_202 : vector<16xf32>
      %min3A_207 = vector.broadcast %jit3A_204 : f32 to vector<16xf32>
      %min3A_208 = arith.minimumf %min3A_207, %max3A_206 : vector<16xf32>
      %mul3A_209 = arith.constant 16 : i32
      %mul3A_210 = arith.muli %add3A_195, %mul3A_209 : i32
      %swap3A_211 = arith.constant 6 : i32
      %swap3A_212 = arith.index_cast %swap3A_211 : i32 to index
      %swap3A_213 = arith.index_cast %mul3A_210 : i32 to index
      %swap3A_214 = tpu.vector_load %arg6[%swap3A_212, %swap3A_213] {strides = array<i32>} : memref<8x2048xf32, #tpu.memory_space<vmem>>, vector<16xf32>,
      tpu.vector_store %arg6[%swap3A_212, %swap3A_213], %min3A_208 {strides = array<i32>} : memref<8x2048xf32, #tpu.memory_space<vmem>>, vector<16xf32>,
      %scan3A_215 = arith.constant 5 : i32
      %scan3A_216 = arith.addi %scan3A_96, %scan3A_215 : i32
      %mul3A_217 = arith.constant 1 : i32
      %mul3A_218 = arith.muli %scan3A_216, %mul3A_217 : i32
      %add3A_219 = arith.constant 0 : i32
      %add3A_220 = arith.addi %add3A_219, %mul3A_218 : i32
      %mul3A_221 = arith.constant 128 : i32
      %mul3A_222 = arith.muli %add3A_220, %mul3A_221 : i32
      %add3A_223 = vector.broadcast %mul3A_222 : i32 to vector<16xi32>
      %add3A_224 = arith.addi %add3A_223, %add3A_79 : vector<16xi32>
      %gather3A_225 = tpu.vector_load_idx %arg4[%add3A_224] : memref<16384xf32, #tpu.memory_space<vmem>>[vector<16xi32>], vector<16xf32>,
      %gather3A_226 = tpu.vector_load_idx %arg5[%add3A_224] : memref<16384xf32, #tpu.memory_space<vmem>>[vector<16xi32>], vector<16xf32>,
      %add3A_227 = arith.addf %gather3A_225, %gather3A_226 : vector<16xf32>
      %jit3A_228 = arith.constant 0.000000e+00 : f32
      %jit3A_229 = arith.constant 1.000000e+00 : f32
      %max3A_230 = vector.broadcast %jit3A_228 : f32 to vector<16xf32>
      %max3A_231 = arith.maximumf %max3A_230, %add3A_227 : vector<16xf32>
      %min3A_232 = vector.broadcast %jit3A_229 : f32 to vector<16xf32>
      %min3A_233 = arith.minimumf %min3A_232, %max3A_231 : vector<16xf32>
      %mul3A_234 = arith.constant 16 : i32
      %mul3A_235 = arith.muli %add3A_220, %mul3A_234 : i32
      %swap3A_236 = arith.constant 6 : i32
      %swap3A_237 = arith.index_cast %swap3A_236 : i32 to index
      %swap3A_238 = arith.index_cast %mul3A_235 : i32 to index
      %swap3A_239 = tpu.vector_load %arg6[%swap3A_237, %swap3A_238] {strides = array<i32>} : memref<8x2048xf32, #tpu.memory_space<vmem>>, vector<16xf32>,
      tpu.vector_store %arg6[%swap3A_237, %swap3A_238], %min3A_233 {strides = array<i32>} : memref<8x2048xf32, #tpu.memory_space<vmem>>, vector<16xf32>,
      %scan3A_240 = arith.constant 6 : i32
      %scan3A_241 = arith.addi %scan3A_96, %scan3A_240 : i32
      %mul3A_242 = arith.constant 1 : i32
      %mul3A_243 = arith.muli %scan3A_241, %mul3A_242 : i32
      %add3A_244 = arith.constant 0 : i32
      %add3A_245 = arith.addi %add3A_244, %mul3A_243 : i32
      %mul3A_246 = arith.constant 128 : i32
      %mul3A_247 = arith.muli %add3A_245, %mul3A_246 : i32
      %add3A_248 = vector.broadcast %mul3A_247 : i32 to vector<16xi32>
      %add3A_249 = arith.addi %add3A_248, %add3A_79 : vector<16xi32>
      %gather3A_250 = tpu.vector_load_idx %arg4[%add3A_249] : memref<16384xf32, #tpu.memory_space<vmem>>[vector<16xi32>], vector<16xf32>,
      %gather3A_251 = tpu.vector_load_idx %arg5[%add3A_249] : memref<16384xf32, #tpu.memory_space<vmem>>[vector<16xi32>], vector<16xf32>,
      %add3A_252 = arith.addf %gather3A_250, %gather3A_251 : vector<16xf32>
      %jit3A_253 = arith.constant 0.000000e+00 : f32
      %jit3A_254 = arith.constant 1.000000e+00 : f32
      %max3A_255 = vector.broadcast %jit3A_253 : f32 to vector<16xf32>
      %max3A_256 = arith.maximumf %max3A_255, %add3A_252 : vector<16xf32>
      %min3A_257 = vector.broadcast %jit3A_254 : f32 to vector<16xf32>
      %min3A_258 = arith.minimumf %min3A_257, %max3A_256 : vector<16xf32>
      %mul3A_259 = arith.constant 16 : i32
      %mul3A_260 = arith.muli %add3A_245, %mul3A_259 : i32
      %swap3A_261 = arith.constant 6 : i32
      %swap3A_262 = arith.index_cast %swap3A_261 : i32 to index
      %swap3A_263 = arith.index_cast %mul3A_260 : i32 to index
      %swap3A_264 = tpu.vector_load %arg6[%swap3A_262, %swap3A_263] {strides = array<i32>} : memref<8x2048xf32, #tpu.memory_space<vmem>>, vector<16xf32>,
      tpu.vector_store %arg6[%swap3A_262, %swap3A_263], %min3A_258 {strides = array<i32>} : memref<8x2048xf32, #tpu.memory_space<vmem>>, vector<16xf32>,
      %scan3A_265 = arith.constant 7 : i32
      %scan3A_266 = arith.addi %scan3A_96, %scan3A_265 : i32
      %mul3A_267 = arith.constant 1 : i32
      %mul3A_268 = arith.muli %scan3A_266, %mul3A_267 : i32
      %add3A_269 = arith.constant 0 : i32
      %add3A_270 = arith.addi %add3A_269, %mul3A_268 : i32
      %mul3A_271 = arith.constant 128 : i32
      %mul3A_272 = arith.muli %add3A_270, %mul3A_271 : i32
      %add3A_273 = vector.broadcast %mul3A_272 : i32 to vector<16xi32>
      %add3A_274 = arith.addi %add3A_273, %add3A_79 : vector<16xi32>
      %gather3A_275 = tpu.vector_load_idx %arg4[%add3A_274] : memref<16384xf32, #tpu.memory_space<vmem>>[vector<16xi32>], vector<16xf32>,
      %gather3A_276 = tpu.vector_load_idx %arg5[%add3A_274] : memref<16384xf32, #tpu.memory_space<vmem>>[vector<16xi32>], vector<16xf32>,
      %add3A_277 = arith.addf %gather3A_275, %gather3A_276 : vector<16xf32>
      %jit3A_278 = arith.constant 0.000000e+00 : f32
      %jit3A_279 = arith.constant 1.000000e+00 : f32
      %max3A_280 = vector.broadcast %jit3A_278 : f32 to vector<16xf32>
      %max3A_281 = arith.maximumf %max3A_280, %add3A_277 : vector<16xf32>
      %min3A_282 = vector.broadcast %jit3A_279 : f32 to vector<16xf32>
      %min3A_283 = arith.minimumf %min3A_282, %max3A_281 : vector<16xf32>
      %mul3A_284 = arith.constant 16 : i32
      %mul3A_285 = arith.muli %add3A_270, %mul3A_284 : i32
      %swap3A_286 = arith.constant 6 : i32
      %swap3A_287 = arith.index_cast %swap3A_286 : i32 to index
      %swap3A_288 = arith.index_cast %mul3A_285 : i32 to index
      %swap3A_289 = tpu.vector_load %arg6[%swap3A_287, %swap3A_288] {strides = array<i32>} : memref<8x2048xf32, #tpu.memory_space<vmem>>, vector<16xf32>,
      tpu.vector_store %arg6[%swap3A_287, %swap3A_288], %min3A_283 {strides = array<i32>} : memref<8x2048xf32, #tpu.memory_space<vmem>>, vector<16xf32>,
    }
    %scan3A_84 = arith.constant 128 : i32
    %mul3A_85 = arith.constant 8 : i32
    %mul3A_86 = vector.broadcast %mul3A_85 : i32 to vector<16xi32>
    %mul3A_87 = arith.muli %iota3A, %mul3A_86 : vector<16xi32>
    %add3A_88 = arith.constant 7 : i32
    %add3A_89 = vector.broadcast %add3A_88 : i32 to vector<16xi32>
    %add3A_90 = arith.addi %mul3A_87, %add3A_89 : vector<16xi32>
    %scan3A_91 = arith.constant 0 : i32
    %scan3A_92 = arith.constant 128 : i32
    %scan3A_93 = arith.addi %scan3A_91, %scan3A_92 : i32
    %scan3A_94 = arith.constant 8 : i32
    scf.for %scan3A_96 = %scan3A_91 to %scan3A_93 step %scan3A_94  : i32 {
      %mul3A_97 = arith.constant 1 : i32
      %mul3A_98 = arith.muli %scan3A_96, %mul3A_97 : i32
      %add3A_99 = arith.constant 0 : i32
      %add3A_100 = arith.addi %add3A_99, %mul3A_98 : i32
      %mul3A_101 = arith.constant 128 : i32
      %mul3A_102 = arith.muli %add3A_100, %mul3A_101 : i32
      %add3A_103 = vector.broadcast %mul3A_102 : i32 to vector<16xi32>
      %add3A_104 = arith.addi %add3A_103, %add3A_90 : vector<16xi32>
      %gather3A = tpu.vector_load_idx %arg4[%add3A_104] : memref<16384xf32, #tpu.memory_space<vmem>>[vector<16xi32>], vector<16xf32>,
      %gather3A_105 = tpu.vector_load_idx %arg5[%add3A_104] : memref<16384xf32, #tpu.memory_space<vmem>>[vector<16xi32>], vector<16xf32>,
      %add3A_106 = arith.addf %gather3A, %gather3A_105 : vector<16xf32>
      %jit3A = arith.constant 0.000000e+00 : f32
      %jit3A_107 = arith.constant 1.000000e+00 : f32
      %max3A = vector.broadcast %jit3A : f32 to vector<16xf32>
      %max3A_108 = arith.maximumf %max3A, %add3A_106 : vector<16xf32>
      %min3A = vector.broadcast %jit3A_107 : f32 to vector<16xf32>
      %min3A_109 = arith.minimumf %min3A, %max3A_108 : vector<16xf32>
      %mul3A_110 = arith.constant 16 : i32
      %mul3A_111 = arith.muli %add3A_100, %mul3A_110 : i32
      %swap3A = arith.constant 7 : i32
      %swap3A_112 = arith.index_cast %swap3A : i32 to index
      %swap3A_113 = arith.index_cast %mul3A_111 : i32 to index
      %swap3A_114 = tpu.vector_load %arg6[%swap3A_112, %swap3A_113] {strides = array<i32>} : memref<8x2048xf32, #tpu.memory_space<vmem>>, vector<16xf32>,
      tpu.vector_store %arg6[%swap3A_112, %swap3A_113], %min3A_109 {strides = array<i32>} : memref<8x2048xf32, #tpu.memory_space<vmem>>, vector<16xf32>,
      %scan3A_115 = arith.constant 1 : i32
      %scan3A_116 = arith.addi %scan3A_96, %scan3A_115 : i32
      %mul3A_117 = arith.constant 1 : i32
      %mul3A_118 = arith.muli %scan3A_116, %mul3A_117 : i32
      %add3A_119 = arith.constant 0 : i32
      %add3A_120 = arith.addi %add3A_119, %mul3A_118 : i32
      %mul3A_121 = arith.constant 128 : i32
      %mul3A_122 = arith.muli %add3A_120, %mul3A_121 : i32
      %add3A_123 = vector.broadcast %mul3A_122 : i32 to vector<16xi32>
      %add3A_124 = arith.addi %add3A_123, %add3A_90 : vector<16xi32>
      %gather3A_125 = tpu.vector_load_idx %arg4[%add3A_124] : memref<16384xf32, #tpu.memory_space<vmem>>[vector<16xi32>], vector<16xf32>,
      %gather3A_126 = tpu.vector_load_idx %arg5[%add3A_124] : memref<16384xf32, #tpu.memory_space<vmem>>[vector<16xi32>], vector<16xf32>,
      %add3A_127 = arith.addf %gather3A_125, %gather3A_126 : vector<16xf32>
      %jit3A_128 = arith.constant 0.000000e+00 : f32
      %jit3A_129 = arith.constant 1.000000e+00 : f32
      %max3A_130 = vector.broadcast %jit3A_128 : f32 to vector<16xf32>
      %max3A_131 = arith.maximumf %max3A_130, %add3A_127 : vector<16xf32>
      %min3A_132 = vector.broadcast %jit3A_129 : f32 to vector<16xf32>
      %min3A_133 = arith.minimumf %min3A_132, %max3A_131 : vector<16xf32>
      %mul3A_134 = arith.constant 16 : i32
      %mul3A_135 = arith.muli %add3A_120, %mul3A_134 : i32
      %swap3A_136 = arith.constant 7 : i32
      %swap3A_137 = arith.index_cast %swap3A_136 : i32 to index
      %swap3A_138 = arith.index_cast %mul3A_135 : i32 to index
      %swap3A_139 = tpu.vector_load %arg6[%swap3A_137, %swap3A_138] {strides = array<i32>} : memref<8x2048xf32, #tpu.memory_space<vmem>>, vector<16xf32>,
      tpu.vector_store %arg6[%swap3A_137, %swap3A_138], %min3A_133 {strides = array<i32>} : memref<8x2048xf32, #tpu.memory_space<vmem>>, vector<16xf32>,
      %scan3A_140 = arith.constant 2 : i32
      %scan3A_141 = arith.addi %scan3A_96, %scan3A_140 : i32
      %mul3A_142 = arith.constant 1 : i32
      %mul3A_143 = arith.muli %scan3A_141, %mul3A_142 : i32
      %add3A_144 = arith.constant 0 : i32
      %add3A_145 = arith.addi %add3A_144, %mul3A_143 : i32
      %mul3A_146 = arith.constant 128 : i32
      %mul3A_147 = arith.muli %add3A_145, %mul3A_146 : i32
      %add3A_148 = vector.broadcast %mul3A_147 : i32 to vector<16xi32>
      %add3A_149 = arith.addi %add3A_148, %add3A_90 : vector<16xi32>
      %gather3A_150 = tpu.vector_load_idx %arg4[%add3A_149] : memref<16384xf32, #tpu.memory_space<vmem>>[vector<16xi32>], vector<16xf32>,
      %gather3A_151 = tpu.vector_load_idx %arg5[%add3A_149] : memref<16384xf32, #tpu.memory_space<vmem>>[vector<16xi32>], vector<16xf32>,
      %add3A_152 = arith.addf %gather3A_150, %gather3A_151 : vector<16xf32>
      %jit3A_153 = arith.constant 0.000000e+00 : f32
      %jit3A_154 = arith.constant 1.000000e+00 : f32
      %max3A_155 = vector.broadcast %jit3A_153 : f32 to vector<16xf32>
      %max3A_156 = arith.maximumf %max3A_155, %add3A_152 : vector<16xf32>
      %min3A_157 = vector.broadcast %jit3A_154 : f32 to vector<16xf32>
      %min3A_158 = arith.minimumf %min3A_157, %max3A_156 : vector<16xf32>
      %mul3A_159 = arith.constant 16 : i32
      %mul3A_160 = arith.muli %add3A_145, %mul3A_159 : i32
      %swap3A_161 = arith.constant 7 : i32
      %swap3A_162 = arith.index_cast %swap3A_161 : i32 to index
      %swap3A_163 = arith.index_cast %mul3A_160 : i32 to index
      %swap3A_164 = tpu.vector_load %arg6[%swap3A_162, %swap3A_163] {strides = array<i32>} : memref<8x2048xf32, #tpu.memory_space<vmem>>, vector<16xf32>,
      tpu.vector_store %arg6[%swap3A_162, %swap3A_163], %min3A_158 {strides = array<i32>} : memref<8x2048xf32, #tpu.memory_space<vmem>>, vector<16xf32>,
      %scan3A_165 = arith.constant 3 : i32
      %scan3A_166 = arith.addi %scan3A_96, %scan3A_165 : i32
      %mul3A_167 = arith.constant 1 : i32
      %mul3A_168 = arith.muli %scan3A_166, %mul3A_167 : i32
      %add3A_169 = arith.constant 0 : i32
      %add3A_170 = arith.addi %add3A_169, %mul3A_168 : i32
      %mul3A_171 = arith.constant 128 : i32
      %mul3A_172 = arith.muli %add3A_170, %mul3A_171 : i32
      %add3A_173 = vector.broadcast %mul3A_172 : i32 to vector<16xi32>
      %add3A_174 = arith.addi %add3A_173, %add3A_90 : vector<16xi32>
      %gather3A_175 = tpu.vector_load_idx %arg4[%add3A_174] : memref<16384xf32, #tpu.memory_space<vmem>>[vector<16xi32>], vector<16xf32>,
      %gather3A_176 = tpu.vector_load_idx %arg5[%add3A_174] : memref<16384xf32, #tpu.memory_space<vmem>>[vector<16xi32>], vector<16xf32>,
      %add3A_177 = arith.addf %gather3A_175, %gather3A_176 : vector<16xf32>
      %jit3A_178 = arith.constant 0.000000e+00 : f32
      %jit3A_179 = arith.constant 1.000000e+00 : f32
      %max3A_180 = vector.broadcast %jit3A_178 : f32 to vector<16xf32>
      %max3A_181 = arith.maximumf %max3A_180, %add3A_177 : vector<16xf32>
      %min3A_182 = vector.broadcast %jit3A_179 : f32 to vector<16xf32>
      %min3A_183 = arith.minimumf %min3A_182, %max3A_181 : vector<16xf32>
      %mul3A_184 = arith.constant 16 : i32
      %mul3A_185 = arith.muli %add3A_170, %mul3A_184 : i32
      %swap3A_186 = arith.constant 7 : i32
      %swap3A_187 = arith.index_cast %swap3A_186 : i32 to index
      %swap3A_188 = arith.index_cast %mul3A_185 : i32 to index
      %swap3A_189 = tpu.vector_load %arg6[%swap3A_187, %swap3A_188] {strides = array<i32>} : memref<8x2048xf32, #tpu.memory_space<vmem>>, vector<16xf32>,
      tpu.vector_store %arg6[%swap3A_187, %swap3A_188], %min3A_183 {strides = array<i32>} : memref<8x2048xf32, #tpu.memory_space<vmem>>, vector<16xf32>,
      %scan3A_190 = arith.constant 4 : i32
      %scan3A_191 = arith.addi %scan3A_96, %scan3A_190 : i32
      %mul3A_192 = arith.constant 1 : i32
      %mul3A_193 = arith.muli %scan3A_191, %mul3A_192 : i32
      %add3A_194 = arith.constant 0 : i32
      %add3A_195 = arith.addi %add3A_194, %mul3A_193 : i32
      %mul3A_196 = arith.constant 128 : i32
      %mul3A_197 = arith.muli %add3A_195, %mul3A_196 : i32
      %add3A_198 = vector.broadcast %mul3A_197 : i32 to vector<16xi32>
      %add3A_199 = arith.addi %add3A_198, %add3A_90 : vector<16xi32>
      %gather3A_200 = tpu.vector_load_idx %arg4[%add3A_199] : memref<16384xf32, #tpu.memory_space<vmem>>[vector<16xi32>], vector<16xf32>,
      %gather3A_201 = tpu.vector_load_idx %arg5[%add3A_199] : memref<16384xf32, #tpu.memory_space<vmem>>[vector<16xi32>], vector<16xf32>,
      %add3A_202 = arith.addf %gather3A_200, %gather3A_201 : vector<16xf32>
      %jit3A_203 = arith.constant 0.000000e+00 : f32
      %jit3A_204 = arith.constant 1.000000e+00 : f32
      %max3A_205 = vector.broadcast %jit3A_203 : f32 to vector<16xf32>
      %max3A_206 = arith.maximumf %max3A_205, %add3A_202 : vector<16xf32>
      %min3A_207 = vector.broadcast %jit3A_204 : f32 to vector<16xf32>
      %min3A_208 = arith.minimumf %min3A_207, %max3A_206 : vector<16xf32>
      %mul3A_209 = arith.constant 16 : i32
      %mul3A_210 = arith.muli %add3A_195, %mul3A_209 : i32
      %swap3A_211 = arith.constant 7 : i32
      %swap3A_212 = arith.index_cast %swap3A_211 : i32 to index
      %swap3A_213 = arith.index_cast %mul3A_210 : i32 to index
      %swap3A_214 = tpu.vector_load %arg6[%swap3A_212, %swap3A_213] {strides = array<i32>} : memref<8x2048xf32, #tpu.memory_space<vmem>>, vector<16xf32>,
      tpu.vector_store %arg6[%swap3A_212, %swap3A_213], %min3A_208 {strides = array<i32>} : memref<8x2048xf32, #tpu.memory_space<vmem>>, vector<16xf32>,
      %scan3A_215 = arith.constant 5 : i32
      %scan3A_216 = arith.addi %scan3A_96, %scan3A_215 : i32
      %mul3A_217 = arith.constant 1 : i32
      %mul3A_218 = arith.muli %scan3A_216, %mul3A_217 : i32
      %add3A_219 = arith.constant 0 : i32
      %add3A_220 = arith.addi %add3A_219, %mul3A_218 : i32
      %mul3A_221 = arith.constant 128 : i32
      %mul3A_222 = arith.muli %add3A_220, %mul3A_221 : i32
      %add3A_223 = vector.broadcast %mul3A_222 : i32 to vector<16xi32>
      %add3A_224 = arith.addi %add3A_223, %add3A_90 : vector<16xi32>
      %gather3A_225 = tpu.vector_load_idx %arg4[%add3A_224] : memref<16384xf32, #tpu.memory_space<vmem>>[vector<16xi32>], vector<16xf32>,
      %gather3A_226 = tpu.vector_load_idx %arg5[%add3A_224] : memref<16384xf32, #tpu.memory_space<vmem>>[vector<16xi32>], vector<16xf32>,
      %add3A_227 = arith.addf %gather3A_225, %gather3A_226 : vector<16xf32>
      %jit3A_228 = arith.constant 0.000000e+00 : f32
      %jit3A_229 = arith.constant 1.000000e+00 : f32
      %max3A_230 = vector.broadcast %jit3A_228 : f32 to vector<16xf32>
      %max3A_231 = arith.maximumf %max3A_230, %add3A_227 : vector<16xf32>
      %min3A_232 = vector.broadcast %jit3A_229 : f32 to vector<16xf32>
      %min3A_233 = arith.minimumf %min3A_232, %max3A_231 : vector<16xf32>
      %mul3A_234 = arith.constant 16 : i32
      %mul3A_235 = arith.muli %add3A_220, %mul3A_234 : i32
      %swap3A_236 = arith.constant 7 : i32
      %swap3A_237 = arith.index_cast %swap3A_236 : i32 to index
      %swap3A_238 = arith.index_cast %mul3A_235 : i32 to index
      %swap3A_239 = tpu.vector_load %arg6[%swap3A_237, %swap3A_238] {strides = array<i32>} : memref<8x2048xf32, #tpu.memory_space<vmem>>, vector<16xf32>,
      tpu.vector_store %arg6[%swap3A_237, %swap3A_238], %min3A_233 {strides = array<i32>} : memref<8x2048xf32, #tpu.memory_space<vmem>>, vector<16xf32>,
      %scan3A_240 = arith.constant 6 : i32
      %scan3A_241 = arith.addi %scan3A_96, %scan3A_240 : i32
      %mul3A_242 = arith.constant 1 : i32
      %mul3A_243 = arith.muli %scan3A_241, %mul3A_242 : i32
      %add3A_244 = arith.constant 0 : i32
      %add3A_245 = arith.addi %add3A_244, %mul3A_243 : i32
      %mul3A_246 = arith.constant 128 : i32
      %mul3A_247 = arith.muli %add3A_245, %mul3A_246 : i32
      %add3A_248 = vector.broadcast %mul3A_247 : i32 to vector<16xi32>
      %add3A_249 = arith.addi %add3A_248, %add3A_90 : vector<16xi32>
      %gather3A_250 = tpu.vector_load_idx %arg4[%add3A_249] : memref<16384xf32, #tpu.memory_space<vmem>>[vector<16xi32>], vector<16xf32>,
      %gather3A_251 = tpu.vector_load_idx %arg5[%add3A_249] : memref<16384xf32, #tpu.memory_space<vmem>>[vector<16xi32>], vector<16xf32>,
      %add3A_252 = arith.addf %gather3A_250, %gather3A_251 : vector<16xf32>
      %jit3A_253 = arith.constant 0.000000e+00 : f32
      %jit3A_254 = arith.constant 1.000000e+00 : f32
      %max3A_255 = vector.broadcast %jit3A_253 : f32 to vector<16xf32>
      %max3A_256 = arith.maximumf %max3A_255, %add3A_252 : vector<16xf32>
      %min3A_257 = vector.broadcast %jit3A_254 : f32 to vector<16xf32>
      %min3A_258 = arith.minimumf %min3A_257, %max3A_256 : vector<16xf32>
      %mul3A_259 = arith.constant 16 : i32
      %mul3A_260 = arith.muli %add3A_245, %mul3A_259 : i32
      %swap3A_261 = arith.constant 7 : i32
      %swap3A_262 = arith.index_cast %swap3A_261 : i32 to index
      %swap3A_263 = arith.index_cast %mul3A_260 : i32 to index
      %swap3A_264 = tpu.vector_load %arg6[%swap3A_262, %swap3A_263] {strides = array<i32>} : memref<8x2048xf32, #tpu.memory_space<vmem>>, vector<16xf32>,
      tpu.vector_store %arg6[%swap3A_262, %swap3A_263], %min3A_258 {strides = array<i32>} : memref<8x2048xf32, #tpu.memory_space<vmem>>, vector<16xf32>,
      %scan3A_265 = arith.constant 7 : i32
      %scan3A_266 = arith.addi %scan3A_96, %scan3A_265 : i32
      %mul3A_267 = arith.constant 1 : i32
      %mul3A_268 = arith.muli %scan3A_266, %mul3A_267 : i32
      %add3A_269 = arith.constant 0 : i32
      %add3A_270 = arith.addi %add3A_269, %mul3A_268 : i32
      %mul3A_271 = arith.constant 128 : i32
      %mul3A_272 = arith.muli %add3A_270, %mul3A_271 : i32
      %add3A_273 = vector.broadcast %mul3A_272 : i32 to vector<16xi32>
      %add3A_274 = arith.addi %add3A_273, %add3A_90 : vector<16xi32>
      %gather3A_275 = tpu.vector_load_idx %arg4[%add3A_274] : memref<16384xf32, #tpu.memory_space<vmem>>[vector<16xi32>], vector<16xf32>,
      %gather3A_276 = tpu.vector_load_idx %arg5[%add3A_274] : memref<16384xf32, #tpu.memory_space<vmem>>[vector<16xi32>], vector<16xf32>,
      %add3A_277 = arith.addf %gather3A_275, %gather3A_276 : vector<16xf32>
      %jit3A_278 = arith.constant 0.000000e+00 : f32
      %jit3A_279 = arith.constant 1.000000e+00 : f32
      %max3A_280 = vector.broadcast %jit3A_278 : f32 to vector<16xf32>
      %max3A_281 = arith.maximumf %max3A_280, %add3A_277 : vector<16xf32>
      %min3A_282 = vector.broadcast %jit3A_279 : f32 to vector<16xf32>
      %min3A_283 = arith.minimumf %min3A_282, %max3A_281 : vector<16xf32>
      %mul3A_284 = arith.constant 16 : i32
      %mul3A_285 = arith.muli %add3A_270, %mul3A_284 : i32
      %swap3A_286 = arith.constant 7 : i32
      %swap3A_287 = arith.index_cast %swap3A_286 : i32 to index
      %swap3A_288 = arith.index_cast %mul3A_285 : i32 to index
      %swap3A_289 = tpu.vector_load %arg6[%swap3A_287, %swap3A_288] {strides = array<i32>} : memref<8x2048xf32, #tpu.memory_space<vmem>>, vector<16xf32>,
      tpu.vector_store %arg6[%swap3A_287, %swap3A_288], %min3A_283 {strides = array<i32>} : memref<8x2048xf32, #tpu.memory_space<vmem>>, vector<16xf32>,
    }
    %scan3A_95 = arith.constant 128 : i32
    "tpu.region"() ({
      %run_scoped3A = tpu.sem_alloc : memref<!tpu.dma_semaphore, #tpu.memory_space<semaphore_mem>>
      %dma_start3A = arith.constant 0 : i32
      %dma_start3A_96 = tpu.memref_slice %arg3[%dma_start3A, %mul3A_2] : memref<8x65536xf32, #tpu.memory_space<hbm>> -> memref<8x2048xf32, #tpu.memory_space<hbm>>
      %dma_start3A_97 = arith.constant 0 : i32
      %dma_start3A_98 = tpu.memref_slice %arg3[%dma_start3A_97, %mul3A_2] : memref<8x65536xf32, #tpu.memory_space<hbm>> -> memref<8x2048xf32, #tpu.memory_space<hbm>>
      tpu.enqueue_dma source(%arg6 : memref<8x2048xf32, #tpu.memory_space<vmem>>) target(%dma_start3A_98 : memref<8x2048xf32, #tpu.memory_space<hbm>>) target_semaphore(%run_scoped3A : memref<!tpu.dma_semaphore, #tpu.memory_space<semaphore_mem>>)
      %dma_wait3A = arith.constant 0 : i32
      %dma_wait3A_99 = tpu.memref_slice %arg3[%dma_wait3A, %mul3A_2] : memref<8x65536xf32, #tpu.memory_space<hbm>> -> memref<8x2048xf32, #tpu.memory_space<hbm>>
      %dma_wait3A_100 = arith.constant 0 : i32
      %dma_wait3A_101 = tpu.memref_slice %arg3[%dma_wait3A_100, %mul3A_2] : memref<8x65536xf32, #tpu.memory_space<hbm>> -> memref<8x2048xf32, #tpu.memory_space<hbm>>
      tpu.wait_dma2 semaphore(%run_scoped3A : memref<!tpu.dma_semaphore, #tpu.memory_space<semaphore_mem>>) src(%arg6 : memref<8x2048xf32, #tpu.memory_space<vmem>>) dst(%dma_wait3A_101 : memref<8x2048xf32, #tpu.memory_space<hbm>>)
      tpu.yield
    }) : () -> ()
    return
  }
}

#map = affine_map<(d0, d1) -> (0, 0)>
#map1 = affine_map<(d0, d1) -> (0)>
module attributes {stable_mosaic.version = 14 : i64} {
  func.func @spmm_kernel(%arg0: i32, %arg1: i32, %arg2: memref<8x128520xf32, #tpu.memory_space<hbm>>, %arg3: memref<2000000xi32, #tpu.memory_space<hbm>>, %arg4: memref<2000000xi32, #tpu.memory_space<hbm>>, %arg5: memref<2000000xf32, #tpu.memory_space<hbm>>, %arg6: memref<4096x8xf32, #tpu.memory_space<hbm>>, %arg7: memref<131072x8xf32, #tpu.memory_space<hbm>>, %arg8: memref<131072x8xf32, #tpu.memory_space<hbm>>, %arg9: memref<65536x8xf32, #tpu.memory_space<vmem_shared>>, %arg10: memref<2x2000xi32, #tpu.memory_space<vmem>>, %arg11: memref<4x2000xi32, #tpu.memory_space<vmem>>, %arg12: memref<2x2000xf32, #tpu.memory_space<vmem>>, %arg13: memref<2x2000x8xf32, #tpu.memory_space<vmem>>, %arg14: memref<2x2000x8xf32, #tpu.memory_space<vmem>>, %arg15: memref<8x512xf32, #tpu.memory_space<vmem>>, %arg16: memref<512x8xf32, #tpu.memory_space<vmem>>, %arg17: memref<!tpu.dma_semaphore, #tpu.memory_space<semaphore_mem>>, %arg18: memref<!tpu.dma_semaphore, #tpu.memory_space<semaphore_mem>>, %arg19: memref<!tpu.dma_semaphore, #tpu.memory_space<semaphore_mem>>, %arg20: memref<!tpu.dma_semaphore, #tpu.memory_space<semaphore_mem>>, %arg21: memref<!tpu.dma_semaphore, #tpu.memory_space<semaphore_mem>>, %arg22: memref<!tpu.dma_semaphore, #tpu.memory_space<semaphore_mem>>) attributes {dimension_semantics = [#tpu.dimension_semantics<core_parallel>, #tpu.dimension_semantics<subcore_parallel>], iteration_bounds = array<i64: 2, 16>, scalar_prefetch = 0 : i64, scratch_operands = 14 : i64, tpu.core_type = #tpu.core_type<sc_vector_subcore>, window_params = [{transform_indices = #map}, {transform_indices = #map1}, {transform_indices = #map1}, {transform_indices = #map1}, {transform_indices = #map}, {transform_indices = #map}, {transform_indices = #map}]} {
    %mul3A = arith.constant 16 : i32
    %mul3A_0 = arith.muli %arg0, %mul3A : i32
    %add3A = arith.addi %mul3A_0, %arg1 : i32
    %iota3A = tpu.iota {dimensions = array<i32: 0>} : vector<16xi32>
    %jit3A = arith.constant 8 : i32
    %div3A = vector.broadcast %jit3A : i32 to vector<16xi32>
    %div3A_1 = arith.divsi %iota3A, %div3A : vector<16xi32>
    %sign3A = arith.constant 0 : i32
    %sign3A_2 = vector.broadcast %sign3A : i32 to vector<16xi32>
    %sign3A_3 = arith.cmpi sgt, %iota3A, %sign3A_2 : vector<16xi32>
    %sign3A_4 = arith.extui %sign3A_3 : vector<16xi1> to vector<16xi32>
    %sign3A_5 = arith.constant 0 : i32
    %sign3A_6 = vector.broadcast %sign3A_5 : i32 to vector<16xi32>
    %sign3A_7 = arith.cmpi slt, %iota3A, %sign3A_6 : vector<16xi32>
    %sign3A_8 = arith.extui %sign3A_7 : vector<16xi1> to vector<16xi32>
    %sign3A_9 = arith.subi %sign3A_4, %sign3A_8 : vector<16xi32>
    %sign3A_10 = arith.constant 0 : i32
    %sign3A_11 = arith.cmpi sgt, %jit3A, %sign3A_10 : i32
    %sign3A_12 = arith.extui %sign3A_11 : i1 to i32
    %sign3A_13 = arith.constant 0 : i32
    %sign3A_14 = arith.cmpi slt, %jit3A, %sign3A_13 : i32
    %sign3A_15 = arith.extui %sign3A_14 : i1 to i32
    %sign3A_16 = arith.subi %sign3A_12, %sign3A_15 : i32
    %ne3A = vector.broadcast %sign3A_16 : i32 to vector<16xi32>
    %ne3A_17 = arith.cmpi ne, %sign3A_9, %ne3A : vector<16xi32>
    %rem3A = vector.broadcast %jit3A : i32 to vector<16xi32>
    %rem3A_18 = arith.remsi %iota3A, %rem3A : vector<16xi32>
    %ne3A_19 = arith.constant 0 : i32
    %ne3A_20 = vector.broadcast %ne3A_19 : i32 to vector<16xi32>
    %ne3A_21 = arith.cmpi ne, %rem3A_18, %ne3A_20 : vector<16xi32>
    %and3A = arith.andi %ne3A_17, %ne3A_21 : vector<16xi1>
    %sub3A = arith.constant 1 : i32
    %sub3A_22 = vector.broadcast %sub3A : i32 to vector<16xi32>
    %sub3A_23 = arith.subi %div3A_1, %sub3A_22 : vector<16xi32>
    %select_n3A = arith.select %and3A, %sub3A_23, %div3A_1 : vector<16xi1>, vector<16xi32>
    %jit3A_24 = arith.constant 8 : i32
    %eq3A = arith.constant 0 : i32
    %eq3A_25 = arith.cmpi eq, %jit3A_24, %eq3A : i32
    %jit3A_26 = arith.constant 1 : i32
    %select_n3A_27 = arith.select %eq3A_25, %jit3A_26, %jit3A_24 : i32
    %rem3A_28 = vector.broadcast %select_n3A_27 : i32 to vector<16xi32>
    %rem3A_29 = arith.remsi %iota3A, %rem3A_28 : vector<16xi32>
    %ne3A_30 = arith.constant 0 : i32
    %ne3A_31 = vector.broadcast %ne3A_30 : i32 to vector<16xi32>
    %ne3A_32 = arith.cmpi ne, %rem3A_29, %ne3A_31 : vector<16xi32>
    %lt3A = arith.constant 0 : i32
    %lt3A_33 = vector.broadcast %lt3A : i32 to vector<16xi32>
    %lt3A_34 = arith.cmpi slt, %rem3A_29, %lt3A_33 : vector<16xi32>
    %lt3A_35 = arith.constant 0 : i32
    %lt3A_36 = arith.cmpi slt, %select_n3A_27, %lt3A_35 : i32
    %ne3A_37 = vector.broadcast %lt3A_36 : i1 to vector<16xi1>
    %ne3A_38 = vector.broadcast %ne3A_37 : vector<16xi1> to vector<16xi1>
    %ne3A_39 = arith.xori %lt3A_34, %ne3A_38 : vector<16xi1>
    %and3A_40 = arith.andi %ne3A_39, %ne3A_32 : vector<16xi1>
    %add3A_41 = vector.broadcast %select_n3A_27 : i32 to vector<16xi32>
    %add3A_42 = arith.addi %rem3A_29, %add3A_41 : vector<16xi32>
    %select_n3A_43 = arith.select %and3A_40, %add3A_42, %rem3A_29 : vector<16xi1>, vector<16xi32>
    %add3A_44 = arith.constant 0 : i32
    %add3A_45 = arith.addi %add3A_44, %add3A : i32
    %lt3A_46 = arith.constant 8 : i32
    %lt3A_47 = arith.cmpi slt, %add3A, %lt3A_46 : i32
    %add3A_48 = arith.constant 992 : i32
    %add3A_49 = arith.addi %add3A_48, %add3A : i32
    %select_n3A_50 = arith.select %lt3A_47, %add3A_49, %add3A : i32
    %jit3A_51 = arith.constant true
    %select_n3A_52 = arith.select %jit3A_51, %add3A_45, %select_n3A_50 : i32
    %mul3A_53 = arith.constant 2000 : i32
    %mul3A_54 = arith.muli %select_n3A_52, %mul3A_53 : i32
    %dma_start3A = arith.constant 0 : i32
    %dma_start3A_55 = arith.constant 0 : i32
    %dma_start3A_56 = tpu.memref_slice %arg10[%dma_start3A, %dma_start3A_55] : memref<2x2000xi32, #tpu.memory_space<vmem>> -> memref<1x2000xi32, #tpu.memory_space<vmem>>
    %dma_start3A_57 = tpu.memref_squeeze %dma_start3A_56 : memref<1x2000xi32, #tpu.memory_space<vmem>> -> memref<2000xi32, #tpu.memory_space<vmem>>
    %dma_start3A_58 = tpu.memref_slice %arg4[%mul3A_54] : memref<2000000xi32, #tpu.memory_space<hbm>> -> memref<2000xi32, #tpu.memory_space<hbm>>
    %dma_start3A_59 = arith.constant 0 : i32
    %dma_start3A_60 = tpu.memref_slice %arg10[%dma_start3A, %dma_start3A_59] : memref<2x2000xi32, #tpu.memory_space<vmem>> -> memref<1x2000xi32, #tpu.memory_space<vmem>>
    %dma_start3A_61 = tpu.memref_squeeze %dma_start3A_60 : memref<1x2000xi32, #tpu.memory_space<vmem>> -> memref<2000xi32, #tpu.memory_space<vmem>>
    %dma_start3A_62 = tpu.memref_slice %arg4[%mul3A_54] : memref<2000000xi32, #tpu.memory_space<hbm>> -> memref<2000xi32, #tpu.memory_space<hbm>>
    tpu.enqueue_dma source(%dma_start3A_62 : memref<2000xi32, #tpu.memory_space<hbm>>) target(%dma_start3A_61 : memref<2000xi32, #tpu.memory_space<vmem>>) target_semaphore(%arg17 : memref<!tpu.dma_semaphore, #tpu.memory_space<semaphore_mem>>)
    %dma_start3A_63 = arith.constant 0 : i32
    %dma_start3A_64 = arith.constant 0 : i32
    %dma_start3A_65 = tpu.memref_slice %arg11[%dma_start3A_63, %dma_start3A_64] : memref<4x2000xi32, #tpu.memory_space<vmem>> -> memref<1x2000xi32, #tpu.memory_space<vmem>>
    %dma_start3A_66 = tpu.memref_squeeze %dma_start3A_65 : memref<1x2000xi32, #tpu.memory_space<vmem>> -> memref<2000xi32, #tpu.memory_space<vmem>>
    %dma_start3A_67 = tpu.memref_slice %arg3[%mul3A_54] : memref<2000000xi32, #tpu.memory_space<hbm>> -> memref<2000xi32, #tpu.memory_space<hbm>>
    %dma_start3A_68 = arith.constant 0 : i32
    %dma_start3A_69 = tpu.memref_slice %arg11[%dma_start3A_63, %dma_start3A_68] : memref<4x2000xi32, #tpu.memory_space<vmem>> -> memref<1x2000xi32, #tpu.memory_space<vmem>>
    %dma_start3A_70 = tpu.memref_squeeze %dma_start3A_69 : memref<1x2000xi32, #tpu.memory_space<vmem>> -> memref<2000xi32, #tpu.memory_space<vmem>>
    %dma_start3A_71 = tpu.memref_slice %arg3[%mul3A_54] : memref<2000000xi32, #tpu.memory_space<hbm>> -> memref<2000xi32, #tpu.memory_space<hbm>>
    tpu.enqueue_dma source(%dma_start3A_71 : memref<2000xi32, #tpu.memory_space<hbm>>) target(%dma_start3A_70 : memref<2000xi32, #tpu.memory_space<vmem>>) target_semaphore(%arg17 : memref<!tpu.dma_semaphore, #tpu.memory_space<semaphore_mem>>)
    %dma_start3A_72 = arith.constant 0 : i32
    %dma_start3A_73 = arith.constant 0 : i32
    %dma_start3A_74 = tpu.memref_slice %arg12[%dma_start3A_72, %dma_start3A_73] : memref<2x2000xf32, #tpu.memory_space<vmem>> -> memref<1x2000xf32, #tpu.memory_space<vmem>>
    %dma_start3A_75 = tpu.memref_squeeze %dma_start3A_74 : memref<1x2000xf32, #tpu.memory_space<vmem>> -> memref<2000xf32, #tpu.memory_space<vmem>>
    %dma_start3A_76 = tpu.memref_slice %arg5[%mul3A_54] : memref<2000000xf32, #tpu.memory_space<hbm>> -> memref<2000xf32, #tpu.memory_space<hbm>>
    %dma_start3A_77 = arith.constant 0 : i32
    %dma_start3A_78 = tpu.memref_slice %arg12[%dma_start3A_72, %dma_start3A_77] : memref<2x2000xf32, #tpu.memory_space<vmem>> -> memref<1x2000xf32, #tpu.memory_space<vmem>>
    %dma_start3A_79 = tpu.memref_squeeze %dma_start3A_78 : memref<1x2000xf32, #tpu.memory_space<vmem>> -> memref<2000xf32, #tpu.memory_space<vmem>>
    %dma_start3A_80 = tpu.memref_slice %arg5[%mul3A_54] : memref<2000000xf32, #tpu.memory_space<hbm>> -> memref<2000xf32, #tpu.memory_space<hbm>>
    tpu.enqueue_dma source(%dma_start3A_80 : memref<2000xf32, #tpu.memory_space<hbm>>) target(%dma_start3A_79 : memref<2000xf32, #tpu.memory_space<vmem>>) target_semaphore(%arg17 : memref<!tpu.dma_semaphore, #tpu.memory_space<semaphore_mem>>)
    %add3A_81 = arith.constant 32 : i32
    %add3A_82 = arith.addi %add3A_81, %add3A : i32
    %lt3A_83 = arith.constant 8 : i32
    %lt3A_84 = arith.cmpi slt, %add3A, %lt3A_83 : i32
    %add3A_85 = arith.constant 992 : i32
    %add3A_86 = arith.addi %add3A_85, %add3A : i32
    %select_n3A_87 = arith.select %lt3A_84, %add3A_86, %add3A : i32
    %jit3A_88 = arith.constant true
    %select_n3A_89 = arith.select %jit3A_88, %add3A_82, %select_n3A_87 : i32
    %mul3A_90 = arith.constant 2000 : i32
    %mul3A_91 = arith.muli %select_n3A_89, %mul3A_90 : i32
    %dma_start3A_92 = arith.constant 1 : i32
    %dma_start3A_93 = arith.constant 0 : i32
    %dma_start3A_94 = tpu.memref_slice %arg10[%dma_start3A_92, %dma_start3A_93] : memref<2x2000xi32, #tpu.memory_space<vmem>> -> memref<1x2000xi32, #tpu.memory_space<vmem>>
    %dma_start3A_95 = tpu.memref_squeeze %dma_start3A_94 : memref<1x2000xi32, #tpu.memory_space<vmem>> -> memref<2000xi32, #tpu.memory_space<vmem>>
    %dma_start3A_96 = tpu.memref_slice %arg4[%mul3A_91] : memref<2000000xi32, #tpu.memory_space<hbm>> -> memref<2000xi32, #tpu.memory_space<hbm>>
    %dma_start3A_97 = arith.constant 0 : i32
    %dma_start3A_98 = tpu.memref_slice %arg10[%dma_start3A_92, %dma_start3A_97] : memref<2x2000xi32, #tpu.memory_space<vmem>> -> memref<1x2000xi32, #tpu.memory_space<vmem>>
    %dma_start3A_99 = tpu.memref_squeeze %dma_start3A_98 : memref<1x2000xi32, #tpu.memory_space<vmem>> -> memref<2000xi32, #tpu.memory_space<vmem>>
    %dma_start3A_100 = tpu.memref_slice %arg4[%mul3A_91] : memref<2000000xi32, #tpu.memory_space<hbm>> -> memref<2000xi32, #tpu.memory_space<hbm>>
    tpu.enqueue_dma source(%dma_start3A_100 : memref<2000xi32, #tpu.memory_space<hbm>>) target(%dma_start3A_99 : memref<2000xi32, #tpu.memory_space<vmem>>) target_semaphore(%arg18 : memref<!tpu.dma_semaphore, #tpu.memory_space<semaphore_mem>>)
    %dma_start3A_101 = arith.constant 1 : i32
    %dma_start3A_102 = arith.constant 0 : i32
    %dma_start3A_103 = tpu.memref_slice %arg11[%dma_start3A_101, %dma_start3A_102] : memref<4x2000xi32, #tpu.memory_space<vmem>> -> memref<1x2000xi32, #tpu.memory_space<vmem>>
    %dma_start3A_104 = tpu.memref_squeeze %dma_start3A_103 : memref<1x2000xi32, #tpu.memory_space<vmem>> -> memref<2000xi32, #tpu.memory_space<vmem>>
    %dma_start3A_105 = tpu.memref_slice %arg3[%mul3A_91] : memref<2000000xi32, #tpu.memory_space<hbm>> -> memref<2000xi32, #tpu.memory_space<hbm>>
    %dma_start3A_106 = arith.constant 0 : i32
    %dma_start3A_107 = tpu.memref_slice %arg11[%dma_start3A_101, %dma_start3A_106] : memref<4x2000xi32, #tpu.memory_space<vmem>> -> memref<1x2000xi32, #tpu.memory_space<vmem>>
    %dma_start3A_108 = tpu.memref_squeeze %dma_start3A_107 : memref<1x2000xi32, #tpu.memory_space<vmem>> -> memref<2000xi32, #tpu.memory_space<vmem>>
    %dma_start3A_109 = tpu.memref_slice %arg3[%mul3A_91] : memref<2000000xi32, #tpu.memory_space<hbm>> -> memref<2000xi32, #tpu.memory_space<hbm>>
    tpu.enqueue_dma source(%dma_start3A_109 : memref<2000xi32, #tpu.memory_space<hbm>>) target(%dma_start3A_108 : memref<2000xi32, #tpu.memory_space<vmem>>) target_semaphore(%arg18 : memref<!tpu.dma_semaphore, #tpu.memory_space<semaphore_mem>>)
    %dma_start3A_110 = arith.constant 1 : i32
    %dma_start3A_111 = arith.constant 0 : i32
    %dma_start3A_112 = tpu.memref_slice %arg12[%dma_start3A_110, %dma_start3A_111] : memref<2x2000xf32, #tpu.memory_space<vmem>> -> memref<1x2000xf32, #tpu.memory_space<vmem>>
    %dma_start3A_113 = tpu.memref_squeeze %dma_start3A_112 : memref<1x2000xf32, #tpu.memory_space<vmem>> -> memref<2000xf32, #tpu.memory_space<vmem>>
    %dma_start3A_114 = tpu.memref_slice %arg5[%mul3A_91] : memref<2000000xf32, #tpu.memory_space<hbm>> -> memref<2000xf32, #tpu.memory_space<hbm>>
    %dma_start3A_115 = arith.constant 0 : i32
    %dma_start3A_116 = tpu.memref_slice %arg12[%dma_start3A_110, %dma_start3A_115] : memref<2x2000xf32, #tpu.memory_space<vmem>> -> memref<1x2000xf32, #tpu.memory_space<vmem>>
    %dma_start3A_117 = tpu.memref_squeeze %dma_start3A_116 : memref<1x2000xf32, #tpu.memory_space<vmem>> -> memref<2000xf32, #tpu.memory_space<vmem>>
    %dma_start3A_118 = tpu.memref_slice %arg5[%mul3A_91] : memref<2000000xf32, #tpu.memory_space<hbm>> -> memref<2000xf32, #tpu.memory_space<hbm>>
    tpu.enqueue_dma source(%dma_start3A_118 : memref<2000xf32, #tpu.memory_space<hbm>>) target(%dma_start3A_117 : memref<2000xf32, #tpu.memory_space<vmem>>) target_semaphore(%arg18 : memref<!tpu.dma_semaphore, #tpu.memory_space<semaphore_mem>>)
    %scan3A = arith.constant 0 : i32
    %scan3A_119 = arith.constant 16 : i32
    %scan3A_120 = arith.addi %scan3A, %scan3A_119 : i32
    %scan3A_121 = arith.constant 1 : i32
    scf.for %scan3A_211 = %scan3A to %scan3A_120 step %scan3A_121  : i32 {
      %mul3A_212 = arith.constant 1 : i32
      %mul3A_213 = arith.muli %scan3A_211, %mul3A_212 : i32
      %add3A_214 = arith.constant 0 : i32
      %add3A_215 = arith.addi %add3A_214, %mul3A_213 : i32
      %mul3A_216 = arith.constant 16 : i32
      %mul3A_217 = arith.muli %add3A_215, %mul3A_216 : i32
      %add3A_218 = arith.addi %mul3A_217, %arg1 : i32
      %mul3A_219 = arith.constant 512 : i32
      %mul3A_220 = arith.muli %add3A_218, %mul3A_219 : i32
      %lt3A_221 = arith.constant 251 : i32
      %lt3A_222 = arith.cmpi slt, %add3A_218, %lt3A_221 : i32
      %convert_element_type3A = arith.extui %lt3A_222 : i1 to i32
      %cond3A = arith.constant 0 : i32
      %cond3A_223 = arith.cmpi ne, %convert_element_type3A, %cond3A : i32
      scf.if %cond3A_223 {
        "tpu.region"() ({
          %run_scoped3A = tpu.sem_alloc : memref<!tpu.dma_semaphore, #tpu.memory_space<semaphore_mem>>
          %dma_start3A_233 = arith.constant 0 : i32
          %dma_start3A_234 = tpu.memref_slice %arg2[%dma_start3A_233, %mul3A_220] : memref<8x128520xf32, #tpu.memory_space<hbm>> -> memref<8x512xf32, #tpu.memory_space<hbm>>
          %dma_start3A_235 = arith.constant 0 : i32
          %dma_start3A_236 = tpu.memref_slice %arg2[%dma_start3A_235, %mul3A_220] : memref<8x128520xf32, #tpu.memory_space<hbm>> -> memref<8x512xf32, #tpu.memory_space<hbm>>
          tpu.enqueue_dma source(%dma_start3A_236 : memref<8x512xf32, #tpu.memory_space<hbm>>) target(%arg15 : memref<8x512xf32, #tpu.memory_space<vmem>>) target_semaphore(%run_scoped3A : memref<!tpu.dma_semaphore, #tpu.memory_space<semaphore_mem>>)
          %dma_wait3A_237 = arith.constant 0 : i32
          %dma_wait3A_238 = tpu.memref_slice %arg2[%dma_wait3A_237, %mul3A_220] : memref<8x128520xf32, #tpu.memory_space<hbm>> -> memref<8x512xf32, #tpu.memory_space<hbm>>
          %dma_wait3A_239 = arith.constant 0 : i32
          %dma_wait3A_240 = tpu.memref_slice %arg2[%dma_wait3A_239, %mul3A_220] : memref<8x128520xf32, #tpu.memory_space<hbm>> -> memref<8x512xf32, #tpu.memory_space<hbm>>
          tpu.wait_dma2 semaphore(%run_scoped3A : memref<!tpu.dma_semaphore, #tpu.memory_space<semaphore_mem>>) src(%dma_wait3A_240 : memref<8x512xf32, #tpu.memory_space<hbm>>) dst(%arg15 : memref<8x512xf32, #tpu.memory_space<vmem>>)
          tpu.yield
        }) : () -> ()
      } else {
      }
      %eq3A_224 = arith.constant 251 : i32
      %eq3A_225 = arith.cmpi eq, %add3A_218, %eq3A_224 : i32
      %convert_element_type3A_226 = arith.extui %eq3A_225 : i1 to i32
      %cond3A_227 = arith.constant 0 : i32
      %cond3A_228 = arith.cmpi ne, %convert_element_type3A_226, %cond3A_227 : i32
      scf.if %cond3A_228 {
        "tpu.region"() ({
          %run_scoped3A = tpu.sem_alloc : memref<!tpu.dma_semaphore, #tpu.memory_space<semaphore_mem>>
          %dma_start3A_233 = arith.constant 0 : i32
          %dma_start3A_234 = arith.constant 0 : i32
          %dma_start3A_235 = tpu.memref_slice %arg15[%dma_start3A_233, %dma_start3A_234] : memref<8x512xf32, #tpu.memory_space<vmem>> -> memref<8x8xf32, #tpu.memory_space<vmem>>
          %dma_start3A_236 = arith.constant 0 : i32
          %dma_start3A_237 = arith.constant 128512 : i32
          %dma_start3A_238 = tpu.memref_slice %arg2[%dma_start3A_236, %dma_start3A_237] : memref<8x128520xf32, #tpu.memory_space<hbm>> -> memref<8x8xf32, #tpu.memory_space<hbm>>
          %dma_start3A_239 = arith.constant 0 : i32
          %dma_start3A_240 = arith.constant 0 : i32
          %dma_start3A_241 = tpu.memref_slice %arg15[%dma_start3A_239, %dma_start3A_240] : memref<8x512xf32, #tpu.memory_space<vmem>> -> memref<8x8xf32, #tpu.memory_space<vmem>>
          %dma_start3A_242 = arith.constant 0 : i32
          %dma_start3A_243 = arith.constant 128512 : i32
          %dma_start3A_244 = tpu.memref_slice %arg2[%dma_start3A_242, %dma_start3A_243] : memref<8x128520xf32, #tpu.memory_space<hbm>> -> memref<8x8xf32, #tpu.memory_space<hbm>>
          tpu.enqueue_dma source(%dma_start3A_244 : memref<8x8xf32, #tpu.memory_space<hbm>>) target(%dma_start3A_241 : memref<8x8xf32, #tpu.memory_space<vmem>>) target_semaphore(%run_scoped3A : memref<!tpu.dma_semaphore, #tpu.memory_space<semaphore_mem>>)
          %dma_wait3A_245 = arith.constant 0 : i32
          %dma_wait3A_246 = arith.constant 0 : i32
          %dma_wait3A_247 = tpu.memref_slice %arg15[%dma_wait3A_245, %dma_wait3A_246] : memref<8x512xf32, #tpu.memory_space<vmem>> -> memref<8x8xf32, #tpu.memory_space<vmem>>
          %dma_wait3A_248 = arith.constant 0 : i32
          %dma_wait3A_249 = arith.constant 128512 : i32
          %dma_wait3A_250 = tpu.memref_slice %arg2[%dma_wait3A_248, %dma_wait3A_249] : memref<8x128520xf32, #tpu.memory_space<hbm>> -> memref<8x8xf32, #tpu.memory_space<hbm>>
          %dma_wait3A_251 = arith.constant 0 : i32
          %dma_wait3A_252 = arith.constant 0 : i32
          %dma_wait3A_253 = tpu.memref_slice %arg15[%dma_wait3A_251, %dma_wait3A_252] : memref<8x512xf32, #tpu.memory_space<vmem>> -> memref<8x8xf32, #tpu.memory_space<vmem>>
          %dma_wait3A_254 = arith.constant 0 : i32
          %dma_wait3A_255 = arith.constant 128512 : i32
          %dma_wait3A_256 = tpu.memref_slice %arg2[%dma_wait3A_254, %dma_wait3A_255] : memref<8x128520xf32, #tpu.memory_space<hbm>> -> memref<8x8xf32, #tpu.memory_space<hbm>>
          tpu.wait_dma2 semaphore(%run_scoped3A : memref<!tpu.dma_semaphore, #tpu.memory_space<semaphore_mem>>) src(%dma_wait3A_256 : memref<8x8xf32, #tpu.memory_space<hbm>>) dst(%dma_wait3A_253 : memref<8x8xf32, #tpu.memory_space<vmem>>)
          tpu.yield
        }) : () -> ()
      } else {
      }
      %le3A = arith.constant 251 : i32
      %le3A_229 = arith.cmpi sle, %add3A_218, %le3A : i32
      %convert_element_type3A_230 = arith.extui %le3A_229 : i1 to i32
      %cond3A_231 = arith.constant 0 : i32
      %cond3A_232 = arith.cmpi ne, %convert_element_type3A_230, %cond3A_231 : i32
      scf.if %cond3A_232 {
        %broadcast_in_dim3A = arith.constant 0 : i32
        %broadcast_in_dim3A_233 = vector.broadcast %broadcast_in_dim3A : i32 to vector<16xi32>
        %scan3A_234 = arith.constant 0 : i32
        %scan3A_235 = arith.constant 32 : i32
        %scan3A_236 = arith.addi %scan3A_234, %scan3A_235 : i32
        %scan3A_237 = arith.constant 1 : i32
        scf.for %scan3A_288 = %scan3A_234 to %scan3A_236 step %scan3A_237  : i32 {
          %mul3A_289 = arith.constant 1 : i32
          %mul3A_290 = arith.muli %scan3A_288, %mul3A_289 : i32
          %add3A_291 = arith.constant 0 : i32
          %add3A_292 = arith.addi %add3A_291, %mul3A_290 : i32
          %mul3A_293 = arith.constant 16 : i32
          %mul3A_294 = arith.muli %add3A_292, %mul3A_293 : i32
          %get3A = arith.constant 0 : i32
          %get3A_295 = arith.index_cast %get3A : i32 to index
          %get3A_296 = arith.index_cast %mul3A_294 : i32 to index
          %get3A_297 = tpu.vector_load %arg15[%get3A_295, %get3A_296] {strides = array<i32>} : memref<8x512xf32, #tpu.memory_space<vmem>>, vector<16xf32>,
          %mul3A_298 = arith.constant 16 : i32
          %mul3A_299 = arith.muli %add3A_292, %mul3A_298 : i32
          %add3A_300 = vector.broadcast %mul3A_299 : i32 to vector<16xi32>
          %add3A_301 = arith.addi %add3A_300, %iota3A : vector<16xi32>
          tpu.vector_store_idx %arg16[%add3A_301, %broadcast_in_dim3A_233], %get3A_297 : memref<512x8xf32, #tpu.memory_space<vmem>>[vector<16xi32>, vector<16xi32>], vector<16xf32>,
        }
        %scan3A_238 = arith.constant 32 : i32
        %broadcast_in_dim3A_239 = arith.constant 1 : i32
        %broadcast_in_dim3A_240 = vector.broadcast %broadcast_in_dim3A_239 : i32 to vector<16xi32>
        %scan3A_241 = arith.constant 0 : i32
        %scan3A_242 = arith.constant 32 : i32
        %scan3A_243 = arith.addi %scan3A_241, %scan3A_242 : i32
        %scan3A_244 = arith.constant 1 : i32
        scf.for %scan3A_288 = %scan3A_241 to %scan3A_243 step %scan3A_244  : i32 {
          %mul3A_289 = arith.constant 1 : i32
          %mul3A_290 = arith.muli %scan3A_288, %mul3A_289 : i32
          %add3A_291 = arith.constant 0 : i32
          %add3A_292 = arith.addi %add3A_291, %mul3A_290 : i32
          %mul3A_293 = arith.constant 16 : i32
          %mul3A_294 = arith.muli %add3A_292, %mul3A_293 : i32
          %get3A = arith.constant 1 : i32
          %get3A_295 = arith.index_cast %get3A : i32 to index
          %get3A_296 = arith.index_cast %mul3A_294 : i32 to index
          %get3A_297 = tpu.vector_load %arg15[%get3A_295, %get3A_296] {strides = array<i32>} : memref<8x512xf32, #tpu.memory_space<vmem>>, vector<16xf32>,
          %mul3A_298 = arith.constant 16 : i32
          %mul3A_299 = arith.muli %add3A_292, %mul3A_298 : i32
          %add3A_300 = vector.broadcast %mul3A_299 : i32 to vector<16xi32>
          %add3A_301 = arith.addi %add3A_300, %iota3A : vector<16xi32>
          tpu.vector_store_idx %arg16[%add3A_301, %broadcast_in_dim3A_240], %get3A_297 : memref<512x8xf32, #tpu.memory_space<vmem>>[vector<16xi32>, vector<16xi32>], vector<16xf32>,
        }
        %scan3A_245 = arith.constant 32 : i32
        %broadcast_in_dim3A_246 = arith.constant 2 : i32
        %broadcast_in_dim3A_247 = vector.broadcast %broadcast_in_dim3A_246 : i32 to vector<16xi32>
        %scan3A_248 = arith.constant 0 : i32
        %scan3A_249 = arith.constant 32 : i32
        %scan3A_250 = arith.addi %scan3A_248, %scan3A_249 : i32
        %scan3A_251 = arith.constant 1 : i32
        scf.for %scan3A_288 = %scan3A_248 to %scan3A_250 step %scan3A_251  : i32 {
          %mul3A_289 = arith.constant 1 : i32
          %mul3A_290 = arith.muli %scan3A_288, %mul3A_289 : i32
          %add3A_291 = arith.constant 0 : i32
          %add3A_292 = arith.addi %add3A_291, %mul3A_290 : i32
          %mul3A_293 = arith.constant 16 : i32
          %mul3A_294 = arith.muli %add3A_292, %mul3A_293 : i32
          %get3A = arith.constant 2 : i32
          %get3A_295 = arith.index_cast %get3A : i32 to index
          %get3A_296 = arith.index_cast %mul3A_294 : i32 to index
          %get3A_297 = tpu.vector_load %arg15[%get3A_295, %get3A_296] {strides = array<i32>} : memref<8x512xf32, #tpu.memory_space<vmem>>, vector<16xf32>,
          %mul3A_298 = arith.constant 16 : i32
          %mul3A_299 = arith.muli %add3A_292, %mul3A_298 : i32
          %add3A_300 = vector.broadcast %mul3A_299 : i32 to vector<16xi32>
          %add3A_301 = arith.addi %add3A_300, %iota3A : vector<16xi32>
          tpu.vector_store_idx %arg16[%add3A_301, %broadcast_in_dim3A_247], %get3A_297 : memref<512x8xf32, #tpu.memory_space<vmem>>[vector<16xi32>, vector<16xi32>], vector<16xf32>,
        }
        %scan3A_252 = arith.constant 32 : i32
        %broadcast_in_dim3A_253 = arith.constant 3 : i32
        %broadcast_in_dim3A_254 = vector.broadcast %broadcast_in_dim3A_253 : i32 to vector<16xi32>
        %scan3A_255 = arith.constant 0 : i32
        %scan3A_256 = arith.constant 32 : i32
        %scan3A_257 = arith.addi %scan3A_255, %scan3A_256 : i32
        %scan3A_258 = arith.constant 1 : i32
        scf.for %scan3A_288 = %scan3A_255 to %scan3A_257 step %scan3A_258  : i32 {
          %mul3A_289 = arith.constant 1 : i32
          %mul3A_290 = arith.muli %scan3A_288, %mul3A_289 : i32
          %add3A_291 = arith.constant 0 : i32
          %add3A_292 = arith.addi %add3A_291, %mul3A_290 : i32
          %mul3A_293 = arith.constant 16 : i32
          %mul3A_294 = arith.muli %add3A_292, %mul3A_293 : i32
          %get3A = arith.constant 3 : i32
          %get3A_295 = arith.index_cast %get3A : i32 to index
          %get3A_296 = arith.index_cast %mul3A_294 : i32 to index
          %get3A_297 = tpu.vector_load %arg15[%get3A_295, %get3A_296] {strides = array<i32>} : memref<8x512xf32, #tpu.memory_space<vmem>>, vector<16xf32>,
          %mul3A_298 = arith.constant 16 : i32
          %mul3A_299 = arith.muli %add3A_292, %mul3A_298 : i32
          %add3A_300 = vector.broadcast %mul3A_299 : i32 to vector<16xi32>
          %add3A_301 = arith.addi %add3A_300, %iota3A : vector<16xi32>
          tpu.vector_store_idx %arg16[%add3A_301, %broadcast_in_dim3A_254], %get3A_297 : memref<512x8xf32, #tpu.memory_space<vmem>>[vector<16xi32>, vector<16xi32>], vector<16xf32>,
        }
        %scan3A_259 = arith.constant 32 : i32
        %broadcast_in_dim3A_260 = arith.constant 4 : i32
        %broadcast_in_dim3A_261 = vector.broadcast %broadcast_in_dim3A_260 : i32 to vector<16xi32>
        %scan3A_262 = arith.constant 0 : i32
        %scan3A_263 = arith.constant 32 : i32
        %scan3A_264 = arith.addi %scan3A_262, %scan3A_263 : i32
        %scan3A_265 = arith.constant 1 : i32
        scf.for %scan3A_288 = %scan3A_262 to %scan3A_264 step %scan3A_265  : i32 {
          %mul3A_289 = arith.constant 1 : i32
          %mul3A_290 = arith.muli %scan3A_288, %mul3A_289 : i32
          %add3A_291 = arith.constant 0 : i32
          %add3A_292 = arith.addi %add3A_291, %mul3A_290 : i32
          %mul3A_293 = arith.constant 16 : i32
          %mul3A_294 = arith.muli %add3A_292, %mul3A_293 : i32
          %get3A = arith.constant 4 : i32
          %get3A_295 = arith.index_cast %get3A : i32 to index
          %get3A_296 = arith.index_cast %mul3A_294 : i32 to index
          %get3A_297 = tpu.vector_load %arg15[%get3A_295, %get3A_296] {strides = array<i32>} : memref<8x512xf32, #tpu.memory_space<vmem>>, vector<16xf32>,
          %mul3A_298 = arith.constant 16 : i32
          %mul3A_299 = arith.muli %add3A_292, %mul3A_298 : i32
          %add3A_300 = vector.broadcast %mul3A_299 : i32 to vector<16xi32>
          %add3A_301 = arith.addi %add3A_300, %iota3A : vector<16xi32>
          tpu.vector_store_idx %arg16[%add3A_301, %broadcast_in_dim3A_261], %get3A_297 : memref<512x8xf32, #tpu.memory_space<vmem>>[vector<16xi32>, vector<16xi32>], vector<16xf32>,
        }
        %scan3A_266 = arith.constant 32 : i32
        %broadcast_in_dim3A_267 = arith.constant 5 : i32
        %broadcast_in_dim3A_268 = vector.broadcast %broadcast_in_dim3A_267 : i32 to vector<16xi32>
        %scan3A_269 = arith.constant 0 : i32
        %scan3A_270 = arith.constant 32 : i32
        %scan3A_271 = arith.addi %scan3A_269, %scan3A_270 : i32
        %scan3A_272 = arith.constant 1 : i32
        scf.for %scan3A_288 = %scan3A_269 to %scan3A_271 step %scan3A_272  : i32 {
          %mul3A_289 = arith.constant 1 : i32
          %mul3A_290 = arith.muli %scan3A_288, %mul3A_289 : i32
          %add3A_291 = arith.constant 0 : i32
          %add3A_292 = arith.addi %add3A_291, %mul3A_290 : i32
          %mul3A_293 = arith.constant 16 : i32
          %mul3A_294 = arith.muli %add3A_292, %mul3A_293 : i32
          %get3A = arith.constant 5 : i32
          %get3A_295 = arith.index_cast %get3A : i32 to index
          %get3A_296 = arith.index_cast %mul3A_294 : i32 to index
          %get3A_297 = tpu.vector_load %arg15[%get3A_295, %get3A_296] {strides = array<i32>} : memref<8x512xf32, #tpu.memory_space<vmem>>, vector<16xf32>,
          %mul3A_298 = arith.constant 16 : i32
          %mul3A_299 = arith.muli %add3A_292, %mul3A_298 : i32
          %add3A_300 = vector.broadcast %mul3A_299 : i32 to vector<16xi32>
          %add3A_301 = arith.addi %add3A_300, %iota3A : vector<16xi32>
          tpu.vector_store_idx %arg16[%add3A_301, %broadcast_in_dim3A_268], %get3A_297 : memref<512x8xf32, #tpu.memory_space<vmem>>[vector<16xi32>, vector<16xi32>], vector<16xf32>,
        }
        %scan3A_273 = arith.constant 32 : i32
        %broadcast_in_dim3A_274 = arith.constant 6 : i32
        %broadcast_in_dim3A_275 = vector.broadcast %broadcast_in_dim3A_274 : i32 to vector<16xi32>
        %scan3A_276 = arith.constant 0 : i32
        %scan3A_277 = arith.constant 32 : i32
        %scan3A_278 = arith.addi %scan3A_276, %scan3A_277 : i32
        %scan3A_279 = arith.constant 1 : i32
        scf.for %scan3A_288 = %scan3A_276 to %scan3A_278 step %scan3A_279  : i32 {
          %mul3A_289 = arith.constant 1 : i32
          %mul3A_290 = arith.muli %scan3A_288, %mul3A_289 : i32
          %add3A_291 = arith.constant 0 : i32
          %add3A_292 = arith.addi %add3A_291, %mul3A_290 : i32
          %mul3A_293 = arith.constant 16 : i32
          %mul3A_294 = arith.muli %add3A_292, %mul3A_293 : i32
          %get3A = arith.constant 6 : i32
          %get3A_295 = arith.index_cast %get3A : i32 to index
          %get3A_296 = arith.index_cast %mul3A_294 : i32 to index
          %get3A_297 = tpu.vector_load %arg15[%get3A_295, %get3A_296] {strides = array<i32>} : memref<8x512xf32, #tpu.memory_space<vmem>>, vector<16xf32>,
          %mul3A_298 = arith.constant 16 : i32
          %mul3A_299 = arith.muli %add3A_292, %mul3A_298 : i32
          %add3A_300 = vector.broadcast %mul3A_299 : i32 to vector<16xi32>
          %add3A_301 = arith.addi %add3A_300, %iota3A : vector<16xi32>
          tpu.vector_store_idx %arg16[%add3A_301, %broadcast_in_dim3A_275], %get3A_297 : memref<512x8xf32, #tpu.memory_space<vmem>>[vector<16xi32>, vector<16xi32>], vector<16xf32>,
        }
        %scan3A_280 = arith.constant 32 : i32
        %broadcast_in_dim3A_281 = arith.constant 7 : i32
        %broadcast_in_dim3A_282 = vector.broadcast %broadcast_in_dim3A_281 : i32 to vector<16xi32>
        %scan3A_283 = arith.constant 0 : i32
        %scan3A_284 = arith.constant 32 : i32
        %scan3A_285 = arith.addi %scan3A_283, %scan3A_284 : i32
        %scan3A_286 = arith.constant 1 : i32
        scf.for %scan3A_288 = %scan3A_283 to %scan3A_285 step %scan3A_286  : i32 {
          %mul3A_289 = arith.constant 1 : i32
          %mul3A_290 = arith.muli %scan3A_288, %mul3A_289 : i32
          %add3A_291 = arith.constant 0 : i32
          %add3A_292 = arith.addi %add3A_291, %mul3A_290 : i32
          %mul3A_293 = arith.constant 16 : i32
          %mul3A_294 = arith.muli %add3A_292, %mul3A_293 : i32
          %get3A = arith.constant 7 : i32
          %get3A_295 = arith.index_cast %get3A : i32 to index
          %get3A_296 = arith.index_cast %mul3A_294 : i32 to index
          %get3A_297 = tpu.vector_load %arg15[%get3A_295, %get3A_296] {strides = array<i32>} : memref<8x512xf32, #tpu.memory_space<vmem>>, vector<16xf32>,
          %mul3A_298 = arith.constant 16 : i32
          %mul3A_299 = arith.muli %add3A_292, %mul3A_298 : i32
          %add3A_300 = vector.broadcast %mul3A_299 : i32 to vector<16xi32>
          %add3A_301 = arith.addi %add3A_300, %iota3A : vector<16xi32>
          tpu.vector_store_idx %arg16[%add3A_301, %broadcast_in_dim3A_282], %get3A_297 : memref<512x8xf32, #tpu.memory_space<vmem>>[vector<16xi32>, vector<16xi32>], vector<16xf32>,
        }
        %scan3A_287 = arith.constant 32 : i32
        "tpu.region"() ({
          %run_scoped3A = tpu.sem_alloc : memref<!tpu.dma_semaphore, #tpu.memory_space<semaphore_mem>>
          %dma_start3A_288 = arith.constant 0 : i32
          %dma_start3A_289 = tpu.memref_slice %arg8[%mul3A_220, %dma_start3A_288] : memref<131072x8xf32, #tpu.memory_space<hbm>> -> memref<512x8xf32, #tpu.memory_space<hbm>>
          %dma_start3A_290 = arith.constant 0 : i32
          %dma_start3A_291 = tpu.memref_slice %arg8[%mul3A_220, %dma_start3A_290] : memref<131072x8xf32, #tpu.memory_space<hbm>> -> memref<512x8xf32, #tpu.memory_space<hbm>>
          tpu.enqueue_dma source(%arg16 : memref<512x8xf32, #tpu.memory_space<vmem>>) target(%dma_start3A_291 : memref<512x8xf32, #tpu.memory_space<hbm>>) target_semaphore(%run_scoped3A : memref<!tpu.dma_semaphore, #tpu.memory_space<semaphore_mem>>)
          %dma_wait3A_292 = arith.constant 0 : i32
          %dma_wait3A_293 = tpu.memref_slice %arg8[%mul3A_220, %dma_wait3A_292] : memref<131072x8xf32, #tpu.memory_space<hbm>> -> memref<512x8xf32, #tpu.memory_space<hbm>>
          %dma_wait3A_294 = arith.constant 0 : i32
          %dma_wait3A_295 = tpu.memref_slice %arg8[%mul3A_220, %dma_wait3A_294] : memref<131072x8xf32, #tpu.memory_space<hbm>> -> memref<512x8xf32, #tpu.memory_space<hbm>>
          tpu.wait_dma2 semaphore(%run_scoped3A : memref<!tpu.dma_semaphore, #tpu.memory_space<semaphore_mem>>) src(%arg16 : memref<512x8xf32, #tpu.memory_space<vmem>>) dst(%dma_wait3A_295 : memref<512x8xf32, #tpu.memory_space<hbm>>)
          tpu.yield
        }) : () -> ()
      } else {
      }
    }
    %scan3A_122 = arith.constant 16 : i32
    %mul3A_123 = arith.constant 4096 : i32
    %mul3A_124 = arith.muli %arg1, %mul3A_123 : i32
    "tpu.region"() ({
      %run_scoped3A = tpu.sem_alloc : memref<!tpu.dma_semaphore, #tpu.memory_space<semaphore_mem>>
      %dma_start3A_211 = arith.constant 0 : i32
      %dma_start3A_212 = tpu.memref_slice %arg9[%mul3A_124, %dma_start3A_211] : memref<65536x8xf32, #tpu.memory_space<vmem_shared>> -> memref<4096x8xf32, #tpu.memory_space<vmem_shared>>
      tpu.enqueue_dma source(%arg6 : memref<4096x8xf32, #tpu.memory_space<hbm>>) target(%dma_start3A_212 : memref<4096x8xf32, #tpu.memory_space<vmem_shared>>) target_semaphore(%run_scoped3A : memref<!tpu.dma_semaphore, #tpu.memory_space<semaphore_mem>>)
      %dma_wait3A_213 = arith.constant 0 : i32
      %dma_wait3A_214 = tpu.memref_slice %arg9[%mul3A_124, %dma_wait3A_213] : memref<65536x8xf32, #tpu.memory_space<vmem_shared>> -> memref<4096x8xf32, #tpu.memory_space<vmem_shared>>
      tpu.wait_dma2 semaphore(%run_scoped3A : memref<!tpu.dma_semaphore, #tpu.memory_space<semaphore_mem>>) src(%arg6 : memref<4096x8xf32, #tpu.memory_space<hbm>>) dst(%dma_wait3A_214 : memref<4096x8xf32, #tpu.memory_space<vmem_shared>>)
      tpu.yield
    }) : () -> ()
    %barrier3A = arith.constant 0 : index
    tpu.barrier barrier_id(%barrier3A)
    %add3A_125 = arith.constant 0 : i32
    %add3A_126 = arith.addi %add3A_125, %add3A : i32
    %lt3A_127 = arith.constant 8 : i32
    %lt3A_128 = arith.cmpi slt, %add3A, %lt3A_127 : i32
    %add3A_129 = arith.constant 992 : i32
    %add3A_130 = arith.addi %add3A_129, %add3A : i32
    %select_n3A_131 = arith.select %lt3A_128, %add3A_130, %add3A : i32
    %jit3A_132 = arith.constant true
    %select_n3A_133 = arith.select %jit3A_132, %add3A_126, %select_n3A_131 : i32
    %mul3A_134 = arith.constant 2000 : i32
    %mul3A_135 = arith.muli %select_n3A_133, %mul3A_134 : i32
    %dma_wait3A = arith.constant 0 : i32
    %dma_wait3A_136 = arith.constant 0 : i32
    %dma_wait3A_137 = tpu.memref_slice %arg10[%dma_wait3A, %dma_wait3A_136] : memref<2x2000xi32, #tpu.memory_space<vmem>> -> memref<1x2000xi32, #tpu.memory_space<vmem>>
    %dma_wait3A_138 = tpu.memref_squeeze %dma_wait3A_137 : memref<1x2000xi32, #tpu.memory_space<vmem>> -> memref<2000xi32, #tpu.memory_space<vmem>>
    %dma_wait3A_139 = tpu.memref_slice %arg4[%mul3A_135] : memref<2000000xi32, #tpu.memory_space<hbm>> -> memref<2000xi32, #tpu.memory_space<hbm>>
    %dma_wait3A_140 = arith.constant 0 : i32
    %dma_wait3A_141 = tpu.memref_slice %arg10[%dma_wait3A, %dma_wait3A_140] : memref<2x2000xi32, #tpu.memory_space<vmem>> -> memref<1x2000xi32, #tpu.memory_space<vmem>>
    %dma_wait3A_142 = tpu.memref_squeeze %dma_wait3A_141 : memref<1x2000xi32, #tpu.memory_space<vmem>> -> memref<2000xi32, #tpu.memory_space<vmem>>
    %dma_wait3A_143 = tpu.memref_slice %arg4[%mul3A_135] : memref<2000000xi32, #tpu.memory_space<hbm>> -> memref<2000xi32, #tpu.memory_space<hbm>>
    tpu.wait_dma2 semaphore(%arg17 : memref<!tpu.dma_semaphore, #tpu.memory_space<semaphore_mem>>) src(%dma_wait3A_143 : memref<2000xi32, #tpu.memory_space<hbm>>) dst(%dma_wait3A_142 : memref<2000xi32, #tpu.memory_space<vmem>>)
    %dma_wait3A_144 = arith.constant 0 : i32
    %dma_wait3A_145 = arith.constant 0 : i32
    %dma_wait3A_146 = tpu.memref_slice %arg11[%dma_wait3A_144, %dma_wait3A_145] : memref<4x2000xi32, #tpu.memory_space<vmem>> -> memref<1x2000xi32, #tpu.memory_space<vmem>>
    %dma_wait3A_147 = tpu.memref_squeeze %dma_wait3A_146 : memref<1x2000xi32, #tpu.memory_space<vmem>> -> memref<2000xi32, #tpu.memory_space<vmem>>
    %dma_wait3A_148 = tpu.memref_slice %arg3[%mul3A_135] : memref<2000000xi32, #tpu.memory_space<hbm>> -> memref<2000xi32, #tpu.memory_space<hbm>>
    %dma_wait3A_149 = arith.constant 0 : i32
    %dma_wait3A_150 = tpu.memref_slice %arg11[%dma_wait3A_144, %dma_wait3A_149] : memref<4x2000xi32, #tpu.memory_space<vmem>> -> memref<1x2000xi32, #tpu.memory_space<vmem>>
    %dma_wait3A_151 = tpu.memref_squeeze %dma_wait3A_150 : memref<1x2000xi32, #tpu.memory_space<vmem>> -> memref<2000xi32, #tpu.memory_space<vmem>>
    %dma_wait3A_152 = tpu.memref_slice %arg3[%mul3A_135] : memref<2000000xi32, #tpu.memory_space<hbm>> -> memref<2000xi32, #tpu.memory_space<hbm>>
    tpu.wait_dma2 semaphore(%arg17 : memref<!tpu.dma_semaphore, #tpu.memory_space<semaphore_mem>>) src(%dma_wait3A_152 : memref<2000xi32, #tpu.memory_space<hbm>>) dst(%dma_wait3A_151 : memref<2000xi32, #tpu.memory_space<vmem>>)
    %dma_wait3A_153 = arith.constant 0 : i32
    %dma_wait3A_154 = arith.constant 0 : i32
    %dma_wait3A_155 = tpu.memref_slice %arg12[%dma_wait3A_153, %dma_wait3A_154] : memref<2x2000xf32, #tpu.memory_space<vmem>> -> memref<1x2000xf32, #tpu.memory_space<vmem>>
    %dma_wait3A_156 = tpu.memref_squeeze %dma_wait3A_155 : memref<1x2000xf32, #tpu.memory_space<vmem>> -> memref<2000xf32, #tpu.memory_space<vmem>>
    %dma_wait3A_157 = tpu.memref_slice %arg5[%mul3A_135] : memref<2000000xf32, #tpu.memory_space<hbm>> -> memref<2000xf32, #tpu.memory_space<hbm>>
    %dma_wait3A_158 = arith.constant 0 : i32
    %dma_wait3A_159 = tpu.memref_slice %arg12[%dma_wait3A_153, %dma_wait3A_158] : memref<2x2000xf32, #tpu.memory_space<vmem>> -> memref<1x2000xf32, #tpu.memory_space<vmem>>
    %dma_wait3A_160 = tpu.memref_squeeze %dma_wait3A_159 : memref<1x2000xf32, #tpu.memory_space<vmem>> -> memref<2000xf32, #tpu.memory_space<vmem>>
    %dma_wait3A_161 = tpu.memref_slice %arg5[%mul3A_135] : memref<2000000xf32, #tpu.memory_space<hbm>> -> memref<2000xf32, #tpu.memory_space<hbm>>
    tpu.wait_dma2 semaphore(%arg17 : memref<!tpu.dma_semaphore, #tpu.memory_space<semaphore_mem>>) src(%dma_wait3A_161 : memref<2000xf32, #tpu.memory_space<hbm>>) dst(%dma_wait3A_160 : memref<2000xf32, #tpu.memory_space<vmem>>)
    %dma_start3A_162 = arith.constant 0 : i32
    %dma_start3A_163 = arith.constant 0 : i32
    %dma_start3A_164 = arith.constant 0 : i32
    %dma_start3A_165 = arith.constant 0 : i32
    %dma_start3A_166 = tpu.memref_slice %arg13[%dma_start3A_163, %dma_start3A_164, %dma_start3A_165] : memref<2x2000x8xf32, #tpu.memory_space<vmem>> -> memref<1x2000x8xf32, #tpu.memory_space<vmem>>
    %dma_start3A_167 = tpu.memref_squeeze %dma_start3A_166 : memref<1x2000x8xf32, #tpu.memory_space<vmem>> -> memref<2000x8xf32, #tpu.memory_space<vmem>>
    %dma_start3A_168 = arith.constant 0 : i32
    %dma_start3A_169 = tpu.memref_slice %arg10[%dma_start3A_162, %dma_start3A_168] : memref<2x2000xi32, #tpu.memory_space<vmem>> -> memref<1x2000xi32, #tpu.memory_space<vmem>>
    %dma_start3A_170 = tpu.memref_squeeze %dma_start3A_169 : memref<1x2000xi32, #tpu.memory_space<vmem>> -> memref<2000xi32, #tpu.memory_space<vmem>>
    %dma_start3A_171 = arith.constant 0 : i32
    %dma_start3A_172 = arith.constant 0 : i32
    %dma_start3A_173 = tpu.memref_slice %arg8[%dma_start3A_171, %dma_start3A_172] : memref<131072x8xf32, #tpu.memory_space<hbm>> -> memref<131072x8xf32, #tpu.memory_space<hbm>>
    tpu.enqueue_indirect_dma source(%dma_start3A_173 : memref<131072x8xf32, #tpu.memory_space<hbm>>) target(%dma_start3A_167 : memref<2000x8xf32, #tpu.memory_space<vmem>>) offsets(%dma_start3A_170 : memref<2000xi32, #tpu.memory_space<vmem>>) semaphore(%arg19 : memref<!tpu.dma_semaphore, #tpu.memory_space<semaphore_mem>>)
    %scan3A_174 = arith.constant 0 : i32
    %scan3A_175 = arith.constant 8 : i32
    %scan3A_176 = arith.addi %scan3A_174, %scan3A_175 : i32
    %scan3A_177 = arith.constant 1 : i32
    scf.for %scan3A_211 = %scan3A_174 to %scan3A_176 step %scan3A_177  : i32 {
      %mul3A_212 = arith.constant 1 : i32
      %mul3A_213 = arith.muli %scan3A_211, %mul3A_212 : i32
      %add3A_214 = arith.constant 0 : i32
      %add3A_215 = arith.addi %add3A_214, %mul3A_213 : i32
      %mul3A_216 = arith.constant 4 : i32
      %mul3A_217 = arith.muli %add3A_215, %mul3A_216 : i32
      %add3A_218 = arith.constant 0 : i32
      %add3A_219 = arith.addi %mul3A_217, %add3A_218 : i32
      %lt3A_220 = arith.constant 31 : i32
      %lt3A_221 = arith.cmpi slt, %add3A_219, %lt3A_220 : i32
      %convert_element_type3A = arith.extui %lt3A_221 : i1 to i32
      %cond3A = arith.constant 0 : i32
      %cond3A_222 = arith.cmpi ne, %convert_element_type3A, %cond3A : i32
      scf.if %cond3A_222 {
        %add3A_436 = arith.constant 1 : i32
        %add3A_437 = arith.addi %add3A_219, %add3A_436 : i32
        %lt3A_438 = arith.constant 31 : i32
        %lt3A_439 = arith.cmpi slt, %add3A_437, %lt3A_438 : i32
        %mul3A_440 = arith.constant 32 : i32
        %mul3A_441 = arith.muli %add3A_437, %mul3A_440 : i32
        %add3A_442 = arith.addi %mul3A_441, %add3A : i32
        %lt3A_443 = arith.constant 8 : i32
        %lt3A_444 = arith.cmpi slt, %add3A, %lt3A_443 : i32
        %add3A_445 = arith.constant 992 : i32
        %add3A_446 = arith.addi %add3A_445, %add3A : i32
        %select_n3A_447 = arith.select %lt3A_444, %add3A_446, %add3A : i32
        %select_n3A_448 = arith.select %lt3A_439, %add3A_442, %select_n3A_447 : i32
        %mul3A_449 = arith.constant 2000 : i32
        %mul3A_450 = arith.muli %select_n3A_448, %mul3A_449 : i32
        %dma_wait3A_451 = arith.constant 1 : i32
        %dma_wait3A_452 = arith.constant 0 : i32
        %dma_wait3A_453 = tpu.memref_slice %arg10[%dma_wait3A_451, %dma_wait3A_452] : memref<2x2000xi32, #tpu.memory_space<vmem>> -> memref<1x2000xi32, #tpu.memory_space<vmem>>
        %dma_wait3A_454 = tpu.memref_squeeze %dma_wait3A_453 : memref<1x2000xi32, #tpu.memory_space<vmem>> -> memref<2000xi32, #tpu.memory_space<vmem>>
        %dma_wait3A_455 = tpu.memref_slice %arg4[%mul3A_450] : memref<2000000xi32, #tpu.memory_space<hbm>> -> memref<2000xi32, #tpu.memory_space<hbm>>
        %dma_wait3A_456 = arith.constant 0 : i32
        %dma_wait3A_457 = tpu.memref_slice %arg10[%dma_wait3A_451, %dma_wait3A_456] : memref<2x2000xi32, #tpu.memory_space<vmem>> -> memref<1x2000xi32, #tpu.memory_space<vmem>>
        %dma_wait3A_458 = tpu.memref_squeeze %dma_wait3A_457 : memref<1x2000xi32, #tpu.memory_space<vmem>> -> memref<2000xi32, #tpu.memory_space<vmem>>
        %dma_wait3A_459 = tpu.memref_slice %arg4[%mul3A_450] : memref<2000000xi32, #tpu.memory_space<hbm>> -> memref<2000xi32, #tpu.memory_space<hbm>>
        tpu.wait_dma2 semaphore(%arg18 : memref<!tpu.dma_semaphore, #tpu.memory_space<semaphore_mem>>) src(%dma_wait3A_459 : memref<2000xi32, #tpu.memory_space<hbm>>) dst(%dma_wait3A_458 : memref<2000xi32, #tpu.memory_space<vmem>>)
        %dma_wait3A_460 = arith.constant 1 : i32
        %dma_wait3A_461 = arith.constant 0 : i32
        %dma_wait3A_462 = tpu.memref_slice %arg11[%dma_wait3A_460, %dma_wait3A_461] : memref<4x2000xi32, #tpu.memory_space<vmem>> -> memref<1x2000xi32, #tpu.memory_space<vmem>>
        %dma_wait3A_463 = tpu.memref_squeeze %dma_wait3A_462 : memref<1x2000xi32, #tpu.memory_space<vmem>> -> memref<2000xi32, #tpu.memory_space<vmem>>
        %dma_wait3A_464 = tpu.memref_slice %arg3[%mul3A_450] : memref<2000000xi32, #tpu.memory_space<hbm>> -> memref<2000xi32, #tpu.memory_space<hbm>>
        %dma_wait3A_465 = arith.constant 0 : i32
        %dma_wait3A_466 = tpu.memref_slice %arg11[%dma_wait3A_460, %dma_wait3A_465] : memref<4x2000xi32, #tpu.memory_space<vmem>> -> memref<1x2000xi32, #tpu.memory_space<vmem>>
        %dma_wait3A_467 = tpu.memref_squeeze %dma_wait3A_466 : memref<1x2000xi32, #tpu.memory_space<vmem>> -> memref<2000xi32, #tpu.memory_space<vmem>>
        %dma_wait3A_468 = tpu.memref_slice %arg3[%mul3A_450] : memref<2000000xi32, #tpu.memory_space<hbm>> -> memref<2000xi32, #tpu.memory_space<hbm>>
        tpu.wait_dma2 semaphore(%arg18 : memref<!tpu.dma_semaphore, #tpu.memory_space<semaphore_mem>>) src(%dma_wait3A_468 : memref<2000xi32, #tpu.memory_space<hbm>>) dst(%dma_wait3A_467 : memref<2000xi32, #tpu.memory_space<vmem>>)
        %dma_wait3A_469 = arith.constant 1 : i32
        %dma_wait3A_470 = arith.constant 0 : i32
        %dma_wait3A_471 = tpu.memref_slice %arg12[%dma_wait3A_469, %dma_wait3A_470] : memref<2x2000xf32, #tpu.memory_space<vmem>> -> memref<1x2000xf32, #tpu.memory_space<vmem>>
        %dma_wait3A_472 = tpu.memref_squeeze %dma_wait3A_471 : memref<1x2000xf32, #tpu.memory_space<vmem>> -> memref<2000xf32, #tpu.memory_space<vmem>>
        %dma_wait3A_473 = tpu.memref_slice %arg5[%mul3A_450] : memref<2000000xf32, #tpu.memory_space<hbm>> -> memref<2000xf32, #tpu.memory_space<hbm>>
        %dma_wait3A_474 = arith.constant 0 : i32
        %dma_wait3A_475 = tpu.memref_slice %arg12[%dma_wait3A_469, %dma_wait3A_474] : memref<2x2000xf32, #tpu.memory_space<vmem>> -> memref<1x2000xf32, #tpu.memory_space<vmem>>
        %dma_wait3A_476 = tpu.memref_squeeze %dma_wait3A_475 : memref<1x2000xf32, #tpu.memory_space<vmem>> -> memref<2000xf32, #tpu.memory_space<vmem>>
        %dma_wait3A_477 = tpu.memref_slice %arg5[%mul3A_450] : memref<2000000xf32, #tpu.memory_space<hbm>> -> memref<2000xf32, #tpu.memory_space<hbm>>
        tpu.wait_dma2 semaphore(%arg18 : memref<!tpu.dma_semaphore, #tpu.memory_space<semaphore_mem>>) src(%dma_wait3A_477 : memref<2000xf32, #tpu.memory_space<hbm>>) dst(%dma_wait3A_476 : memref<2000xf32, #tpu.memory_space<vmem>>)
        %dma_start3A_478 = arith.constant 1 : i32
        %dma_start3A_479 = arith.constant 1 : i32
        %dma_start3A_480 = arith.constant 0 : i32
        %dma_start3A_481 = arith.constant 0 : i32
        %dma_start3A_482 = tpu.memref_slice %arg13[%dma_start3A_479, %dma_start3A_480, %dma_start3A_481] : memref<2x2000x8xf32, #tpu.memory_space<vmem>> -> memref<1x2000x8xf32, #tpu.memory_space<vmem>>
        %dma_start3A_483 = tpu.memref_squeeze %dma_start3A_482 : memref<1x2000x8xf32, #tpu.memory_space<vmem>> -> memref<2000x8xf32, #tpu.memory_space<vmem>>
        %dma_start3A_484 = arith.constant 0 : i32
        %dma_start3A_485 = tpu.memref_slice %arg10[%dma_start3A_478, %dma_start3A_484] : memref<2x2000xi32, #tpu.memory_space<vmem>> -> memref<1x2000xi32, #tpu.memory_space<vmem>>
        %dma_start3A_486 = tpu.memref_squeeze %dma_start3A_485 : memref<1x2000xi32, #tpu.memory_space<vmem>> -> memref<2000xi32, #tpu.memory_space<vmem>>
        %dma_start3A_487 = arith.constant 0 : i32
        %dma_start3A_488 = arith.constant 0 : i32
        %dma_start3A_489 = tpu.memref_slice %arg8[%dma_start3A_487, %dma_start3A_488] : memref<131072x8xf32, #tpu.memory_space<hbm>> -> memref<131072x8xf32, #tpu.memory_space<hbm>>
        tpu.enqueue_indirect_dma source(%dma_start3A_489 : memref<131072x8xf32, #tpu.memory_space<hbm>>) target(%dma_start3A_483 : memref<2000x8xf32, #tpu.memory_space<vmem>>) offsets(%dma_start3A_486 : memref<2000xi32, #tpu.memory_space<vmem>>) semaphore(%arg20 : memref<!tpu.dma_semaphore, #tpu.memory_space<semaphore_mem>>)
      } else {
      }
      %dma_wait3A_223 = arith.constant 0 : i32
      %dma_wait3A_224 = arith.constant 0 : i32
      %dma_wait3A_225 = arith.constant 0 : i32
      %dma_wait3A_226 = arith.constant 0 : i32
      %dma_wait3A_227 = tpu.memref_slice %arg13[%dma_wait3A_224, %dma_wait3A_225, %dma_wait3A_226] : memref<2x2000x8xf32, #tpu.memory_space<vmem>> -> memref<1x2000x8xf32, #tpu.memory_space<vmem>>
      %dma_wait3A_228 = tpu.memref_squeeze %dma_wait3A_227 : memref<1x2000x8xf32, #tpu.memory_space<vmem>> -> memref<2000x8xf32, #tpu.memory_space<vmem>>
      %dma_wait3A_229 = arith.constant 0 : i32
      %dma_wait3A_230 = tpu.memref_slice %arg10[%dma_wait3A_223, %dma_wait3A_229] : memref<2x2000xi32, #tpu.memory_space<vmem>> -> memref<1x2000xi32, #tpu.memory_space<vmem>>
      %dma_wait3A_231 = tpu.memref_squeeze %dma_wait3A_230 : memref<1x2000xi32, #tpu.memory_space<vmem>> -> memref<2000xi32, #tpu.memory_space<vmem>>
      %dma_wait3A_232 = arith.constant 0 : i32
      %dma_wait3A_233 = arith.constant 0 : i32
      %dma_wait3A_234 = tpu.memref_slice %arg8[%dma_wait3A_232, %dma_wait3A_233] : memref<131072x8xf32, #tpu.memory_space<hbm>> -> memref<131072x8xf32, #tpu.memory_space<hbm>>
      tpu.wait_indirect_dma semaphore(%arg19 : memref<!tpu.dma_semaphore, #tpu.memory_space<semaphore_mem>>) src(%dma_wait3A_234 : memref<131072x8xf32, #tpu.memory_space<hbm>>) dst(%dma_wait3A_228 : memref<2000x8xf32, #tpu.memory_space<vmem>>)
      %ge3A = arith.constant 2 : i32
      %ge3A_235 = arith.cmpi sge, %add3A_219, %ge3A : i32
      %convert_element_type3A_236 = arith.extui %ge3A_235 : i1 to i32
      %cond3A_237 = arith.constant 0 : i32
      %cond3A_238 = arith.cmpi ne, %convert_element_type3A_236, %cond3A_237 : i32
      scf.if %cond3A_238 {
        %dma_wait3A_436 = arith.constant 0 : i32
        %dma_wait3A_437 = arith.constant 2 : i32
        %dma_wait3A_438 = arith.constant 0 : i32
        %dma_wait3A_439 = arith.constant 0 : i32
        %dma_wait3A_440 = tpu.memref_slice %arg14[%dma_wait3A_436, %dma_wait3A_438, %dma_wait3A_439] : memref<2x2000x8xf32, #tpu.memory_space<vmem>> -> memref<1x2000x8xf32, #tpu.memory_space<vmem>>
        %dma_wait3A_441 = tpu.memref_squeeze %dma_wait3A_440 : memref<1x2000x8xf32, #tpu.memory_space<vmem>> -> memref<2000x8xf32, #tpu.memory_space<vmem>>
        %dma_wait3A_442 = arith.constant 0 : i32
        %dma_wait3A_443 = tpu.memref_slice %arg11[%dma_wait3A_437, %dma_wait3A_442] : memref<4x2000xi32, #tpu.memory_space<vmem>> -> memref<1x2000xi32, #tpu.memory_space<vmem>>
        %dma_wait3A_444 = tpu.memref_squeeze %dma_wait3A_443 : memref<1x2000xi32, #tpu.memory_space<vmem>> -> memref<2000xi32, #tpu.memory_space<vmem>>
        %dma_wait3A_445 = arith.constant 0 : i32
        %dma_wait3A_446 = arith.constant 0 : i32
        %dma_wait3A_447 = tpu.memref_slice %arg9[%dma_wait3A_445, %dma_wait3A_446] : memref<65536x8xf32, #tpu.memory_space<vmem_shared>> -> memref<65536x8xf32, #tpu.memory_space<vmem_shared>>
        tpu.wait_indirect_dma semaphore(%arg21 : memref<!tpu.dma_semaphore, #tpu.memory_space<semaphore_mem>>) src(%dma_wait3A_441 : memref<2000x8xf32, #tpu.memory_space<vmem>>) dst(%dma_wait3A_447 : memref<65536x8xf32, #tpu.memory_space<vmem_shared>>)
      } else {
      }
      %lt3A_239 = arith.constant 31 : i32
      %lt3A_240 = arith.cmpi slt, %add3A_219, %lt3A_239 : i32
      %lt3A_241 = arith.constant 8 : i32
      %lt3A_242 = arith.cmpi slt, %add3A, %lt3A_241 : i32
      %or3A = arith.ori %lt3A_240, %lt3A_242 : i1
      %jit3A_243 = arith.constant 1.000000e+00 : f32
      %jit3A_244 = arith.constant 0.000000e+00 : f32
      %select_n3A_245 = arith.select %or3A, %jit3A_243, %jit3A_244 : f32
      %scan3A_246 = arith.constant 0 : i32
      %scan3A_247 = arith.constant 1000 : i32
      %scan3A_248 = arith.addi %scan3A_246, %scan3A_247 : i32
      %scan3A_249 = arith.constant 8 : i32
      scf.for %scan3A_436 = %scan3A_246 to %scan3A_248 step %scan3A_249  : i32 {
        %mul3A_437 = arith.constant 1 : i32
        %mul3A_438 = arith.muli %scan3A_436, %mul3A_437 : i32
        %add3A_439 = arith.constant 0 : i32
        %add3A_440 = arith.addi %add3A_439, %mul3A_438 : i32
        %mul3A_441 = arith.constant 2 : i32
        %mul3A_442 = arith.muli %add3A_440, %mul3A_441 : i32
        %add3A_443 = vector.broadcast %mul3A_442 : i32 to vector<16xi32>
        %add3A_444 = arith.addi %add3A_443, %select_n3A : vector<16xi32>
        %gather3A = arith.constant 0 : i32
        %gather3A_445 = arith.constant 0 : i32
        %gather3A_446 = tpu.memref_slice %arg12[%gather3A, %gather3A_445] : memref<2x2000xf32, #tpu.memory_space<vmem>> -> memref<1x2000xf32, #tpu.memory_space<vmem>>
        %gather3A_447 = tpu.memref_squeeze %gather3A_446 : memref<1x2000xf32, #tpu.memory_space<vmem>> -> memref<2000xf32, #tpu.memory_space<vmem>>
        %gather3A_448 = tpu.vector_load_idx %gather3A_447[%add3A_444] : memref<2000xf32, #tpu.memory_space<vmem>>[vector<16xi32>], vector<16xf32>,
        %gather3A_449 = arith.constant 0 : i32
        %gather3A_450 = arith.constant 0 : i32
        %gather3A_451 = arith.constant 0 : i32
        %gather3A_452 = tpu.memref_slice %arg13[%gather3A_449, %gather3A_450, %gather3A_451] : memref<2x2000x8xf32, #tpu.memory_space<vmem>> -> memref<1x2000x8xf32, #tpu.memory_space<vmem>>
        %gather3A_453 = tpu.memref_squeeze %gather3A_452 : memref<1x2000x8xf32, #tpu.memory_space<vmem>> -> memref<2000x8xf32, #tpu.memory_space<vmem>>
        %gather3A_454 = tpu.vector_load_idx %gather3A_453[%add3A_444, %select_n3A_43] : memref<2000x8xf32, #tpu.memory_space<vmem>>[vector<16xi32>, vector<16xi32>], vector<16xf32>,
        %mul3A_455 = arith.mulf %gather3A_454, %gather3A_448 : vector<16xf32>
        %mul3A_456 = vector.broadcast %select_n3A_245 : f32 to vector<16xf32>
        %mul3A_457 = arith.mulf %mul3A_455, %mul3A_456 : vector<16xf32>
        %scatter3A = arith.constant 0 : i32
        %scatter3A_458 = arith.constant 0 : i32
        %scatter3A_459 = arith.constant 0 : i32
        %scatter3A_460 = tpu.memref_slice %arg14[%scatter3A, %scatter3A_458, %scatter3A_459] : memref<2x2000x8xf32, #tpu.memory_space<vmem>> -> memref<1x2000x8xf32, #tpu.memory_space<vmem>>
        %scatter3A_461 = tpu.memref_squeeze %scatter3A_460 : memref<1x2000x8xf32, #tpu.memory_space<vmem>> -> memref<2000x8xf32, #tpu.memory_space<vmem>>
        tpu.vector_store_idx %scatter3A_461[%add3A_444, %select_n3A_43], %mul3A_457 : memref<2000x8xf32, #tpu.memory_space<vmem>>[vector<16xi32>, vector<16xi32>], vector<16xf32>,
        %scan3A_462 = arith.constant 1 : i32
        %scan3A_463 = arith.addi %scan3A_436, %scan3A_462 : i32
        %mul3A_464 = arith.constant 1 : i32
        %mul3A_465 = arith.muli %scan3A_463, %mul3A_464 : i32
        %add3A_466 = arith.constant 0 : i32
        %add3A_467 = arith.addi %add3A_466, %mul3A_465 : i32
        %mul3A_468 = arith.constant 2 : i32
        %mul3A_469 = arith.muli %add3A_467, %mul3A_468 : i32
        %add3A_470 = vector.broadcast %mul3A_469 : i32 to vector<16xi32>
        %add3A_471 = arith.addi %add3A_470, %select_n3A : vector<16xi32>
        %gather3A_472 = arith.constant 0 : i32
        %gather3A_473 = arith.constant 0 : i32
        %gather3A_474 = tpu.memref_slice %arg12[%gather3A_472, %gather3A_473] : memref<2x2000xf32, #tpu.memory_space<vmem>> -> memref<1x2000xf32, #tpu.memory_space<vmem>>
        %gather3A_475 = tpu.memref_squeeze %gather3A_474 : memref<1x2000xf32, #tpu.memory_space<vmem>> -> memref<2000xf32, #tpu.memory_space<vmem>>
        %gather3A_476 = tpu.vector_load_idx %gather3A_475[%add3A_471] : memref<2000xf32, #tpu.memory_space<vmem>>[vector<16xi32>], vector<16xf32>,
        %gather3A_477 = arith.constant 0 : i32
        %gather3A_478 = arith.constant 0 : i32
        %gather3A_479 = arith.constant 0 : i32
        %gather3A_480 = tpu.memref_slice %arg13[%gather3A_477, %gather3A_478, %gather3A_479] : memref<2x2000x8xf32, #tpu.memory_space<vmem>> -> memref<1x2000x8xf32, #tpu.memory_space<vmem>>
        %gather3A_481 = tpu.memref_squeeze %gather3A_480 : memref<1x2000x8xf32, #tpu.memory_space<vmem>> -> memref<2000x8xf32, #tpu.memory_space<vmem>>
        %gather3A_482 = tpu.vector_load_idx %gather3A_481[%add3A_471, %select_n3A_43] : memref<2000x8xf32, #tpu.memory_space<vmem>>[vector<16xi32>, vector<16xi32>], vector<16xf32>,
        %mul3A_483 = arith.mulf %gather3A_482, %gather3A_476 : vector<16xf32>
        %mul3A_484 = vector.broadcast %select_n3A_245 : f32 to vector<16xf32>
        %mul3A_485 = arith.mulf %mul3A_483, %mul3A_484 : vector<16xf32>
        %scatter3A_486 = arith.constant 0 : i32
        %scatter3A_487 = arith.constant 0 : i32
        %scatter3A_488 = arith.constant 0 : i32
        %scatter3A_489 = tpu.memref_slice %arg14[%scatter3A_486, %scatter3A_487, %scatter3A_488] : memref<2x2000x8xf32, #tpu.memory_space<vmem>> -> memref<1x2000x8xf32, #tpu.memory_space<vmem>>
        %scatter3A_490 = tpu.memref_squeeze %scatter3A_489 : memref<1x2000x8xf32, #tpu.memory_space<vmem>> -> memref<2000x8xf32, #tpu.memory_space<vmem>>
        tpu.vector_store_idx %scatter3A_490[%add3A_471, %select_n3A_43], %mul3A_485 : memref<2000x8xf32, #tpu.memory_space<vmem>>[vector<16xi32>, vector<16xi32>], vector<16xf32>,
        %scan3A_491 = arith.constant 2 : i32
        %scan3A_492 = arith.addi %scan3A_436, %scan3A_491 : i32
        %mul3A_493 = arith.constant 1 : i32
        %mul3A_494 = arith.muli %scan3A_492, %mul3A_493 : i32
        %add3A_495 = arith.constant 0 : i32
        %add3A_496 = arith.addi %add3A_495, %mul3A_494 : i32
        %mul3A_497 = arith.constant 2 : i32
        %mul3A_498 = arith.muli %add3A_496, %mul3A_497 : i32
        %add3A_499 = vector.broadcast %mul3A_498 : i32 to vector<16xi32>
        %add3A_500 = arith.addi %add3A_499, %select_n3A : vector<16xi32>
        %gather3A_501 = arith.constant 0 : i32
        %gather3A_502 = arith.constant 0 : i32
        %gather3A_503 = tpu.memref_slice %arg12[%gather3A_501, %gather3A_502] : memref<2x2000xf32, #tpu.memory_space<vmem>> -> memref<1x2000xf32, #tpu.memory_space<vmem>>
        %gather3A_504 = tpu.memref_squeeze %gather3A_503 : memref<1x2000xf32, #tpu.memory_space<vmem>> -> memref<2000xf32, #tpu.memory_space<vmem>>
        %gather3A_505 = tpu.vector_load_idx %gather3A_504[%add3A_500] : memref<2000xf32, #tpu.memory_space<vmem>>[vector<16xi32>], vector<16xf32>,
        %gather3A_506 = arith.constant 0 : i32
        %gather3A_507 = arith.constant 0 : i32
        %gather3A_508 = arith.constant 0 : i32
        %gather3A_509 = tpu.memref_slice %arg13[%gather3A_506, %gather3A_507, %gather3A_508] : memref<2x2000x8xf32, #tpu.memory_space<vmem>> -> memref<1x2000x8xf32, #tpu.memory_space<vmem>>
        %gather3A_510 = tpu.memref_squeeze %gather3A_509 : memref<1x2000x8xf32, #tpu.memory_space<vmem>> -> memref<2000x8xf32, #tpu.memory_space<vmem>>
        %gather3A_511 = tpu.vector_load_idx %gather3A_510[%add3A_500, %select_n3A_43] : memref<2000x8xf32, #tpu.memory_space<vmem>>[vector<16xi32>, vector<16xi32>], vector<16xf32>,
        %mul3A_512 = arith.mulf %gather3A_511, %gather3A_505 : vector<16xf32>
        %mul3A_513 = vector.broadcast %select_n3A_245 : f32 to vector<16xf32>
        %mul3A_514 = arith.mulf %mul3A_512, %mul3A_513 : vector<16xf32>
        %scatter3A_515 = arith.constant 0 : i32
        %scatter3A_516 = arith.constant 0 : i32
        %scatter3A_517 = arith.constant 0 : i32
        %scatter3A_518 = tpu.memref_slice %arg14[%scatter3A_515, %scatter3A_516, %scatter3A_517] : memref<2x2000x8xf32, #tpu.memory_space<vmem>> -> memref<1x2000x8xf32, #tpu.memory_space<vmem>>
        %scatter3A_519 = tpu.memref_squeeze %scatter3A_518 : memref<1x2000x8xf32, #tpu.memory_space<vmem>> -> memref<2000x8xf32, #tpu.memory_space<vmem>>
        tpu.vector_store_idx %scatter3A_519[%add3A_500, %select_n3A_43], %mul3A_514 : memref<2000x8xf32, #tpu.memory_space<vmem>>[vector<16xi32>, vector<16xi32>], vector<16xf32>,
        %scan3A_520 = arith.constant 3 : i32
        %scan3A_521 = arith.addi %scan3A_436, %scan3A_520 : i32
        %mul3A_522 = arith.constant 1 : i32
        %mul3A_523 = arith.muli %scan3A_521, %mul3A_522 : i32
        %add3A_524 = arith.constant 0 : i32
        %add3A_525 = arith.addi %add3A_524, %mul3A_523 : i32
        %mul3A_526 = arith.constant 2 : i32
        %mul3A_527 = arith.muli %add3A_525, %mul3A_526 : i32
        %add3A_528 = vector.broadcast %mul3A_527 : i32 to vector<16xi32>
        %add3A_529 = arith.addi %add3A_528, %select_n3A : vector<16xi32>
        %gather3A_530 = arith.constant 0 : i32
        %gather3A_531 = arith.constant 0 : i32
        %gather3A_532 = tpu.memref_slice %arg12[%gather3A_530, %gather3A_531] : memref<2x2000xf32, #tpu.memory_space<vmem>> -> memref<1x2000xf32, #tpu.memory_space<vmem>>
        %gather3A_533 = tpu.memref_squeeze %gather3A_532 : memref<1x2000xf32, #tpu.memory_space<vmem>> -> memref<2000xf32, #tpu.memory_space<vmem>>
        %gather3A_534 = tpu.vector_load_idx %gather3A_533[%add3A_529] : memref<2000xf32, #tpu.memory_space<vmem>>[vector<16xi32>], vector<16xf32>,
        %gather3A_535 = arith.constant 0 : i32
        %gather3A_536 = arith.constant 0 : i32
        %gather3A_537 = arith.constant 0 : i32
        %gather3A_538 = tpu.memref_slice %arg13[%gather3A_535, %gather3A_536, %gather3A_537] : memref<2x2000x8xf32, #tpu.memory_space<vmem>> -> memref<1x2000x8xf32, #tpu.memory_space<vmem>>
        %gather3A_539 = tpu.memref_squeeze %gather3A_538 : memref<1x2000x8xf32, #tpu.memory_space<vmem>> -> memref<2000x8xf32, #tpu.memory_space<vmem>>
        %gather3A_540 = tpu.vector_load_idx %gather3A_539[%add3A_529, %select_n3A_43] : memref<2000x8xf32, #tpu.memory_space<vmem>>[vector<16xi32>, vector<16xi32>], vector<16xf32>,
        %mul3A_541 = arith.mulf %gather3A_540, %gather3A_534 : vector<16xf32>
        %mul3A_542 = vector.broadcast %select_n3A_245 : f32 to vector<16xf32>
        %mul3A_543 = arith.mulf %mul3A_541, %mul3A_542 : vector<16xf32>
        %scatter3A_544 = arith.constant 0 : i32
        %scatter3A_545 = arith.constant 0 : i32
        %scatter3A_546 = arith.constant 0 : i32
        %scatter3A_547 = tpu.memref_slice %arg14[%scatter3A_544, %scatter3A_545, %scatter3A_546] : memref<2x2000x8xf32, #tpu.memory_space<vmem>> -> memref<1x2000x8xf32, #tpu.memory_space<vmem>>
        %scatter3A_548 = tpu.memref_squeeze %scatter3A_547 : memref<1x2000x8xf32, #tpu.memory_space<vmem>> -> memref<2000x8xf32, #tpu.memory_space<vmem>>
        tpu.vector_store_idx %scatter3A_548[%add3A_529, %select_n3A_43], %mul3A_543 : memref<2000x8xf32, #tpu.memory_space<vmem>>[vector<16xi32>, vector<16xi32>], vector<16xf32>,
        %scan3A_549 = arith.constant 4 : i32
        %scan3A_550 = arith.addi %scan3A_436, %scan3A_549 : i32
        %mul3A_551 = arith.constant 1 : i32
        %mul3A_552 = arith.muli %scan3A_550, %mul3A_551 : i32
        %add3A_553 = arith.constant 0 : i32
        %add3A_554 = arith.addi %add3A_553, %mul3A_552 : i32
        %mul3A_555 = arith.constant 2 : i32
        %mul3A_556 = arith.muli %add3A_554, %mul3A_555 : i32
        %add3A_557 = vector.broadcast %mul3A_556 : i32 to vector<16xi32>
        %add3A_558 = arith.addi %add3A_557, %select_n3A : vector<16xi32>
        %gather3A_559 = arith.constant 0 : i32
        %gather3A_560 = arith.constant 0 : i32
        %gather3A_561 = tpu.memref_slice %arg12[%gather3A_559, %gather3A_560] : memref<2x2000xf32, #tpu.memory_space<vmem>> -> memref<1x2000xf32, #tpu.memory_space<vmem>>
        %gather3A_562 = tpu.memref_squeeze %gather3A_561 : memref<1x2000xf32, #tpu.memory_space<vmem>> -> memref<2000xf32, #tpu.memory_space<vmem>>
        %gather3A_563 = tpu.vector_load_idx %gather3A_562[%add3A_558] : memref<2000xf32, #tpu.memory_space<vmem>>[vector<16xi32>], vector<16xf32>,
        %gather3A_564 = arith.constant 0 : i32
        %gather3A_565 = arith.constant 0 : i32
        %gather3A_566 = arith.constant 0 : i32
        %gather3A_567 = tpu.memref_slice %arg13[%gather3A_564, %gather3A_565, %gather3A_566] : memref<2x2000x8xf32, #tpu.memory_space<vmem>> -> memref<1x2000x8xf32, #tpu.memory_space<vmem>>
        %gather3A_568 = tpu.memref_squeeze %gather3A_567 : memref<1x2000x8xf32, #tpu.memory_space<vmem>> -> memref<2000x8xf32, #tpu.memory_space<vmem>>
        %gather3A_569 = tpu.vector_load_idx %gather3A_568[%add3A_558, %select_n3A_43] : memref<2000x8xf32, #tpu.memory_space<vmem>>[vector<16xi32>, vector<16xi32>], vector<16xf32>,
        %mul3A_570 = arith.mulf %gather3A_569, %gather3A_563 : vector<16xf32>
        %mul3A_571 = vector.broadcast %select_n3A_245 : f32 to vector<16xf32>
        %mul3A_572 = arith.mulf %mul3A_570, %mul3A_571 : vector<16xf32>
        %scatter3A_573 = arith.constant 0 : i32
        %scatter3A_574 = arith.constant 0 : i32
        %scatter3A_575 = arith.constant 0 : i32
        %scatter3A_576 = tpu.memref_slice %arg14[%scatter3A_573, %scatter3A_574, %scatter3A_575] : memref<2x2000x8xf32, #tpu.memory_space<vmem>> -> memref<1x2000x8xf32, #tpu.memory_space<vmem>>
        %scatter3A_577 = tpu.memref_squeeze %scatter3A_576 : memref<1x2000x8xf32, #tpu.memory_space<vmem>> -> memref<2000x8xf32, #tpu.memory_space<vmem>>
        tpu.vector_store_idx %scatter3A_577[%add3A_558, %select_n3A_43], %mul3A_572 : memref<2000x8xf32, #tpu.memory_space<vmem>>[vector<16xi32>, vector<16xi32>], vector<16xf32>,
        %scan3A_578 = arith.constant 5 : i32
        %scan3A_579 = arith.addi %scan3A_436, %scan3A_578 : i32
        %mul3A_580 = arith.constant 1 : i32
        %mul3A_581 = arith.muli %scan3A_579, %mul3A_580 : i32
        %add3A_582 = arith.constant 0 : i32
        %add3A_583 = arith.addi %add3A_582, %mul3A_581 : i32
        %mul3A_584 = arith.constant 2 : i32
        %mul3A_585 = arith.muli %add3A_583, %mul3A_584 : i32
        %add3A_586 = vector.broadcast %mul3A_585 : i32 to vector<16xi32>
        %add3A_587 = arith.addi %add3A_586, %select_n3A : vector<16xi32>
        %gather3A_588 = arith.constant 0 : i32
        %gather3A_589 = arith.constant 0 : i32
        %gather3A_590 = tpu.memref_slice %arg12[%gather3A_588, %gather3A_589] : memref<2x2000xf32, #tpu.memory_space<vmem>> -> memref<1x2000xf32, #tpu.memory_space<vmem>>
        %gather3A_591 = tpu.memref_squeeze %gather3A_590 : memref<1x2000xf32, #tpu.memory_space<vmem>> -> memref<2000xf32, #tpu.memory_space<vmem>>
        %gather3A_592 = tpu.vector_load_idx %gather3A_591[%add3A_587] : memref<2000xf32, #tpu.memory_space<vmem>>[vector<16xi32>], vector<16xf32>,
        %gather3A_593 = arith.constant 0 : i32
        %gather3A_594 = arith.constant 0 : i32
        %gather3A_595 = arith.constant 0 : i32
        %gather3A_596 = tpu.memref_slice %arg13[%gather3A_593, %gather3A_594, %gather3A_595] : memref<2x2000x8xf32, #tpu.memory_space<vmem>> -> memref<1x2000x8xf32, #tpu.memory_space<vmem>>
        %gather3A_597 = tpu.memref_squeeze %gather3A_596 : memref<1x2000x8xf32, #tpu.memory_space<vmem>> -> memref<2000x8xf32, #tpu.memory_space<vmem>>
        %gather3A_598 = tpu.vector_load_idx %gather3A_597[%add3A_587, %select_n3A_43] : memref<2000x8xf32, #tpu.memory_space<vmem>>[vector<16xi32>, vector<16xi32>], vector<16xf32>,
        %mul3A_599 = arith.mulf %gather3A_598, %gather3A_592 : vector<16xf32>
        %mul3A_600 = vector.broadcast %select_n3A_245 : f32 to vector<16xf32>
        %mul3A_601 = arith.mulf %mul3A_599, %mul3A_600 : vector<16xf32>
        %scatter3A_602 = arith.constant 0 : i32
        %scatter3A_603 = arith.constant 0 : i32
        %scatter3A_604 = arith.constant 0 : i32
        %scatter3A_605 = tpu.memref_slice %arg14[%scatter3A_602, %scatter3A_603, %scatter3A_604] : memref<2x2000x8xf32, #tpu.memory_space<vmem>> -> memref<1x2000x8xf32, #tpu.memory_space<vmem>>
        %scatter3A_606 = tpu.memref_squeeze %scatter3A_605 : memref<1x2000x8xf32, #tpu.memory_space<vmem>> -> memref<2000x8xf32, #tpu.memory_space<vmem>>
        tpu.vector_store_idx %scatter3A_606[%add3A_587, %select_n3A_43], %mul3A_601 : memref<2000x8xf32, #tpu.memory_space<vmem>>[vector<16xi32>, vector<16xi32>], vector<16xf32>,
        %scan3A_607 = arith.constant 6 : i32
        %scan3A_608 = arith.addi %scan3A_436, %scan3A_607 : i32
        %mul3A_609 = arith.constant 1 : i32
        %mul3A_610 = arith.muli %scan3A_608, %mul3A_609 : i32
        %add3A_611 = arith.constant 0 : i32
        %add3A_612 = arith.addi %add3A_611, %mul3A_610 : i32
        %mul3A_613 = arith.constant 2 : i32
        %mul3A_614 = arith.muli %add3A_612, %mul3A_613 : i32
        %add3A_615 = vector.broadcast %mul3A_614 : i32 to vector<16xi32>
        %add3A_616 = arith.addi %add3A_615, %select_n3A : vector<16xi32>
        %gather3A_617 = arith.constant 0 : i32
        %gather3A_618 = arith.constant 0 : i32
        %gather3A_619 = tpu.memref_slice %arg12[%gather3A_617, %gather3A_618] : memref<2x2000xf32, #tpu.memory_space<vmem>> -> memref<1x2000xf32, #tpu.memory_space<vmem>>
        %gather3A_620 = tpu.memref_squeeze %gather3A_619 : memref<1x2000xf32, #tpu.memory_space<vmem>> -> memref<2000xf32, #tpu.memory_space<vmem>>
        %gather3A_621 = tpu.vector_load_idx %gather3A_620[%add3A_616] : memref<2000xf32, #tpu.memory_space<vmem>>[vector<16xi32>], vector<16xf32>,
        %gather3A_622 = arith.constant 0 : i32
        %gather3A_623 = arith.constant 0 : i32
        %gather3A_624 = arith.constant 0 : i32
        %gather3A_625 = tpu.memref_slice %arg13[%gather3A_622, %gather3A_623, %gather3A_624] : memref<2x2000x8xf32, #tpu.memory_space<vmem>> -> memref<1x2000x8xf32, #tpu.memory_space<vmem>>
        %gather3A_626 = tpu.memref_squeeze %gather3A_625 : memref<1x2000x8xf32, #tpu.memory_space<vmem>> -> memref<2000x8xf32, #tpu.memory_space<vmem>>
        %gather3A_627 = tpu.vector_load_idx %gather3A_626[%add3A_616, %select_n3A_43] : memref<2000x8xf32, #tpu.memory_space<vmem>>[vector<16xi32>, vector<16xi32>], vector<16xf32>,
        %mul3A_628 = arith.mulf %gather3A_627, %gather3A_621 : vector<16xf32>
        %mul3A_629 = vector.broadcast %select_n3A_245 : f32 to vector<16xf32>
        %mul3A_630 = arith.mulf %mul3A_628, %mul3A_629 : vector<16xf32>
        %scatter3A_631 = arith.constant 0 : i32
        %scatter3A_632 = arith.constant 0 : i32
        %scatter3A_633 = arith.constant 0 : i32
        %scatter3A_634 = tpu.memref_slice %arg14[%scatter3A_631, %scatter3A_632, %scatter3A_633] : memref<2x2000x8xf32, #tpu.memory_space<vmem>> -> memref<1x2000x8xf32, #tpu.memory_space<vmem>>
        %scatter3A_635 = tpu.memref_squeeze %scatter3A_634 : memref<1x2000x8xf32, #tpu.memory_space<vmem>> -> memref<2000x8xf32, #tpu.memory_space<vmem>>
        tpu.vector_store_idx %scatter3A_635[%add3A_616, %select_n3A_43], %mul3A_630 : memref<2000x8xf32, #tpu.memory_space<vmem>>[vector<16xi32>, vector<16xi32>], vector<16xf32>,
        %scan3A_636 = arith.constant 7 : i32
        %scan3A_637 = arith.addi %scan3A_436, %scan3A_636 : i32
        %mul3A_638 = arith.constant 1 : i32
        %mul3A_639 = arith.muli %scan3A_637, %mul3A_638 : i32
        %add3A_640 = arith.constant 0 : i32
        %add3A_641 = arith.addi %add3A_640, %mul3A_639 : i32
        %mul3A_642 = arith.constant 2 : i32
        %mul3A_643 = arith.muli %add3A_641, %mul3A_642 : i32
        %add3A_644 = vector.broadcast %mul3A_643 : i32 to vector<16xi32>
        %add3A_645 = arith.addi %add3A_644, %select_n3A : vector<16xi32>
        %gather3A_646 = arith.constant 0 : i32
        %gather3A_647 = arith.constant 0 : i32
        %gather3A_648 = tpu.memref_slice %arg12[%gather3A_646, %gather3A_647] : memref<2x2000xf32, #tpu.memory_space<vmem>> -> memref<1x2000xf32, #tpu.memory_space<vmem>>
        %gather3A_649 = tpu.memref_squeeze %gather3A_648 : memref<1x2000xf32, #tpu.memory_space<vmem>> -> memref<2000xf32, #tpu.memory_space<vmem>>
        %gather3A_650 = tpu.vector_load_idx %gather3A_649[%add3A_645] : memref<2000xf32, #tpu.memory_space<vmem>>[vector<16xi32>], vector<16xf32>,
        %gather3A_651 = arith.constant 0 : i32
        %gather3A_652 = arith.constant 0 : i32
        %gather3A_653 = arith.constant 0 : i32
        %gather3A_654 = tpu.memref_slice %arg13[%gather3A_651, %gather3A_652, %gather3A_653] : memref<2x2000x8xf32, #tpu.memory_space<vmem>> -> memref<1x2000x8xf32, #tpu.memory_space<vmem>>
        %gather3A_655 = tpu.memref_squeeze %gather3A_654 : memref<1x2000x8xf32, #tpu.memory_space<vmem>> -> memref<2000x8xf32, #tpu.memory_space<vmem>>
        %gather3A_656 = tpu.vector_load_idx %gather3A_655[%add3A_645, %select_n3A_43] : memref<2000x8xf32, #tpu.memory_space<vmem>>[vector<16xi32>, vector<16xi32>], vector<16xf32>,
        %mul3A_657 = arith.mulf %gather3A_656, %gather3A_650 : vector<16xf32>
        %mul3A_658 = vector.broadcast %select_n3A_245 : f32 to vector<16xf32>
        %mul3A_659 = arith.mulf %mul3A_657, %mul3A_658 : vector<16xf32>
        %scatter3A_660 = arith.constant 0 : i32
        %scatter3A_661 = arith.constant 0 : i32
        %scatter3A_662 = arith.constant 0 : i32
        %scatter3A_663 = tpu.memref_slice %arg14[%scatter3A_660, %scatter3A_661, %scatter3A_662] : memref<2x2000x8xf32, #tpu.memory_space<vmem>> -> memref<1x2000x8xf32, #tpu.memory_space<vmem>>
        %scatter3A_664 = tpu.memref_squeeze %scatter3A_663 : memref<1x2000x8xf32, #tpu.memory_space<vmem>> -> memref<2000x8xf32, #tpu.memory_space<vmem>>
        tpu.vector_store_idx %scatter3A_664[%add3A_645, %select_n3A_43], %mul3A_659 : memref<2000x8xf32, #tpu.memory_space<vmem>>[vector<16xi32>, vector<16xi32>], vector<16xf32>,
      }
      %scan3A_250 = arith.constant 1000 : i32
      %dma_start3A_251 = arith.constant 0 : i32
      %dma_start3A_252 = arith.constant 0 : i32
      %dma_start3A_253 = arith.constant 0 : i32
      %dma_start3A_254 = arith.constant 0 : i32
      %dma_start3A_255 = tpu.memref_slice %arg14[%dma_start3A_251, %dma_start3A_253, %dma_start3A_254] : memref<2x2000x8xf32, #tpu.memory_space<vmem>> -> memref<1x2000x8xf32, #tpu.memory_space<vmem>>
      %dma_start3A_256 = tpu.memref_squeeze %dma_start3A_255 : memref<1x2000x8xf32, #tpu.memory_space<vmem>> -> memref<2000x8xf32, #tpu.memory_space<vmem>>
      %dma_start3A_257 = arith.constant 0 : i32
      %dma_start3A_258 = tpu.memref_slice %arg11[%dma_start3A_252, %dma_start3A_257] : memref<4x2000xi32, #tpu.memory_space<vmem>> -> memref<1x2000xi32, #tpu.memory_space<vmem>>
      %dma_start3A_259 = tpu.memref_squeeze %dma_start3A_258 : memref<1x2000xi32, #tpu.memory_space<vmem>> -> memref<2000xi32, #tpu.memory_space<vmem>>
      %dma_start3A_260 = arith.constant 0 : i32
      %dma_start3A_261 = arith.constant 0 : i32
      %dma_start3A_262 = tpu.memref_slice %arg9[%dma_start3A_260, %dma_start3A_261] : memref<65536x8xf32, #tpu.memory_space<vmem_shared>> -> memref<65536x8xf32, #tpu.memory_space<vmem_shared>>
      tpu.enqueue_indirect_dma source(%dma_start3A_256 : memref<2000x8xf32, #tpu.memory_space<vmem>>) target(%dma_start3A_262 : memref<65536x8xf32, #tpu.memory_space<vmem_shared>>) offsets(%dma_start3A_259 : memref<2000xi32, #tpu.memory_space<vmem>>) semaphore(%arg21 : memref<!tpu.dma_semaphore, #tpu.memory_space<semaphore_mem>>) {add = true}
      %lt3A_263 = arith.constant 30 : i32
      %lt3A_264 = arith.cmpi slt, %add3A_219, %lt3A_263 : i32
      %convert_element_type3A_265 = arith.extui %lt3A_264 : i1 to i32
      %cond3A_266 = arith.constant 0 : i32
      %cond3A_267 = arith.cmpi ne, %convert_element_type3A_265, %cond3A_266 : i32
      scf.if %cond3A_267 {
        %add3A_436 = arith.constant 2 : i32
        %add3A_437 = arith.addi %add3A_219, %add3A_436 : i32
        %lt3A_438 = arith.constant 31 : i32
        %lt3A_439 = arith.cmpi slt, %add3A_437, %lt3A_438 : i32
        %mul3A_440 = arith.constant 32 : i32
        %mul3A_441 = arith.muli %add3A_437, %mul3A_440 : i32
        %add3A_442 = arith.addi %mul3A_441, %add3A : i32
        %lt3A_443 = arith.constant 8 : i32
        %lt3A_444 = arith.cmpi slt, %add3A, %lt3A_443 : i32
        %add3A_445 = arith.constant 992 : i32
        %add3A_446 = arith.addi %add3A_445, %add3A : i32
        %select_n3A_447 = arith.select %lt3A_444, %add3A_446, %add3A : i32
        %select_n3A_448 = arith.select %lt3A_439, %add3A_442, %select_n3A_447 : i32
        %mul3A_449 = arith.constant 2000 : i32
        %mul3A_450 = arith.muli %select_n3A_448, %mul3A_449 : i32
        %dma_start3A_451 = arith.constant 0 : i32
        %dma_start3A_452 = arith.constant 0 : i32
        %dma_start3A_453 = tpu.memref_slice %arg10[%dma_start3A_451, %dma_start3A_452] : memref<2x2000xi32, #tpu.memory_space<vmem>> -> memref<1x2000xi32, #tpu.memory_space<vmem>>
        %dma_start3A_454 = tpu.memref_squeeze %dma_start3A_453 : memref<1x2000xi32, #tpu.memory_space<vmem>> -> memref<2000xi32, #tpu.memory_space<vmem>>
        %dma_start3A_455 = tpu.memref_slice %arg4[%mul3A_450] : memref<2000000xi32, #tpu.memory_space<hbm>> -> memref<2000xi32, #tpu.memory_space<hbm>>
        %dma_start3A_456 = arith.constant 0 : i32
        %dma_start3A_457 = tpu.memref_slice %arg10[%dma_start3A_451, %dma_start3A_456] : memref<2x2000xi32, #tpu.memory_space<vmem>> -> memref<1x2000xi32, #tpu.memory_space<vmem>>
        %dma_start3A_458 = tpu.memref_squeeze %dma_start3A_457 : memref<1x2000xi32, #tpu.memory_space<vmem>> -> memref<2000xi32, #tpu.memory_space<vmem>>
        %dma_start3A_459 = tpu.memref_slice %arg4[%mul3A_450] : memref<2000000xi32, #tpu.memory_space<hbm>> -> memref<2000xi32, #tpu.memory_space<hbm>>
        tpu.enqueue_dma source(%dma_start3A_459 : memref<2000xi32, #tpu.memory_space<hbm>>) target(%dma_start3A_458 : memref<2000xi32, #tpu.memory_space<vmem>>) target_semaphore(%arg17 : memref<!tpu.dma_semaphore, #tpu.memory_space<semaphore_mem>>)
        %dma_start3A_460 = arith.constant 2 : i32
        %dma_start3A_461 = arith.constant 0 : i32
        %dma_start3A_462 = tpu.memref_slice %arg11[%dma_start3A_460, %dma_start3A_461] : memref<4x2000xi32, #tpu.memory_space<vmem>> -> memref<1x2000xi32, #tpu.memory_space<vmem>>
        %dma_start3A_463 = tpu.memref_squeeze %dma_start3A_462 : memref<1x2000xi32, #tpu.memory_space<vmem>> -> memref<2000xi32, #tpu.memory_space<vmem>>
        %dma_start3A_464 = tpu.memref_slice %arg3[%mul3A_450] : memref<2000000xi32, #tpu.memory_space<hbm>> -> memref<2000xi32, #tpu.memory_space<hbm>>
        %dma_start3A_465 = arith.constant 0 : i32
        %dma_start3A_466 = tpu.memref_slice %arg11[%dma_start3A_460, %dma_start3A_465] : memref<4x2000xi32, #tpu.memory_space<vmem>> -> memref<1x2000xi32, #tpu.memory_space<vmem>>
        %dma_start3A_467 = tpu.memref_squeeze %dma_start3A_466 : memref<1x2000xi32, #tpu.memory_space<vmem>> -> memref<2000xi32, #tpu.memory_space<vmem>>
        %dma_start3A_468 = tpu.memref_slice %arg3[%mul3A_450] : memref<2000000xi32, #tpu.memory_space<hbm>> -> memref<2000xi32, #tpu.memory_space<hbm>>
        tpu.enqueue_dma source(%dma_start3A_468 : memref<2000xi32, #tpu.memory_space<hbm>>) target(%dma_start3A_467 : memref<2000xi32, #tpu.memory_space<vmem>>) target_semaphore(%arg17 : memref<!tpu.dma_semaphore, #tpu.memory_space<semaphore_mem>>)
        %dma_start3A_469 = arith.constant 0 : i32
        %dma_start3A_470 = arith.constant 0 : i32
        %dma_start3A_471 = tpu.memref_slice %arg12[%dma_start3A_469, %dma_start3A_470] : memref<2x2000xf32, #tpu.memory_space<vmem>> -> memref<1x2000xf32, #tpu.memory_space<vmem>>
        %dma_start3A_472 = tpu.memref_squeeze %dma_start3A_471 : memref<1x2000xf32, #tpu.memory_space<vmem>> -> memref<2000xf32, #tpu.memory_space<vmem>>
        %dma_start3A_473 = tpu.memref_slice %arg5[%mul3A_450] : memref<2000000xf32, #tpu.memory_space<hbm>> -> memref<2000xf32, #tpu.memory_space<hbm>>
        %dma_start3A_474 = arith.constant 0 : i32
        %dma_start3A_475 = tpu.memref_slice %arg12[%dma_start3A_469, %dma_start3A_474] : memref<2x2000xf32, #tpu.memory_space<vmem>> -> memref<1x2000xf32, #tpu.memory_space<vmem>>
        %dma_start3A_476 = tpu.memref_squeeze %dma_start3A_475 : memref<1x2000xf32, #tpu.memory_space<vmem>> -> memref<2000xf32, #tpu.memory_space<vmem>>
        %dma_start3A_477 = tpu.memref_slice %arg5[%mul3A_450] : memref<2000000xf32, #tpu.memory_space<hbm>> -> memref<2000xf32, #tpu.memory_space<hbm>>
        tpu.enqueue_dma source(%dma_start3A_477 : memref<2000xf32, #tpu.memory_space<hbm>>) target(%dma_start3A_476 : memref<2000xf32, #tpu.memory_space<vmem>>) target_semaphore(%arg17 : memref<!tpu.dma_semaphore, #tpu.memory_space<semaphore_mem>>)
      } else {
      }
      %mul3A_268 = arith.constant 4 : i32
      %mul3A_269 = arith.muli %add3A_215, %mul3A_268 : i32
      %add3A_270 = arith.constant 1 : i32
      %add3A_271 = arith.addi %mul3A_269, %add3A_270 : i32
      %lt3A_272 = arith.constant 31 : i32
      %lt3A_273 = arith.cmpi slt, %add3A_271, %lt3A_272 : i32
      %convert_element_type3A_274 = arith.extui %lt3A_273 : i1 to i32
      %cond3A_275 = arith.constant 0 : i32
      %cond3A_276 = arith.cmpi ne, %convert_element_type3A_274, %cond3A_275 : i32
      scf.if %cond3A_276 {
        %add3A_436 = arith.constant 1 : i32
        %add3A_437 = arith.addi %add3A_271, %add3A_436 : i32
        %lt3A_438 = arith.constant 31 : i32
        %lt3A_439 = arith.cmpi slt, %add3A_437, %lt3A_438 : i32
        %mul3A_440 = arith.constant 32 : i32
        %mul3A_441 = arith.muli %add3A_437, %mul3A_440 : i32
        %add3A_442 = arith.addi %mul3A_441, %add3A : i32
        %lt3A_443 = arith.constant 8 : i32
        %lt3A_444 = arith.cmpi slt, %add3A, %lt3A_443 : i32
        %add3A_445 = arith.constant 992 : i32
        %add3A_446 = arith.addi %add3A_445, %add3A : i32
        %select_n3A_447 = arith.select %lt3A_444, %add3A_446, %add3A : i32
        %select_n3A_448 = arith.select %lt3A_439, %add3A_442, %select_n3A_447 : i32
        %mul3A_449 = arith.constant 2000 : i32
        %mul3A_450 = arith.muli %select_n3A_448, %mul3A_449 : i32
        %dma_wait3A_451 = arith.constant 0 : i32
        %dma_wait3A_452 = arith.constant 0 : i32
        %dma_wait3A_453 = tpu.memref_slice %arg10[%dma_wait3A_451, %dma_wait3A_452] : memref<2x2000xi32, #tpu.memory_space<vmem>> -> memref<1x2000xi32, #tpu.memory_space<vmem>>
        %dma_wait3A_454 = tpu.memref_squeeze %dma_wait3A_453 : memref<1x2000xi32, #tpu.memory_space<vmem>> -> memref<2000xi32, #tpu.memory_space<vmem>>
        %dma_wait3A_455 = tpu.memref_slice %arg4[%mul3A_450] : memref<2000000xi32, #tpu.memory_space<hbm>> -> memref<2000xi32, #tpu.memory_space<hbm>>
        %dma_wait3A_456 = arith.constant 0 : i32
        %dma_wait3A_457 = tpu.memref_slice %arg10[%dma_wait3A_451, %dma_wait3A_456] : memref<2x2000xi32, #tpu.memory_space<vmem>> -> memref<1x2000xi32, #tpu.memory_space<vmem>>
        %dma_wait3A_458 = tpu.memref_squeeze %dma_wait3A_457 : memref<1x2000xi32, #tpu.memory_space<vmem>> -> memref<2000xi32, #tpu.memory_space<vmem>>
        %dma_wait3A_459 = tpu.memref_slice %arg4[%mul3A_450] : memref<2000000xi32, #tpu.memory_space<hbm>> -> memref<2000xi32, #tpu.memory_space<hbm>>
        tpu.wait_dma2 semaphore(%arg17 : memref<!tpu.dma_semaphore, #tpu.memory_space<semaphore_mem>>) src(%dma_wait3A_459 : memref<2000xi32, #tpu.memory_space<hbm>>) dst(%dma_wait3A_458 : memref<2000xi32, #tpu.memory_space<vmem>>)
        %dma_wait3A_460 = arith.constant 2 : i32
        %dma_wait3A_461 = arith.constant 0 : i32
        %dma_wait3A_462 = tpu.memref_slice %arg11[%dma_wait3A_460, %dma_wait3A_461] : memref<4x2000xi32, #tpu.memory_space<vmem>> -> memref<1x2000xi32, #tpu.memory_space<vmem>>
        %dma_wait3A_463 = tpu.memref_squeeze %dma_wait3A_462 : memref<1x2000xi32, #tpu.memory_space<vmem>> -> memref<2000xi32, #tpu.memory_space<vmem>>
        %dma_wait3A_464 = tpu.memref_slice %arg3[%mul3A_450] : memref<2000000xi32, #tpu.memory_space<hbm>> -> memref<2000xi32, #tpu.memory_space<hbm>>
        %dma_wait3A_465 = arith.constant 0 : i32
        %dma_wait3A_466 = tpu.memref_slice %arg11[%dma_wait3A_460, %dma_wait3A_465] : memref<4x2000xi32, #tpu.memory_space<vmem>> -> memref<1x2000xi32, #tpu.memory_space<vmem>>
        %dma_wait3A_467 = tpu.memref_squeeze %dma_wait3A_466 : memref<1x2000xi32, #tpu.memory_space<vmem>> -> memref<2000xi32, #tpu.memory_space<vmem>>
        %dma_wait3A_468 = tpu.memref_slice %arg3[%mul3A_450] : memref<2000000xi32, #tpu.memory_space<hbm>> -> memref<2000xi32, #tpu.memory_space<hbm>>
        tpu.wait_dma2 semaphore(%arg17 : memref<!tpu.dma_semaphore, #tpu.memory_space<semaphore_mem>>) src(%dma_wait3A_468 : memref<2000xi32, #tpu.memory_space<hbm>>) dst(%dma_wait3A_467 : memref<2000xi32, #tpu.memory_space<vmem>>)
        %dma_wait3A_469 = arith.constant 0 : i32
        %dma_wait3A_470 = arith.constant 0 : i32
        %dma_wait3A_471 = tpu.memref_slice %arg12[%dma_wait3A_469, %dma_wait3A_470] : memref<2x2000xf32, #tpu.memory_space<vmem>> -> memref<1x2000xf32, #tpu.memory_space<vmem>>
        %dma_wait3A_472 = tpu.memref_squeeze %dma_wait3A_471 : memref<1x2000xf32, #tpu.memory_space<vmem>> -> memref<2000xf32, #tpu.memory_space<vmem>>
        %dma_wait3A_473 = tpu.memref_slice %arg5[%mul3A_450] : memref<2000000xf32, #tpu.memory_space<hbm>> -> memref<2000xf32, #tpu.memory_space<hbm>>
        %dma_wait3A_474 = arith.constant 0 : i32
        %dma_wait3A_475 = tpu.memref_slice %arg12[%dma_wait3A_469, %dma_wait3A_474] : memref<2x2000xf32, #tpu.memory_space<vmem>> -> memref<1x2000xf32, #tpu.memory_space<vmem>>
        %dma_wait3A_476 = tpu.memref_squeeze %dma_wait3A_475 : memref<1x2000xf32, #tpu.memory_space<vmem>> -> memref<2000xf32, #tpu.memory_space<vmem>>
        %dma_wait3A_477 = tpu.memref_slice %arg5[%mul3A_450] : memref<2000000xf32, #tpu.memory_space<hbm>> -> memref<2000xf32, #tpu.memory_space<hbm>>
        tpu.wait_dma2 semaphore(%arg17 : memref<!tpu.dma_semaphore, #tpu.memory_space<semaphore_mem>>) src(%dma_wait3A_477 : memref<2000xf32, #tpu.memory_space<hbm>>) dst(%dma_wait3A_476 : memref<2000xf32, #tpu.memory_space<vmem>>)
        %dma_start3A_478 = arith.constant 0 : i32
        %dma_start3A_479 = arith.constant 0 : i32
        %dma_start3A_480 = arith.constant 0 : i32
        %dma_start3A_481 = arith.constant 0 : i32
        %dma_start3A_482 = tpu.memref_slice %arg13[%dma_start3A_479, %dma_start3A_480, %dma_start3A_481] : memref<2x2000x8xf32, #tpu.memory_space<vmem>> -> memref<1x2000x8xf32, #tpu.memory_space<vmem>>
        %dma_start3A_483 = tpu.memref_squeeze %dma_start3A_482 : memref<1x2000x8xf32, #tpu.memory_space<vmem>> -> memref<2000x8xf32, #tpu.memory_space<vmem>>
        %dma_start3A_484 = arith.constant 0 : i32
        %dma_start3A_485 = tpu.memref_slice %arg10[%dma_start3A_478, %dma_start3A_484] : memref<2x2000xi32, #tpu.memory_space<vmem>> -> memref<1x2000xi32, #tpu.memory_space<vmem>>
        %dma_start3A_486 = tpu.memref_squeeze %dma_start3A_485 : memref<1x2000xi32, #tpu.memory_space<vmem>> -> memref<2000xi32, #tpu.memory_space<vmem>>
        %dma_start3A_487 = arith.constant 0 : i32
        %dma_start3A_488 = arith.constant 0 : i32
        %dma_start3A_489 = tpu.memref_slice %arg8[%dma_start3A_487, %dma_start3A_488] : memref<131072x8xf32, #tpu.memory_space<hbm>> -> memref<131072x8xf32, #tpu.memory_space<hbm>>
        tpu.enqueue_indirect_dma source(%dma_start3A_489 : memref<131072x8xf32, #tpu.memory_space<hbm>>) target(%dma_start3A_483 : memref<2000x8xf32, #tpu.memory_space<vmem>>) offsets(%dma_start3A_486 : memref<2000xi32, #tpu.memory_space<vmem>>) semaphore(%arg19 : memref<!tpu.dma_semaphore, #tpu.memory_space<semaphore_mem>>)
      } else {
      }
      %dma_wait3A_277 = arith.constant 1 : i32
      %dma_wait3A_278 = arith.constant 1 : i32
      %dma_wait3A_279 = arith.constant 0 : i32
      %dma_wait3A_280 = arith.constant 0 : i32
      %dma_wait3A_281 = tpu.memref_slice %arg13[%dma_wait3A_278, %dma_wait3A_279, %dma_wait3A_280] : memref<2x2000x8xf32, #tpu.memory_space<vmem>> -> memref<1x2000x8xf32, #tpu.memory_space<vmem>>
      %dma_wait3A_282 = tpu.memref_squeeze %dma_wait3A_281 : memref<1x2000x8xf32, #tpu.memory_space<vmem>> -> memref<2000x8xf32, #tpu.memory_space<vmem>>
      %dma_wait3A_283 = arith.constant 0 : i32
      %dma_wait3A_284 = tpu.memref_slice %arg10[%dma_wait3A_277, %dma_wait3A_283] : memref<2x2000xi32, #tpu.memory_space<vmem>> -> memref<1x2000xi32, #tpu.memory_space<vmem>>
      %dma_wait3A_285 = tpu.memref_squeeze %dma_wait3A_284 : memref<1x2000xi32, #tpu.memory_space<vmem>> -> memref<2000xi32, #tpu.memory_space<vmem>>
      %dma_wait3A_286 = arith.constant 0 : i32
      %dma_wait3A_287 = arith.constant 0 : i32
      %dma_wait3A_288 = tpu.memref_slice %arg8[%dma_wait3A_286, %dma_wait3A_287] : memref<131072x8xf32, #tpu.memory_space<hbm>> -> memref<131072x8xf32, #tpu.memory_space<hbm>>
      tpu.wait_indirect_dma semaphore(%arg20 : memref<!tpu.dma_semaphore, #tpu.memory_space<semaphore_mem>>) src(%dma_wait3A_288 : memref<131072x8xf32, #tpu.memory_space<hbm>>) dst(%dma_wait3A_282 : memref<2000x8xf32, #tpu.memory_space<vmem>>)
      %ge3A_289 = arith.constant 2 : i32
      %ge3A_290 = arith.cmpi sge, %add3A_271, %ge3A_289 : i32
      %convert_element_type3A_291 = arith.extui %ge3A_290 : i1 to i32
      %cond3A_292 = arith.constant 0 : i32
      %cond3A_293 = arith.cmpi ne, %convert_element_type3A_291, %cond3A_292 : i32
      scf.if %cond3A_293 {
        %dma_wait3A_436 = arith.constant 1 : i32
        %dma_wait3A_437 = arith.constant 3 : i32
        %dma_wait3A_438 = arith.constant 0 : i32
        %dma_wait3A_439 = arith.constant 0 : i32
        %dma_wait3A_440 = tpu.memref_slice %arg14[%dma_wait3A_436, %dma_wait3A_438, %dma_wait3A_439] : memref<2x2000x8xf32, #tpu.memory_space<vmem>> -> memref<1x2000x8xf32, #tpu.memory_space<vmem>>
        %dma_wait3A_441 = tpu.memref_squeeze %dma_wait3A_440 : memref<1x2000x8xf32, #tpu.memory_space<vmem>> -> memref<2000x8xf32, #tpu.memory_space<vmem>>
        %dma_wait3A_442 = arith.constant 0 : i32
        %dma_wait3A_443 = tpu.memref_slice %arg11[%dma_wait3A_437, %dma_wait3A_442] : memref<4x2000xi32, #tpu.memory_space<vmem>> -> memref<1x2000xi32, #tpu.memory_space<vmem>>
        %dma_wait3A_444 = tpu.memref_squeeze %dma_wait3A_443 : memref<1x2000xi32, #tpu.memory_space<vmem>> -> memref<2000xi32, #tpu.memory_space<vmem>>
        %dma_wait3A_445 = arith.constant 0 : i32
        %dma_wait3A_446 = arith.constant 0 : i32
        %dma_wait3A_447 = tpu.memref_slice %arg9[%dma_wait3A_445, %dma_wait3A_446] : memref<65536x8xf32, #tpu.memory_space<vmem_shared>> -> memref<65536x8xf32, #tpu.memory_space<vmem_shared>>
        tpu.wait_indirect_dma semaphore(%arg22 : memref<!tpu.dma_semaphore, #tpu.memory_space<semaphore_mem>>) src(%dma_wait3A_441 : memref<2000x8xf32, #tpu.memory_space<vmem>>) dst(%dma_wait3A_447 : memref<65536x8xf32, #tpu.memory_space<vmem_shared>>)
      } else {
      }
      %lt3A_294 = arith.constant 31 : i32
      %lt3A_295 = arith.cmpi slt, %add3A_271, %lt3A_294 : i32
      %lt3A_296 = arith.constant 8 : i32
      %lt3A_297 = arith.cmpi slt, %add3A, %lt3A_296 : i32
      %or3A_298 = arith.ori %lt3A_295, %lt3A_297 : i1
      %jit3A_299 = arith.constant 1.000000e+00 : f32
      %jit3A_300 = arith.constant 0.000000e+00 : f32
      %select_n3A_301 = arith.select %or3A_298, %jit3A_299, %jit3A_300 : f32
      %scan3A_302 = arith.constant 0 : i32
      %scan3A_303 = arith.constant 1000 : i32
      %scan3A_304 = arith.addi %scan3A_302, %scan3A_303 : i32
      %scan3A_305 = arith.constant 8 : i32
      scf.for %scan3A_436 = %scan3A_302 to %scan3A_304 step %scan3A_305  : i32 {
        %mul3A_437 = arith.constant 1 : i32
        %mul3A_438 = arith.muli %scan3A_436, %mul3A_437 : i32
        %add3A_439 = arith.constant 0 : i32
        %add3A_440 = arith.addi %add3A_439, %mul3A_438 : i32
        %mul3A_441 = arith.constant 2 : i32
        %mul3A_442 = arith.muli %add3A_440, %mul3A_441 : i32
        %add3A_443 = vector.broadcast %mul3A_442 : i32 to vector<16xi32>
        %add3A_444 = arith.addi %add3A_443, %select_n3A : vector<16xi32>
        %gather3A = arith.constant 1 : i32
        %gather3A_445 = arith.constant 0 : i32
        %gather3A_446 = tpu.memref_slice %arg12[%gather3A, %gather3A_445] : memref<2x2000xf32, #tpu.memory_space<vmem>> -> memref<1x2000xf32, #tpu.memory_space<vmem>>
        %gather3A_447 = tpu.memref_squeeze %gather3A_446 : memref<1x2000xf32, #tpu.memory_space<vmem>> -> memref<2000xf32, #tpu.memory_space<vmem>>
        %gather3A_448 = tpu.vector_load_idx %gather3A_447[%add3A_444] : memref<2000xf32, #tpu.memory_space<vmem>>[vector<16xi32>], vector<16xf32>,
        %gather3A_449 = arith.constant 1 : i32
        %gather3A_450 = arith.constant 0 : i32
        %gather3A_451 = arith.constant 0 : i32
        %gather3A_452 = tpu.memref_slice %arg13[%gather3A_449, %gather3A_450, %gather3A_451] : memref<2x2000x8xf32, #tpu.memory_space<vmem>> -> memref<1x2000x8xf32, #tpu.memory_space<vmem>>
        %gather3A_453 = tpu.memref_squeeze %gather3A_452 : memref<1x2000x8xf32, #tpu.memory_space<vmem>> -> memref<2000x8xf32, #tpu.memory_space<vmem>>
        %gather3A_454 = tpu.vector_load_idx %gather3A_453[%add3A_444, %select_n3A_43] : memref<2000x8xf32, #tpu.memory_space<vmem>>[vector<16xi32>, vector<16xi32>], vector<16xf32>,
        %mul3A_455 = arith.mulf %gather3A_454, %gather3A_448 : vector<16xf32>
        %mul3A_456 = vector.broadcast %select_n3A_301 : f32 to vector<16xf32>
        %mul3A_457 = arith.mulf %mul3A_455, %mul3A_456 : vector<16xf32>
        %scatter3A = arith.constant 1 : i32
        %scatter3A_458 = arith.constant 0 : i32
        %scatter3A_459 = arith.constant 0 : i32
        %scatter3A_460 = tpu.memref_slice %arg14[%scatter3A, %scatter3A_458, %scatter3A_459] : memref<2x2000x8xf32, #tpu.memory_space<vmem>> -> memref<1x2000x8xf32, #tpu.memory_space<vmem>>
        %scatter3A_461 = tpu.memref_squeeze %scatter3A_460 : memref<1x2000x8xf32, #tpu.memory_space<vmem>> -> memref<2000x8xf32, #tpu.memory_space<vmem>>
        tpu.vector_store_idx %scatter3A_461[%add3A_444, %select_n3A_43], %mul3A_457 : memref<2000x8xf32, #tpu.memory_space<vmem>>[vector<16xi32>, vector<16xi32>], vector<16xf32>,
        %scan3A_462 = arith.constant 1 : i32
        %scan3A_463 = arith.addi %scan3A_436, %scan3A_462 : i32
        %mul3A_464 = arith.constant 1 : i32
        %mul3A_465 = arith.muli %scan3A_463, %mul3A_464 : i32
        %add3A_466 = arith.constant 0 : i32
        %add3A_467 = arith.addi %add3A_466, %mul3A_465 : i32
        %mul3A_468 = arith.constant 2 : i32
        %mul3A_469 = arith.muli %add3A_467, %mul3A_468 : i32
        %add3A_470 = vector.broadcast %mul3A_469 : i32 to vector<16xi32>
        %add3A_471 = arith.addi %add3A_470, %select_n3A : vector<16xi32>
        %gather3A_472 = arith.constant 1 : i32
        %gather3A_473 = arith.constant 0 : i32
        %gather3A_474 = tpu.memref_slice %arg12[%gather3A_472, %gather3A_473] : memref<2x2000xf32, #tpu.memory_space<vmem>> -> memref<1x2000xf32, #tpu.memory_space<vmem>>
        %gather3A_475 = tpu.memref_squeeze %gather3A_474 : memref<1x2000xf32, #tpu.memory_space<vmem>> -> memref<2000xf32, #tpu.memory_space<vmem>>
        %gather3A_476 = tpu.vector_load_idx %gather3A_475[%add3A_471] : memref<2000xf32, #tpu.memory_space<vmem>>[vector<16xi32>], vector<16xf32>,
        %gather3A_477 = arith.constant 1 : i32
        %gather3A_478 = arith.constant 0 : i32
        %gather3A_479 = arith.constant 0 : i32
        %gather3A_480 = tpu.memref_slice %arg13[%gather3A_477, %gather3A_478, %gather3A_479] : memref<2x2000x8xf32, #tpu.memory_space<vmem>> -> memref<1x2000x8xf32, #tpu.memory_space<vmem>>
        %gather3A_481 = tpu.memref_squeeze %gather3A_480 : memref<1x2000x8xf32, #tpu.memory_space<vmem>> -> memref<2000x8xf32, #tpu.memory_space<vmem>>
        %gather3A_482 = tpu.vector_load_idx %gather3A_481[%add3A_471, %select_n3A_43] : memref<2000x8xf32, #tpu.memory_space<vmem>>[vector<16xi32>, vector<16xi32>], vector<16xf32>,
        %mul3A_483 = arith.mulf %gather3A_482, %gather3A_476 : vector<16xf32>
        %mul3A_484 = vector.broadcast %select_n3A_301 : f32 to vector<16xf32>
        %mul3A_485 = arith.mulf %mul3A_483, %mul3A_484 : vector<16xf32>
        %scatter3A_486 = arith.constant 1 : i32
        %scatter3A_487 = arith.constant 0 : i32
        %scatter3A_488 = arith.constant 0 : i32
        %scatter3A_489 = tpu.memref_slice %arg14[%scatter3A_486, %scatter3A_487, %scatter3A_488] : memref<2x2000x8xf32, #tpu.memory_space<vmem>> -> memref<1x2000x8xf32, #tpu.memory_space<vmem>>
        %scatter3A_490 = tpu.memref_squeeze %scatter3A_489 : memref<1x2000x8xf32, #tpu.memory_space<vmem>> -> memref<2000x8xf32, #tpu.memory_space<vmem>>
        tpu.vector_store_idx %scatter3A_490[%add3A_471, %select_n3A_43], %mul3A_485 : memref<2000x8xf32, #tpu.memory_space<vmem>>[vector<16xi32>, vector<16xi32>], vector<16xf32>,
        %scan3A_491 = arith.constant 2 : i32
        %scan3A_492 = arith.addi %scan3A_436, %scan3A_491 : i32
        %mul3A_493 = arith.constant 1 : i32
        %mul3A_494 = arith.muli %scan3A_492, %mul3A_493 : i32
        %add3A_495 = arith.constant 0 : i32
        %add3A_496 = arith.addi %add3A_495, %mul3A_494 : i32
        %mul3A_497 = arith.constant 2 : i32
        %mul3A_498 = arith.muli %add3A_496, %mul3A_497 : i32
        %add3A_499 = vector.broadcast %mul3A_498 : i32 to vector<16xi32>
        %add3A_500 = arith.addi %add3A_499, %select_n3A : vector<16xi32>
        %gather3A_501 = arith.constant 1 : i32
        %gather3A_502 = arith.constant 0 : i32
        %gather3A_503 = tpu.memref_slice %arg12[%gather3A_501, %gather3A_502] : memref<2x2000xf32, #tpu.memory_space<vmem>> -> memref<1x2000xf32, #tpu.memory_space<vmem>>
        %gather3A_504 = tpu.memref_squeeze %gather3A_503 : memref<1x2000xf32, #tpu.memory_space<vmem>> -> memref<2000xf32, #tpu.memory_space<vmem>>
        %gather3A_505 = tpu.vector_load_idx %gather3A_504[%add3A_500] : memref<2000xf32, #tpu.memory_space<vmem>>[vector<16xi32>], vector<16xf32>,
        %gather3A_506 = arith.constant 1 : i32
        %gather3A_507 = arith.constant 0 : i32
        %gather3A_508 = arith.constant 0 : i32
        %gather3A_509 = tpu.memref_slice %arg13[%gather3A_506, %gather3A_507, %gather3A_508] : memref<2x2000x8xf32, #tpu.memory_space<vmem>> -> memref<1x2000x8xf32, #tpu.memory_space<vmem>>
        %gather3A_510 = tpu.memref_squeeze %gather3A_509 : memref<1x2000x8xf32, #tpu.memory_space<vmem>> -> memref<2000x8xf32, #tpu.memory_space<vmem>>
        %gather3A_511 = tpu.vector_load_idx %gather3A_510[%add3A_500, %select_n3A_43] : memref<2000x8xf32, #tpu.memory_space<vmem>>[vector<16xi32>, vector<16xi32>], vector<16xf32>,
        %mul3A_512 = arith.mulf %gather3A_511, %gather3A_505 : vector<16xf32>
        %mul3A_513 = vector.broadcast %select_n3A_301 : f32 to vector<16xf32>
        %mul3A_514 = arith.mulf %mul3A_512, %mul3A_513 : vector<16xf32>
        %scatter3A_515 = arith.constant 1 : i32
        %scatter3A_516 = arith.constant 0 : i32
        %scatter3A_517 = arith.constant 0 : i32
        %scatter3A_518 = tpu.memref_slice %arg14[%scatter3A_515, %scatter3A_516, %scatter3A_517] : memref<2x2000x8xf32, #tpu.memory_space<vmem>> -> memref<1x2000x8xf32, #tpu.memory_space<vmem>>
        %scatter3A_519 = tpu.memref_squeeze %scatter3A_518 : memref<1x2000x8xf32, #tpu.memory_space<vmem>> -> memref<2000x8xf32, #tpu.memory_space<vmem>>
        tpu.vector_store_idx %scatter3A_519[%add3A_500, %select_n3A_43], %mul3A_514 : memref<2000x8xf32, #tpu.memory_space<vmem>>[vector<16xi32>, vector<16xi32>], vector<16xf32>,
        %scan3A_520 = arith.constant 3 : i32
        %scan3A_521 = arith.addi %scan3A_436, %scan3A_520 : i32
        %mul3A_522 = arith.constant 1 : i32
        %mul3A_523 = arith.muli %scan3A_521, %mul3A_522 : i32
        %add3A_524 = arith.constant 0 : i32
        %add3A_525 = arith.addi %add3A_524, %mul3A_523 : i32
        %mul3A_526 = arith.constant 2 : i32
        %mul3A_527 = arith.muli %add3A_525, %mul3A_526 : i32
        %add3A_528 = vector.broadcast %mul3A_527 : i32 to vector<16xi32>
        %add3A_529 = arith.addi %add3A_528, %select_n3A : vector<16xi32>
        %gather3A_530 = arith.constant 1 : i32
        %gather3A_531 = arith.constant 0 : i32
        %gather3A_532 = tpu.memref_slice %arg12[%gather3A_530, %gather3A_531] : memref<2x2000xf32, #tpu.memory_space<vmem>> -> memref<1x2000xf32, #tpu.memory_space<vmem>>
        %gather3A_533 = tpu.memref_squeeze %gather3A_532 : memref<1x2000xf32, #tpu.memory_space<vmem>> -> memref<2000xf32, #tpu.memory_space<vmem>>
        %gather3A_534 = tpu.vector_load_idx %gather3A_533[%add3A_529] : memref<2000xf32, #tpu.memory_space<vmem>>[vector<16xi32>], vector<16xf32>,
        %gather3A_535 = arith.constant 1 : i32
        %gather3A_536 = arith.constant 0 : i32
        %gather3A_537 = arith.constant 0 : i32
        %gather3A_538 = tpu.memref_slice %arg13[%gather3A_535, %gather3A_536, %gather3A_537] : memref<2x2000x8xf32, #tpu.memory_space<vmem>> -> memref<1x2000x8xf32, #tpu.memory_space<vmem>>
        %gather3A_539 = tpu.memref_squeeze %gather3A_538 : memref<1x2000x8xf32, #tpu.memory_space<vmem>> -> memref<2000x8xf32, #tpu.memory_space<vmem>>
        %gather3A_540 = tpu.vector_load_idx %gather3A_539[%add3A_529, %select_n3A_43] : memref<2000x8xf32, #tpu.memory_space<vmem>>[vector<16xi32>, vector<16xi32>], vector<16xf32>,
        %mul3A_541 = arith.mulf %gather3A_540, %gather3A_534 : vector<16xf32>
        %mul3A_542 = vector.broadcast %select_n3A_301 : f32 to vector<16xf32>
        %mul3A_543 = arith.mulf %mul3A_541, %mul3A_542 : vector<16xf32>
        %scatter3A_544 = arith.constant 1 : i32
        %scatter3A_545 = arith.constant 0 : i32
        %scatter3A_546 = arith.constant 0 : i32
        %scatter3A_547 = tpu.memref_slice %arg14[%scatter3A_544, %scatter3A_545, %scatter3A_546] : memref<2x2000x8xf32, #tpu.memory_space<vmem>> -> memref<1x2000x8xf32, #tpu.memory_space<vmem>>
        %scatter3A_548 = tpu.memref_squeeze %scatter3A_547 : memref<1x2000x8xf32, #tpu.memory_space<vmem>> -> memref<2000x8xf32, #tpu.memory_space<vmem>>
        tpu.vector_store_idx %scatter3A_548[%add3A_529, %select_n3A_43], %mul3A_543 : memref<2000x8xf32, #tpu.memory_space<vmem>>[vector<16xi32>, vector<16xi32>], vector<16xf32>,
        %scan3A_549 = arith.constant 4 : i32
        %scan3A_550 = arith.addi %scan3A_436, %scan3A_549 : i32
        %mul3A_551 = arith.constant 1 : i32
        %mul3A_552 = arith.muli %scan3A_550, %mul3A_551 : i32
        %add3A_553 = arith.constant 0 : i32
        %add3A_554 = arith.addi %add3A_553, %mul3A_552 : i32
        %mul3A_555 = arith.constant 2 : i32
        %mul3A_556 = arith.muli %add3A_554, %mul3A_555 : i32
        %add3A_557 = vector.broadcast %mul3A_556 : i32 to vector<16xi32>
        %add3A_558 = arith.addi %add3A_557, %select_n3A : vector<16xi32>
        %gather3A_559 = arith.constant 1 : i32
        %gather3A_560 = arith.constant 0 : i32
        %gather3A_561 = tpu.memref_slice %arg12[%gather3A_559, %gather3A_560] : memref<2x2000xf32, #tpu.memory_space<vmem>> -> memref<1x2000xf32, #tpu.memory_space<vmem>>
        %gather3A_562 = tpu.memref_squeeze %gather3A_561 : memref<1x2000xf32, #tpu.memory_space<vmem>> -> memref<2000xf32, #tpu.memory_space<vmem>>
        %gather3A_563 = tpu.vector_load_idx %gather3A_562[%add3A_558] : memref<2000xf32, #tpu.memory_space<vmem>>[vector<16xi32>], vector<16xf32>,
        %gather3A_564 = arith.constant 1 : i32
        %gather3A_565 = arith.constant 0 : i32
        %gather3A_566 = arith.constant 0 : i32
        %gather3A_567 = tpu.memref_slice %arg13[%gather3A_564, %gather3A_565, %gather3A_566] : memref<2x2000x8xf32, #tpu.memory_space<vmem>> -> memref<1x2000x8xf32, #tpu.memory_space<vmem>>
        %gather3A_568 = tpu.memref_squeeze %gather3A_567 : memref<1x2000x8xf32, #tpu.memory_space<vmem>> -> memref<2000x8xf32, #tpu.memory_space<vmem>>
        %gather3A_569 = tpu.vector_load_idx %gather3A_568[%add3A_558, %select_n3A_43] : memref<2000x8xf32, #tpu.memory_space<vmem>>[vector<16xi32>, vector<16xi32>], vector<16xf32>,
        %mul3A_570 = arith.mulf %gather3A_569, %gather3A_563 : vector<16xf32>
        %mul3A_571 = vector.broadcast %select_n3A_301 : f32 to vector<16xf32>
        %mul3A_572 = arith.mulf %mul3A_570, %mul3A_571 : vector<16xf32>
        %scatter3A_573 = arith.constant 1 : i32
        %scatter3A_574 = arith.constant 0 : i32
        %scatter3A_575 = arith.constant 0 : i32
        %scatter3A_576 = tpu.memref_slice %arg14[%scatter3A_573, %scatter3A_574, %scatter3A_575] : memref<2x2000x8xf32, #tpu.memory_space<vmem>> -> memref<1x2000x8xf32, #tpu.memory_space<vmem>>
        %scatter3A_577 = tpu.memref_squeeze %scatter3A_576 : memref<1x2000x8xf32, #tpu.memory_space<vmem>> -> memref<2000x8xf32, #tpu.memory_space<vmem>>
        tpu.vector_store_idx %scatter3A_577[%add3A_558, %select_n3A_43], %mul3A_572 : memref<2000x8xf32, #tpu.memory_space<vmem>>[vector<16xi32>, vector<16xi32>], vector<16xf32>,
        %scan3A_578 = arith.constant 5 : i32
        %scan3A_579 = arith.addi %scan3A_436, %scan3A_578 : i32
        %mul3A_580 = arith.constant 1 : i32
        %mul3A_581 = arith.muli %scan3A_579, %mul3A_580 : i32
        %add3A_582 = arith.constant 0 : i32
        %add3A_583 = arith.addi %add3A_582, %mul3A_581 : i32
        %mul3A_584 = arith.constant 2 : i32
        %mul3A_585 = arith.muli %add3A_583, %mul3A_584 : i32
        %add3A_586 = vector.broadcast %mul3A_585 : i32 to vector<16xi32>
        %add3A_587 = arith.addi %add3A_586, %select_n3A : vector<16xi32>
        %gather3A_588 = arith.constant 1 : i32
        %gather3A_589 = arith.constant 0 : i32
        %gather3A_590 = tpu.memref_slice %arg12[%gather3A_588, %gather3A_589] : memref<2x2000xf32, #tpu.memory_space<vmem>> -> memref<1x2000xf32, #tpu.memory_space<vmem>>
        %gather3A_591 = tpu.memref_squeeze %gather3A_590 : memref<1x2000xf32, #tpu.memory_space<vmem>> -> memref<2000xf32, #tpu.memory_space<vmem>>
        %gather3A_592 = tpu.vector_load_idx %gather3A_591[%add3A_587] : memref<2000xf32, #tpu.memory_space<vmem>>[vector<16xi32>], vector<16xf32>,
        %gather3A_593 = arith.constant 1 : i32
        %gather3A_594 = arith.constant 0 : i32
        %gather3A_595 = arith.constant 0 : i32
        %gather3A_596 = tpu.memref_slice %arg13[%gather3A_593, %gather3A_594, %gather3A_595] : memref<2x2000x8xf32, #tpu.memory_space<vmem>> -> memref<1x2000x8xf32, #tpu.memory_space<vmem>>
        %gather3A_597 = tpu.memref_squeeze %gather3A_596 : memref<1x2000x8xf32, #tpu.memory_space<vmem>> -> memref<2000x8xf32, #tpu.memory_space<vmem>>
        %gather3A_598 = tpu.vector_load_idx %gather3A_597[%add3A_587, %select_n3A_43] : memref<2000x8xf32, #tpu.memory_space<vmem>>[vector<16xi32>, vector<16xi32>], vector<16xf32>,
        %mul3A_599 = arith.mulf %gather3A_598, %gather3A_592 : vector<16xf32>
        %mul3A_600 = vector.broadcast %select_n3A_301 : f32 to vector<16xf32>
        %mul3A_601 = arith.mulf %mul3A_599, %mul3A_600 : vector<16xf32>
        %scatter3A_602 = arith.constant 1 : i32
        %scatter3A_603 = arith.constant 0 : i32
        %scatter3A_604 = arith.constant 0 : i32
        %scatter3A_605 = tpu.memref_slice %arg14[%scatter3A_602, %scatter3A_603, %scatter3A_604] : memref<2x2000x8xf32, #tpu.memory_space<vmem>> -> memref<1x2000x8xf32, #tpu.memory_space<vmem>>
        %scatter3A_606 = tpu.memref_squeeze %scatter3A_605 : memref<1x2000x8xf32, #tpu.memory_space<vmem>> -> memref<2000x8xf32, #tpu.memory_space<vmem>>
        tpu.vector_store_idx %scatter3A_606[%add3A_587, %select_n3A_43], %mul3A_601 : memref<2000x8xf32, #tpu.memory_space<vmem>>[vector<16xi32>, vector<16xi32>], vector<16xf32>,
        %scan3A_607 = arith.constant 6 : i32
        %scan3A_608 = arith.addi %scan3A_436, %scan3A_607 : i32
        %mul3A_609 = arith.constant 1 : i32
        %mul3A_610 = arith.muli %scan3A_608, %mul3A_609 : i32
        %add3A_611 = arith.constant 0 : i32
        %add3A_612 = arith.addi %add3A_611, %mul3A_610 : i32
        %mul3A_613 = arith.constant 2 : i32
        %mul3A_614 = arith.muli %add3A_612, %mul3A_613 : i32
        %add3A_615 = vector.broadcast %mul3A_614 : i32 to vector<16xi32>
        %add3A_616 = arith.addi %add3A_615, %select_n3A : vector<16xi32>
        %gather3A_617 = arith.constant 1 : i32
        %gather3A_618 = arith.constant 0 : i32
        %gather3A_619 = tpu.memref_slice %arg12[%gather3A_617, %gather3A_618] : memref<2x2000xf32, #tpu.memory_space<vmem>> -> memref<1x2000xf32, #tpu.memory_space<vmem>>
        %gather3A_620 = tpu.memref_squeeze %gather3A_619 : memref<1x2000xf32, #tpu.memory_space<vmem>> -> memref<2000xf32, #tpu.memory_space<vmem>>
        %gather3A_621 = tpu.vector_load_idx %gather3A_620[%add3A_616] : memref<2000xf32, #tpu.memory_space<vmem>>[vector<16xi32>], vector<16xf32>,
        %gather3A_622 = arith.constant 1 : i32
        %gather3A_623 = arith.constant 0 : i32
        %gather3A_624 = arith.constant 0 : i32
        %gather3A_625 = tpu.memref_slice %arg13[%gather3A_622, %gather3A_623, %gather3A_624] : memref<2x2000x8xf32, #tpu.memory_space<vmem>> -> memref<1x2000x8xf32, #tpu.memory_space<vmem>>
        %gather3A_626 = tpu.memref_squeeze %gather3A_625 : memref<1x2000x8xf32, #tpu.memory_space<vmem>> -> memref<2000x8xf32, #tpu.memory_space<vmem>>
        %gather3A_627 = tpu.vector_load_idx %gather3A_626[%add3A_616, %select_n3A_43] : memref<2000x8xf32, #tpu.memory_space<vmem>>[vector<16xi32>, vector<16xi32>], vector<16xf32>,
        %mul3A_628 = arith.mulf %gather3A_627, %gather3A_621 : vector<16xf32>
        %mul3A_629 = vector.broadcast %select_n3A_301 : f32 to vector<16xf32>
        %mul3A_630 = arith.mulf %mul3A_628, %mul3A_629 : vector<16xf32>
        %scatter3A_631 = arith.constant 1 : i32
        %scatter3A_632 = arith.constant 0 : i32
        %scatter3A_633 = arith.constant 0 : i32
        %scatter3A_634 = tpu.memref_slice %arg14[%scatter3A_631, %scatter3A_632, %scatter3A_633] : memref<2x2000x8xf32, #tpu.memory_space<vmem>> -> memref<1x2000x8xf32, #tpu.memory_space<vmem>>
        %scatter3A_635 = tpu.memref_squeeze %scatter3A_634 : memref<1x2000x8xf32, #tpu.memory_space<vmem>> -> memref<2000x8xf32, #tpu.memory_space<vmem>>
        tpu.vector_store_idx %scatter3A_635[%add3A_616, %select_n3A_43], %mul3A_630 : memref<2000x8xf32, #tpu.memory_space<vmem>>[vector<16xi32>, vector<16xi32>], vector<16xf32>,
        %scan3A_636 = arith.constant 7 : i32
        %scan3A_637 = arith.addi %scan3A_436, %scan3A_636 : i32
        %mul3A_638 = arith.constant 1 : i32
        %mul3A_639 = arith.muli %scan3A_637, %mul3A_638 : i32
        %add3A_640 = arith.constant 0 : i32
        %add3A_641 = arith.addi %add3A_640, %mul3A_639 : i32
        %mul3A_642 = arith.constant 2 : i32
        %mul3A_643 = arith.muli %add3A_641, %mul3A_642 : i32
        %add3A_644 = vector.broadcast %mul3A_643 : i32 to vector<16xi32>
        %add3A_645 = arith.addi %add3A_644, %select_n3A : vector<16xi32>
        %gather3A_646 = arith.constant 1 : i32
        %gather3A_647 = arith.constant 0 : i32
        %gather3A_648 = tpu.memref_slice %arg12[%gather3A_646, %gather3A_647] : memref<2x2000xf32, #tpu.memory_space<vmem>> -> memref<1x2000xf32, #tpu.memory_space<vmem>>
        %gather3A_649 = tpu.memref_squeeze %gather3A_648 : memref<1x2000xf32, #tpu.memory_space<vmem>> -> memref<2000xf32, #tpu.memory_space<vmem>>
        %gather3A_650 = tpu.vector_load_idx %gather3A_649[%add3A_645] : memref<2000xf32, #tpu.memory_space<vmem>>[vector<16xi32>], vector<16xf32>,
        %gather3A_651 = arith.constant 1 : i32
        %gather3A_652 = arith.constant 0 : i32
        %gather3A_653 = arith.constant 0 : i32
        %gather3A_654 = tpu.memref_slice %arg13[%gather3A_651, %gather3A_652, %gather3A_653] : memref<2x2000x8xf32, #tpu.memory_space<vmem>> -> memref<1x2000x8xf32, #tpu.memory_space<vmem>>
        %gather3A_655 = tpu.memref_squeeze %gather3A_654 : memref<1x2000x8xf32, #tpu.memory_space<vmem>> -> memref<2000x8xf32, #tpu.memory_space<vmem>>
        %gather3A_656 = tpu.vector_load_idx %gather3A_655[%add3A_645, %select_n3A_43] : memref<2000x8xf32, #tpu.memory_space<vmem>>[vector<16xi32>, vector<16xi32>], vector<16xf32>,
        %mul3A_657 = arith.mulf %gather3A_656, %gather3A_650 : vector<16xf32>
        %mul3A_658 = vector.broadcast %select_n3A_301 : f32 to vector<16xf32>
        %mul3A_659 = arith.mulf %mul3A_657, %mul3A_658 : vector<16xf32>
        %scatter3A_660 = arith.constant 1 : i32
        %scatter3A_661 = arith.constant 0 : i32
        %scatter3A_662 = arith.constant 0 : i32
        %scatter3A_663 = tpu.memref_slice %arg14[%scatter3A_660, %scatter3A_661, %scatter3A_662] : memref<2x2000x8xf32, #tpu.memory_space<vmem>> -> memref<1x2000x8xf32, #tpu.memory_space<vmem>>
        %scatter3A_664 = tpu.memref_squeeze %scatter3A_663 : memref<1x2000x8xf32, #tpu.memory_space<vmem>> -> memref<2000x8xf32, #tpu.memory_space<vmem>>
        tpu.vector_store_idx %scatter3A_664[%add3A_645, %select_n3A_43], %mul3A_659 : memref<2000x8xf32, #tpu.memory_space<vmem>>[vector<16xi32>, vector<16xi32>], vector<16xf32>,
      }
      %scan3A_306 = arith.constant 1000 : i32
      %dma_start3A_307 = arith.constant 1 : i32
      %dma_start3A_308 = arith.constant 1 : i32
      %dma_start3A_309 = arith.constant 0 : i32
      %dma_start3A_310 = arith.constant 0 : i32
      %dma_start3A_311 = tpu.memref_slice %arg14[%dma_start3A_307, %dma_start3A_309, %dma_start3A_310] : memref<2x2000x8xf32, #tpu.memory_space<vmem>> -> memref<1x2000x8xf32, #tpu.memory_space<vmem>>
      %dma_start3A_312 = tpu.memref_squeeze %dma_start3A_311 : memref<1x2000x8xf32, #tpu.memory_space<vmem>> -> memref<2000x8xf32, #tpu.memory_space<vmem>>
      %dma_start3A_313 = arith.constant 0 : i32
      %dma_start3A_314 = tpu.memref_slice %arg11[%dma_start3A_308, %dma_start3A_313] : memref<4x2000xi32, #tpu.memory_space<vmem>> -> memref<1x2000xi32, #tpu.memory_space<vmem>>
      %dma_start3A_315 = tpu.memref_squeeze %dma_start3A_314 : memref<1x2000xi32, #tpu.memory_space<vmem>> -> memref<2000xi32, #tpu.memory_space<vmem>>
      %dma_start3A_316 = arith.constant 0 : i32
      %dma_start3A_317 = arith.constant 0 : i32
      %dma_start3A_318 = tpu.memref_slice %arg9[%dma_start3A_316, %dma_start3A_317] : memref<65536x8xf32, #tpu.memory_space<vmem_shared>> -> memref<65536x8xf32, #tpu.memory_space<vmem_shared>>
      tpu.enqueue_indirect_dma source(%dma_start3A_312 : memref<2000x8xf32, #tpu.memory_space<vmem>>) target(%dma_start3A_318 : memref<65536x8xf32, #tpu.memory_space<vmem_shared>>) offsets(%dma_start3A_315 : memref<2000xi32, #tpu.memory_space<vmem>>) semaphore(%arg22 : memref<!tpu.dma_semaphore, #tpu.memory_space<semaphore_mem>>) {add = true}
      %lt3A_319 = arith.constant 30 : i32
      %lt3A_320 = arith.cmpi slt, %add3A_271, %lt3A_319 : i32
      %convert_element_type3A_321 = arith.extui %lt3A_320 : i1 to i32
      %cond3A_322 = arith.constant 0 : i32
      %cond3A_323 = arith.cmpi ne, %convert_element_type3A_321, %cond3A_322 : i32
      scf.if %cond3A_323 {
        %add3A_436 = arith.constant 2 : i32
        %add3A_437 = arith.addi %add3A_271, %add3A_436 : i32
        %lt3A_438 = arith.constant 31 : i32
        %lt3A_439 = arith.cmpi slt, %add3A_437, %lt3A_438 : i32
        %mul3A_440 = arith.constant 32 : i32
        %mul3A_441 = arith.muli %add3A_437, %mul3A_440 : i32
        %add3A_442 = arith.addi %mul3A_441, %add3A : i32
        %lt3A_443 = arith.constant 8 : i32
        %lt3A_444 = arith.cmpi slt, %add3A, %lt3A_443 : i32
        %add3A_445 = arith.constant 992 : i32
        %add3A_446 = arith.addi %add3A_445, %add3A : i32
        %select_n3A_447 = arith.select %lt3A_444, %add3A_446, %add3A : i32
        %select_n3A_448 = arith.select %lt3A_439, %add3A_442, %select_n3A_447 : i32
        %mul3A_449 = arith.constant 2000 : i32
        %mul3A_450 = arith.muli %select_n3A_448, %mul3A_449 : i32
        %dma_start3A_451 = arith.constant 1 : i32
        %dma_start3A_452 = arith.constant 0 : i32
        %dma_start3A_453 = tpu.memref_slice %arg10[%dma_start3A_451, %dma_start3A_452] : memref<2x2000xi32, #tpu.memory_space<vmem>> -> memref<1x2000xi32, #tpu.memory_space<vmem>>
        %dma_start3A_454 = tpu.memref_squeeze %dma_start3A_453 : memref<1x2000xi32, #tpu.memory_space<vmem>> -> memref<2000xi32, #tpu.memory_space<vmem>>
        %dma_start3A_455 = tpu.memref_slice %arg4[%mul3A_450] : memref<2000000xi32, #tpu.memory_space<hbm>> -> memref<2000xi32, #tpu.memory_space<hbm>>
        %dma_start3A_456 = arith.constant 0 : i32
        %dma_start3A_457 = tpu.memref_slice %arg10[%dma_start3A_451, %dma_start3A_456] : memref<2x2000xi32, #tpu.memory_space<vmem>> -> memref<1x2000xi32, #tpu.memory_space<vmem>>
        %dma_start3A_458 = tpu.memref_squeeze %dma_start3A_457 : memref<1x2000xi32, #tpu.memory_space<vmem>> -> memref<2000xi32, #tpu.memory_space<vmem>>
        %dma_start3A_459 = tpu.memref_slice %arg4[%mul3A_450] : memref<2000000xi32, #tpu.memory_space<hbm>> -> memref<2000xi32, #tpu.memory_space<hbm>>
        tpu.enqueue_dma source(%dma_start3A_459 : memref<2000xi32, #tpu.memory_space<hbm>>) target(%dma_start3A_458 : memref<2000xi32, #tpu.memory_space<vmem>>) target_semaphore(%arg18 : memref<!tpu.dma_semaphore, #tpu.memory_space<semaphore_mem>>)
        %dma_start3A_460 = arith.constant 3 : i32
        %dma_start3A_461 = arith.constant 0 : i32
        %dma_start3A_462 = tpu.memref_slice %arg11[%dma_start3A_460, %dma_start3A_461] : memref<4x2000xi32, #tpu.memory_space<vmem>> -> memref<1x2000xi32, #tpu.memory_space<vmem>>
        %dma_start3A_463 = tpu.memref_squeeze %dma_start3A_462 : memref<1x2000xi32, #tpu.memory_space<vmem>> -> memref<2000xi32, #tpu.memory_space<vmem>>
        %dma_start3A_464 = tpu.memref_slice %arg3[%mul3A_450] : memref<2000000xi32, #tpu.memory_space<hbm>> -> memref<2000xi32, #tpu.memory_space<hbm>>
        %dma_start3A_465 = arith.constant 0 : i32
        %dma_start3A_466 = tpu.memref_slice %arg11[%dma_start3A_460, %dma_start3A_465] : memref<4x2000xi32, #tpu.memory_space<vmem>> -> memref<1x2000xi32, #tpu.memory_space<vmem>>
        %dma_start3A_467 = tpu.memref_squeeze %dma_start3A_466 : memref<1x2000xi32, #tpu.memory_space<vmem>> -> memref<2000xi32, #tpu.memory_space<vmem>>
        %dma_start3A_468 = tpu.memref_slice %arg3[%mul3A_450] : memref<2000000xi32, #tpu.memory_space<hbm>> -> memref<2000xi32, #tpu.memory_space<hbm>>
        tpu.enqueue_dma source(%dma_start3A_468 : memref<2000xi32, #tpu.memory_space<hbm>>) target(%dma_start3A_467 : memref<2000xi32, #tpu.memory_space<vmem>>) target_semaphore(%arg18 : memref<!tpu.dma_semaphore, #tpu.memory_space<semaphore_mem>>)
        %dma_start3A_469 = arith.constant 1 : i32
        %dma_start3A_470 = arith.constant 0 : i32
        %dma_start3A_471 = tpu.memref_slice %arg12[%dma_start3A_469, %dma_start3A_470] : memref<2x2000xf32, #tpu.memory_space<vmem>> -> memref<1x2000xf32, #tpu.memory_space<vmem>>
        %dma_start3A_472 = tpu.memref_squeeze %dma_start3A_471 : memref<1x2000xf32, #tpu.memory_space<vmem>> -> memref<2000xf32, #tpu.memory_space<vmem>>
        %dma_start3A_473 = tpu.memref_slice %arg5[%mul3A_450] : memref<2000000xf32, #tpu.memory_space<hbm>> -> memref<2000xf32, #tpu.memory_space<hbm>>
        %dma_start3A_474 = arith.constant 0 : i32
        %dma_start3A_475 = tpu.memref_slice %arg12[%dma_start3A_469, %dma_start3A_474] : memref<2x2000xf32, #tpu.memory_space<vmem>> -> memref<1x2000xf32, #tpu.memory_space<vmem>>
        %dma_start3A_476 = tpu.memref_squeeze %dma_start3A_475 : memref<1x2000xf32, #tpu.memory_space<vmem>> -> memref<2000xf32, #tpu.memory_space<vmem>>
        %dma_start3A_477 = tpu.memref_slice %arg5[%mul3A_450] : memref<2000000xf32, #tpu.memory_space<hbm>> -> memref<2000xf32, #tpu.memory_space<hbm>>
        tpu.enqueue_dma source(%dma_start3A_477 : memref<2000xf32, #tpu.memory_space<hbm>>) target(%dma_start3A_476 : memref<2000xf32, #tpu.memory_space<vmem>>) target_semaphore(%arg18 : memref<!tpu.dma_semaphore, #tpu.memory_space<semaphore_mem>>)
      } else {
      }
      %mul3A_324 = arith.constant 4 : i32
      %mul3A_325 = arith.muli %add3A_215, %mul3A_324 : i32
      %add3A_326 = arith.constant 2 : i32
      %add3A_327 = arith.addi %mul3A_325, %add3A_326 : i32
      %lt3A_328 = arith.constant 31 : i32
      %lt3A_329 = arith.cmpi slt, %add3A_327, %lt3A_328 : i32
      %convert_element_type3A_330 = arith.extui %lt3A_329 : i1 to i32
      %cond3A_331 = arith.constant 0 : i32
      %cond3A_332 = arith.cmpi ne, %convert_element_type3A_330, %cond3A_331 : i32
      scf.if %cond3A_332 {
        %add3A_436 = arith.constant 1 : i32
        %add3A_437 = arith.addi %add3A_327, %add3A_436 : i32
        %lt3A_438 = arith.constant 31 : i32
        %lt3A_439 = arith.cmpi slt, %add3A_437, %lt3A_438 : i32
        %mul3A_440 = arith.constant 32 : i32
        %mul3A_441 = arith.muli %add3A_437, %mul3A_440 : i32
        %add3A_442 = arith.addi %mul3A_441, %add3A : i32
        %lt3A_443 = arith.constant 8 : i32
        %lt3A_444 = arith.cmpi slt, %add3A, %lt3A_443 : i32
        %add3A_445 = arith.constant 992 : i32
        %add3A_446 = arith.addi %add3A_445, %add3A : i32
        %select_n3A_447 = arith.select %lt3A_444, %add3A_446, %add3A : i32
        %select_n3A_448 = arith.select %lt3A_439, %add3A_442, %select_n3A_447 : i32
        %mul3A_449 = arith.constant 2000 : i32
        %mul3A_450 = arith.muli %select_n3A_448, %mul3A_449 : i32
        %dma_wait3A_451 = arith.constant 1 : i32
        %dma_wait3A_452 = arith.constant 0 : i32
        %dma_wait3A_453 = tpu.memref_slice %arg10[%dma_wait3A_451, %dma_wait3A_452] : memref<2x2000xi32, #tpu.memory_space<vmem>> -> memref<1x2000xi32, #tpu.memory_space<vmem>>
        %dma_wait3A_454 = tpu.memref_squeeze %dma_wait3A_453 : memref<1x2000xi32, #tpu.memory_space<vmem>> -> memref<2000xi32, #tpu.memory_space<vmem>>
        %dma_wait3A_455 = tpu.memref_slice %arg4[%mul3A_450] : memref<2000000xi32, #tpu.memory_space<hbm>> -> memref<2000xi32, #tpu.memory_space<hbm>>
        %dma_wait3A_456 = arith.constant 0 : i32
        %dma_wait3A_457 = tpu.memref_slice %arg10[%dma_wait3A_451, %dma_wait3A_456] : memref<2x2000xi32, #tpu.memory_space<vmem>> -> memref<1x2000xi32, #tpu.memory_space<vmem>>
        %dma_wait3A_458 = tpu.memref_squeeze %dma_wait3A_457 : memref<1x2000xi32, #tpu.memory_space<vmem>> -> memref<2000xi32, #tpu.memory_space<vmem>>
        %dma_wait3A_459 = tpu.memref_slice %arg4[%mul3A_450] : memref<2000000xi32, #tpu.memory_space<hbm>> -> memref<2000xi32, #tpu.memory_space<hbm>>
        tpu.wait_dma2 semaphore(%arg18 : memref<!tpu.dma_semaphore, #tpu.memory_space<semaphore_mem>>) src(%dma_wait3A_459 : memref<2000xi32, #tpu.memory_space<hbm>>) dst(%dma_wait3A_458 : memref<2000xi32, #tpu.memory_space<vmem>>)
        %dma_wait3A_460 = arith.constant 3 : i32
        %dma_wait3A_461 = arith.constant 0 : i32
        %dma_wait3A_462 = tpu.memref_slice %arg11[%dma_wait3A_460, %dma_wait3A_461] : memref<4x2000xi32, #tpu.memory_space<vmem>> -> memref<1x2000xi32, #tpu.memory_space<vmem>>
        %dma_wait3A_463 = tpu.memref_squeeze %dma_wait3A_462 : memref<1x2000xi32, #tpu.memory_space<vmem>> -> memref<2000xi32, #tpu.memory_space<vmem>>
        %dma_wait3A_464 = tpu.memref_slice %arg3[%mul3A_450] : memref<2000000xi32, #tpu.memory_space<hbm>> -> memref<2000xi32, #tpu.memory_space<hbm>>
        %dma_wait3A_465 = arith.constant 0 : i32
        %dma_wait3A_466 = tpu.memref_slice %arg11[%dma_wait3A_460, %dma_wait3A_465] : memref<4x2000xi32, #tpu.memory_space<vmem>> -> memref<1x2000xi32, #tpu.memory_space<vmem>>
        %dma_wait3A_467 = tpu.memref_squeeze %dma_wait3A_466 : memref<1x2000xi32, #tpu.memory_space<vmem>> -> memref<2000xi32, #tpu.memory_space<vmem>>
        %dma_wait3A_468 = tpu.memref_slice %arg3[%mul3A_450] : memref<2000000xi32, #tpu.memory_space<hbm>> -> memref<2000xi32, #tpu.memory_space<hbm>>
        tpu.wait_dma2 semaphore(%arg18 : memref<!tpu.dma_semaphore, #tpu.memory_space<semaphore_mem>>) src(%dma_wait3A_468 : memref<2000xi32, #tpu.memory_space<hbm>>) dst(%dma_wait3A_467 : memref<2000xi32, #tpu.memory_space<vmem>>)
        %dma_wait3A_469 = arith.constant 1 : i32
        %dma_wait3A_470 = arith.constant 0 : i32
        %dma_wait3A_471 = tpu.memref_slice %arg12[%dma_wait3A_469, %dma_wait3A_470] : memref<2x2000xf32, #tpu.memory_space<vmem>> -> memref<1x2000xf32, #tpu.memory_space<vmem>>
        %dma_wait3A_472 = tpu.memref_squeeze %dma_wait3A_471 : memref<1x2000xf32, #tpu.memory_space<vmem>> -> memref<2000xf32, #tpu.memory_space<vmem>>
        %dma_wait3A_473 = tpu.memref_slice %arg5[%mul3A_450] : memref<2000000xf32, #tpu.memory_space<hbm>> -> memref<2000xf32, #tpu.memory_space<hbm>>
        %dma_wait3A_474 = arith.constant 0 : i32
        %dma_wait3A_475 = tpu.memref_slice %arg12[%dma_wait3A_469, %dma_wait3A_474] : memref<2x2000xf32, #tpu.memory_space<vmem>> -> memref<1x2000xf32, #tpu.memory_space<vmem>>
        %dma_wait3A_476 = tpu.memref_squeeze %dma_wait3A_475 : memref<1x2000xf32, #tpu.memory_space<vmem>> -> memref<2000xf32, #tpu.memory_space<vmem>>
        %dma_wait3A_477 = tpu.memref_slice %arg5[%mul3A_450] : memref<2000000xf32, #tpu.memory_space<hbm>> -> memref<2000xf32, #tpu.memory_space<hbm>>
        tpu.wait_dma2 semaphore(%arg18 : memref<!tpu.dma_semaphore, #tpu.memory_space<semaphore_mem>>) src(%dma_wait3A_477 : memref<2000xf32, #tpu.memory_space<hbm>>) dst(%dma_wait3A_476 : memref<2000xf32, #tpu.memory_space<vmem>>)
        %dma_start3A_478 = arith.constant 1 : i32
        %dma_start3A_479 = arith.constant 1 : i32
        %dma_start3A_480 = arith.constant 0 : i32
        %dma_start3A_481 = arith.constant 0 : i32
        %dma_start3A_482 = tpu.memref_slice %arg13[%dma_start3A_479, %dma_start3A_480, %dma_start3A_481] : memref<2x2000x8xf32, #tpu.memory_space<vmem>> -> memref<1x2000x8xf32, #tpu.memory_space<vmem>>
        %dma_start3A_483 = tpu.memref_squeeze %dma_start3A_482 : memref<1x2000x8xf32, #tpu.memory_space<vmem>> -> memref<2000x8xf32, #tpu.memory_space<vmem>>
        %dma_start3A_484 = arith.constant 0 : i32
        %dma_start3A_485 = tpu.memref_slice %arg10[%dma_start3A_478, %dma_start3A_484] : memref<2x2000xi32, #tpu.memory_space<vmem>> -> memref<1x2000xi32, #tpu.memory_space<vmem>>
        %dma_start3A_486 = tpu.memref_squeeze %dma_start3A_485 : memref<1x2000xi32, #tpu.memory_space<vmem>> -> memref<2000xi32, #tpu.memory_space<vmem>>
        %dma_start3A_487 = arith.constant 0 : i32
        %dma_start3A_488 = arith.constant 0 : i32
        %dma_start3A_489 = tpu.memref_slice %arg8[%dma_start3A_487, %dma_start3A_488] : memref<131072x8xf32, #tpu.memory_space<hbm>> -> memref<131072x8xf32, #tpu.memory_space<hbm>>
        tpu.enqueue_indirect_dma source(%dma_start3A_489 : memref<131072x8xf32, #tpu.memory_space<hbm>>) target(%dma_start3A_483 : memref<2000x8xf32, #tpu.memory_space<vmem>>) offsets(%dma_start3A_486 : memref<2000xi32, #tpu.memory_space<vmem>>) semaphore(%arg20 : memref<!tpu.dma_semaphore, #tpu.memory_space<semaphore_mem>>)
      } else {
      }
      %dma_wait3A_333 = arith.constant 0 : i32
      %dma_wait3A_334 = arith.constant 0 : i32
      %dma_wait3A_335 = arith.constant 0 : i32
      %dma_wait3A_336 = arith.constant 0 : i32
      %dma_wait3A_337 = tpu.memref_slice %arg13[%dma_wait3A_334, %dma_wait3A_335, %dma_wait3A_336] : memref<2x2000x8xf32, #tpu.memory_space<vmem>> -> memref<1x2000x8xf32, #tpu.memory_space<vmem>>
      %dma_wait3A_338 = tpu.memref_squeeze %dma_wait3A_337 : memref<1x2000x8xf32, #tpu.memory_space<vmem>> -> memref<2000x8xf32, #tpu.memory_space<vmem>>
      %dma_wait3A_339 = arith.constant 0 : i32
      %dma_wait3A_340 = tpu.memref_slice %arg10[%dma_wait3A_333, %dma_wait3A_339] : memref<2x2000xi32, #tpu.memory_space<vmem>> -> memref<1x2000xi32, #tpu.memory_space<vmem>>
      %dma_wait3A_341 = tpu.memref_squeeze %dma_wait3A_340 : memref<1x2000xi32, #tpu.memory_space<vmem>> -> memref<2000xi32, #tpu.memory_space<vmem>>
      %dma_wait3A_342 = arith.constant 0 : i32
      %dma_wait3A_343 = arith.constant 0 : i32
      %dma_wait3A_344 = tpu.memref_slice %arg8[%dma_wait3A_342, %dma_wait3A_343] : memref<131072x8xf32, #tpu.memory_space<hbm>> -> memref<131072x8xf32, #tpu.memory_space<hbm>>
      tpu.wait_indirect_dma semaphore(%arg19 : memref<!tpu.dma_semaphore, #tpu.memory_space<semaphore_mem>>) src(%dma_wait3A_344 : memref<131072x8xf32, #tpu.memory_space<hbm>>) dst(%dma_wait3A_338 : memref<2000x8xf32, #tpu.memory_space<vmem>>)
      %ge3A_345 = arith.constant 2 : i32
      %ge3A_346 = arith.cmpi sge, %add3A_327, %ge3A_345 : i32
      %convert_element_type3A_347 = arith.extui %ge3A_346 : i1 to i32
      %cond3A_348 = arith.constant 0 : i32
      %cond3A_349 = arith.cmpi ne, %convert_element_type3A_347, %cond3A_348 : i32
      scf.if %cond3A_349 {
        %dma_wait3A_436 = arith.constant 0 : i32
        %dma_wait3A_437 = arith.constant 0 : i32
        %dma_wait3A_438 = arith.constant 0 : i32
        %dma_wait3A_439 = arith.constant 0 : i32
        %dma_wait3A_440 = tpu.memref_slice %arg14[%dma_wait3A_436, %dma_wait3A_438, %dma_wait3A_439] : memref<2x2000x8xf32, #tpu.memory_space<vmem>> -> memref<1x2000x8xf32, #tpu.memory_space<vmem>>
        %dma_wait3A_441 = tpu.memref_squeeze %dma_wait3A_440 : memref<1x2000x8xf32, #tpu.memory_space<vmem>> -> memref<2000x8xf32, #tpu.memory_space<vmem>>
        %dma_wait3A_442 = arith.constant 0 : i32
        %dma_wait3A_443 = tpu.memref_slice %arg11[%dma_wait3A_437, %dma_wait3A_442] : memref<4x2000xi32, #tpu.memory_space<vmem>> -> memref<1x2000xi32, #tpu.memory_space<vmem>>
        %dma_wait3A_444 = tpu.memref_squeeze %dma_wait3A_443 : memref<1x2000xi32, #tpu.memory_space<vmem>> -> memref<2000xi32, #tpu.memory_space<vmem>>
        %dma_wait3A_445 = arith.constant 0 : i32
        %dma_wait3A_446 = arith.constant 0 : i32
        %dma_wait3A_447 = tpu.memref_slice %arg9[%dma_wait3A_445, %dma_wait3A_446] : memref<65536x8xf32, #tpu.memory_space<vmem_shared>> -> memref<65536x8xf32, #tpu.memory_space<vmem_shared>>
        tpu.wait_indirect_dma semaphore(%arg21 : memref<!tpu.dma_semaphore, #tpu.memory_space<semaphore_mem>>) src(%dma_wait3A_441 : memref<2000x8xf32, #tpu.memory_space<vmem>>) dst(%dma_wait3A_447 : memref<65536x8xf32, #tpu.memory_space<vmem_shared>>)
      } else {
      }
      %lt3A_350 = arith.constant 31 : i32
      %lt3A_351 = arith.cmpi slt, %add3A_327, %lt3A_350 : i32
      %lt3A_352 = arith.constant 8 : i32
      %lt3A_353 = arith.cmpi slt, %add3A, %lt3A_352 : i32
      %or3A_354 = arith.ori %lt3A_351, %lt3A_353 : i1
      %jit3A_355 = arith.constant 1.000000e+00 : f32
      %jit3A_356 = arith.constant 0.000000e+00 : f32
      %select_n3A_357 = arith.select %or3A_354, %jit3A_355, %jit3A_356 : f32
      %scan3A_358 = arith.constant 0 : i32
      %scan3A_359 = arith.constant 1000 : i32
      %scan3A_360 = arith.addi %scan3A_358, %scan3A_359 : i32
      %scan3A_361 = arith.constant 8 : i32
      scf.for %scan3A_436 = %scan3A_358 to %scan3A_360 step %scan3A_361  : i32 {
        %mul3A_437 = arith.constant 1 : i32
        %mul3A_438 = arith.muli %scan3A_436, %mul3A_437 : i32
        %add3A_439 = arith.constant 0 : i32
        %add3A_440 = arith.addi %add3A_439, %mul3A_438 : i32
        %mul3A_441 = arith.constant 2 : i32
        %mul3A_442 = arith.muli %add3A_440, %mul3A_441 : i32
        %add3A_443 = vector.broadcast %mul3A_442 : i32 to vector<16xi32>
        %add3A_444 = arith.addi %add3A_443, %select_n3A : vector<16xi32>
        %gather3A = arith.constant 0 : i32
        %gather3A_445 = arith.constant 0 : i32
        %gather3A_446 = tpu.memref_slice %arg12[%gather3A, %gather3A_445] : memref<2x2000xf32, #tpu.memory_space<vmem>> -> memref<1x2000xf32, #tpu.memory_space<vmem>>
        %gather3A_447 = tpu.memref_squeeze %gather3A_446 : memref<1x2000xf32, #tpu.memory_space<vmem>> -> memref<2000xf32, #tpu.memory_space<vmem>>
        %gather3A_448 = tpu.vector_load_idx %gather3A_447[%add3A_444] : memref<2000xf32, #tpu.memory_space<vmem>>[vector<16xi32>], vector<16xf32>,
        %gather3A_449 = arith.constant 0 : i32
        %gather3A_450 = arith.constant 0 : i32
        %gather3A_451 = arith.constant 0 : i32
        %gather3A_452 = tpu.memref_slice %arg13[%gather3A_449, %gather3A_450, %gather3A_451] : memref<2x2000x8xf32, #tpu.memory_space<vmem>> -> memref<1x2000x8xf32, #tpu.memory_space<vmem>>
        %gather3A_453 = tpu.memref_squeeze %gather3A_452 : memref<1x2000x8xf32, #tpu.memory_space<vmem>> -> memref<2000x8xf32, #tpu.memory_space<vmem>>
        %gather3A_454 = tpu.vector_load_idx %gather3A_453[%add3A_444, %select_n3A_43] : memref<2000x8xf32, #tpu.memory_space<vmem>>[vector<16xi32>, vector<16xi32>], vector<16xf32>,
        %mul3A_455 = arith.mulf %gather3A_454, %gather3A_448 : vector<16xf32>
        %mul3A_456 = vector.broadcast %select_n3A_357 : f32 to vector<16xf32>
        %mul3A_457 = arith.mulf %mul3A_455, %mul3A_456 : vector<16xf32>
        %scatter3A = arith.constant 0 : i32
        %scatter3A_458 = arith.constant 0 : i32
        %scatter3A_459 = arith.constant 0 : i32
        %scatter3A_460 = tpu.memref_slice %arg14[%scatter3A, %scatter3A_458, %scatter3A_459] : memref<2x2000x8xf32, #tpu.memory_space<vmem>> -> memref<1x2000x8xf32, #tpu.memory_space<vmem>>
        %scatter3A_461 = tpu.memref_squeeze %scatter3A_460 : memref<1x2000x8xf32, #tpu.memory_space<vmem>> -> memref<2000x8xf32, #tpu.memory_space<vmem>>
        tpu.vector_store_idx %scatter3A_461[%add3A_444, %select_n3A_43], %mul3A_457 : memref<2000x8xf32, #tpu.memory_space<vmem>>[vector<16xi32>, vector<16xi32>], vector<16xf32>,
        %scan3A_462 = arith.constant 1 : i32
        %scan3A_463 = arith.addi %scan3A_436, %scan3A_462 : i32
        %mul3A_464 = arith.constant 1 : i32
        %mul3A_465 = arith.muli %scan3A_463, %mul3A_464 : i32
        %add3A_466 = arith.constant 0 : i32
        %add3A_467 = arith.addi %add3A_466, %mul3A_465 : i32
        %mul3A_468 = arith.constant 2 : i32
        %mul3A_469 = arith.muli %add3A_467, %mul3A_468 : i32
        %add3A_470 = vector.broadcast %mul3A_469 : i32 to vector<16xi32>
        %add3A_471 = arith.addi %add3A_470, %select_n3A : vector<16xi32>
        %gather3A_472 = arith.constant 0 : i32
        %gather3A_473 = arith.constant 0 : i32
        %gather3A_474 = tpu.memref_slice %arg12[%gather3A_472, %gather3A_473] : memref<2x2000xf32, #tpu.memory_space<vmem>> -> memref<1x2000xf32, #tpu.memory_space<vmem>>
        %gather3A_475 = tpu.memref_squeeze %gather3A_474 : memref<1x2000xf32, #tpu.memory_space<vmem>> -> memref<2000xf32, #tpu.memory_space<vmem>>
        %gather3A_476 = tpu.vector_load_idx %gather3A_475[%add3A_471] : memref<2000xf32, #tpu.memory_space<vmem>>[vector<16xi32>], vector<16xf32>,
        %gather3A_477 = arith.constant 0 : i32
        %gather3A_478 = arith.constant 0 : i32
        %gather3A_479 = arith.constant 0 : i32
        %gather3A_480 = tpu.memref_slice %arg13[%gather3A_477, %gather3A_478, %gather3A_479] : memref<2x2000x8xf32, #tpu.memory_space<vmem>> -> memref<1x2000x8xf32, #tpu.memory_space<vmem>>
        %gather3A_481 = tpu.memref_squeeze %gather3A_480 : memref<1x2000x8xf32, #tpu.memory_space<vmem>> -> memref<2000x8xf32, #tpu.memory_space<vmem>>
        %gather3A_482 = tpu.vector_load_idx %gather3A_481[%add3A_471, %select_n3A_43] : memref<2000x8xf32, #tpu.memory_space<vmem>>[vector<16xi32>, vector<16xi32>], vector<16xf32>,
        %mul3A_483 = arith.mulf %gather3A_482, %gather3A_476 : vector<16xf32>
        %mul3A_484 = vector.broadcast %select_n3A_357 : f32 to vector<16xf32>
        %mul3A_485 = arith.mulf %mul3A_483, %mul3A_484 : vector<16xf32>
        %scatter3A_486 = arith.constant 0 : i32
        %scatter3A_487 = arith.constant 0 : i32
        %scatter3A_488 = arith.constant 0 : i32
        %scatter3A_489 = tpu.memref_slice %arg14[%scatter3A_486, %scatter3A_487, %scatter3A_488] : memref<2x2000x8xf32, #tpu.memory_space<vmem>> -> memref<1x2000x8xf32, #tpu.memory_space<vmem>>
        %scatter3A_490 = tpu.memref_squeeze %scatter3A_489 : memref<1x2000x8xf32, #tpu.memory_space<vmem>> -> memref<2000x8xf32, #tpu.memory_space<vmem>>
        tpu.vector_store_idx %scatter3A_490[%add3A_471, %select_n3A_43], %mul3A_485 : memref<2000x8xf32, #tpu.memory_space<vmem>>[vector<16xi32>, vector<16xi32>], vector<16xf32>,
        %scan3A_491 = arith.constant 2 : i32
        %scan3A_492 = arith.addi %scan3A_436, %scan3A_491 : i32
        %mul3A_493 = arith.constant 1 : i32
        %mul3A_494 = arith.muli %scan3A_492, %mul3A_493 : i32
        %add3A_495 = arith.constant 0 : i32
        %add3A_496 = arith.addi %add3A_495, %mul3A_494 : i32
        %mul3A_497 = arith.constant 2 : i32
        %mul3A_498 = arith.muli %add3A_496, %mul3A_497 : i32
        %add3A_499 = vector.broadcast %mul3A_498 : i32 to vector<16xi32>
        %add3A_500 = arith.addi %add3A_499, %select_n3A : vector<16xi32>
        %gather3A_501 = arith.constant 0 : i32
        %gather3A_502 = arith.constant 0 : i32
        %gather3A_503 = tpu.memref_slice %arg12[%gather3A_501, %gather3A_502] : memref<2x2000xf32, #tpu.memory_space<vmem>> -> memref<1x2000xf32, #tpu.memory_space<vmem>>
        %gather3A_504 = tpu.memref_squeeze %gather3A_503 : memref<1x2000xf32, #tpu.memory_space<vmem>> -> memref<2000xf32, #tpu.memory_space<vmem>>
        %gather3A_505 = tpu.vector_load_idx %gather3A_504[%add3A_500] : memref<2000xf32, #tpu.memory_space<vmem>>[vector<16xi32>], vector<16xf32>,
        %gather3A_506 = arith.constant 0 : i32
        %gather3A_507 = arith.constant 0 : i32
        %gather3A_508 = arith.constant 0 : i32
        %gather3A_509 = tpu.memref_slice %arg13[%gather3A_506, %gather3A_507, %gather3A_508] : memref<2x2000x8xf32, #tpu.memory_space<vmem>> -> memref<1x2000x8xf32, #tpu.memory_space<vmem>>
        %gather3A_510 = tpu.memref_squeeze %gather3A_509 : memref<1x2000x8xf32, #tpu.memory_space<vmem>> -> memref<2000x8xf32, #tpu.memory_space<vmem>>
        %gather3A_511 = tpu.vector_load_idx %gather3A_510[%add3A_500, %select_n3A_43] : memref<2000x8xf32, #tpu.memory_space<vmem>>[vector<16xi32>, vector<16xi32>], vector<16xf32>,
        %mul3A_512 = arith.mulf %gather3A_511, %gather3A_505 : vector<16xf32>
        %mul3A_513 = vector.broadcast %select_n3A_357 : f32 to vector<16xf32>
        %mul3A_514 = arith.mulf %mul3A_512, %mul3A_513 : vector<16xf32>
        %scatter3A_515 = arith.constant 0 : i32
        %scatter3A_516 = arith.constant 0 : i32
        %scatter3A_517 = arith.constant 0 : i32
        %scatter3A_518 = tpu.memref_slice %arg14[%scatter3A_515, %scatter3A_516, %scatter3A_517] : memref<2x2000x8xf32, #tpu.memory_space<vmem>> -> memref<1x2000x8xf32, #tpu.memory_space<vmem>>
        %scatter3A_519 = tpu.memref_squeeze %scatter3A_518 : memref<1x2000x8xf32, #tpu.memory_space<vmem>> -> memref<2000x8xf32, #tpu.memory_space<vmem>>
        tpu.vector_store_idx %scatter3A_519[%add3A_500, %select_n3A_43], %mul3A_514 : memref<2000x8xf32, #tpu.memory_space<vmem>>[vector<16xi32>, vector<16xi32>], vector<16xf32>,
        %scan3A_520 = arith.constant 3 : i32
        %scan3A_521 = arith.addi %scan3A_436, %scan3A_520 : i32
        %mul3A_522 = arith.constant 1 : i32
        %mul3A_523 = arith.muli %scan3A_521, %mul3A_522 : i32
        %add3A_524 = arith.constant 0 : i32
        %add3A_525 = arith.addi %add3A_524, %mul3A_523 : i32
        %mul3A_526 = arith.constant 2 : i32
        %mul3A_527 = arith.muli %add3A_525, %mul3A_526 : i32
        %add3A_528 = vector.broadcast %mul3A_527 : i32 to vector<16xi32>
        %add3A_529 = arith.addi %add3A_528, %select_n3A : vector<16xi32>
        %gather3A_530 = arith.constant 0 : i32
        %gather3A_531 = arith.constant 0 : i32
        %gather3A_532 = tpu.memref_slice %arg12[%gather3A_530, %gather3A_531] : memref<2x2000xf32, #tpu.memory_space<vmem>> -> memref<1x2000xf32, #tpu.memory_space<vmem>>
        %gather3A_533 = tpu.memref_squeeze %gather3A_532 : memref<1x2000xf32, #tpu.memory_space<vmem>> -> memref<2000xf32, #tpu.memory_space<vmem>>
        %gather3A_534 = tpu.vector_load_idx %gather3A_533[%add3A_529] : memref<2000xf32, #tpu.memory_space<vmem>>[vector<16xi32>], vector<16xf32>,
        %gather3A_535 = arith.constant 0 : i32
        %gather3A_536 = arith.constant 0 : i32
        %gather3A_537 = arith.constant 0 : i32
        %gather3A_538 = tpu.memref_slice %arg13[%gather3A_535, %gather3A_536, %gather3A_537] : memref<2x2000x8xf32, #tpu.memory_space<vmem>> -> memref<1x2000x8xf32, #tpu.memory_space<vmem>>
        %gather3A_539 = tpu.memref_squeeze %gather3A_538 : memref<1x2000x8xf32, #tpu.memory_space<vmem>> -> memref<2000x8xf32, #tpu.memory_space<vmem>>
        %gather3A_540 = tpu.vector_load_idx %gather3A_539[%add3A_529, %select_n3A_43] : memref<2000x8xf32, #tpu.memory_space<vmem>>[vector<16xi32>, vector<16xi32>], vector<16xf32>,
        %mul3A_541 = arith.mulf %gather3A_540, %gather3A_534 : vector<16xf32>
        %mul3A_542 = vector.broadcast %select_n3A_357 : f32 to vector<16xf32>
        %mul3A_543 = arith.mulf %mul3A_541, %mul3A_542 : vector<16xf32>
        %scatter3A_544 = arith.constant 0 : i32
        %scatter3A_545 = arith.constant 0 : i32
        %scatter3A_546 = arith.constant 0 : i32
        %scatter3A_547 = tpu.memref_slice %arg14[%scatter3A_544, %scatter3A_545, %scatter3A_546] : memref<2x2000x8xf32, #tpu.memory_space<vmem>> -> memref<1x2000x8xf32, #tpu.memory_space<vmem>>
        %scatter3A_548 = tpu.memref_squeeze %scatter3A_547 : memref<1x2000x8xf32, #tpu.memory_space<vmem>> -> memref<2000x8xf32, #tpu.memory_space<vmem>>
        tpu.vector_store_idx %scatter3A_548[%add3A_529, %select_n3A_43], %mul3A_543 : memref<2000x8xf32, #tpu.memory_space<vmem>>[vector<16xi32>, vector<16xi32>], vector<16xf32>,
        %scan3A_549 = arith.constant 4 : i32
        %scan3A_550 = arith.addi %scan3A_436, %scan3A_549 : i32
        %mul3A_551 = arith.constant 1 : i32
        %mul3A_552 = arith.muli %scan3A_550, %mul3A_551 : i32
        %add3A_553 = arith.constant 0 : i32
        %add3A_554 = arith.addi %add3A_553, %mul3A_552 : i32
        %mul3A_555 = arith.constant 2 : i32
        %mul3A_556 = arith.muli %add3A_554, %mul3A_555 : i32
        %add3A_557 = vector.broadcast %mul3A_556 : i32 to vector<16xi32>
        %add3A_558 = arith.addi %add3A_557, %select_n3A : vector<16xi32>
        %gather3A_559 = arith.constant 0 : i32
        %gather3A_560 = arith.constant 0 : i32
        %gather3A_561 = tpu.memref_slice %arg12[%gather3A_559, %gather3A_560] : memref<2x2000xf32, #tpu.memory_space<vmem>> -> memref<1x2000xf32, #tpu.memory_space<vmem>>
        %gather3A_562 = tpu.memref_squeeze %gather3A_561 : memref<1x2000xf32, #tpu.memory_space<vmem>> -> memref<2000xf32, #tpu.memory_space<vmem>>
        %gather3A_563 = tpu.vector_load_idx %gather3A_562[%add3A_558] : memref<2000xf32, #tpu.memory_space<vmem>>[vector<16xi32>], vector<16xf32>,
        %gather3A_564 = arith.constant 0 : i32
        %gather3A_565 = arith.constant 0 : i32
        %gather3A_566 = arith.constant 0 : i32
        %gather3A_567 = tpu.memref_slice %arg13[%gather3A_564, %gather3A_565, %gather3A_566] : memref<2x2000x8xf32, #tpu.memory_space<vmem>> -> memref<1x2000x8xf32, #tpu.memory_space<vmem>>
        %gather3A_568 = tpu.memref_squeeze %gather3A_567 : memref<1x2000x8xf32, #tpu.memory_space<vmem>> -> memref<2000x8xf32, #tpu.memory_space<vmem>>
        %gather3A_569 = tpu.vector_load_idx %gather3A_568[%add3A_558, %select_n3A_43] : memref<2000x8xf32, #tpu.memory_space<vmem>>[vector<16xi32>, vector<16xi32>], vector<16xf32>,
        %mul3A_570 = arith.mulf %gather3A_569, %gather3A_563 : vector<16xf32>
        %mul3A_571 = vector.broadcast %select_n3A_357 : f32 to vector<16xf32>
        %mul3A_572 = arith.mulf %mul3A_570, %mul3A_571 : vector<16xf32>
        %scatter3A_573 = arith.constant 0 : i32
        %scatter3A_574 = arith.constant 0 : i32
        %scatter3A_575 = arith.constant 0 : i32
        %scatter3A_576 = tpu.memref_slice %arg14[%scatter3A_573, %scatter3A_574, %scatter3A_575] : memref<2x2000x8xf32, #tpu.memory_space<vmem>> -> memref<1x2000x8xf32, #tpu.memory_space<vmem>>
        %scatter3A_577 = tpu.memref_squeeze %scatter3A_576 : memref<1x2000x8xf32, #tpu.memory_space<vmem>> -> memref<2000x8xf32, #tpu.memory_space<vmem>>
        tpu.vector_store_idx %scatter3A_577[%add3A_558, %select_n3A_43], %mul3A_572 : memref<2000x8xf32, #tpu.memory_space<vmem>>[vector<16xi32>, vector<16xi32>], vector<16xf32>,
        %scan3A_578 = arith.constant 5 : i32
        %scan3A_579 = arith.addi %scan3A_436, %scan3A_578 : i32
        %mul3A_580 = arith.constant 1 : i32
        %mul3A_581 = arith.muli %scan3A_579, %mul3A_580 : i32
        %add3A_582 = arith.constant 0 : i32
        %add3A_583 = arith.addi %add3A_582, %mul3A_581 : i32
        %mul3A_584 = arith.constant 2 : i32
        %mul3A_585 = arith.muli %add3A_583, %mul3A_584 : i32
        %add3A_586 = vector.broadcast %mul3A_585 : i32 to vector<16xi32>
        %add3A_587 = arith.addi %add3A_586, %select_n3A : vector<16xi32>
        %gather3A_588 = arith.constant 0 : i32
        %gather3A_589 = arith.constant 0 : i32
        %gather3A_590 = tpu.memref_slice %arg12[%gather3A_588, %gather3A_589] : memref<2x2000xf32, #tpu.memory_space<vmem>> -> memref<1x2000xf32, #tpu.memory_space<vmem>>
        %gather3A_591 = tpu.memref_squeeze %gather3A_590 : memref<1x2000xf32, #tpu.memory_space<vmem>> -> memref<2000xf32, #tpu.memory_space<vmem>>
        %gather3A_592 = tpu.vector_load_idx %gather3A_591[%add3A_587] : memref<2000xf32, #tpu.memory_space<vmem>>[vector<16xi32>], vector<16xf32>,
        %gather3A_593 = arith.constant 0 : i32
        %gather3A_594 = arith.constant 0 : i32
        %gather3A_595 = arith.constant 0 : i32
        %gather3A_596 = tpu.memref_slice %arg13[%gather3A_593, %gather3A_594, %gather3A_595] : memref<2x2000x8xf32, #tpu.memory_space<vmem>> -> memref<1x2000x8xf32, #tpu.memory_space<vmem>>
        %gather3A_597 = tpu.memref_squeeze %gather3A_596 : memref<1x2000x8xf32, #tpu.memory_space<vmem>> -> memref<2000x8xf32, #tpu.memory_space<vmem>>
        %gather3A_598 = tpu.vector_load_idx %gather3A_597[%add3A_587, %select_n3A_43] : memref<2000x8xf32, #tpu.memory_space<vmem>>[vector<16xi32>, vector<16xi32>], vector<16xf32>,
        %mul3A_599 = arith.mulf %gather3A_598, %gather3A_592 : vector<16xf32>
        %mul3A_600 = vector.broadcast %select_n3A_357 : f32 to vector<16xf32>
        %mul3A_601 = arith.mulf %mul3A_599, %mul3A_600 : vector<16xf32>
        %scatter3A_602 = arith.constant 0 : i32
        %scatter3A_603 = arith.constant 0 : i32
        %scatter3A_604 = arith.constant 0 : i32
        %scatter3A_605 = tpu.memref_slice %arg14[%scatter3A_602, %scatter3A_603, %scatter3A_604] : memref<2x2000x8xf32, #tpu.memory_space<vmem>> -> memref<1x2000x8xf32, #tpu.memory_space<vmem>>
        %scatter3A_606 = tpu.memref_squeeze %scatter3A_605 : memref<1x2000x8xf32, #tpu.memory_space<vmem>> -> memref<2000x8xf32, #tpu.memory_space<vmem>>
        tpu.vector_store_idx %scatter3A_606[%add3A_587, %select_n3A_43], %mul3A_601 : memref<2000x8xf32, #tpu.memory_space<vmem>>[vector<16xi32>, vector<16xi32>], vector<16xf32>,
        %scan3A_607 = arith.constant 6 : i32
        %scan3A_608 = arith.addi %scan3A_436, %scan3A_607 : i32
        %mul3A_609 = arith.constant 1 : i32
        %mul3A_610 = arith.muli %scan3A_608, %mul3A_609 : i32
        %add3A_611 = arith.constant 0 : i32
        %add3A_612 = arith.addi %add3A_611, %mul3A_610 : i32
        %mul3A_613 = arith.constant 2 : i32
        %mul3A_614 = arith.muli %add3A_612, %mul3A_613 : i32
        %add3A_615 = vector.broadcast %mul3A_614 : i32 to vector<16xi32>
        %add3A_616 = arith.addi %add3A_615, %select_n3A : vector<16xi32>
        %gather3A_617 = arith.constant 0 : i32
        %gather3A_618 = arith.constant 0 : i32
        %gather3A_619 = tpu.memref_slice %arg12[%gather3A_617, %gather3A_618] : memref<2x2000xf32, #tpu.memory_space<vmem>> -> memref<1x2000xf32, #tpu.memory_space<vmem>>
        %gather3A_620 = tpu.memref_squeeze %gather3A_619 : memref<1x2000xf32, #tpu.memory_space<vmem>> -> memref<2000xf32, #tpu.memory_space<vmem>>
        %gather3A_621 = tpu.vector_load_idx %gather3A_620[%add3A_616] : memref<2000xf32, #tpu.memory_space<vmem>>[vector<16xi32>], vector<16xf32>,
        %gather3A_622 = arith.constant 0 : i32
        %gather3A_623 = arith.constant 0 : i32
        %gather3A_624 = arith.constant 0 : i32
        %gather3A_625 = tpu.memref_slice %arg13[%gather3A_622, %gather3A_623, %gather3A_624] : memref<2x2000x8xf32, #tpu.memory_space<vmem>> -> memref<1x2000x8xf32, #tpu.memory_space<vmem>>
        %gather3A_626 = tpu.memref_squeeze %gather3A_625 : memref<1x2000x8xf32, #tpu.memory_space<vmem>> -> memref<2000x8xf32, #tpu.memory_space<vmem>>
        %gather3A_627 = tpu.vector_load_idx %gather3A_626[%add3A_616, %select_n3A_43] : memref<2000x8xf32, #tpu.memory_space<vmem>>[vector<16xi32>, vector<16xi32>], vector<16xf32>,
        %mul3A_628 = arith.mulf %gather3A_627, %gather3A_621 : vector<16xf32>
        %mul3A_629 = vector.broadcast %select_n3A_357 : f32 to vector<16xf32>
        %mul3A_630 = arith.mulf %mul3A_628, %mul3A_629 : vector<16xf32>
        %scatter3A_631 = arith.constant 0 : i32
        %scatter3A_632 = arith.constant 0 : i32
        %scatter3A_633 = arith.constant 0 : i32
        %scatter3A_634 = tpu.memref_slice %arg14[%scatter3A_631, %scatter3A_632, %scatter3A_633] : memref<2x2000x8xf32, #tpu.memory_space<vmem>> -> memref<1x2000x8xf32, #tpu.memory_space<vmem>>
        %scatter3A_635 = tpu.memref_squeeze %scatter3A_634 : memref<1x2000x8xf32, #tpu.memory_space<vmem>> -> memref<2000x8xf32, #tpu.memory_space<vmem>>
        tpu.vector_store_idx %scatter3A_635[%add3A_616, %select_n3A_43], %mul3A_630 : memref<2000x8xf32, #tpu.memory_space<vmem>>[vector<16xi32>, vector<16xi32>], vector<16xf32>,
        %scan3A_636 = arith.constant 7 : i32
        %scan3A_637 = arith.addi %scan3A_436, %scan3A_636 : i32
        %mul3A_638 = arith.constant 1 : i32
        %mul3A_639 = arith.muli %scan3A_637, %mul3A_638 : i32
        %add3A_640 = arith.constant 0 : i32
        %add3A_641 = arith.addi %add3A_640, %mul3A_639 : i32
        %mul3A_642 = arith.constant 2 : i32
        %mul3A_643 = arith.muli %add3A_641, %mul3A_642 : i32
        %add3A_644 = vector.broadcast %mul3A_643 : i32 to vector<16xi32>
        %add3A_645 = arith.addi %add3A_644, %select_n3A : vector<16xi32>
        %gather3A_646 = arith.constant 0 : i32
        %gather3A_647 = arith.constant 0 : i32
        %gather3A_648 = tpu.memref_slice %arg12[%gather3A_646, %gather3A_647] : memref<2x2000xf32, #tpu.memory_space<vmem>> -> memref<1x2000xf32, #tpu.memory_space<vmem>>
        %gather3A_649 = tpu.memref_squeeze %gather3A_648 : memref<1x2000xf32, #tpu.memory_space<vmem>> -> memref<2000xf32, #tpu.memory_space<vmem>>
        %gather3A_650 = tpu.vector_load_idx %gather3A_649[%add3A_645] : memref<2000xf32, #tpu.memory_space<vmem>>[vector<16xi32>], vector<16xf32>,
        %gather3A_651 = arith.constant 0 : i32
        %gather3A_652 = arith.constant 0 : i32
        %gather3A_653 = arith.constant 0 : i32
        %gather3A_654 = tpu.memref_slice %arg13[%gather3A_651, %gather3A_652, %gather3A_653] : memref<2x2000x8xf32, #tpu.memory_space<vmem>> -> memref<1x2000x8xf32, #tpu.memory_space<vmem>>
        %gather3A_655 = tpu.memref_squeeze %gather3A_654 : memref<1x2000x8xf32, #tpu.memory_space<vmem>> -> memref<2000x8xf32, #tpu.memory_space<vmem>>
        %gather3A_656 = tpu.vector_load_idx %gather3A_655[%add3A_645, %select_n3A_43] : memref<2000x8xf32, #tpu.memory_space<vmem>>[vector<16xi32>, vector<16xi32>], vector<16xf32>,
        %mul3A_657 = arith.mulf %gather3A_656, %gather3A_650 : vector<16xf32>
        %mul3A_658 = vector.broadcast %select_n3A_357 : f32 to vector<16xf32>
        %mul3A_659 = arith.mulf %mul3A_657, %mul3A_658 : vector<16xf32>
        %scatter3A_660 = arith.constant 0 : i32
        %scatter3A_661 = arith.constant 0 : i32
        %scatter3A_662 = arith.constant 0 : i32
        %scatter3A_663 = tpu.memref_slice %arg14[%scatter3A_660, %scatter3A_661, %scatter3A_662] : memref<2x2000x8xf32, #tpu.memory_space<vmem>> -> memref<1x2000x8xf32, #tpu.memory_space<vmem>>
        %scatter3A_664 = tpu.memref_squeeze %scatter3A_663 : memref<1x2000x8xf32, #tpu.memory_space<vmem>> -> memref<2000x8xf32, #tpu.memory_space<vmem>>
        tpu.vector_store_idx %scatter3A_664[%add3A_645, %select_n3A_43], %mul3A_659 : memref<2000x8xf32, #tpu.memory_space<vmem>>[vector<16xi32>, vector<16xi32>], vector<16xf32>,
      }
      %scan3A_362 = arith.constant 1000 : i32
      %dma_start3A_363 = arith.constant 0 : i32
      %dma_start3A_364 = arith.constant 2 : i32
      %dma_start3A_365 = arith.constant 0 : i32
      %dma_start3A_366 = arith.constant 0 : i32
      %dma_start3A_367 = tpu.memref_slice %arg14[%dma_start3A_363, %dma_start3A_365, %dma_start3A_366] : memref<2x2000x8xf32, #tpu.memory_space<vmem>> -> memref<1x2000x8xf32, #tpu.memory_space<vmem>>
      %dma_start3A_368 = tpu.memref_squeeze %dma_start3A_367 : memref<1x2000x8xf32, #tpu.memory_space<vmem>> -> memref<2000x8xf32, #tpu.memory_space<vmem>>
      %dma_start3A_369 = arith.constant 0 : i32
      %dma_start3A_370 = tpu.memref_slice %arg11[%dma_start3A_364, %dma_start3A_369] : memref<4x2000xi32, #tpu.memory_space<vmem>> -> memref<1x2000xi32, #tpu.memory_space<vmem>>
      %dma_start3A_371 = tpu.memref_squeeze %dma_start3A_370 : memref<1x2000xi32, #tpu.memory_space<vmem>> -> memref<2000xi32, #tpu.memory_space<vmem>>
      %dma_start3A_372 = arith.constant 0 : i32
      %dma_start3A_373 = arith.constant 0 : i32
      %dma_start3A_374 = tpu.memref_slice %arg9[%dma_start3A_372, %dma_start3A_373] : memref<65536x8xf32, #tpu.memory_space<vmem_shared>> -> memref<65536x8xf32, #tpu.memory_space<vmem_shared>>
      tpu.enqueue_indirect_dma source(%dma_start3A_368 : memref<2000x8xf32, #tpu.memory_space<vmem>>) target(%dma_start3A_374 : memref<65536x8xf32, #tpu.memory_space<vmem_shared>>) offsets(%dma_start3A_371 : memref<2000xi32, #tpu.memory_space<vmem>>) semaphore(%arg21 : memref<!tpu.dma_semaphore, #tpu.memory_space<semaphore_mem>>) {add = true}
      %lt3A_375 = arith.constant 30 : i32
      %lt3A_376 = arith.cmpi slt, %add3A_327, %lt3A_375 : i32
      %convert_element_type3A_377 = arith.extui %lt3A_376 : i1 to i32
      %cond3A_378 = arith.constant 0 : i32
      %cond3A_379 = arith.cmpi ne, %convert_element_type3A_377, %cond3A_378 : i32
      scf.if %cond3A_379 {
        %add3A_436 = arith.constant 2 : i32
        %add3A_437 = arith.addi %add3A_327, %add3A_436 : i32
        %lt3A_438 = arith.constant 31 : i32
        %lt3A_439 = arith.cmpi slt, %add3A_437, %lt3A_438 : i32
        %mul3A_440 = arith.constant 32 : i32
        %mul3A_441 = arith.muli %add3A_437, %mul3A_440 : i32
        %add3A_442 = arith.addi %mul3A_441, %add3A : i32
        %lt3A_443 = arith.constant 8 : i32
        %lt3A_444 = arith.cmpi slt, %add3A, %lt3A_443 : i32
        %add3A_445 = arith.constant 992 : i32
        %add3A_446 = arith.addi %add3A_445, %add3A : i32
        %select_n3A_447 = arith.select %lt3A_444, %add3A_446, %add3A : i32
        %select_n3A_448 = arith.select %lt3A_439, %add3A_442, %select_n3A_447 : i32
        %mul3A_449 = arith.constant 2000 : i32
        %mul3A_450 = arith.muli %select_n3A_448, %mul3A_449 : i32
        %dma_start3A_451 = arith.constant 0 : i32
        %dma_start3A_452 = arith.constant 0 : i32
        %dma_start3A_453 = tpu.memref_slice %arg10[%dma_start3A_451, %dma_start3A_452] : memref<2x2000xi32, #tpu.memory_space<vmem>> -> memref<1x2000xi32, #tpu.memory_space<vmem>>
        %dma_start3A_454 = tpu.memref_squeeze %dma_start3A_453 : memref<1x2000xi32, #tpu.memory_space<vmem>> -> memref<2000xi32, #tpu.memory_space<vmem>>
        %dma_start3A_455 = tpu.memref_slice %arg4[%mul3A_450] : memref<2000000xi32, #tpu.memory_space<hbm>> -> memref<2000xi32, #tpu.memory_space<hbm>>
        %dma_start3A_456 = arith.constant 0 : i32
        %dma_start3A_457 = tpu.memref_slice %arg10[%dma_start3A_451, %dma_start3A_456] : memref<2x2000xi32, #tpu.memory_space<vmem>> -> memref<1x2000xi32, #tpu.memory_space<vmem>>
        %dma_start3A_458 = tpu.memref_squeeze %dma_start3A_457 : memref<1x2000xi32, #tpu.memory_space<vmem>> -> memref<2000xi32, #tpu.memory_space<vmem>>
        %dma_start3A_459 = tpu.memref_slice %arg4[%mul3A_450] : memref<2000000xi32, #tpu.memory_space<hbm>> -> memref<2000xi32, #tpu.memory_space<hbm>>
        tpu.enqueue_dma source(%dma_start3A_459 : memref<2000xi32, #tpu.memory_space<hbm>>) target(%dma_start3A_458 : memref<2000xi32, #tpu.memory_space<vmem>>) target_semaphore(%arg17 : memref<!tpu.dma_semaphore, #tpu.memory_space<semaphore_mem>>)
        %dma_start3A_460 = arith.constant 0 : i32
        %dma_start3A_461 = arith.constant 0 : i32
        %dma_start3A_462 = tpu.memref_slice %arg11[%dma_start3A_460, %dma_start3A_461] : memref<4x2000xi32, #tpu.memory_space<vmem>> -> memref<1x2000xi32, #tpu.memory_space<vmem>>
        %dma_start3A_463 = tpu.memref_squeeze %dma_start3A_462 : memref<1x2000xi32, #tpu.memory_space<vmem>> -> memref<2000xi32, #tpu.memory_space<vmem>>
        %dma_start3A_464 = tpu.memref_slice %arg3[%mul3A_450] : memref<2000000xi32, #tpu.memory_space<hbm>> -> memref<2000xi32, #tpu.memory_space<hbm>>
        %dma_start3A_465 = arith.constant 0 : i32
        %dma_start3A_466 = tpu.memref_slice %arg11[%dma_start3A_460, %dma_start3A_465] : memref<4x2000xi32, #tpu.memory_space<vmem>> -> memref<1x2000xi32, #tpu.memory_space<vmem>>
        %dma_start3A_467 = tpu.memref_squeeze %dma_start3A_466 : memref<1x2000xi32, #tpu.memory_space<vmem>> -> memref<2000xi32, #tpu.memory_space<vmem>>
        %dma_start3A_468 = tpu.memref_slice %arg3[%mul3A_450] : memref<2000000xi32, #tpu.memory_space<hbm>> -> memref<2000xi32, #tpu.memory_space<hbm>>
        tpu.enqueue_dma source(%dma_start3A_468 : memref<2000xi32, #tpu.memory_space<hbm>>) target(%dma_start3A_467 : memref<2000xi32, #tpu.memory_space<vmem>>) target_semaphore(%arg17 : memref<!tpu.dma_semaphore, #tpu.memory_space<semaphore_mem>>)
        %dma_start3A_469 = arith.constant 0 : i32
        %dma_start3A_470 = arith.constant 0 : i32
        %dma_start3A_471 = tpu.memref_slice %arg12[%dma_start3A_469, %dma_start3A_470] : memref<2x2000xf32, #tpu.memory_space<vmem>> -> memref<1x2000xf32, #tpu.memory_space<vmem>>
        %dma_start3A_472 = tpu.memref_squeeze %dma_start3A_471 : memref<1x2000xf32, #tpu.memory_space<vmem>> -> memref<2000xf32, #tpu.memory_space<vmem>>
        %dma_start3A_473 = tpu.memref_slice %arg5[%mul3A_450] : memref<2000000xf32, #tpu.memory_space<hbm>> -> memref<2000xf32, #tpu.memory_space<hbm>>
        %dma_start3A_474 = arith.constant 0 : i32
        %dma_start3A_475 = tpu.memref_slice %arg12[%dma_start3A_469, %dma_start3A_474] : memref<2x2000xf32, #tpu.memory_space<vmem>> -> memref<1x2000xf32, #tpu.memory_space<vmem>>
        %dma_start3A_476 = tpu.memref_squeeze %dma_start3A_475 : memref<1x2000xf32, #tpu.memory_space<vmem>> -> memref<2000xf32, #tpu.memory_space<vmem>>
        %dma_start3A_477 = tpu.memref_slice %arg5[%mul3A_450] : memref<2000000xf32, #tpu.memory_space<hbm>> -> memref<2000xf32, #tpu.memory_space<hbm>>
        tpu.enqueue_dma source(%dma_start3A_477 : memref<2000xf32, #tpu.memory_space<hbm>>) target(%dma_start3A_476 : memref<2000xf32, #tpu.memory_space<vmem>>) target_semaphore(%arg17 : memref<!tpu.dma_semaphore, #tpu.memory_space<semaphore_mem>>)
      } else {
      }
      %mul3A_380 = arith.constant 4 : i32
      %mul3A_381 = arith.muli %add3A_215, %mul3A_380 : i32
      %add3A_382 = arith.constant 3 : i32
      %add3A_383 = arith.addi %mul3A_381, %add3A_382 : i32
      %lt3A_384 = arith.constant 31 : i32
      %lt3A_385 = arith.cmpi slt, %add3A_383, %lt3A_384 : i32
      %convert_element_type3A_386 = arith.extui %lt3A_385 : i1 to i32
      %cond3A_387 = arith.constant 0 : i32
      %cond3A_388 = arith.cmpi ne, %convert_element_type3A_386, %cond3A_387 : i32
      scf.if %cond3A_388 {
        %add3A_436 = arith.constant 1 : i32
        %add3A_437 = arith.addi %add3A_383, %add3A_436 : i32
        %lt3A_438 = arith.constant 31 : i32
        %lt3A_439 = arith.cmpi slt, %add3A_437, %lt3A_438 : i32
        %mul3A_440 = arith.constant 32 : i32
        %mul3A_441 = arith.muli %add3A_437, %mul3A_440 : i32
        %add3A_442 = arith.addi %mul3A_441, %add3A : i32
        %lt3A_443 = arith.constant 8 : i32
        %lt3A_444 = arith.cmpi slt, %add3A, %lt3A_443 : i32
        %add3A_445 = arith.constant 992 : i32
        %add3A_446 = arith.addi %add3A_445, %add3A : i32
        %select_n3A_447 = arith.select %lt3A_444, %add3A_446, %add3A : i32
        %select_n3A_448 = arith.select %lt3A_439, %add3A_442, %select_n3A_447 : i32
        %mul3A_449 = arith.constant 2000 : i32
        %mul3A_450 = arith.muli %select_n3A_448, %mul3A_449 : i32
        %dma_wait3A_451 = arith.constant 0 : i32
        %dma_wait3A_452 = arith.constant 0 : i32
        %dma_wait3A_453 = tpu.memref_slice %arg10[%dma_wait3A_451, %dma_wait3A_452] : memref<2x2000xi32, #tpu.memory_space<vmem>> -> memref<1x2000xi32, #tpu.memory_space<vmem>>
        %dma_wait3A_454 = tpu.memref_squeeze %dma_wait3A_453 : memref<1x2000xi32, #tpu.memory_space<vmem>> -> memref<2000xi32, #tpu.memory_space<vmem>>
        %dma_wait3A_455 = tpu.memref_slice %arg4[%mul3A_450] : memref<2000000xi32, #tpu.memory_space<hbm>> -> memref<2000xi32, #tpu.memory_space<hbm>>
        %dma_wait3A_456 = arith.constant 0 : i32
        %dma_wait3A_457 = tpu.memref_slice %arg10[%dma_wait3A_451, %dma_wait3A_456] : memref<2x2000xi32, #tpu.memory_space<vmem>> -> memref<1x2000xi32, #tpu.memory_space<vmem>>
        %dma_wait3A_458 = tpu.memref_squeeze %dma_wait3A_457 : memref<1x2000xi32, #tpu.memory_space<vmem>> -> memref<2000xi32, #tpu.memory_space<vmem>>
        %dma_wait3A_459 = tpu.memref_slice %arg4[%mul3A_450] : memref<2000000xi32, #tpu.memory_space<hbm>> -> memref<2000xi32, #tpu.memory_space<hbm>>
        tpu.wait_dma2 semaphore(%arg17 : memref<!tpu.dma_semaphore, #tpu.memory_space<semaphore_mem>>) src(%dma_wait3A_459 : memref<2000xi32, #tpu.memory_space<hbm>>) dst(%dma_wait3A_458 : memref<2000xi32, #tpu.memory_space<vmem>>)
        %dma_wait3A_460 = arith.constant 0 : i32
        %dma_wait3A_461 = arith.constant 0 : i32
        %dma_wait3A_462 = tpu.memref_slice %arg11[%dma_wait3A_460, %dma_wait3A_461] : memref<4x2000xi32, #tpu.memory_space<vmem>> -> memref<1x2000xi32, #tpu.memory_space<vmem>>
        %dma_wait3A_463 = tpu.memref_squeeze %dma_wait3A_462 : memref<1x2000xi32, #tpu.memory_space<vmem>> -> memref<2000xi32, #tpu.memory_space<vmem>>
        %dma_wait3A_464 = tpu.memref_slice %arg3[%mul3A_450] : memref<2000000xi32, #tpu.memory_space<hbm>> -> memref<2000xi32, #tpu.memory_space<hbm>>
        %dma_wait3A_465 = arith.constant 0 : i32
        %dma_wait3A_466 = tpu.memref_slice %arg11[%dma_wait3A_460, %dma_wait3A_465] : memref<4x2000xi32, #tpu.memory_space<vmem>> -> memref<1x2000xi32, #tpu.memory_space<vmem>>
        %dma_wait3A_467 = tpu.memref_squeeze %dma_wait3A_466 : memref<1x2000xi32, #tpu.memory_space<vmem>> -> memref<2000xi32, #tpu.memory_space<vmem>>
        %dma_wait3A_468 = tpu.memref_slice %arg3[%mul3A_450] : memref<2000000xi32, #tpu.memory_space<hbm>> -> memref<2000xi32, #tpu.memory_space<hbm>>
        tpu.wait_dma2 semaphore(%arg17 : memref<!tpu.dma_semaphore, #tpu.memory_space<semaphore_mem>>) src(%dma_wait3A_468 : memref<2000xi32, #tpu.memory_space<hbm>>) dst(%dma_wait3A_467 : memref<2000xi32, #tpu.memory_space<vmem>>)
        %dma_wait3A_469 = arith.constant 0 : i32
        %dma_wait3A_470 = arith.constant 0 : i32
        %dma_wait3A_471 = tpu.memref_slice %arg12[%dma_wait3A_469, %dma_wait3A_470] : memref<2x2000xf32, #tpu.memory_space<vmem>> -> memref<1x2000xf32, #tpu.memory_space<vmem>>
        %dma_wait3A_472 = tpu.memref_squeeze %dma_wait3A_471 : memref<1x2000xf32, #tpu.memory_space<vmem>> -> memref<2000xf32, #tpu.memory_space<vmem>>
        %dma_wait3A_473 = tpu.memref_slice %arg5[%mul3A_450] : memref<2000000xf32, #tpu.memory_space<hbm>> -> memref<2000xf32, #tpu.memory_space<hbm>>
        %dma_wait3A_474 = arith.constant 0 : i32
        %dma_wait3A_475 = tpu.memref_slice %arg12[%dma_wait3A_469, %dma_wait3A_474] : memref<2x2000xf32, #tpu.memory_space<vmem>> -> memref<1x2000xf32, #tpu.memory_space<vmem>>
        %dma_wait3A_476 = tpu.memref_squeeze %dma_wait3A_475 : memref<1x2000xf32, #tpu.memory_space<vmem>> -> memref<2000xf32, #tpu.memory_space<vmem>>
        %dma_wait3A_477 = tpu.memref_slice %arg5[%mul3A_450] : memref<2000000xf32, #tpu.memory_space<hbm>> -> memref<2000xf32, #tpu.memory_space<hbm>>
        tpu.wait_dma2 semaphore(%arg17 : memref<!tpu.dma_semaphore, #tpu.memory_space<semaphore_mem>>) src(%dma_wait3A_477 : memref<2000xf32, #tpu.memory_space<hbm>>) dst(%dma_wait3A_476 : memref<2000xf32, #tpu.memory_space<vmem>>)
        %dma_start3A_478 = arith.constant 0 : i32
        %dma_start3A_479 = arith.constant 0 : i32
        %dma_start3A_480 = arith.constant 0 : i32
        %dma_start3A_481 = arith.constant 0 : i32
        %dma_start3A_482 = tpu.memref_slice %arg13[%dma_start3A_479, %dma_start3A_480, %dma_start3A_481] : memref<2x2000x8xf32, #tpu.memory_space<vmem>> -> memref<1x2000x8xf32, #tpu.memory_space<vmem>>
        %dma_start3A_483 = tpu.memref_squeeze %dma_start3A_482 : memref<1x2000x8xf32, #tpu.memory_space<vmem>> -> memref<2000x8xf32, #tpu.memory_space<vmem>>
        %dma_start3A_484 = arith.constant 0 : i32
        %dma_start3A_485 = tpu.memref_slice %arg10[%dma_start3A_478, %dma_start3A_484] : memref<2x2000xi32, #tpu.memory_space<vmem>> -> memref<1x2000xi32, #tpu.memory_space<vmem>>
        %dma_start3A_486 = tpu.memref_squeeze %dma_start3A_485 : memref<1x2000xi32, #tpu.memory_space<vmem>> -> memref<2000xi32, #tpu.memory_space<vmem>>
        %dma_start3A_487 = arith.constant 0 : i32
        %dma_start3A_488 = arith.constant 0 : i32
        %dma_start3A_489 = tpu.memref_slice %arg8[%dma_start3A_487, %dma_start3A_488] : memref<131072x8xf32, #tpu.memory_space<hbm>> -> memref<131072x8xf32, #tpu.memory_space<hbm>>
        tpu.enqueue_indirect_dma source(%dma_start3A_489 : memref<131072x8xf32, #tpu.memory_space<hbm>>) target(%dma_start3A_483 : memref<2000x8xf32, #tpu.memory_space<vmem>>) offsets(%dma_start3A_486 : memref<2000xi32, #tpu.memory_space<vmem>>) semaphore(%arg19 : memref<!tpu.dma_semaphore, #tpu.memory_space<semaphore_mem>>)
      } else {
      }
      %dma_wait3A_389 = arith.constant 1 : i32
      %dma_wait3A_390 = arith.constant 1 : i32
      %dma_wait3A_391 = arith.constant 0 : i32
      %dma_wait3A_392 = arith.constant 0 : i32
      %dma_wait3A_393 = tpu.memref_slice %arg13[%dma_wait3A_390, %dma_wait3A_391, %dma_wait3A_392] : memref<2x2000x8xf32, #tpu.memory_space<vmem>> -> memref<1x2000x8xf32, #tpu.memory_space<vmem>>
      %dma_wait3A_394 = tpu.memref_squeeze %dma_wait3A_393 : memref<1x2000x8xf32, #tpu.memory_space<vmem>> -> memref<2000x8xf32, #tpu.memory_space<vmem>>
      %dma_wait3A_395 = arith.constant 0 : i32
      %dma_wait3A_396 = tpu.memref_slice %arg10[%dma_wait3A_389, %dma_wait3A_395] : memref<2x2000xi32, #tpu.memory_space<vmem>> -> memref<1x2000xi32, #tpu.memory_space<vmem>>
      %dma_wait3A_397 = tpu.memref_squeeze %dma_wait3A_396 : memref<1x2000xi32, #tpu.memory_space<vmem>> -> memref<2000xi32, #tpu.memory_space<vmem>>
      %dma_wait3A_398 = arith.constant 0 : i32
      %dma_wait3A_399 = arith.constant 0 : i32
      %dma_wait3A_400 = tpu.memref_slice %arg8[%dma_wait3A_398, %dma_wait3A_399] : memref<131072x8xf32, #tpu.memory_space<hbm>> -> memref<131072x8xf32, #tpu.memory_space<hbm>>
      tpu.wait_indirect_dma semaphore(%arg20 : memref<!tpu.dma_semaphore, #tpu.memory_space<semaphore_mem>>) src(%dma_wait3A_400 : memref<131072x8xf32, #tpu.memory_space<hbm>>) dst(%dma_wait3A_394 : memref<2000x8xf32, #tpu.memory_space<vmem>>)
      %ge3A_401 = arith.constant 2 : i32
      %ge3A_402 = arith.cmpi sge, %add3A_383, %ge3A_401 : i32
      %convert_element_type3A_403 = arith.extui %ge3A_402 : i1 to i32
      %cond3A_404 = arith.constant 0 : i32
      %cond3A_405 = arith.cmpi ne, %convert_element_type3A_403, %cond3A_404 : i32
      scf.if %cond3A_405 {
        %dma_wait3A_436 = arith.constant 1 : i32
        %dma_wait3A_437 = arith.constant 1 : i32
        %dma_wait3A_438 = arith.constant 0 : i32
        %dma_wait3A_439 = arith.constant 0 : i32
        %dma_wait3A_440 = tpu.memref_slice %arg14[%dma_wait3A_436, %dma_wait3A_438, %dma_wait3A_439] : memref<2x2000x8xf32, #tpu.memory_space<vmem>> -> memref<1x2000x8xf32, #tpu.memory_space<vmem>>
        %dma_wait3A_441 = tpu.memref_squeeze %dma_wait3A_440 : memref<1x2000x8xf32, #tpu.memory_space<vmem>> -> memref<2000x8xf32, #tpu.memory_space<vmem>>
        %dma_wait3A_442 = arith.constant 0 : i32
        %dma_wait3A_443 = tpu.memref_slice %arg11[%dma_wait3A_437, %dma_wait3A_442] : memref<4x2000xi32, #tpu.memory_space<vmem>> -> memref<1x2000xi32, #tpu.memory_space<vmem>>
        %dma_wait3A_444 = tpu.memref_squeeze %dma_wait3A_443 : memref<1x2000xi32, #tpu.memory_space<vmem>> -> memref<2000xi32, #tpu.memory_space<vmem>>
        %dma_wait3A_445 = arith.constant 0 : i32
        %dma_wait3A_446 = arith.constant 0 : i32
        %dma_wait3A_447 = tpu.memref_slice %arg9[%dma_wait3A_445, %dma_wait3A_446] : memref<65536x8xf32, #tpu.memory_space<vmem_shared>> -> memref<65536x8xf32, #tpu.memory_space<vmem_shared>>
        tpu.wait_indirect_dma semaphore(%arg22 : memref<!tpu.dma_semaphore, #tpu.memory_space<semaphore_mem>>) src(%dma_wait3A_441 : memref<2000x8xf32, #tpu.memory_space<vmem>>) dst(%dma_wait3A_447 : memref<65536x8xf32, #tpu.memory_space<vmem_shared>>)
      } else {
      }
      %lt3A_406 = arith.constant 31 : i32
      %lt3A_407 = arith.cmpi slt, %add3A_383, %lt3A_406 : i32
      %lt3A_408 = arith.constant 8 : i32
      %lt3A_409 = arith.cmpi slt, %add3A, %lt3A_408 : i32
      %or3A_410 = arith.ori %lt3A_407, %lt3A_409 : i1
      %jit3A_411 = arith.constant 1.000000e+00 : f32
      %jit3A_412 = arith.constant 0.000000e+00 : f32
      %select_n3A_413 = arith.select %or3A_410, %jit3A_411, %jit3A_412 : f32
      %scan3A_414 = arith.constant 0 : i32
      %scan3A_415 = arith.constant 1000 : i32
      %scan3A_416 = arith.addi %scan3A_414, %scan3A_415 : i32
      %scan3A_417 = arith.constant 8 : i32
      scf.for %scan3A_436 = %scan3A_414 to %scan3A_416 step %scan3A_417  : i32 {
        %mul3A_437 = arith.constant 1 : i32
        %mul3A_438 = arith.muli %scan3A_436, %mul3A_437 : i32
        %add3A_439 = arith.constant 0 : i32
        %add3A_440 = arith.addi %add3A_439, %mul3A_438 : i32
        %mul3A_441 = arith.constant 2 : i32
        %mul3A_442 = arith.muli %add3A_440, %mul3A_441 : i32
        %add3A_443 = vector.broadcast %mul3A_442 : i32 to vector<16xi32>
        %add3A_444 = arith.addi %add3A_443, %select_n3A : vector<16xi32>
        %gather3A = arith.constant 1 : i32
        %gather3A_445 = arith.constant 0 : i32
        %gather3A_446 = tpu.memref_slice %arg12[%gather3A, %gather3A_445] : memref<2x2000xf32, #tpu.memory_space<vmem>> -> memref<1x2000xf32, #tpu.memory_space<vmem>>
        %gather3A_447 = tpu.memref_squeeze %gather3A_446 : memref<1x2000xf32, #tpu.memory_space<vmem>> -> memref<2000xf32, #tpu.memory_space<vmem>>
        %gather3A_448 = tpu.vector_load_idx %gather3A_447[%add3A_444] : memref<2000xf32, #tpu.memory_space<vmem>>[vector<16xi32>], vector<16xf32>,
        %gather3A_449 = arith.constant 1 : i32
        %gather3A_450 = arith.constant 0 : i32
        %gather3A_451 = arith.constant 0 : i32
        %gather3A_452 = tpu.memref_slice %arg13[%gather3A_449, %gather3A_450, %gather3A_451] : memref<2x2000x8xf32, #tpu.memory_space<vmem>> -> memref<1x2000x8xf32, #tpu.memory_space<vmem>>
        %gather3A_453 = tpu.memref_squeeze %gather3A_452 : memref<1x2000x8xf32, #tpu.memory_space<vmem>> -> memref<2000x8xf32, #tpu.memory_space<vmem>>
        %gather3A_454 = tpu.vector_load_idx %gather3A_453[%add3A_444, %select_n3A_43] : memref<2000x8xf32, #tpu.memory_space<vmem>>[vector<16xi32>, vector<16xi32>], vector<16xf32>,
        %mul3A_455 = arith.mulf %gather3A_454, %gather3A_448 : vector<16xf32>
        %mul3A_456 = vector.broadcast %select_n3A_413 : f32 to vector<16xf32>
        %mul3A_457 = arith.mulf %mul3A_455, %mul3A_456 : vector<16xf32>
        %scatter3A = arith.constant 1 : i32
        %scatter3A_458 = arith.constant 0 : i32
        %scatter3A_459 = arith.constant 0 : i32
        %scatter3A_460 = tpu.memref_slice %arg14[%scatter3A, %scatter3A_458, %scatter3A_459] : memref<2x2000x8xf32, #tpu.memory_space<vmem>> -> memref<1x2000x8xf32, #tpu.memory_space<vmem>>
        %scatter3A_461 = tpu.memref_squeeze %scatter3A_460 : memref<1x2000x8xf32, #tpu.memory_space<vmem>> -> memref<2000x8xf32, #tpu.memory_space<vmem>>
        tpu.vector_store_idx %scatter3A_461[%add3A_444, %select_n3A_43], %mul3A_457 : memref<2000x8xf32, #tpu.memory_space<vmem>>[vector<16xi32>, vector<16xi32>], vector<16xf32>,
        %scan3A_462 = arith.constant 1 : i32
        %scan3A_463 = arith.addi %scan3A_436, %scan3A_462 : i32
        %mul3A_464 = arith.constant 1 : i32
        %mul3A_465 = arith.muli %scan3A_463, %mul3A_464 : i32
        %add3A_466 = arith.constant 0 : i32
        %add3A_467 = arith.addi %add3A_466, %mul3A_465 : i32
        %mul3A_468 = arith.constant 2 : i32
        %mul3A_469 = arith.muli %add3A_467, %mul3A_468 : i32
        %add3A_470 = vector.broadcast %mul3A_469 : i32 to vector<16xi32>
        %add3A_471 = arith.addi %add3A_470, %select_n3A : vector<16xi32>
        %gather3A_472 = arith.constant 1 : i32
        %gather3A_473 = arith.constant 0 : i32
        %gather3A_474 = tpu.memref_slice %arg12[%gather3A_472, %gather3A_473] : memref<2x2000xf32, #tpu.memory_space<vmem>> -> memref<1x2000xf32, #tpu.memory_space<vmem>>
        %gather3A_475 = tpu.memref_squeeze %gather3A_474 : memref<1x2000xf32, #tpu.memory_space<vmem>> -> memref<2000xf32, #tpu.memory_space<vmem>>
        %gather3A_476 = tpu.vector_load_idx %gather3A_475[%add3A_471] : memref<2000xf32, #tpu.memory_space<vmem>>[vector<16xi32>], vector<16xf32>,
        %gather3A_477 = arith.constant 1 : i32
        %gather3A_478 = arith.constant 0 : i32
        %gather3A_479 = arith.constant 0 : i32
        %gather3A_480 = tpu.memref_slice %arg13[%gather3A_477, %gather3A_478, %gather3A_479] : memref<2x2000x8xf32, #tpu.memory_space<vmem>> -> memref<1x2000x8xf32, #tpu.memory_space<vmem>>
        %gather3A_481 = tpu.memref_squeeze %gather3A_480 : memref<1x2000x8xf32, #tpu.memory_space<vmem>> -> memref<2000x8xf32, #tpu.memory_space<vmem>>
        %gather3A_482 = tpu.vector_load_idx %gather3A_481[%add3A_471, %select_n3A_43] : memref<2000x8xf32, #tpu.memory_space<vmem>>[vector<16xi32>, vector<16xi32>], vector<16xf32>,
        %mul3A_483 = arith.mulf %gather3A_482, %gather3A_476 : vector<16xf32>
        %mul3A_484 = vector.broadcast %select_n3A_413 : f32 to vector<16xf32>
        %mul3A_485 = arith.mulf %mul3A_483, %mul3A_484 : vector<16xf32>
        %scatter3A_486 = arith.constant 1 : i32
        %scatter3A_487 = arith.constant 0 : i32
        %scatter3A_488 = arith.constant 0 : i32
        %scatter3A_489 = tpu.memref_slice %arg14[%scatter3A_486, %scatter3A_487, %scatter3A_488] : memref<2x2000x8xf32, #tpu.memory_space<vmem>> -> memref<1x2000x8xf32, #tpu.memory_space<vmem>>
        %scatter3A_490 = tpu.memref_squeeze %scatter3A_489 : memref<1x2000x8xf32, #tpu.memory_space<vmem>> -> memref<2000x8xf32, #tpu.memory_space<vmem>>
        tpu.vector_store_idx %scatter3A_490[%add3A_471, %select_n3A_43], %mul3A_485 : memref<2000x8xf32, #tpu.memory_space<vmem>>[vector<16xi32>, vector<16xi32>], vector<16xf32>,
        %scan3A_491 = arith.constant 2 : i32
        %scan3A_492 = arith.addi %scan3A_436, %scan3A_491 : i32
        %mul3A_493 = arith.constant 1 : i32
        %mul3A_494 = arith.muli %scan3A_492, %mul3A_493 : i32
        %add3A_495 = arith.constant 0 : i32
        %add3A_496 = arith.addi %add3A_495, %mul3A_494 : i32
        %mul3A_497 = arith.constant 2 : i32
        %mul3A_498 = arith.muli %add3A_496, %mul3A_497 : i32
        %add3A_499 = vector.broadcast %mul3A_498 : i32 to vector<16xi32>
        %add3A_500 = arith.addi %add3A_499, %select_n3A : vector<16xi32>
        %gather3A_501 = arith.constant 1 : i32
        %gather3A_502 = arith.constant 0 : i32
        %gather3A_503 = tpu.memref_slice %arg12[%gather3A_501, %gather3A_502] : memref<2x2000xf32, #tpu.memory_space<vmem>> -> memref<1x2000xf32, #tpu.memory_space<vmem>>
        %gather3A_504 = tpu.memref_squeeze %gather3A_503 : memref<1x2000xf32, #tpu.memory_space<vmem>> -> memref<2000xf32, #tpu.memory_space<vmem>>
        %gather3A_505 = tpu.vector_load_idx %gather3A_504[%add3A_500] : memref<2000xf32, #tpu.memory_space<vmem>>[vector<16xi32>], vector<16xf32>,
        %gather3A_506 = arith.constant 1 : i32
        %gather3A_507 = arith.constant 0 : i32
        %gather3A_508 = arith.constant 0 : i32
        %gather3A_509 = tpu.memref_slice %arg13[%gather3A_506, %gather3A_507, %gather3A_508] : memref<2x2000x8xf32, #tpu.memory_space<vmem>> -> memref<1x2000x8xf32, #tpu.memory_space<vmem>>
        %gather3A_510 = tpu.memref_squeeze %gather3A_509 : memref<1x2000x8xf32, #tpu.memory_space<vmem>> -> memref<2000x8xf32, #tpu.memory_space<vmem>>
        %gather3A_511 = tpu.vector_load_idx %gather3A_510[%add3A_500, %select_n3A_43] : memref<2000x8xf32, #tpu.memory_space<vmem>>[vector<16xi32>, vector<16xi32>], vector<16xf32>,
        %mul3A_512 = arith.mulf %gather3A_511, %gather3A_505 : vector<16xf32>
        %mul3A_513 = vector.broadcast %select_n3A_413 : f32 to vector<16xf32>
        %mul3A_514 = arith.mulf %mul3A_512, %mul3A_513 : vector<16xf32>
        %scatter3A_515 = arith.constant 1 : i32
        %scatter3A_516 = arith.constant 0 : i32
        %scatter3A_517 = arith.constant 0 : i32
        %scatter3A_518 = tpu.memref_slice %arg14[%scatter3A_515, %scatter3A_516, %scatter3A_517] : memref<2x2000x8xf32, #tpu.memory_space<vmem>> -> memref<1x2000x8xf32, #tpu.memory_space<vmem>>
        %scatter3A_519 = tpu.memref_squeeze %scatter3A_518 : memref<1x2000x8xf32, #tpu.memory_space<vmem>> -> memref<2000x8xf32, #tpu.memory_space<vmem>>
        tpu.vector_store_idx %scatter3A_519[%add3A_500, %select_n3A_43], %mul3A_514 : memref<2000x8xf32, #tpu.memory_space<vmem>>[vector<16xi32>, vector<16xi32>], vector<16xf32>,
        %scan3A_520 = arith.constant 3 : i32
        %scan3A_521 = arith.addi %scan3A_436, %scan3A_520 : i32
        %mul3A_522 = arith.constant 1 : i32
        %mul3A_523 = arith.muli %scan3A_521, %mul3A_522 : i32
        %add3A_524 = arith.constant 0 : i32
        %add3A_525 = arith.addi %add3A_524, %mul3A_523 : i32
        %mul3A_526 = arith.constant 2 : i32
        %mul3A_527 = arith.muli %add3A_525, %mul3A_526 : i32
        %add3A_528 = vector.broadcast %mul3A_527 : i32 to vector<16xi32>
        %add3A_529 = arith.addi %add3A_528, %select_n3A : vector<16xi32>
        %gather3A_530 = arith.constant 1 : i32
        %gather3A_531 = arith.constant 0 : i32
        %gather3A_532 = tpu.memref_slice %arg12[%gather3A_530, %gather3A_531] : memref<2x2000xf32, #tpu.memory_space<vmem>> -> memref<1x2000xf32, #tpu.memory_space<vmem>>
        %gather3A_533 = tpu.memref_squeeze %gather3A_532 : memref<1x2000xf32, #tpu.memory_space<vmem>> -> memref<2000xf32, #tpu.memory_space<vmem>>
        %gather3A_534 = tpu.vector_load_idx %gather3A_533[%add3A_529] : memref<2000xf32, #tpu.memory_space<vmem>>[vector<16xi32>], vector<16xf32>,
        %gather3A_535 = arith.constant 1 : i32
        %gather3A_536 = arith.constant 0 : i32
        %gather3A_537 = arith.constant 0 : i32
        %gather3A_538 = tpu.memref_slice %arg13[%gather3A_535, %gather3A_536, %gather3A_537] : memref<2x2000x8xf32, #tpu.memory_space<vmem>> -> memref<1x2000x8xf32, #tpu.memory_space<vmem>>
        %gather3A_539 = tpu.memref_squeeze %gather3A_538 : memref<1x2000x8xf32, #tpu.memory_space<vmem>> -> memref<2000x8xf32, #tpu.memory_space<vmem>>
        %gather3A_540 = tpu.vector_load_idx %gather3A_539[%add3A_529, %select_n3A_43] : memref<2000x8xf32, #tpu.memory_space<vmem>>[vector<16xi32>, vector<16xi32>], vector<16xf32>,
        %mul3A_541 = arith.mulf %gather3A_540, %gather3A_534 : vector<16xf32>
        %mul3A_542 = vector.broadcast %select_n3A_413 : f32 to vector<16xf32>
        %mul3A_543 = arith.mulf %mul3A_541, %mul3A_542 : vector<16xf32>
        %scatter3A_544 = arith.constant 1 : i32
        %scatter3A_545 = arith.constant 0 : i32
        %scatter3A_546 = arith.constant 0 : i32
        %scatter3A_547 = tpu.memref_slice %arg14[%scatter3A_544, %scatter3A_545, %scatter3A_546] : memref<2x2000x8xf32, #tpu.memory_space<vmem>> -> memref<1x2000x8xf32, #tpu.memory_space<vmem>>
        %scatter3A_548 = tpu.memref_squeeze %scatter3A_547 : memref<1x2000x8xf32, #tpu.memory_space<vmem>> -> memref<2000x8xf32, #tpu.memory_space<vmem>>
        tpu.vector_store_idx %scatter3A_548[%add3A_529, %select_n3A_43], %mul3A_543 : memref<2000x8xf32, #tpu.memory_space<vmem>>[vector<16xi32>, vector<16xi32>], vector<16xf32>,
        %scan3A_549 = arith.constant 4 : i32
        %scan3A_550 = arith.addi %scan3A_436, %scan3A_549 : i32
        %mul3A_551 = arith.constant 1 : i32
        %mul3A_552 = arith.muli %scan3A_550, %mul3A_551 : i32
        %add3A_553 = arith.constant 0 : i32
        %add3A_554 = arith.addi %add3A_553, %mul3A_552 : i32
        %mul3A_555 = arith.constant 2 : i32
        %mul3A_556 = arith.muli %add3A_554, %mul3A_555 : i32
        %add3A_557 = vector.broadcast %mul3A_556 : i32 to vector<16xi32>
        %add3A_558 = arith.addi %add3A_557, %select_n3A : vector<16xi32>
        %gather3A_559 = arith.constant 1 : i32
        %gather3A_560 = arith.constant 0 : i32
        %gather3A_561 = tpu.memref_slice %arg12[%gather3A_559, %gather3A_560] : memref<2x2000xf32, #tpu.memory_space<vmem>> -> memref<1x2000xf32, #tpu.memory_space<vmem>>
        %gather3A_562 = tpu.memref_squeeze %gather3A_561 : memref<1x2000xf32, #tpu.memory_space<vmem>> -> memref<2000xf32, #tpu.memory_space<vmem>>
        %gather3A_563 = tpu.vector_load_idx %gather3A_562[%add3A_558] : memref<2000xf32, #tpu.memory_space<vmem>>[vector<16xi32>], vector<16xf32>,
        %gather3A_564 = arith.constant 1 : i32
        %gather3A_565 = arith.constant 0 : i32
        %gather3A_566 = arith.constant 0 : i32
        %gather3A_567 = tpu.memref_slice %arg13[%gather3A_564, %gather3A_565, %gather3A_566] : memref<2x2000x8xf32, #tpu.memory_space<vmem>> -> memref<1x2000x8xf32, #tpu.memory_space<vmem>>
        %gather3A_568 = tpu.memref_squeeze %gather3A_567 : memref<1x2000x8xf32, #tpu.memory_space<vmem>> -> memref<2000x8xf32, #tpu.memory_space<vmem>>
        %gather3A_569 = tpu.vector_load_idx %gather3A_568[%add3A_558, %select_n3A_43] : memref<2000x8xf32, #tpu.memory_space<vmem>>[vector<16xi32>, vector<16xi32>], vector<16xf32>,
        %mul3A_570 = arith.mulf %gather3A_569, %gather3A_563 : vector<16xf32>
        %mul3A_571 = vector.broadcast %select_n3A_413 : f32 to vector<16xf32>
        %mul3A_572 = arith.mulf %mul3A_570, %mul3A_571 : vector<16xf32>
        %scatter3A_573 = arith.constant 1 : i32
        %scatter3A_574 = arith.constant 0 : i32
        %scatter3A_575 = arith.constant 0 : i32
        %scatter3A_576 = tpu.memref_slice %arg14[%scatter3A_573, %scatter3A_574, %scatter3A_575] : memref<2x2000x8xf32, #tpu.memory_space<vmem>> -> memref<1x2000x8xf32, #tpu.memory_space<vmem>>
        %scatter3A_577 = tpu.memref_squeeze %scatter3A_576 : memref<1x2000x8xf32, #tpu.memory_space<vmem>> -> memref<2000x8xf32, #tpu.memory_space<vmem>>
        tpu.vector_store_idx %scatter3A_577[%add3A_558, %select_n3A_43], %mul3A_572 : memref<2000x8xf32, #tpu.memory_space<vmem>>[vector<16xi32>, vector<16xi32>], vector<16xf32>,
        %scan3A_578 = arith.constant 5 : i32
        %scan3A_579 = arith.addi %scan3A_436, %scan3A_578 : i32
        %mul3A_580 = arith.constant 1 : i32
        %mul3A_581 = arith.muli %scan3A_579, %mul3A_580 : i32
        %add3A_582 = arith.constant 0 : i32
        %add3A_583 = arith.addi %add3A_582, %mul3A_581 : i32
        %mul3A_584 = arith.constant 2 : i32
        %mul3A_585 = arith.muli %add3A_583, %mul3A_584 : i32
        %add3A_586 = vector.broadcast %mul3A_585 : i32 to vector<16xi32>
        %add3A_587 = arith.addi %add3A_586, %select_n3A : vector<16xi32>
        %gather3A_588 = arith.constant 1 : i32
        %gather3A_589 = arith.constant 0 : i32
        %gather3A_590 = tpu.memref_slice %arg12[%gather3A_588, %gather3A_589] : memref<2x2000xf32, #tpu.memory_space<vmem>> -> memref<1x2000xf32, #tpu.memory_space<vmem>>
        %gather3A_591 = tpu.memref_squeeze %gather3A_590 : memref<1x2000xf32, #tpu.memory_space<vmem>> -> memref<2000xf32, #tpu.memory_space<vmem>>
        %gather3A_592 = tpu.vector_load_idx %gather3A_591[%add3A_587] : memref<2000xf32, #tpu.memory_space<vmem>>[vector<16xi32>], vector<16xf32>,
        %gather3A_593 = arith.constant 1 : i32
        %gather3A_594 = arith.constant 0 : i32
        %gather3A_595 = arith.constant 0 : i32
        %gather3A_596 = tpu.memref_slice %arg13[%gather3A_593, %gather3A_594, %gather3A_595] : memref<2x2000x8xf32, #tpu.memory_space<vmem>> -> memref<1x2000x8xf32, #tpu.memory_space<vmem>>
        %gather3A_597 = tpu.memref_squeeze %gather3A_596 : memref<1x2000x8xf32, #tpu.memory_space<vmem>> -> memref<2000x8xf32, #tpu.memory_space<vmem>>
        %gather3A_598 = tpu.vector_load_idx %gather3A_597[%add3A_587, %select_n3A_43] : memref<2000x8xf32, #tpu.memory_space<vmem>>[vector<16xi32>, vector<16xi32>], vector<16xf32>,
        %mul3A_599 = arith.mulf %gather3A_598, %gather3A_592 : vector<16xf32>
        %mul3A_600 = vector.broadcast %select_n3A_413 : f32 to vector<16xf32>
        %mul3A_601 = arith.mulf %mul3A_599, %mul3A_600 : vector<16xf32>
        %scatter3A_602 = arith.constant 1 : i32
        %scatter3A_603 = arith.constant 0 : i32
        %scatter3A_604 = arith.constant 0 : i32
        %scatter3A_605 = tpu.memref_slice %arg14[%scatter3A_602, %scatter3A_603, %scatter3A_604] : memref<2x2000x8xf32, #tpu.memory_space<vmem>> -> memref<1x2000x8xf32, #tpu.memory_space<vmem>>
        %scatter3A_606 = tpu.memref_squeeze %scatter3A_605 : memref<1x2000x8xf32, #tpu.memory_space<vmem>> -> memref<2000x8xf32, #tpu.memory_space<vmem>>
        tpu.vector_store_idx %scatter3A_606[%add3A_587, %select_n3A_43], %mul3A_601 : memref<2000x8xf32, #tpu.memory_space<vmem>>[vector<16xi32>, vector<16xi32>], vector<16xf32>,
        %scan3A_607 = arith.constant 6 : i32
        %scan3A_608 = arith.addi %scan3A_436, %scan3A_607 : i32
        %mul3A_609 = arith.constant 1 : i32
        %mul3A_610 = arith.muli %scan3A_608, %mul3A_609 : i32
        %add3A_611 = arith.constant 0 : i32
        %add3A_612 = arith.addi %add3A_611, %mul3A_610 : i32
        %mul3A_613 = arith.constant 2 : i32
        %mul3A_614 = arith.muli %add3A_612, %mul3A_613 : i32
        %add3A_615 = vector.broadcast %mul3A_614 : i32 to vector<16xi32>
        %add3A_616 = arith.addi %add3A_615, %select_n3A : vector<16xi32>
        %gather3A_617 = arith.constant 1 : i32
        %gather3A_618 = arith.constant 0 : i32
        %gather3A_619 = tpu.memref_slice %arg12[%gather3A_617, %gather3A_618] : memref<2x2000xf32, #tpu.memory_space<vmem>> -> memref<1x2000xf32, #tpu.memory_space<vmem>>
        %gather3A_620 = tpu.memref_squeeze %gather3A_619 : memref<1x2000xf32, #tpu.memory_space<vmem>> -> memref<2000xf32, #tpu.memory_space<vmem>>
        %gather3A_621 = tpu.vector_load_idx %gather3A_620[%add3A_616] : memref<2000xf32, #tpu.memory_space<vmem>>[vector<16xi32>], vector<16xf32>,
        %gather3A_622 = arith.constant 1 : i32
        %gather3A_623 = arith.constant 0 : i32
        %gather3A_624 = arith.constant 0 : i32
        %gather3A_625 = tpu.memref_slice %arg13[%gather3A_622, %gather3A_623, %gather3A_624] : memref<2x2000x8xf32, #tpu.memory_space<vmem>> -> memref<1x2000x8xf32, #tpu.memory_space<vmem>>
        %gather3A_626 = tpu.memref_squeeze %gather3A_625 : memref<1x2000x8xf32, #tpu.memory_space<vmem>> -> memref<2000x8xf32, #tpu.memory_space<vmem>>
        %gather3A_627 = tpu.vector_load_idx %gather3A_626[%add3A_616, %select_n3A_43] : memref<2000x8xf32, #tpu.memory_space<vmem>>[vector<16xi32>, vector<16xi32>], vector<16xf32>,
        %mul3A_628 = arith.mulf %gather3A_627, %gather3A_621 : vector<16xf32>
        %mul3A_629 = vector.broadcast %select_n3A_413 : f32 to vector<16xf32>
        %mul3A_630 = arith.mulf %mul3A_628, %mul3A_629 : vector<16xf32>
        %scatter3A_631 = arith.constant 1 : i32
        %scatter3A_632 = arith.constant 0 : i32
        %scatter3A_633 = arith.constant 0 : i32
        %scatter3A_634 = tpu.memref_slice %arg14[%scatter3A_631, %scatter3A_632, %scatter3A_633] : memref<2x2000x8xf32, #tpu.memory_space<vmem>> -> memref<1x2000x8xf32, #tpu.memory_space<vmem>>
        %scatter3A_635 = tpu.memref_squeeze %scatter3A_634 : memref<1x2000x8xf32, #tpu.memory_space<vmem>> -> memref<2000x8xf32, #tpu.memory_space<vmem>>
        tpu.vector_store_idx %scatter3A_635[%add3A_616, %select_n3A_43], %mul3A_630 : memref<2000x8xf32, #tpu.memory_space<vmem>>[vector<16xi32>, vector<16xi32>], vector<16xf32>,
        %scan3A_636 = arith.constant 7 : i32
        %scan3A_637 = arith.addi %scan3A_436, %scan3A_636 : i32
        %mul3A_638 = arith.constant 1 : i32
        %mul3A_639 = arith.muli %scan3A_637, %mul3A_638 : i32
        %add3A_640 = arith.constant 0 : i32
        %add3A_641 = arith.addi %add3A_640, %mul3A_639 : i32
        %mul3A_642 = arith.constant 2 : i32
        %mul3A_643 = arith.muli %add3A_641, %mul3A_642 : i32
        %add3A_644 = vector.broadcast %mul3A_643 : i32 to vector<16xi32>
        %add3A_645 = arith.addi %add3A_644, %select_n3A : vector<16xi32>
        %gather3A_646 = arith.constant 1 : i32
        %gather3A_647 = arith.constant 0 : i32
        %gather3A_648 = tpu.memref_slice %arg12[%gather3A_646, %gather3A_647] : memref<2x2000xf32, #tpu.memory_space<vmem>> -> memref<1x2000xf32, #tpu.memory_space<vmem>>
        %gather3A_649 = tpu.memref_squeeze %gather3A_648 : memref<1x2000xf32, #tpu.memory_space<vmem>> -> memref<2000xf32, #tpu.memory_space<vmem>>
        %gather3A_650 = tpu.vector_load_idx %gather3A_649[%add3A_645] : memref<2000xf32, #tpu.memory_space<vmem>>[vector<16xi32>], vector<16xf32>,
        %gather3A_651 = arith.constant 1 : i32
        %gather3A_652 = arith.constant 0 : i32
        %gather3A_653 = arith.constant 0 : i32
        %gather3A_654 = tpu.memref_slice %arg13[%gather3A_651, %gather3A_652, %gather3A_653] : memref<2x2000x8xf32, #tpu.memory_space<vmem>> -> memref<1x2000x8xf32, #tpu.memory_space<vmem>>
        %gather3A_655 = tpu.memref_squeeze %gather3A_654 : memref<1x2000x8xf32, #tpu.memory_space<vmem>> -> memref<2000x8xf32, #tpu.memory_space<vmem>>
        %gather3A_656 = tpu.vector_load_idx %gather3A_655[%add3A_645, %select_n3A_43] : memref<2000x8xf32, #tpu.memory_space<vmem>>[vector<16xi32>, vector<16xi32>], vector<16xf32>,
        %mul3A_657 = arith.mulf %gather3A_656, %gather3A_650 : vector<16xf32>
        %mul3A_658 = vector.broadcast %select_n3A_413 : f32 to vector<16xf32>
        %mul3A_659 = arith.mulf %mul3A_657, %mul3A_658 : vector<16xf32>
        %scatter3A_660 = arith.constant 1 : i32
        %scatter3A_661 = arith.constant 0 : i32
        %scatter3A_662 = arith.constant 0 : i32
        %scatter3A_663 = tpu.memref_slice %arg14[%scatter3A_660, %scatter3A_661, %scatter3A_662] : memref<2x2000x8xf32, #tpu.memory_space<vmem>> -> memref<1x2000x8xf32, #tpu.memory_space<vmem>>
        %scatter3A_664 = tpu.memref_squeeze %scatter3A_663 : memref<1x2000x8xf32, #tpu.memory_space<vmem>> -> memref<2000x8xf32, #tpu.memory_space<vmem>>
        tpu.vector_store_idx %scatter3A_664[%add3A_645, %select_n3A_43], %mul3A_659 : memref<2000x8xf32, #tpu.memory_space<vmem>>[vector<16xi32>, vector<16xi32>], vector<16xf32>,
      }
      %scan3A_418 = arith.constant 1000 : i32
      %dma_start3A_419 = arith.constant 1 : i32
      %dma_start3A_420 = arith.constant 3 : i32
      %dma_start3A_421 = arith.constant 0 : i32
      %dma_start3A_422 = arith.constant 0 : i32
      %dma_start3A_423 = tpu.memref_slice %arg14[%dma_start3A_419, %dma_start3A_421, %dma_start3A_422] : memref<2x2000x8xf32, #tpu.memory_space<vmem>> -> memref<1x2000x8xf32, #tpu.memory_space<vmem>>
      %dma_start3A_424 = tpu.memref_squeeze %dma_start3A_423 : memref<1x2000x8xf32, #tpu.memory_space<vmem>> -> memref<2000x8xf32, #tpu.memory_space<vmem>>
      %dma_start3A_425 = arith.constant 0 : i32
      %dma_start3A_426 = tpu.memref_slice %arg11[%dma_start3A_420, %dma_start3A_425] : memref<4x2000xi32, #tpu.memory_space<vmem>> -> memref<1x2000xi32, #tpu.memory_space<vmem>>
      %dma_start3A_427 = tpu.memref_squeeze %dma_start3A_426 : memref<1x2000xi32, #tpu.memory_space<vmem>> -> memref<2000xi32, #tpu.memory_space<vmem>>
      %dma_start3A_428 = arith.constant 0 : i32
      %dma_start3A_429 = arith.constant 0 : i32
      %dma_start3A_430 = tpu.memref_slice %arg9[%dma_start3A_428, %dma_start3A_429] : memref<65536x8xf32, #tpu.memory_space<vmem_shared>> -> memref<65536x8xf32, #tpu.memory_space<vmem_shared>>
      tpu.enqueue_indirect_dma source(%dma_start3A_424 : memref<2000x8xf32, #tpu.memory_space<vmem>>) target(%dma_start3A_430 : memref<65536x8xf32, #tpu.memory_space<vmem_shared>>) offsets(%dma_start3A_427 : memref<2000xi32, #tpu.memory_space<vmem>>) semaphore(%arg22 : memref<!tpu.dma_semaphore, #tpu.memory_space<semaphore_mem>>) {add = true}
      %lt3A_431 = arith.constant 30 : i32
      %lt3A_432 = arith.cmpi slt, %add3A_383, %lt3A_431 : i32
      %convert_element_type3A_433 = arith.extui %lt3A_432 : i1 to i32
      %cond3A_434 = arith.constant 0 : i32
      %cond3A_435 = arith.cmpi ne, %convert_element_type3A_433, %cond3A_434 : i32
      scf.if %cond3A_435 {
        %add3A_436 = arith.constant 2 : i32
        %add3A_437 = arith.addi %add3A_383, %add3A_436 : i32
        %lt3A_438 = arith.constant 31 : i32
        %lt3A_439 = arith.cmpi slt, %add3A_437, %lt3A_438 : i32
        %mul3A_440 = arith.constant 32 : i32
        %mul3A_441 = arith.muli %add3A_437, %mul3A_440 : i32
        %add3A_442 = arith.addi %mul3A_441, %add3A : i32
        %lt3A_443 = arith.constant 8 : i32
        %lt3A_444 = arith.cmpi slt, %add3A, %lt3A_443 : i32
        %add3A_445 = arith.constant 992 : i32
        %add3A_446 = arith.addi %add3A_445, %add3A : i32
        %select_n3A_447 = arith.select %lt3A_444, %add3A_446, %add3A : i32
        %select_n3A_448 = arith.select %lt3A_439, %add3A_442, %select_n3A_447 : i32
        %mul3A_449 = arith.constant 2000 : i32
        %mul3A_450 = arith.muli %select_n3A_448, %mul3A_449 : i32
        %dma_start3A_451 = arith.constant 1 : i32
        %dma_start3A_452 = arith.constant 0 : i32
        %dma_start3A_453 = tpu.memref_slice %arg10[%dma_start3A_451, %dma_start3A_452] : memref<2x2000xi32, #tpu.memory_space<vmem>> -> memref<1x2000xi32, #tpu.memory_space<vmem>>
        %dma_start3A_454 = tpu.memref_squeeze %dma_start3A_453 : memref<1x2000xi32, #tpu.memory_space<vmem>> -> memref<2000xi32, #tpu.memory_space<vmem>>
        %dma_start3A_455 = tpu.memref_slice %arg4[%mul3A_450] : memref<2000000xi32, #tpu.memory_space<hbm>> -> memref<2000xi32, #tpu.memory_space<hbm>>
        %dma_start3A_456 = arith.constant 0 : i32
        %dma_start3A_457 = tpu.memref_slice %arg10[%dma_start3A_451, %dma_start3A_456] : memref<2x2000xi32, #tpu.memory_space<vmem>> -> memref<1x2000xi32, #tpu.memory_space<vmem>>
        %dma_start3A_458 = tpu.memref_squeeze %dma_start3A_457 : memref<1x2000xi32, #tpu.memory_space<vmem>> -> memref<2000xi32, #tpu.memory_space<vmem>>
        %dma_start3A_459 = tpu.memref_slice %arg4[%mul3A_450] : memref<2000000xi32, #tpu.memory_space<hbm>> -> memref<2000xi32, #tpu.memory_space<hbm>>
        tpu.enqueue_dma source(%dma_start3A_459 : memref<2000xi32, #tpu.memory_space<hbm>>) target(%dma_start3A_458 : memref<2000xi32, #tpu.memory_space<vmem>>) target_semaphore(%arg18 : memref<!tpu.dma_semaphore, #tpu.memory_space<semaphore_mem>>)
        %dma_start3A_460 = arith.constant 1 : i32
        %dma_start3A_461 = arith.constant 0 : i32
        %dma_start3A_462 = tpu.memref_slice %arg11[%dma_start3A_460, %dma_start3A_461] : memref<4x2000xi32, #tpu.memory_space<vmem>> -> memref<1x2000xi32, #tpu.memory_space<vmem>>
        %dma_start3A_463 = tpu.memref_squeeze %dma_start3A_462 : memref<1x2000xi32, #tpu.memory_space<vmem>> -> memref<2000xi32, #tpu.memory_space<vmem>>
        %dma_start3A_464 = tpu.memref_slice %arg3[%mul3A_450] : memref<2000000xi32, #tpu.memory_space<hbm>> -> memref<2000xi32, #tpu.memory_space<hbm>>
        %dma_start3A_465 = arith.constant 0 : i32
        %dma_start3A_466 = tpu.memref_slice %arg11[%dma_start3A_460, %dma_start3A_465] : memref<4x2000xi32, #tpu.memory_space<vmem>> -> memref<1x2000xi32, #tpu.memory_space<vmem>>
        %dma_start3A_467 = tpu.memref_squeeze %dma_start3A_466 : memref<1x2000xi32, #tpu.memory_space<vmem>> -> memref<2000xi32, #tpu.memory_space<vmem>>
        %dma_start3A_468 = tpu.memref_slice %arg3[%mul3A_450] : memref<2000000xi32, #tpu.memory_space<hbm>> -> memref<2000xi32, #tpu.memory_space<hbm>>
        tpu.enqueue_dma source(%dma_start3A_468 : memref<2000xi32, #tpu.memory_space<hbm>>) target(%dma_start3A_467 : memref<2000xi32, #tpu.memory_space<vmem>>) target_semaphore(%arg18 : memref<!tpu.dma_semaphore, #tpu.memory_space<semaphore_mem>>)
        %dma_start3A_469 = arith.constant 1 : i32
        %dma_start3A_470 = arith.constant 0 : i32
        %dma_start3A_471 = tpu.memref_slice %arg12[%dma_start3A_469, %dma_start3A_470] : memref<2x2000xf32, #tpu.memory_space<vmem>> -> memref<1x2000xf32, #tpu.memory_space<vmem>>
        %dma_start3A_472 = tpu.memref_squeeze %dma_start3A_471 : memref<1x2000xf32, #tpu.memory_space<vmem>> -> memref<2000xf32, #tpu.memory_space<vmem>>
        %dma_start3A_473 = tpu.memref_slice %arg5[%mul3A_450] : memref<2000000xf32, #tpu.memory_space<hbm>> -> memref<2000xf32, #tpu.memory_space<hbm>>
        %dma_start3A_474 = arith.constant 0 : i32
        %dma_start3A_475 = tpu.memref_slice %arg12[%dma_start3A_469, %dma_start3A_474] : memref<2x2000xf32, #tpu.memory_space<vmem>> -> memref<1x2000xf32, #tpu.memory_space<vmem>>
        %dma_start3A_476 = tpu.memref_squeeze %dma_start3A_475 : memref<1x2000xf32, #tpu.memory_space<vmem>> -> memref<2000xf32, #tpu.memory_space<vmem>>
        %dma_start3A_477 = tpu.memref_slice %arg5[%mul3A_450] : memref<2000000xf32, #tpu.memory_space<hbm>> -> memref<2000xf32, #tpu.memory_space<hbm>>
        tpu.enqueue_dma source(%dma_start3A_477 : memref<2000xf32, #tpu.memory_space<hbm>>) target(%dma_start3A_476 : memref<2000xf32, #tpu.memory_space<vmem>>) target_semaphore(%arg18 : memref<!tpu.dma_semaphore, #tpu.memory_space<semaphore_mem>>)
      } else {
      }
    }
    %scan3A_178 = arith.constant 8 : i32
    %dma_wait3A_179 = arith.constant 0 : i32
    %dma_wait3A_180 = arith.constant 2 : i32
    %dma_wait3A_181 = arith.constant 0 : i32
    %dma_wait3A_182 = arith.constant 0 : i32
    %dma_wait3A_183 = tpu.memref_slice %arg14[%dma_wait3A_179, %dma_wait3A_181, %dma_wait3A_182] : memref<2x2000x8xf32, #tpu.memory_space<vmem>> -> memref<1x2000x8xf32, #tpu.memory_space<vmem>>
    %dma_wait3A_184 = tpu.memref_squeeze %dma_wait3A_183 : memref<1x2000x8xf32, #tpu.memory_space<vmem>> -> memref<2000x8xf32, #tpu.memory_space<vmem>>
    %dma_wait3A_185 = arith.constant 0 : i32
    %dma_wait3A_186 = tpu.memref_slice %arg11[%dma_wait3A_180, %dma_wait3A_185] : memref<4x2000xi32, #tpu.memory_space<vmem>> -> memref<1x2000xi32, #tpu.memory_space<vmem>>
    %dma_wait3A_187 = tpu.memref_squeeze %dma_wait3A_186 : memref<1x2000xi32, #tpu.memory_space<vmem>> -> memref<2000xi32, #tpu.memory_space<vmem>>
    %dma_wait3A_188 = arith.constant 0 : i32
    %dma_wait3A_189 = arith.constant 0 : i32
    %dma_wait3A_190 = tpu.memref_slice %arg9[%dma_wait3A_188, %dma_wait3A_189] : memref<65536x8xf32, #tpu.memory_space<vmem_shared>> -> memref<65536x8xf32, #tpu.memory_space<vmem_shared>>
    tpu.wait_indirect_dma semaphore(%arg21 : memref<!tpu.dma_semaphore, #tpu.memory_space<semaphore_mem>>) src(%dma_wait3A_184 : memref<2000x8xf32, #tpu.memory_space<vmem>>) dst(%dma_wait3A_190 : memref<65536x8xf32, #tpu.memory_space<vmem_shared>>)
    %dma_wait3A_191 = arith.constant 1 : i32
    %dma_wait3A_192 = arith.constant 3 : i32
    %dma_wait3A_193 = arith.constant 0 : i32
    %dma_wait3A_194 = arith.constant 0 : i32
    %dma_wait3A_195 = tpu.memref_slice %arg14[%dma_wait3A_191, %dma_wait3A_193, %dma_wait3A_194] : memref<2x2000x8xf32, #tpu.memory_space<vmem>> -> memref<1x2000x8xf32, #tpu.memory_space<vmem>>
    %dma_wait3A_196 = tpu.memref_squeeze %dma_wait3A_195 : memref<1x2000x8xf32, #tpu.memory_space<vmem>> -> memref<2000x8xf32, #tpu.memory_space<vmem>>
    %dma_wait3A_197 = arith.constant 0 : i32
    %dma_wait3A_198 = tpu.memref_slice %arg11[%dma_wait3A_192, %dma_wait3A_197] : memref<4x2000xi32, #tpu.memory_space<vmem>> -> memref<1x2000xi32, #tpu.memory_space<vmem>>
    %dma_wait3A_199 = tpu.memref_squeeze %dma_wait3A_198 : memref<1x2000xi32, #tpu.memory_space<vmem>> -> memref<2000xi32, #tpu.memory_space<vmem>>
    %dma_wait3A_200 = arith.constant 0 : i32
    %dma_wait3A_201 = arith.constant 0 : i32
    %dma_wait3A_202 = tpu.memref_slice %arg9[%dma_wait3A_200, %dma_wait3A_201] : memref<65536x8xf32, #tpu.memory_space<vmem_shared>> -> memref<65536x8xf32, #tpu.memory_space<vmem_shared>>
    tpu.wait_indirect_dma semaphore(%arg22 : memref<!tpu.dma_semaphore, #tpu.memory_space<semaphore_mem>>) src(%dma_wait3A_196 : memref<2000x8xf32, #tpu.memory_space<vmem>>) dst(%dma_wait3A_202 : memref<65536x8xf32, #tpu.memory_space<vmem_shared>>)
    %barrier3A_203 = arith.constant 0 : index
    tpu.barrier barrier_id(%barrier3A_203)
    %mul3A_204 = arith.constant 4096 : i32
    %mul3A_205 = arith.muli %arg1, %mul3A_204 : i32
    %mul3A_206 = arith.constant 65536 : i32
    %mul3A_207 = arith.muli %arg0, %mul3A_206 : i32
    %mul3A_208 = arith.constant 4096 : i32
    %mul3A_209 = arith.muli %arg1, %mul3A_208 : i32
    %add3A_210 = arith.addi %mul3A_207, %mul3A_209 : i32
    "tpu.region"() ({
      %run_scoped3A = tpu.sem_alloc : memref<!tpu.dma_semaphore, #tpu.memory_space<semaphore_mem>>
      %dma_start3A_211 = arith.constant 0 : i32
      %dma_start3A_212 = tpu.memref_slice %arg7[%add3A_210, %dma_start3A_211] : memref<131072x8xf32, #tpu.memory_space<hbm>> -> memref<4096x8xf32, #tpu.memory_space<hbm>>
      %dma_start3A_213 = arith.constant 0 : i32
      %dma_start3A_214 = tpu.memref_slice %arg9[%mul3A_205, %dma_start3A_213] : memref<65536x8xf32, #tpu.memory_space<vmem_shared>> -> memref<4096x8xf32, #tpu.memory_space<vmem_shared>>
      tpu.enqueue_dma source(%dma_start3A_214 : memref<4096x8xf32, #tpu.memory_space<vmem_shared>>) target(%dma_start3A_212 : memref<4096x8xf32, #tpu.memory_space<hbm>>) target_semaphore(%run_scoped3A : memref<!tpu.dma_semaphore, #tpu.memory_space<semaphore_mem>>)
      %dma_wait3A_215 = arith.constant 0 : i32
      %dma_wait3A_216 = tpu.memref_slice %arg7[%add3A_210, %dma_wait3A_215] : memref<131072x8xf32, #tpu.memory_space<hbm>> -> memref<4096x8xf32, #tpu.memory_space<hbm>>
      %dma_wait3A_217 = arith.constant 0 : i32
      %dma_wait3A_218 = tpu.memref_slice %arg9[%mul3A_205, %dma_wait3A_217] : memref<65536x8xf32, #tpu.memory_space<vmem_shared>> -> memref<4096x8xf32, #tpu.memory_space<vmem_shared>>
      tpu.wait_dma2 semaphore(%run_scoped3A : memref<!tpu.dma_semaphore, #tpu.memory_space<semaphore_mem>>) src(%dma_wait3A_218 : memref<4096x8xf32, #tpu.memory_space<vmem_shared>>) dst(%dma_wait3A_216 : memref<4096x8xf32, #tpu.memory_space<hbm>>)
      tpu.yield
    }) : () -> ()
    return
  }
}

module attributes {stable_mosaic.version = 14 : i64} {
  func.func @_filter_body(%arg0: memref<8x360x357xf32, #tpu.memory_space<vmem>>, %arg1: memref<360x357xf32, #tpu.memory_space<vmem>>, %arg2: memref<357x357xf32, #tpu.memory_space<vmem>>, %arg3: memref<1xf32, #tpu.memory_space<vmem>>, %arg4: memref<2880x357xf32, #tpu.memory_space<vmem>>) attributes {dimension_semantics = [], scalar_prefetch = 0 : i64, scratch_operands = 0 : i64, tpu.core_type = #tpu.core_type<tc>} {
    %get3A = arith.constant 0 : index
    %get3A_0 = arith.constant 0 : index
    %get3A_1 = arith.constant 0 : index
    %get3A_2 = vector.load %arg0[%get3A, %get3A_0, %get3A_1] : memref<8x360x357xf32, #tpu.memory_space<vmem>>, vector<8x360x357xf32>
    %get3A_3 = arith.constant 0 : index
    %get3A_4 = arith.constant 0 : index
    %get3A_5 = vector.load %arg1[%get3A_3, %get3A_4] : memref<360x357xf32, #tpu.memory_space<vmem>>, vector<360x357xf32>
    %broadcast_in_dim3A = vector.shape_cast %get3A_5 : vector<360x357xf32> to vector<1x360x357xf32>
    %mul3A = vector.broadcast %broadcast_in_dim3A : vector<1x360x357xf32> to vector<8x360x357xf32>
    %mul3A_6 = arith.mulf %get3A_2, %mul3A : vector<8x360x357xf32>
    %reshape3A = vector.shape_cast %mul3A_6 : vector<8x360x357xf32> to vector<2880x357xf32>
    %get3A_7 = arith.constant 0 : index
    %get3A_8 = arith.constant 0 : index
    %get3A_9 = vector.load %arg2[%get3A_7, %get3A_8] : memref<357x357xf32, #tpu.memory_space<vmem>>, vector<357x357xf32>
    %dot_general3A = arith.constant dense<0.000000e+00> : vector<2880x357xf32>
    %dot_general3A_10 = tpu.matmul %reshape3A, %get3A_9, %dot_general3A {dimension_numbers = #tpu.dot_dimension_numbers<[1], [1], [0], [0], [0, 0, 1, 0], [], []>, transpose_lhs_hint = false} : vector<2880x357xf32>, vector<357x357xf32>, vector<2880x357xf32> -> vector<2880x357xf32>
    %get3A_11 = arith.constant 0 : index
    %get3A_12 = vector.load %arg3[%get3A_11] : memref<1xf32, #tpu.memory_space<vmem>>, vector<1xf32>
    %get3A_13 = vector.extract %get3A_12[0] : f32 from vector<1xf32>
    %add3A = vector.broadcast %get3A_13 : f32 to vector<2880x357xf32>
    %add3A_14 = arith.addf %dot_general3A_10, %add3A : vector<2880x357xf32>
    %swap3A = arith.constant 0 : index
    %swap3A_15 = arith.constant 0 : index
    %swap3A_16 = vector.load %arg4[%swap3A, %swap3A_15] : memref<2880x357xf32, #tpu.memory_space<vmem>>, vector<2880x357xf32>
    tpu.vector_store %arg4[%swap3A, %swap3A_15], %add3A_14 {strides = array<i32>} : memref<2880x357xf32, #tpu.memory_space<vmem>>, vector<2880x357xf32>,
    return
  }
}

</mosaic_0001>

<sc_bundles>
// kernel: kernel.5.cloned.1.call-start
scs
__scs_entry_jumppad:
0x0: {  	(pc) =	sbr.rel $0x88, $3  }
0x1: {  	(tag) =	ssettag $0x0;
	lr =	simm.s32 $0x1  }
0x2: {  	[smem:$0x3F9A] =	sst lr;
	_ =	strace $0xD0000000  }
0x3: {  	_ = 	snop  }
0x4: {  	_ = 	snop  }
0x5: {  	_ = 	snop  }
0x6: {  	_ = 	snop  }
0x7: {  	_ = 	snop  }
__scs_overlays_trampoline_lowered:
0x8: {  	[smem:$0x3FA9] =	sst s0  }
0x9: {  	[smem:$0x3FAA] =	sst s1  }
0xa: {  	[smem:$0x3FAB] =	sst s2  }
0xb: {  	[smem:$0x3FAC] =	sst s3  }
0xc: {  	[smem:$0x3FAD] =	sst s4  }
0xd: {  	[smem:$0x3FAE] =	sst s5  }
0xe: {  	[smem:$0x3FAF] =	sst s6  }
0xf: {  	[smem:$0x3FB0] =	sst s7  }
0x10: {  	[smem:$0x3FB1] =	sst s8  }
0x11: {  	[smem:$0x3FB2] =	sst s9;
	s0 =	simm.s32 @!p0 $0x0  }
0x12: {  	s1 =	sld [smem:$0x3F98];
	s0 =	simm.s32 @p0 $0x1  }
0x13: {  	[smem:$0x3FB3] =	sst s0;
	s0 =	simm.s32 @!p1 $0x0  }
0x14: {  	s2 =	sld [smem:$0x3F97];
	s0 =	simm.s32 @p1 $0x1  }
0x15: {  	[smem:$0x3FB4] =	sst s0;
	s0 =	simm.s32 @!p2 $0x0  }
0x16: {  	s3 =	sld [smem:$0x3FDB];
	s0 =	simm.s32 @p2 $0x1  }
0x17: {  	s4 =	simm.s32 $0x1BF5;
	[smem:$0x3FB6] =	sst s0  }
0x18: {  	s0 =	sld [smem:$0x3F99];
	_ =	swait.ge [sflag:s4], $0x0  }
0x19: {  	s7 =	sld [smem:$0x3F9A]  }
0x1a: {  	s8 =	sadd.s32 $0xFFFFE003, lr  }
0x1b: {  	s9 =	sadd.s32 $0xFFFFFEF7, lr;
	s5 =	simm.s32 $0xFFFFFFFF;
	p2 =	slt.u32 s8, $0xFFFFF086  }
0x1c: {  	p1 =	slt.u32 s9, $0xF7A;
	s5 =	simm.s32 @!p2 $0x0  }
0x1d: {  	s5 =	simm.s32 @p1 $0x1;
	p0 =	seq.s32 s7, s2  }
0x1e: {  	s7 =	smul.u32 @!p0 $0xF7A, s2;
	p2 =	seq.s32 @!p0 s5, $0x0  }
0x1f: {  	s9 =	smul.u32 $0xF7A, s1;
	s8 =	simm.s32 @!p0 $0x1BF5;
	p2 =	por !p2, p0  }
0x20: {  	[sflag:s8] =	ssyncset.s32 @!p0 $0xFFFFF086;
	s6 =	sadd.s32 @!p0 s3, s7;
	s7 =	simm.s32 @!p0 $0x108  }
0x21: {  	s3 =	sadd.s32 s3, s9;
	s6 =	sadd.s32 @!p0 $0x88, s6;
	s7 =	simm.s32 @p2 $0x1082  }
0x22: {  	[simem:s7], [sflag:s8] =	dma.local @!p0 [hbm:s6], $0xF7A  }
0x23: {  	s9 =	sor.u32 $0xD0000000, s2;
	s6 =	simm.s32 $0x108;
	_ =	swait.ge @!p0 [sflag:s8], $0x0  }
0x24: {  	s3 =	sadd.s32 $0x88, s3;
	s6 =	simm.s32 @!p1 $0x1082;
	[sflag:s4] =	ssyncset.s32 $0xFFFFF086  }
0x25: {  	[simem:s6], [sflag:s4] =	dma.local [hbm:s3], $0xF7A  }
0x26: {  	[smem:$0x3F9A] =	sst s1;
	(tag) =	ssettag s2;
	_ =	strace s9  }
0x27: {  	s1 =	sld [smem:$0x3FAA]  }
0x28: {  	s2 =	sld [smem:$0x3FAB]  }
0x29: {  	s4 =	sld [smem:$0x3FAD]  }
0x2a: {  	p0 =	seq.s32 s5, $0x0;
	s5 =	sld [smem:$0x3FAE]  }
0x2b: {  	s6 =	sld [smem:$0x3FAF]  }
0x2c: {  	s7 =	sld [smem:$0x3FB0]  }
0x2d: {  	s3 =	simm.s32 $0x108;
	s8 =	sld [smem:$0x3FB1]  }
0x2e: {  	s3 =	simm.s32 @!p0 $0x1082;
	s9 =	sld [smem:$0x3FB2]  }
0x2f: {  	lr =	sadd.s32 s0, s3;
	s0 =	sld [smem:$0x3FA9]  }
0x30: {  	s3 =	sld [smem:$0x3FAC]  }
0x31: {  	[smem:$0x3FB5] =	sst s10  }
0x32: {  	s10 =	sld [smem:$0x3FB3];
	_ =	sdelay $0x3  }
0x33: {  	p0 =	seq.s32 s10, $0x1;
	s10 =	sld [smem:$0x3FB5];
	_ =	sdelay $0x3  }
0x34: {  	[smem:$0x3FB5] =	sst s10  }
0x35: {  	s10 =	sld [smem:$0x3FB4];
	_ =	sdelay $0x3  }
0x36: {  	p1 =	seq.s32 s10, $0x1;
	s10 =	sld [smem:$0x3FB5];
	_ =	sdelay $0x3  }
0x37: {  	[smem:$0x3FB5] =	sst s10  }
0x38: {  	s10 =	sld [smem:$0x3FB6]  }
0x39: {  	_ = 	snop;
	(pc) =	sbr.ind lr, $3  }
0x3a: {  	_ = 	snop  }
0x3b: {  	_ = 	snop  }
0x3c: {  	p2 =	seq.s32 s10, $0x1;
	s10 =	sld [smem:$0x3FB5]  }
0x3d: {  	_ =	shalt  }
0x3e: {  	_ =	shalt  }
0x3f: {  	_ =	shalt  }
0x40: {  	_ =	shalt  }
0x41: {  	_ =	shalt  }
0x42: {  	_ =	shalt  }
0x43: {  	_ =	shalt  }
0x44: {  	_ =	shalt  }
0x45: {  	_ =	shalt  }
0x46: {  	_ =	shalt  }
0x47: {  	_ =	shalt  }
0x48: {  	_ =	shalt  }
0x49: {  	_ =	shalt  }
0x4a: {  	_ =	shalt  }
0x4b: {  	_ =	shalt  }
0x4c: {  	_ =	shalt  }
0x4d: {  	_ =	shalt  }
0x4e: {  	_ =	shalt  }
0x4f: {  	_ =	shalt  }
0x50: {  	_ =	shalt  }
0x51: {  	_ =	shalt  }
0x52: {  	_ =	shalt  }
0x53: {  	_ =	shalt  }
0x54: {  	_ =	shalt  }
0x55: {  	_ =	shalt  }
0x56: {  	_ =	shalt  }
0x57: {  	_ =	shalt  }
0x58: {  	_ =	shalt  }
0x59: {  	_ =	shalt  }
0x5a: {  	_ =	shalt  }
0x5b: {  	_ =	shalt  }
0x5c: {  	_ =	shalt  }
0x5d: {  	_ =	shalt  }
0x5e: {  	_ =	shalt  }
0x5f: {  	_ =	shalt  }
0x60: {  	_ =	shalt  }
0x61: {  	_ =	shalt  }
0x62: {  	_ =	shalt  }
0x63: {  	_ =	shalt  }
0x64: {  	_ =	shalt  }
0x65: {  	_ =	shalt  }
0x66: {  	_ =	shalt  }
0x67: {  	_ =	shalt  }
0x68: {  	_ =	shalt  }
0x69: {  	_ =	shalt  }
0x6a: {  	_ =	shalt  }
0x6b: {  	_ =	shalt  }
0x6c: {  	_ =	shalt  }
0x6d: {  	_ =	shalt  }
0x6e: {  	_ =	shalt  }
0x6f: {  	_ =	shalt  }
0x70: {  	_ =	shalt  }
0x71: {  	_ =	shalt  }
0x72: {  	_ =	shalt  }
0x73: {  	_ =	shalt  }
0x74: {  	_ =	shalt  }
0x75: {  	_ =	shalt  }
0x76: {  	_ =	shalt  }
0x77: {  	_ =	shalt  }
0x78: {  	_ =	shalt  }
0x79: {  	_ =	shalt  }
0x7a: {  	_ =	shalt  }
0x7b: {  	_ =	shalt  }
0x7c: {  	_ =	shalt  }
0x7d: {  	_ =	shalt  }
0x7e: {  	_ =	shalt  }
0x7f: {  	_ =	shalt  }
0x80: {  	_ =	shalt  }
0x81: {  	_ =	shalt  }
0x82: {  	_ =	shalt  }
0x83: {  	_ =	shalt  }
0x84: {  	_ =	shalt  }
0x85: {  	_ =	shalt  }
0x86: {  	_ =	shalt  }
0x87: {  	_ =	shalt  }
.Lfunc_end0:
.L_simem_size_0:
called_computation_lowered:
.L_overlay_start_0:
0x88: {  	s2 =	sld [smem:$0x3FD9]  }
0x89: {  	s3 =	sld [smem:$0x3FFE];
	_ =	sdelay $0x1  }
0x8a: {  	s1 =	srdreg.scid  }
0x8b: {  	s0 =	sand.u32 $0x1, s1  }
0x8c: {  	s17 =	sshll.u32 s0, $0xA;
	s2 =	sadd.s32 s3, s2  }
0x8d: {  	s2 =	sadd.s32 s2, s17  }
0x8e: {  	[smem:$0x3FC1] =	sst s2  }
0x8f: {  	_ = 	snop  }
0x90: {  	s2 =	sld [smem:$0x3FC5]  }
0x91: {  	s18 =	sld [smem:$0x3FC4]  }
0x92: {  	s4 =	sld [smem:$0x3FC3]  }
0x93: {  	s5 =	sld [smem:$0x3FD0];
	(tm) =	ssettm $0x1  }
0x94: {  	s6 =	sld [smem:$0x3FFB];
	_ =	sdelay $0x3  }
0x95: {  	_ =	strace s6  }
0x96: {  	s6 =	sld [smem:$0x3FFC];
	_ =	sdelay $0x3  }
0x97: {  	_ =	strace s6  }
0x98: {  	s6 =	sld [smem:$0x3FFD];
	_ =	sdelay $0x3  }
0x99: {  	_ =	strace s6  }
0x9a: {  	_ =	strace $0x8FFFFFFF  }
0x9b: {  	s19 =	sld [smem:$0x3FDB];
	_ =	sdelay $0x1  }
0x9c: {  	s7 =	simm.s32 $_scs_section_size  }
0x9d: {  	s8 =	simm.s32 $_size__tile_overlayer_lowered;
	s9 =	simm.s32 $_tile_overlayer_lowered  }
0x9e: {  	s22 =	simm.s32 $0x1BFF;
	s21 =	sshll.u32 s9, $0x1;
	s6 =	sadd.s32 s7, s19  }
0x9f: {  	s10 =	simm.s32 $0x0;
	s20 =	sshll.u32 s8, $0x1;
	s8 =	sadd.s32 s21, s6  }
0xa0: {  	[timem:s10], [sflag:s22] =	dma.local [hbm:s8], s20  }
0xa1: {  	_ =	swait.ge [sflag:s22], s20  }
0xa2: {  	s7 =	ssub.s32 $0x0, s20;
	[sflag:s22] =	ssyncset.done $0x0  }
0xa3: {  	[sflag:s22] =	ssyncadd.s32 s7;
	_ =	sdelay $0x1  }
0xa4: {  	s23 =	simm.s32 $0x1B8B  }
0xa5: {  	_ =	swait.ge [sflag:s23], $0x1  }
0xa6: {  	[sflag:s23] =	ssyncset.done $0x0  }
0xa7: {  	s25 =	simm.s32 $0x1B8E;
	s24 =	sld [smem:$0x3FFE];
	[sflag:s23] =	ssyncadd.s32 $0xFFFFFFFF  }
0xa8: {  	s26 =	simm.s32 $execute0_lowered;
	[smem:$0x3FD2] =	sst s25  }
0xa9: {  	s8 =	sshll.u32 s26, $0x1;
	_ =	strace $0x80000046;
	[dreg:$0x1] =	wrdreg $0xFFFFFFFF  }
0xaa: {  	s28 =	simm.s32 $_size_execute0_lowered;
	s6 =	sadd.s32 s6, s8;
	[dreg:$0x0] =	wrdreg $0x0  }
0xab: {  	s8 =	sshll.u32 s28, $0x1;
	[dreg:$0x2] =	wrdreg s6  }
0xac: {  	[dreg:$0x3] =	wrdreg s8  }
0xad: {  	[dreg:$0x4] =	wrdreg $0xC0  }
0xae: {  	_ =	task [dreg:s10], $0x5FFFF  }
0xaf: {  	[dreg:$0x1] =	wrdreg $0xFFFFFFFF  }
0xb0: {  	[dreg:$0x0] =	wrdreg $0x60  }
0xb1: {  	[dreg:$0x2] =	wrdreg s24  }
0xb2: {  	[dreg:$0x3] =	wrdreg s2  }
0xb3: {  	[dreg:$0x4] =	wrdreg s18  }
0xb4: {  	[dreg:$0x5] =	wrdreg s4  }
0xb5: {  	[dreg:$0x6] =	wrdreg s5  }
0xb6: {  	[dreg:$0x7] =	wrdreg $0x0  }
0xb7: {  	[dreg:$0x8] =	wrdreg $0x9  }
0xb8: {  	_ =	task.clear_ibuf [dreg:s10], $0x9FFFF;
	_ =	strace $0x90000046  }
0xb9: {  	s29 =	simm.s32 $0x9;
	_ =	strace $0x80000048  }
0xba: {  	_ =	swait.ge [sflag:s29], $0x1  }
0xbb: {  	[sflag:s29] =	ssyncadd.s32 $0xFFFFFFFF  }
0xbc: {  	_ =	strace $0x90000048  }
0xbd: {  	_ =	sfence  }
0xbe: {  	s30 =	sld [smem:$0x0];
	_ =	sdelay $0x2  }
0xbf: {  	s31 =	sshll.u32 s1, $0xD;
	s1 =	sshrl.u32 s1, $0x2  }
0xc0: {  	s3 =	sand.u32 $0x4000, s31;
	s1 =	sadd.s32 s1, s30  }
0xc1: {  	s0 =	sor.u32 s3, s0;
	s1 =	sshll.u32 s1, $0x11  }
0xc2: {  	s0 =	sor.u32 s1, s0  }
0xc3: {  	s0 =	sadd.s32 $0x8F2B, s0  }
0xc4: {  	[sflag:s0] =	ssyncadd.remote.s32 $0x1  }
0xc5: {  	_ =	sfence.sel $0xFFFF  }
0xc6: {  	[dreg:$0x0] =	wrdreg $0xFFFFFFFF;
	(pc) =	sbr.abs _section_cstart, $3  }
0xc7: {  	[dreg:$0x1] =	wrdreg $0xFFFFFFFF  }
0xc8: {  	_ =	task.clear_ibuf [dreg:s10], $0x2FFFF;
	_ =	strace $0x9FFFFFFF  }
0xc9: {  	(tm) =	ssettm $0x7FFFFFFF  }
tec
execute0_lowered:
.L_overlay_start_1:
0x0: {  	(tag) =	ssettag $0x1  }
0x1: {  	s0 =	rddreg [dreg:$0x0]  }
0x2: {  	s1 =	rddreg [dreg:$0x1]  }
0x3: {  	s2 =	rddreg [dreg:$0x2]  }
0x4: {  	s3 =	rddreg [dreg:$0x3]  }
0x5: {  	s5 =	rddreg [dreg:$0x5]  }
0x6: {  	s4 =	srdreg.scid;
	s7 =	simm.s32 $0x0;
	s21 =	stileid.u32  }
0x7: {  	s28 =	simm.s32 $0x87D0;
	s30 =	simm.s32 $0xB6B0;
	s31 =	simm.s32 $0x13B80  }
0x8: {  	s29 =	simm.s32 $0x6;
	s4 =	sand.u32 $0x1, s4;
	[smem:$0x7FF] =	sst s7  }
0x9: {  	s14 =	sadd.s32 $0x1000, s0;
	s9 =	sshll.u32 s21, $0xC;
	s10 =	sadd.s32 $0x20800, s0  }
0xa: {  	s20 =	sshll.u32 s21, $0xF;
	s6 =	sshll.u32 s4, $0x4;
	_ =	strace $0x80000047  }
0xb: {  	[dreg:$0x7] =	wrdreg s14;
	s11 =	ssub.s32 $0x2, s4;
	s9 =	sadd.s32 s9, s0  }
0xc: {  	s22 =	sadd.s32 s20, s5;
	s25 =	sshll.u32 s4, $0x10;
	s8 =	sor.u32 s21, s6  }
0xd: {  	s14 =	simm.s32 $0x1;
	s13 =	sshrl.u32 s11, $0x1;
	s15 =	smul.u32 $0xFA, s8  }
0xe: {  	[dreg:$0xe] =	wrdreg s22;
	s22 =	simm.s32 $0xFD00;
	s12 =	smul.u32 $0x7D0, s8  }
0xf: {  	s11 =	ssub.s32 s11, s13;
	s23 =	sor.u32 $0x80, s8;
	s24 =	sor.u32 $0xA0, s8  }
0x10: {  	p0 =	slt.u32 s8, $0x8;
	s4 =	sor.u32 $0x3E0, s8;
	[dreg:$0xf] =	wrdreg s23  }
0x11: {  	s13 =	simm.s32 $0x9F40;
	[dreg:$0x10] =	wrdreg s24;
	s26 =	smax.u32 s11, $0x1  }
0x12: {  	s11 =	simm.s32 $0x8000;
	s16 =	sadd.s32 s2, s15;
	[dreg:$0x13] =	wrdreg s26  }
0x13: {  	s23 =	simm.s32 $0x3;
	s17 =	sadd.s32 s1, s15;
	[dreg:$0x8] =	wrdreg s16  }
0x14: {  	s12 =	sshrl.u32 s12, $0x3;
	s6 =	sadd.s32 s3, s15;
	[dreg:$0x9] =	wrdreg s17  }
0x15: {  	s26 =	simm.s32 $0xAEE0;
	s15 =	simm.s32 $0x7D0;
	[dreg:$0xa] =	wrdreg s6  }
0x16: {  	s18 =	sadd.s32 $0x1F40, s12;
	s17 =	sadd.s32 $0x4EC0, s0;
	s0 =	sadd.s32 s25, s9  }
0x17: {  	s16 =	simm.s32 $0xBE80;
	s9 =	simm.s32 $0x17A00;
	s12 =	sadd.s32 s2, s18  }
0x18: {  	s25 =	simm.s32 $0x5;
	s19 =	sadd.s32 s1, s18;
	[dreg:$0xb] =	wrdreg s12  }
0x19: {  	s6 =	sadd.s32 s3, s18;
	s0 =	sadd.s32 $0x40800, s0;
	[dreg:$0xc] =	wrdreg s19  }
0x1a: {  	s18 =	simm.s32 $0x2;
	[dreg:$0xd] =	wrdreg s6;
	s6 =	smov.u32 s8  }
0x1b: {  	v2 =	vlaneseq.u32;
	[dreg:$0x12] =	wrdreg s0;
	s12 =	simm.s32 $0x1C880;
	s6 =	smov.u32 @p0 s4  }
0x1c: {  	v0 =	vmul.u32 $0x8, v2;
	v1 =	vshrl.u32 v2, $0x3;
	v2 =	vand.u32 $0x7, v2;
	s19 =	simm.s32 $0x0;
	s4 =	simm.s32 $0x4;
	[dreg:$0x11] =	wrdreg s6  }
.LBB2_1:
0x1d: {  	s0 =	rddreg [dreg:$0x8]  }
0x1e: {  	[tilespmem:s11], [sflag:$0x1] =	stream.linear.gather [hbm4b:s0+s7], $0x7D0, $0x38;
	[tilespmem:$0x1D880] =	vst v63  }
0x1f: {  	s20 =	rddreg [dreg:$0x9];
	s6 =	simm.s32 $0x8FA0  }
0x20: {  	[tilespmem:s6], [sflag:$0x1] =	stream.linear.gather [hbm4b:s20+s7], $0x7D0, $0x38;
	[tilespmem:$0x1D880] =	vst v63  }
0x21: {  	s24 =	rddreg [dreg:$0xa]  }
0x22: {  	[tilespmem:s26], [sflag:$0x1] =	stream.linear.gather [hbm4b:s24+s7], $0x7D0, $0x38;
	[tilespmem:$0x1D880] =	vst v63  }
0x23: {  	s6 =	rddreg [dreg:$0xb]  }
0x24: {  	[tilespmem:s28], [sflag:$0x2] =	stream.linear.gather [hbm4b:s6+s7], $0x7D0, $0x38;
	[tilespmem:$0x1D880] =	vst v63  }
.Ltmp0:
0x25: {  	[dreg:$0x14] =	wrdreg s19;
	(pc) =	sbr.rel .LBB2_2-.Ltmp0, $4  }
0x26: {  	s19 =	rddreg [dreg:$0xc];
	s20 =	simm.s32 $0x9770  }
0x27: {  	[tilespmem:s20], [sflag:$0x2] =	stream.linear.gather [hbm4b:s19+s7], $0x7D0, $0x38;
	[tilespmem:$0x1D880] =	vst v63  }
0x28: {  	s24 =	rddreg [dreg:$0xd];
	s19 =	simm.s32 $0x0  }
0x29: {  	[tilespmem:s30], [sflag:$0x2] =	stream.linear.gather [hbm4b:s24+s7], $0x7D0, $0x38;
	[tilespmem:$0x1D880] =	vst v63  }
.LBB2_23:
0x2a: {  	s19 =	sadd.s32 $0x1, s19  }
0x2b: {  	p1 =	sne.s32 s19, $0x10  }
.Ltmp1:
0x2c: {  	_ = 	snop;
	(pc) =	sbr.rel @!p1 .LBB2_24-.Ltmp1, $1  }
0x2d: {  	_ =	sdelay $0x3  }
.LBB2_2:
0x2e: {  	s0 =	sshll.u32 s19, $0x4  }
0x2f: {  	s20 =	sor.u32 s21, s0  }
0x30: {  	p1 =	sgt.u32 s20, $0xFA  }
.Ltmp2:
0x31: {  	_ = 	snop;
	(pc) =	sbr.rel @p1 .LBB2_4-.Ltmp2, $1  }
0x32: {  	_ =	sdelay $0x3  }
0x33: {  	s0 =	sshll.u32 s20, $0x6;
	s6 =	rddreg [dreg:$0x7];
	s24 =	simm.s32 $0x1F608  }
0x34: {  	s13 =	simm.s32 $0x1B880;
	s0 =	sadd.s32 s6, s0;
	s6 =	simm.s32 $0x200  }
0x35: {  	[tilespmem:s13], [sflag:$0x8] =	stream.strided.gather [hbm4b:s0+s6], $0x1000, s24, s6, $0x38;
	[tilespmem:$0x1D880] =	vst v63  }
.Ltmp3:
0x36: {  	_ = 	snop;
	(pc) =	sbr.rel .LBB2_6-.Ltmp3, $4  }
0x37: {  	s24 =	simm.s32 $0x8  }
0x38: {  	_ =	swait.ge [sflag:s24], $0x1000  }
0x39: {  	[sflag:s24] =	ssyncset.done $0x0  }
0x3a: {  	[sflag:s24] =	ssyncadd.s32 $0xFFFFF000  }
.LBB2_4:
0x3b: {  	p1 =	seq.s32 s20, $0xFB  }
.Ltmp4:
0x3c: {  	_ = 	snop;
	(pc) =	sbr.rel @!p1 .LBB2_23-.Ltmp4, $1  }
0x3d: {  	_ =	sdelay $0x3  }
0x3e: {  	s0 =	simm.s32 $0x1B880  }
0x3f: {  	[tilespmem:s0], [sflag:$0x8] =	stream.linear.gather [hbm4b:s17+s7], $0x8, $0x38;
	[tilespmem:$0x1D880] =	vst v63  }
0x40: {  	s24 =	sadd.s32 $0x3EC1, s17;
	s6 =	simm.s32 $0x1BA80  }
0x41: {  	[tilespmem:s6], [sflag:$0x8] =	stream.linear.gather [hbm4b:s24+s7], $0x8, $0x38;
	[tilespmem:$0x1D880] =	vst v63  }
0x42: {  	s13 =	sadd.s32 $0x7D82, s17;
	s24 =	simm.s32 $0x1BC80  }
0x43: {  	[tilespmem:s24], [sflag:$0x8] =	stream.linear.gather [hbm4b:s13+s7], $0x8, $0x38;
	[tilespmem:$0x1D880] =	vst v63  }
0x44: {  	s13 =	sadd.s32 $0xBC43, s17;
	s24 =	simm.s32 $0x1BE80  }
0x45: {  	[tilespmem:s24], [sflag:$0x8] =	stream.linear.gather [hbm4b:s13+s7], $0x8, $0x38;
	[tilespmem:$0x1D880] =	vst v63  }
0x46: {  	s13 =	sadd.s32 $0xFB04, s17;
	s24 =	simm.s32 $0x1C080  }
0x47: {  	[tilespmem:s24], [sflag:$0x8] =	stream.linear.gather [hbm4b:s13+s7], $0x8, $0x38;
	[tilespmem:$0x1D880] =	vst v63  }
0x48: {  	s13 =	sadd.s32 $0x139C5, s17;
	s24 =	simm.s32 $0x1C280  }
0x49: {  	[tilespmem:s24], [sflag:$0x8] =	stream.linear.gather [hbm4b:s13+s7], $0x8, $0x38;
	[tilespmem:$0x1D880] =	vst v63  }
0x4a: {  	s13 =	sadd.s32 $0x17886, s17;
	s24 =	simm.s32 $0x1C480  }
0x4b: {  	[tilespmem:s24], [sflag:$0x8] =	stream.linear.gather [hbm4b:s13+s7], $0x8, $0x38;
	[tilespmem:$0x1D880] =	vst v63  }
0x4c: {  	s6 =	sadd.s32 $0x1B747, s17;
	s13 =	simm.s32 $0x1C680;
	s24 =	simm.s32 $0x8  }
0x4d: {  	[tilespmem:s13], [sflag:$0x8] =	stream.linear.gather [hbm4b:s6+s7], $0x8, $0x38;
	[tilespmem:$0x1D880] =	vst v63  }
0x4e: {  	_ =	swait.ge [sflag:s24], $0x40  }
0x4f: {  	[sflag:s24] =	ssyncset.done $0x0  }
0x50: {  	[sflag:s24] =	ssyncadd.s32 $0xFFFFFFC0  }
.LBB2_6:
0x51: {  	s0 =	simm.s32 $0x0  }
0x52: {  	v3 =	vmov s0  }
0x53: {  	s0 =	simm.s32 $0x1B880;
	v3 =	vshll.u32 v3, $0x3  }
0x54: {  	s6 =	simm.s32 $0x10;
	v4 =	vld [tilespmem:s0+$0x0];
	v5 =	vor.u32 v0, v3  }
.LBB2_7:
0x55: {  	p1 =	sne.s32 s6, $0x1F0  }
.Ltmp5:
0x56: {  	_ = 	snop;
	(pc) =	sbr.rel @p1 .LBB2_7-.Ltmp5, $4  }
0x57: {  	_ = 	snop  }
0x58: {  	v6 =	vmov s6;
	s6 =	sadd.s32 $0x10, s6  }
0x59: {  	s0 =	sadd.s32 $0x10, s0;
	v6 =	vshll.u32 v6, $0x3;
	[tilespmem:v5+s12+$0x0] =	vst.idx.msk $0xffff, v4  }
0x5a: {  	v5 =	vor.u32 v0, v6;
	v4 =	vld [tilespmem:s0+$0x0]  }
0x5b: {  	_ =	sdelay $0x3  }
0x5c: {  	s0 =	simm.s32 $0x1BA80;
	[tilespmem:v5+s12+$0x0] =	vst.idx.msk $0xffff, v4;
	v4 =	vor.u32 v0, v3  }
0x5d: {  	s6 =	simm.s32 $0x10;
	s13 =	simm.s32 $0x9F40;
	v3 =	vld [tilespmem:s0+$0x0];
	v4 =	vor.u32 $0x1, v4  }
.LBB2_9:
0x5e: {  	p1 =	sne.s32 s6, $0x1F0  }
.Ltmp6:
0x5f: {  	_ = 	snop;
	(pc) =	sbr.rel @p1 .LBB2_9-.Ltmp6, $4  }
0x60: {  	v5 =	vmov s6  }
0x61: {  	v5 =	vshll.u32 v5, $0x3  }
0x62: {  	s0 =	sadd.s32 $0x10, s0;
	v5 =	vor.u32 v0, v5;
	[tilespmem:v4+s12+$0x0] =	vst.idx.msk $0xffff, v3  }
0x63: {  	s6 =	sadd.s32 $0x10, s6;
	v4 =	vor.u32 $0x1, v5;
	v3 =	vld [tilespmem:s0+$0x0]  }
0x64: {  	_ = 	snop  }
0x65: {  	s0 =	simm.s32 $0x0  }
0x66: {  	v5 =	vmov s0  }
0x67: {  	v5 =	vshll.u32 v5, $0x3  }
0x68: {  	s0 =	simm.s32 $0x1BC80;
	[tilespmem:v4+s12+$0x0] =	vst.idx.msk $0xffff, v3;
	v3 =	vor.u32 v0, v5  }
0x69: {  	s6 =	simm.s32 $0x10;
	v4 =	vld [tilespmem:s0+$0x0];
	v5 =	vor.u32 $0x2, v3  }
.LBB2_11:
0x6a: {  	p1 =	sne.s32 s6, $0x1F0  }
.Ltmp7:
0x6b: {  	_ = 	snop;
	(pc) =	sbr.rel @p1 .LBB2_11-.Ltmp7, $4  }
0x6c: {  	v6 =	vmov s6  }
0x6d: {  	v6 =	vshll.u32 v6, $0x3  }
0x6e: {  	s0 =	sadd.s32 $0x10, s0;
	v6 =	vor.u32 v0, v6;
	[tilespmem:v5+s12+$0x0] =	vst.idx.msk $0xffff, v4  }
0x6f: {  	s6 =	sadd.s32 $0x10, s6;
	v5 =	vor.u32 $0x2, v6;
	v4 =	vld [tilespmem:s0+$0x0]  }
0x70: {  	_ =	sdelay $0x3  }
0x71: {  	s0 =	simm.s32 $0x1BE80;
	[tilespmem:v5+s12+$0x0] =	vst.idx.msk $0xffff, v4  }
0x72: {  	s6 =	simm.s32 $0x10;
	v3 =	vor.u32 $0x3, v3;
	v4 =	vld [tilespmem:s0+$0x0]  }
.LBB2_13:
0x73: {  	p1 =	sne.s32 s6, $0x1F0  }
.Ltmp8:
0x74: {  	_ = 	snop;
	(pc) =	sbr.rel @p1 .LBB2_13-.Ltmp8, $4  }
0x75: {  	v5 =	vmov s6  }
0x76: {  	v5 =	vshll.u32 v5, $0x3  }
0x77: {  	s0 =	sadd.s32 $0x10, s0;
	v5 =	vor.u32 v0, v5;
	[tilespmem:v3+s12+$0x0] =	vst.idx.msk $0xffff, v4  }
0x78: {  	s6 =	sadd.s32 $0x10, s6;
	v3 =	vor.u32 $0x3, v5;
	v4 =	vld [tilespmem:s0+$0x0]  }
0x79: {  	_ = 	snop  }
0x7a: {  	s0 =	simm.s32 $0x0  }
0x7b: {  	v5 =	vmov s0  }
0x7c: {  	v5 =	vshll.u32 v5, $0x3  }
0x7d: {  	s0 =	simm.s32 $0x1C080;
	[tilespmem:v3+s12+$0x0] =	vst.idx.msk $0xffff, v4;
	v3 =	vor.u32 v0, v5  }
0x7e: {  	s6 =	simm.s32 $0x10;
	v4 =	vld [tilespmem:s0+$0x0];
	v5 =	vor.u32 $0x4, v3  }
.LBB2_15:
0x7f: {  	p1 =	sne.s32 s6, $0x1F0  }
.Ltmp9:
0x80: {  	_ = 	snop;
	(pc) =	sbr.rel @p1 .LBB2_15-.Ltmp9, $4  }
0x81: {  	v6 =	vmov s6  }
0x82: {  	v6 =	vshll.u32 v6, $0x3  }
0x83: {  	s0 =	sadd.s32 $0x10, s0;
	v6 =	vor.u32 v0, v6;
	[tilespmem:v5+s12+$0x0] =	vst.idx.msk $0xffff, v4  }
0x84: {  	s6 =	sadd.s32 $0x10, s6;
	v5 =	vor.u32 $0x4, v6;
	v4 =	vld [tilespmem:s0+$0x0]  }
0x85: {  	_ =	sdelay $0x3  }
0x86: {  	s0 =	simm.s32 $0x1C280;
	[tilespmem:v5+s12+$0x0] =	vst.idx.msk $0xffff, v4  }
0x87: {  	s6 =	simm.s32 $0x10;
	v3 =	vor.u32 $0x5, v3;
	v4 =	vld [tilespmem:s0+$0x0]  }
.LBB2_17:
0x88: {  	p1 =	sne.s32 s6, $0x1F0  }
.Ltmp10:
0x89: {  	_ = 	snop;
	(pc) =	sbr.rel @p1 .LBB2_17-.Ltmp10, $4  }
0x8a: {  	v5 =	vmov s6  }
0x8b: {  	v5 =	vshll.u32 v5, $0x3  }
0x8c: {  	s0 =	sadd.s32 $0x10, s0;
	v5 =	vor.u32 v0, v5;
	[tilespmem:v3+s12+$0x0] =	vst.idx.msk $0xffff, v4  }
0x8d: {  	s6 =	sadd.s32 $0x10, s6;
	v3 =	vor.u32 $0x5, v5;
	v4 =	vld [tilespmem:s0+$0x0]  }
0x8e: {  	_ = 	snop  }
0x8f: {  	s0 =	simm.s32 $0x0  }
0x90: {  	v5 =	vmov s0  }
0x91: {  	v5 =	vshll.u32 v5, $0x3  }
0x92: {  	s0 =	simm.s32 $0x1C480;
	[tilespmem:v3+s12+$0x0] =	vst.idx.msk $0xffff, v4;
	v3 =	vor.u32 v0, v5  }
0x93: {  	s6 =	simm.s32 $0x10;
	v4 =	vld [tilespmem:s0+$0x0];
	v5 =	vor.u32 $0x6, v3  }
.LBB2_19:
0x94: {  	p1 =	sne.s32 s6, $0x1F0  }
.Ltmp11:
0x95: {  	_ = 	snop;
	(pc) =	sbr.rel @p1 .LBB2_19-.Ltmp11, $4  }
0x96: {  	v6 =	vmov s6  }
0x97: {  	v6 =	vshll.u32 v6, $0x3  }
0x98: {  	s0 =	sadd.s32 $0x10, s0;
	v6 =	vor.u32 v0, v6;
	[tilespmem:v5+s12+$0x0] =	vst.idx.msk $0xffff, v4  }
0x99: {  	s6 =	sadd.s32 $0x10, s6;
	v5 =	vor.u32 $0x6, v6;
	v4 =	vld [tilespmem:s0+$0x0]  }
0x9a: {  	_ =	sdelay $0x3  }
0x9b: {  	s0 =	simm.s32 $0x1C680;
	[tilespmem:v5+s12+$0x0] =	vst.idx.msk $0xffff, v4  }
0x9c: {  	s6 =	simm.s32 $0x10;
	v3 =	vor.u32 $0x7, v3;
	v4 =	vld [tilespmem:s0+$0x0]  }
.LBB2_21:
0x9d: {  	p1 =	sne.s32 s6, $0x1F0  }
.Ltmp12:
0x9e: {  	_ = 	snop;
	(pc) =	sbr.rel @p1 .LBB2_21-.Ltmp12, $4  }
0x9f: {  	v5 =	vmov s6  }
0xa0: {  	v5 =	vshll.u32 v5, $0x3  }
0xa1: {  	s0 =	sadd.s32 $0x10, s0;
	v5 =	vor.u32 v0, v5;
	[tilespmem:v3+s12+$0x0] =	vst.idx.msk $0xffff, v4  }
0xa2: {  	s6 =	sadd.s32 $0x10, s6;
	v3 =	vor.u32 $0x7, v5;
	v4 =	vld [tilespmem:s0+$0x0]  }
0xa3: {  	_ =	sdelay $0x2  }
0xa4: {  	s0 =	sshll.u32 s20, $0x9  }
.Ltmp13:
0xa5: {  	s24 =	simm.s32 $0x7;
	s0 =	sadd.s32 s10, s0;
	[tilespmem:v3+s12+$0x0] =	vst.idx.msk $0xffff, v4;
	(pc) =	sbr.rel .LBB2_23-.Ltmp13, $4  }
0xa6: {  	[hbm4b:s0+s7] =	stream.linear.scatter [tilespmem:s12], [sflag:$0x7], $0x1000, $0x38;
	[tilespmem:$0x1D880] =	vst v63  }
0xa7: {  	_ =	swait.ge [sflag:s24], $0x1000  }
0xa8: {  	[sflag:s24] =	ssyncset.done $0x0  }
0xa9: {  	[sflag:s24] =	ssyncadd.s32 $0xFFFFF000  }
.LBB2_24:
0xaa: {  	s0 =	sshll.u32 s21, $0x6;
	s20 =	rddreg [dreg:$0xe]  }
0xab: {  	s21 =	rddreg [dreg:$0x4];
	s6 =	sor.u32 $0x1C07, s0  }
0xac: {  	s19 =	sshrl.u32 s20, $0x3;
	[dreg:$0x15] =	wrdreg s6  }
0xad: {  	s24 =	simm.s32 $0x7;
	[dreg:$0x16] =	wrdreg s19  }
0xae: {  	[spmem:s19], [sflag:s6] =	dma.local [hbm:s21], $0x1000  }
0xaf: {  	_ =	swait.ge [sflag:s24], $0x1000  }
0xb0: {  	[sflag:s24] =	ssyncset.done $0x0  }
0xb1: {  	[sflag:s24] =	ssyncadd.s32 $0xFFFFF000  }
0xb2: {  	[bflag:$0x0] =	sbarrier.arrive $0xFFFF  }
0xb3: {  	_ =	swait.ge [sflag:s14], $0x7D0  }
0xb4: {  	[sflag:s14] =	ssyncset.done $0x0  }
0xb5: {  	[sflag:s14] =	ssyncadd.s32 $0xFFFFF830  }
0xb6: {  	_ =	swait.ge [sflag:s14], $0x7D0  }
0xb7: {  	[sflag:s14] =	ssyncset.done $0x0  }
0xb8: {  	[sflag:s14] =	ssyncadd.s32 $0xFFFFF830  }
0xb9: {  	_ =	swait.ge [sflag:s14], $0x7D0  }
0xba: {  	[sflag:s14] =	ssyncset.done $0x0  }
0xbb: {  	s19 =	simm.s32 $0x0;
	[sflag:s14] =	ssyncadd.s32 $0xFFFFF830  }
0xbc: {  	[tilespmem:s16], [sflag:$0x3] =	stream.indirect.gather [hbm4b:s10+s15], $0x8, s11, s15, $0xb8;
	[tilespmem:$0x1D880] =	vst v63  }
.LBB2_25:
0xbd: {  	_ =	swait.ge [sflag:s18], $0x7D0  }
0xbe: {  	[sflag:s18] =	ssyncset.done $0x0  }
0xbf: {  	[sflag:s18] =	ssyncadd.s32 $0xFFFFF830  }
0xc0: {  	_ =	swait.ge [sflag:s18], $0x7D0  }
0xc1: {  	[sflag:s18] =	ssyncset.done $0x0  }
0xc2: {  	[sflag:s18] =	ssyncadd.s32 $0xFFFFF830  }
0xc3: {  	_ =	swait.ge [sflag:s18], $0x7D0  }
0xc4: {  	[sflag:s18] =	ssyncset.done $0x0  }
0xc5: {  	s0 =	simm.s32 $0x0;
	[sflag:s18] =	ssyncadd.s32 $0xFFFFF830  }
0xc6: {  	[tilespmem:s22], [sflag:$0x4] =	stream.indirect.gather [hbm4b:s10+s15], $0x8, s28, s15, $0xb8;
	[tilespmem:$0x1D880] =	vst v63  }
0xc7: {  	v3 =	vor.u32 s0, v1;
	_ =	swait.ge [sflag:s23], $0x3E80  }
0xc8: {  	p1 =	seq.s32 s19, $0x0;
	v4 =	vshll.u32 v3, $0x3;
	[sflag:s23] =	ssyncset.done $0x0  }
0xc9: {  	s0 =	simm.s32 @!p1 $0x5;
	v4 =	vor.u32 v2, v4;
	[sflag:s23] =	ssyncadd.s32 $0xFFFFC180  }
0xca: {  	_ =	swait.ge @!p1 [sflag:s0], $0x3E80  }
0xcb: {  	[sflag:s0] =	ssyncset.done @!p1 $0x0  }
0xcc: {  	[sflag:s0] =	ssyncadd.s32 @!p1 $0xFFFFC180  }
0xcd: {  	v3 =	vld.idx.msk [tilespmem:v3+s26+$0x0], $0xffff  }
0xce: {  	v5 =	vld.idx.msk [tilespmem:v4+s16+$0x0], $0xffff  }
0xcf: {  	s24 =	simm.s32 $0x2  }
0xd0: {  	v6 =	vor.u32 s24, v1  }
0xd1: {  	v7 =	vshll.u32 v6, $0x3  }
0xd2: {  	v7 =	vor.u32 v2, v7  }
0xd3: {  	v3 =	vmul.f32 v5, v3;
	_ =	sdelay $0x1  }
0xd4: {  	[tilespmem:v4+s31+$0x0] =	vst.idx.msk $0xffff, v3  }
0xd5: {  	v3 =	vld.idx.msk [tilespmem:v6+s26+$0x0], $0xffff  }
0xd6: {  	v4 =	vld.idx.msk [tilespmem:v7+s16+$0x0], $0xffff  }
0xd7: {  	s6 =	simm.s32 $0x4  }
0xd8: {  	v5 =	vor.u32 s6, v1  }
0xd9: {  	v6 =	vshll.u32 v5, $0x3  }
0xda: {  	v6 =	vor.u32 v2, v6  }
0xdb: {  	v3 =	vmul.f32 v4, v3;
	_ =	sdelay $0x1  }
0xdc: {  	[tilespmem:v7+s31+$0x0] =	vst.idx.msk $0xffff, v3  }
0xdd: {  	v3 =	vld.idx.msk [tilespmem:v5+s26+$0x0], $0xffff  }
0xde: {  	v4 =	vld.idx.msk [tilespmem:v6+s16+$0x0], $0xffff  }
0xdf: {  	s11 =	simm.s32 $0x6  }
0xe0: {  	v5 =	vor.u32 s11, v1  }
0xe1: {  	v7 =	vshll.u32 v5, $0x3  }
0xe2: {  	v7 =	vor.u32 v2, v7  }
0xe3: {  	v3 =	vmul.f32 v4, v3;
	_ =	sdelay $0x1  }
0xe4: {  	[tilespmem:v6+s31+$0x0] =	vst.idx.msk $0xffff, v3  }
0xe5: {  	v3 =	vld.idx.msk [tilespmem:v5+s26+$0x0], $0xffff  }
0xe6: {  	v4 =	vld.idx.msk [tilespmem:v7+s16+$0x0], $0xffff  }
0xe7: {  	s20 =	simm.s32 $0x8  }
0xe8: {  	v5 =	vor.u32 s20, v1  }
0xe9: {  	v6 =	vshll.u32 v5, $0x3  }
0xea: {  	v6 =	vor.u32 v2, v6  }
0xeb: {  	v3 =	vmul.f32 v4, v3;
	_ =	sdelay $0x1  }
0xec: {  	[tilespmem:v7+s31+$0x0] =	vst.idx.msk $0xffff, v3  }
0xed: {  	v3 =	vld.idx.msk [tilespmem:v5+s26+$0x0], $0xffff  }
0xee: {  	v4 =	vld.idx.msk [tilespmem:v6+s16+$0x0], $0xffff  }
0xef: {  	s21 =	simm.s32 $0xA  }
0xf0: {  	v5 =	vor.u32 s21, v1  }
0xf1: {  	v7 =	vshll.u32 v5, $0x3  }
0xf2: {  	v7 =	vor.u32 v2, v7  }
0xf3: {  	v3 =	vmul.f32 v4, v3;
	_ =	sdelay $0x1  }
0xf4: {  	[tilespmem:v6+s31+$0x0] =	vst.idx.msk $0xffff, v3  }
0xf5: {  	v3 =	vld.idx.msk [tilespmem:v5+s26+$0x0], $0xffff  }
0xf6: {  	v4 =	vld.idx.msk [tilespmem:v7+s16+$0x0], $0xffff  }
0xf7: {  	s24 =	simm.s32 $0xC  }
0xf8: {  	v5 =	vor.u32 s24, v1  }
0xf9: {  	v6 =	vshll.u32 v5, $0x3  }
0xfa: {  	v6 =	vor.u32 v2, v6  }
0xfb: {  	v3 =	vmul.f32 v4, v3;
	_ =	sdelay $0x1  }
0xfc: {  	[tilespmem:v7+s31+$0x0] =	vst.idx.msk $0xffff, v3  }
0xfd: {  	v4 =	vld.idx.msk [tilespmem:v5+s26+$0x0], $0xffff  }
0xfe: {  	v5 =	vld.idx.msk [tilespmem:v6+s16+$0x0], $0xffff  }
0xff: {  	s0 =	simm.s32 $0xE  }
0x100: {  	v7 =	vor.u32 s0, v1  }
0x101: {  	v3 =	vshll.u32 v7, $0x3  }
0x102: {  	v3 =	vor.u32 v2, v3  }
0x103: {  	v4 =	vmul.f32 v5, v4;
	_ =	sdelay $0x1  }
0x104: {  	[tilespmem:v6+s31+$0x0] =	vst.idx.msk $0xffff, v4  }
0x105: {  	v4 =	vld.idx.msk [tilespmem:v7+s26+$0x0], $0xffff  }
0x106: {  	s20 =	sshll.u32 s19, $0x2;
	s21 =	simm.s32 $0x0;
	v5 =	vld.idx.msk [tilespmem:v3+s16+$0x0], $0xffff  }
.LBB2_26:
0x107: {  	s21 =	sadd.s32 $0x8, s21;
	s0 =	sadd.s32 $0x10, s0  }
0x108: {  	s6 =	sadd.s32 $0xFFFFFFF2, s0;
	p2 =	slt.u32 s21, $0x3E0  }
0x109: {  	v6 =	vor.u32 s6, v1  }
0x10a: {  	v7 =	vshll.u32 v6, $0x3  }
0x10b: {  	v7 =	vor.u32 v2, v7  }
0x10c: {  	v4 =	vmul.f32 v5, v4;
	_ =	sdelay $0x1  }
0x10d: {  	[tilespmem:v3+s31+$0x0] =	vst.idx.msk $0xffff, v4  }
0x10e: {  	v3 =	vld.idx.msk [tilespmem:v6+s26+$0x0], $0xffff  }
0x10f: {  	v4 =	vld.idx.msk [tilespmem:v7+s16+$0x0], $0xffff  }
0x110: {  	s6 =	sadd.s32 $0xFFFFFFF4, s0  }
0x111: {  	v5 =	vor.u32 s6, v1  }
0x112: {  	v6 =	vshll.u32 v5, $0x3  }
0x113: {  	v6 =	vor.u32 v2, v6;
	_ =	sdelay $0x1  }
0x114: {  	v3 =	vmul.f32 v4, v3;
	_ =	sdelay $0x1  }
0x115: {  	[tilespmem:v7+s31+$0x0] =	vst.idx.msk $0xffff, v3  }
0x116: {  	v3 =	vld.idx.msk [tilespmem:v5+s26+$0x0], $0xffff  }
0x117: {  	v4 =	vld.idx.msk [tilespmem:v6+s16+$0x0], $0xffff  }
0x118: {  	s6 =	sadd.s32 $0xFFFFFFF6, s0  }
0x119: {  	v5 =	vor.u32 s6, v1  }
0x11a: {  	v7 =	vshll.u32 v5, $0x3  }
0x11b: {  	v7 =	vor.u32 v2, v7;
	_ =	sdelay $0x1  }
0x11c: {  	v3 =	vmul.f32 v4, v3;
	_ =	sdelay $0x1  }
0x11d: {  	[tilespmem:v6+s31+$0x0] =	vst.idx.msk $0xffff, v3  }
0x11e: {  	v3 =	vld.idx.msk [tilespmem:v5+s26+$0x0], $0xffff  }
0x11f: {  	v4 =	vld.idx.msk [tilespmem:v7+s16+$0x0], $0xffff  }
0x120: {  	s6 =	sadd.s32 $0xFFFFFFF8, s0  }
0x121: {  	v5 =	vor.u32 s6, v1  }
0x122: {  	v6 =	vshll.u32 v5, $0x3  }
0x123: {  	v6 =	vor.u32 v2, v6;
	_ =	sdelay $0x1  }
0x124: {  	v3 =	vmul.f32 v4, v3;
	_ =	sdelay $0x1  }
0x125: {  	[tilespmem:v7+s31+$0x0] =	vst.idx.msk $0xffff, v3  }
0x126: {  	v3 =	vld.idx.msk [tilespmem:v5+s26+$0x0], $0xffff  }
0x127: {  	v4 =	vld.idx.msk [tilespmem:v6+s16+$0x0], $0xffff  }
0x128: {  	s6 =	sadd.s32 $0xFFFFFFFA, s0  }
0x129: {  	v5 =	vor.u32 s6, v1  }
0x12a: {  	v7 =	vshll.u32 v5, $0x3  }
0x12b: {  	v7 =	vor.u32 v2, v7;
	_ =	sdelay $0x1  }
0x12c: {  	v3 =	vmul.f32 v4, v3;
	_ =	sdelay $0x1  }
0x12d: {  	[tilespmem:v6+s31+$0x0] =	vst.idx.msk $0xffff, v3  }
0x12e: {  	v3 =	vld.idx.msk [tilespmem:v5+s26+$0x0], $0xffff  }
0x12f: {  	v4 =	vld.idx.msk [tilespmem:v7+s16+$0x0], $0xffff  }
0x130: {  	s6 =	sadd.s32 $0xFFFFFFFC, s0  }
0x131: {  	v5 =	vor.u32 s6, v1  }
0x132: {  	v6 =	vshll.u32 v5, $0x3  }
0x133: {  	v6 =	vor.u32 v2, v6;
	_ =	sdelay $0x1  }
0x134: {  	v3 =	vmul.f32 v4, v3;
	_ =	sdelay $0x1  }
0x135: {  	[tilespmem:v7+s31+$0x0] =	vst.idx.msk $0xffff, v3  }
0x136: {  	v3 =	vld.idx.msk [tilespmem:v5+s26+$0x0], $0xffff  }
0x137: {  	v4 =	vld.idx.msk [tilespmem:v6+s16+$0x0], $0xffff  }
0x138: {  	s6 =	sadd.s32 $0xFFFFFFFE, s0  }
0x139: {  	v5 =	vor.u32 s6, v1  }
0x13a: {  	v7 =	vshll.u32 v5, $0x3  }
0x13b: {  	v7 =	vor.u32 v2, v7;
	_ =	sdelay $0x1  }
0x13c: {  	v3 =	vmul.f32 v4, v3;
	_ =	sdelay $0x1  }
0x13d: {  	[tilespmem:v6+s31+$0x0] =	vst.idx.msk $0xffff, v3  }
0x13e: {  	v4 =	vld.idx.msk [tilespmem:v5+s26+$0x0], $0xffff  }
0x13f: {  	v5 =	vld.idx.msk [tilespmem:v7+s16+$0x0], $0xffff;
	_ =	sdelay $0x1  }
0x140: {  	v6 =	vor.u32 s0, v1  }
0x141: {  	v3 =	vshll.u32 v6, $0x3  }
0x142: {  	v3 =	vor.u32 v2, v3;
	_ =	sdelay $0x1  }
.Ltmp14:
0x143: {  	v4 =	vmul.f32 v5, v4;
	(pc) =	sbr.rel @p2 .LBB2_26-.Ltmp14, $4  }
0x144: {  	_ = 	snop  }
0x145: {  	[tilespmem:v7+s31+$0x0] =	vst.idx.msk $0xffff, v4  }
0x146: {  	v4 =	vld.idx.msk [tilespmem:v6+s26+$0x0], $0xffff  }
0x147: {  	v5 =	vld.idx.msk [tilespmem:v3+s16+$0x0], $0xffff  }
0x148: {  	_ =	sdelay $0x2  }
0x149: {  	s21 =	sor.u32 $0x2, s20  }
0x14a: {  	s0 =	sshll.u32 s21, $0x5;
	v4 =	vmul.f32 v5, v4  }
0x14b: {  	s0 =	sor.u32 s8, s0  }
0x14c: {  	s6 =	simm.s32 $0x8FA0;
	s0 =	smul.u32 $0xFA, s0;
	[tilespmem:v3+s31+$0x0] =	vst.idx.msk $0xffff, v4  }
0x14d: {  	[spmem:s5] =	stream.indirect.scatter.add.f32 [tilespmem:s31], [sflag:$0x5], $0x8, s6, s15, $0xb8;
	[tilespmem:$0x1D880] =	vst v63  }
0x14e: {  	s24 =	simm.s32 $0x8000;
	s11 =	sadd.s32 s2, s0  }
0x14f: {  	[tilespmem:s24], [sflag:$0x1] =	stream.linear.gather [hbm4b:s11+s7], $0x7D0, $0x38;
	[tilespmem:$0x1D880] =	vst v63  }
0x150: {  	s11 =	sadd.s32 s1, s0  }
0x151: {  	[tilespmem:s13], [sflag:$0x1] =	stream.linear.gather [hbm4b:s11+s7], $0x7D0, $0x38;
	[tilespmem:$0x1D880] =	vst v63  }
0x152: {  	s0 =	sadd.s32 s3, s0  }
0x153: {  	[tilespmem:s26], [sflag:$0x1] =	stream.linear.gather [hbm4b:s0+s7], $0x7D0, $0x38;
	[tilespmem:$0x1D880] =	vst v63  }
0x154: {  	_ =	swait.ge [sflag:s14], $0x7D0  }
0x155: {  	[sflag:s14] =	ssyncset.done $0x0  }
0x156: {  	[sflag:s14] =	ssyncadd.s32 $0xFFFFF830  }
0x157: {  	_ =	swait.ge [sflag:s14], $0x7D0  }
0x158: {  	[sflag:s14] =	ssyncset.done $0x0  }
0x159: {  	[sflag:s14] =	ssyncadd.s32 $0xFFFFF830  }
0x15a: {  	_ =	swait.ge [sflag:s14], $0x7D0  }
0x15b: {  	[sflag:s14] =	ssyncset.done $0x0  }
0x15c: {  	[sflag:s14] =	ssyncadd.s32 $0xFFFFF830  }
0x15d: {  	[tilespmem:s16], [sflag:$0x3] =	stream.indirect.gather [hbm4b:s10+s15], $0x8, s24, s15, $0xb8;
	[tilespmem:$0x1D880] =	vst v63  }
0x15e: {  	s24 =	simm.s32 $0x0  }
0x15f: {  	_ =	swait.ge [sflag:s4], $0x3E80;
	v3 =	vor.u32 s24, v1  }
0x160: {  	[sflag:s4] =	ssyncset.done $0x0;
	v4 =	vshll.u32 v3, $0x3  }
0x161: {  	s0 =	simm.s32 @!p1 $0x6;
	[sflag:s4] =	ssyncadd.s32 $0xFFFFC180;
	v4 =	vor.u32 v2, v4  }
0x162: {  	_ =	swait.ge @!p1 [sflag:s0], $0x3E80  }
0x163: {  	[sflag:s0] =	ssyncset.done @!p1 $0x0  }
0x164: {  	[sflag:s0] =	ssyncadd.s32 @!p1 $0xFFFFC180  }
0x165: {  	v3 =	vld.idx.msk [tilespmem:v3+s30+$0x0], $0xffff  }
0x166: {  	v5 =	vld.idx.msk [tilespmem:v4+s22+$0x0], $0xffff  }
0x167: {  	s6 =	simm.s32 $0x2  }
0x168: {  	v6 =	vor.u32 s6, v1  }
0x169: {  	v7 =	vshll.u32 v6, $0x3  }
0x16a: {  	v7 =	vor.u32 v2, v7  }
0x16b: {  	v3 =	vmul.f32 v5, v3;
	_ =	sdelay $0x1  }
0x16c: {  	[tilespmem:v4+s9+$0x0] =	vst.idx.msk $0xffff, v3  }
0x16d: {  	v3 =	vld.idx.msk [tilespmem:v6+s30+$0x0], $0xffff  }
0x16e: {  	v4 =	vld.idx.msk [tilespmem:v7+s22+$0x0], $0xffff  }
0x16f: {  	s24 =	simm.s32 $0x4  }
0x170: {  	v5 =	vor.u32 s24, v1  }
0x171: {  	v6 =	vshll.u32 v5, $0x3  }
0x172: {  	v6 =	vor.u32 v2, v6  }
0x173: {  	v3 =	vmul.f32 v4, v3;
	_ =	sdelay $0x1  }
0x174: {  	[tilespmem:v7+s9+$0x0] =	vst.idx.msk $0xffff, v3  }
0x175: {  	v3 =	vld.idx.msk [tilespmem:v5+s30+$0x0], $0xffff  }
0x176: {  	v4 =	vld.idx.msk [tilespmem:v6+s22+$0x0], $0xffff  }
0x177: {  	s6 =	simm.s32 $0x6  }
0x178: {  	v5 =	vor.u32 s6, v1  }
0x179: {  	v7 =	vshll.u32 v5, $0x3  }
0x17a: {  	v7 =	vor.u32 v2, v7  }
0x17b: {  	v3 =	vmul.f32 v4, v3;
	_ =	sdelay $0x1  }
0x17c: {  	[tilespmem:v6+s9+$0x0] =	vst.idx.msk $0xffff, v3  }
0x17d: {  	v3 =	vld.idx.msk [tilespmem:v5+s30+$0x0], $0xffff  }
0x17e: {  	v4 =	vld.idx.msk [tilespmem:v7+s22+$0x0], $0xffff  }
0x17f: {  	s24 =	simm.s32 $0x8  }
0x180: {  	v5 =	vor.u32 s24, v1  }
0x181: {  	v6 =	vshll.u32 v5, $0x3  }
0x182: {  	v6 =	vor.u32 v2, v6  }
0x183: {  	v3 =	vmul.f32 v4, v3;
	_ =	sdelay $0x1  }
0x184: {  	[tilespmem:v7+s9+$0x0] =	vst.idx.msk $0xffff, v3  }
0x185: {  	v3 =	vld.idx.msk [tilespmem:v5+s30+$0x0], $0xffff  }
0x186: {  	v4 =	vld.idx.msk [tilespmem:v6+s22+$0x0], $0xffff  }
0x187: {  	s6 =	simm.s32 $0xA  }
0x188: {  	v5 =	vor.u32 s6, v1  }
0x189: {  	v7 =	vshll.u32 v5, $0x3  }
0x18a: {  	v7 =	vor.u32 v2, v7  }
0x18b: {  	v3 =	vmul.f32 v4, v3;
	_ =	sdelay $0x1  }
0x18c: {  	[tilespmem:v6+s9+$0x0] =	vst.idx.msk $0xffff, v3  }
0x18d: {  	v3 =	vld.idx.msk [tilespmem:v5+s30+$0x0], $0xffff  }
0x18e: {  	v4 =	vld.idx.msk [tilespmem:v7+s22+$0x0], $0xffff  }
0x18f: {  	s24 =	simm.s32 $0xC  }
0x190: {  	v5 =	vor.u32 s24, v1  }
0x191: {  	v6 =	vshll.u32 v5, $0x3  }
0x192: {  	v6 =	vor.u32 v2, v6  }
0x193: {  	v3 =	vmul.f32 v4, v3;
	_ =	sdelay $0x1  }
0x194: {  	[tilespmem:v7+s9+$0x0] =	vst.idx.msk $0xffff, v3  }
0x195: {  	v4 =	vld.idx.msk [tilespmem:v5+s30+$0x0], $0xffff  }
0x196: {  	v5 =	vld.idx.msk [tilespmem:v6+s22+$0x0], $0xffff  }
0x197: {  	s0 =	simm.s32 $0xE  }
0x198: {  	v7 =	vor.u32 s0, v1  }
0x199: {  	v3 =	vshll.u32 v7, $0x3  }
0x19a: {  	v3 =	vor.u32 v2, v3  }
0x19b: {  	v4 =	vmul.f32 v5, v4;
	_ =	sdelay $0x1  }
0x19c: {  	[tilespmem:v6+s9+$0x0] =	vst.idx.msk $0xffff, v4  }
0x19d: {  	v4 =	vld.idx.msk [tilespmem:v7+s30+$0x0], $0xffff  }
0x19e: {  	s11 =	simm.s32 $0x8000;
	s6 =	simm.s32 $0x0;
	v5 =	vld.idx.msk [tilespmem:v3+s22+$0x0], $0xffff  }
.LBB2_28:
0x19f: {  	s6 =	sadd.s32 $0x8, s6;
	s0 =	sadd.s32 $0x10, s0  }
0x1a0: {  	s24 =	sadd.s32 $0xFFFFFFF2, s0;
	p1 =	slt.u32 s6, $0x3E0  }
0x1a1: {  	v6 =	vor.u32 s24, v1  }
0x1a2: {  	v7 =	vshll.u32 v6, $0x3  }
0x1a3: {  	v7 =	vor.u32 v2, v7  }
0x1a4: {  	v4 =	vmul.f32 v5, v4;
	_ =	sdelay $0x1  }
0x1a5: {  	[tilespmem:v3+s9+$0x0] =	vst.idx.msk $0xffff, v4  }
0x1a6: {  	v3 =	vld.idx.msk [tilespmem:v6+s30+$0x0], $0xffff  }
0x1a7: {  	v4 =	vld.idx.msk [tilespmem:v7+s22+$0x0], $0xffff  }
0x1a8: {  	s24 =	sadd.s32 $0xFFFFFFF4, s0  }
0x1a9: {  	v5 =	vor.u32 s24, v1  }
0x1aa: {  	v6 =	vshll.u32 v5, $0x3  }
0x1ab: {  	v6 =	vor.u32 v2, v6;
	_ =	sdelay $0x1  }
0x1ac: {  	v3 =	vmul.f32 v4, v3;
	_ =	sdelay $0x1  }
0x1ad: {  	[tilespmem:v7+s9+$0x0] =	vst.idx.msk $0xffff, v3  }
0x1ae: {  	v3 =	vld.idx.msk [tilespmem:v5+s30+$0x0], $0xffff  }
0x1af: {  	v4 =	vld.idx.msk [tilespmem:v6+s22+$0x0], $0xffff  }
0x1b0: {  	s24 =	sadd.s32 $0xFFFFFFF6, s0  }
0x1b1: {  	v5 =	vor.u32 s24, v1  }
0x1b2: {  	v7 =	vshll.u32 v5, $0x3  }
0x1b3: {  	v7 =	vor.u32 v2, v7;
	_ =	sdelay $0x1  }
0x1b4: {  	v3 =	vmul.f32 v4, v3;
	_ =	sdelay $0x1  }
0x1b5: {  	[tilespmem:v6+s9+$0x0] =	vst.idx.msk $0xffff, v3  }
0x1b6: {  	v3 =	vld.idx.msk [tilespmem:v5+s30+$0x0], $0xffff  }
0x1b7: {  	v4 =	vld.idx.msk [tilespmem:v7+s22+$0x0], $0xffff  }
0x1b8: {  	s24 =	sadd.s32 $0xFFFFFFF8, s0  }
0x1b9: {  	v5 =	vor.u32 s24, v1  }
0x1ba: {  	v6 =	vshll.u32 v5, $0x3  }
0x1bb: {  	v6 =	vor.u32 v2, v6;
	_ =	sdelay $0x1  }
0x1bc: {  	v3 =	vmul.f32 v4, v3;
	_ =	sdelay $0x1  }
0x1bd: {  	[tilespmem:v7+s9+$0x0] =	vst.idx.msk $0xffff, v3  }
0x1be: {  	v3 =	vld.idx.msk [tilespmem:v5+s30+$0x0], $0xffff  }
0x1bf: {  	v4 =	vld.idx.msk [tilespmem:v6+s22+$0x0], $0xffff  }
0x1c0: {  	s24 =	sadd.s32 $0xFFFFFFFA, s0  }
0x1c1: {  	v5 =	vor.u32 s24, v1  }
0x1c2: {  	v7 =	vshll.u32 v5, $0x3  }
0x1c3: {  	v7 =	vor.u32 v2, v7;
	_ =	sdelay $0x1  }
0x1c4: {  	v3 =	vmul.f32 v4, v3;
	_ =	sdelay $0x1  }
0x1c5: {  	[tilespmem:v6+s9+$0x0] =	vst.idx.msk $0xffff, v3  }
0x1c6: {  	v3 =	vld.idx.msk [tilespmem:v5+s30+$0x0], $0xffff  }
0x1c7: {  	v4 =	vld.idx.msk [tilespmem:v7+s22+$0x0], $0xffff  }
0x1c8: {  	s24 =	sadd.s32 $0xFFFFFFFC, s0  }
0x1c9: {  	v5 =	vor.u32 s24, v1  }
0x1ca: {  	v6 =	vshll.u32 v5, $0x3  }
0x1cb: {  	v6 =	vor.u32 v2, v6;
	_ =	sdelay $0x1  }
0x1cc: {  	v3 =	vmul.f32 v4, v3;
	_ =	sdelay $0x1  }
0x1cd: {  	[tilespmem:v7+s9+$0x0] =	vst.idx.msk $0xffff, v3  }
0x1ce: {  	v3 =	vld.idx.msk [tilespmem:v5+s30+$0x0], $0xffff  }
0x1cf: {  	v4 =	vld.idx.msk [tilespmem:v6+s22+$0x0], $0xffff  }
0x1d0: {  	s24 =	sadd.s32 $0xFFFFFFFE, s0  }
0x1d1: {  	v5 =	vor.u32 s24, v1  }
0x1d2: {  	v7 =	vshll.u32 v5, $0x3  }
0x1d3: {  	v7 =	vor.u32 v2, v7;
	_ =	sdelay $0x1  }
0x1d4: {  	v3 =	vmul.f32 v4, v3;
	_ =	sdelay $0x1  }
0x1d5: {  	[tilespmem:v6+s9+$0x0] =	vst.idx.msk $0xffff, v3  }
0x1d6: {  	v4 =	vld.idx.msk [tilespmem:v5+s30+$0x0], $0xffff  }
0x1d7: {  	v5 =	vld.idx.msk [tilespmem:v7+s22+$0x0], $0xffff;
	_ =	sdelay $0x1  }
0x1d8: {  	v6 =	vor.u32 s0, v1  }
0x1d9: {  	v3 =	vshll.u32 v6, $0x3  }
0x1da: {  	v3 =	vor.u32 v2, v3;
	_ =	sdelay $0x1  }
.Ltmp15:
0x1db: {  	v4 =	vmul.f32 v5, v4;
	(pc) =	sbr.rel @p1 .LBB2_28-.Ltmp15, $4  }
0x1dc: {  	_ = 	snop  }
0x1dd: {  	[tilespmem:v7+s9+$0x0] =	vst.idx.msk $0xffff, v4  }
0x1de: {  	v4 =	vld.idx.msk [tilespmem:v6+s30+$0x0], $0xffff  }
0x1df: {  	v5 =	vld.idx.msk [tilespmem:v3+s22+$0x0], $0xffff  }
0x1e0: {  	_ =	sdelay $0x1  }
0x1e1: {  	s20 =	sor.u32 $0x3, s20  }
0x1e2: {  	s0 =	sshll.u32 s20, $0x5  }
0x1e3: {  	s6 =	rddreg [dreg:$0x11];
	p1 =	slt.u32 s20, $0x1F;
	s0 =	sor.u32 s8, s0;
	v4 =	vmul.f32 v5, v4  }
0x1e4: {  	s6 =	smov.u32 @p1 s0  }
0x1e5: {  	s24 =	simm.s32 $0x9770;
	s0 =	smul.u32 $0xFA, s6;
	[tilespmem:v3+s9+$0x0] =	vst.idx.msk $0xffff, v4  }
0x1e6: {  	[spmem:s5] =	stream.indirect.scatter.add.f32 [tilespmem:s9], [sflag:$0x6], $0x8, s24, s15, $0xb8;
	[tilespmem:$0x1D880] =	vst v63  }
0x1e7: {  	s24 =	sadd.s32 s2, s0  }
0x1e8: {  	[tilespmem:s28], [sflag:$0x2] =	stream.linear.gather [hbm4b:s24+s7], $0x7D0, $0x38;
	[tilespmem:$0x1D880] =	vst v63  }
0x1e9: {  	s6 =	sadd.s32 s1, s0;
	s24 =	simm.s32 $0xA710  }
0x1ea: {  	[tilespmem:s24], [sflag:$0x2] =	stream.linear.gather [hbm4b:s6+s7], $0x7D0, $0x38;
	[tilespmem:$0x1D880] =	vst v63  }
0x1eb: {  	s0 =	sadd.s32 s3, s0  }
0x1ec: {  	[tilespmem:s30], [sflag:$0x2] =	stream.linear.gather [hbm4b:s0+s7], $0x7D0, $0x38;
	[tilespmem:$0x1D880] =	vst v63  }
0x1ed: {  	_ =	swait.ge [sflag:s18], $0x7D0  }
0x1ee: {  	[sflag:s18] =	ssyncset.done $0x0  }
0x1ef: {  	[sflag:s18] =	ssyncadd.s32 $0xFFFFF830  }
0x1f0: {  	_ =	swait.ge [sflag:s18], $0x7D0  }
0x1f1: {  	[sflag:s18] =	ssyncset.done $0x0  }
0x1f2: {  	[sflag:s18] =	ssyncadd.s32 $0xFFFFF830  }
0x1f3: {  	_ =	swait.ge [sflag:s18], $0x7D0  }
0x1f4: {  	[sflag:s18] =	ssyncset.done $0x0  }
0x1f5: {  	s24 =	simm.s32 $0x0;
	[sflag:s18] =	ssyncadd.s32 $0xFFFFF830  }
0x1f6: {  	[tilespmem:s22], [sflag:$0x4] =	stream.indirect.gather [hbm4b:s10+s15], $0x8, s28, s15, $0xb8;
	[tilespmem:$0x1D880] =	vst v63  }
0x1f7: {  	v3 =	vor.u32 s24, v1;
	_ =	swait.ge [sflag:s23], $0x3E80  }
0x1f8: {  	v4 =	vshll.u32 v3, $0x3;
	[sflag:s23] =	ssyncset.done $0x0  }
0x1f9: {  	v4 =	vor.u32 v2, v4;
	[sflag:s23] =	ssyncadd.s32 $0xFFFFC180  }
0x1fa: {  	_ =	swait.ge [sflag:s25], $0x3E80  }
0x1fb: {  	[sflag:s25] =	ssyncset.done $0x0  }
0x1fc: {  	[sflag:s25] =	ssyncadd.s32 $0xFFFFC180  }
0x1fd: {  	v3 =	vld.idx.msk [tilespmem:v3+s26+$0x0], $0xffff  }
0x1fe: {  	v5 =	vld.idx.msk [tilespmem:v4+s16+$0x0], $0xffff  }
0x1ff: {  	s6 =	simm.s32 $0x2  }
0x200: {  	v6 =	vor.u32 s6, v1  }
0x201: {  	v7 =	vshll.u32 v6, $0x3  }
0x202: {  	v7 =	vor.u32 v2, v7  }
0x203: {  	v3 =	vmul.f32 v5, v3;
	_ =	sdelay $0x1  }
0x204: {  	[tilespmem:v4+s31+$0x0] =	vst.idx.msk $0xffff, v3  }
0x205: {  	v3 =	vld.idx.msk [tilespmem:v6+s26+$0x0], $0xffff  }
0x206: {  	v4 =	vld.idx.msk [tilespmem:v7+s16+$0x0], $0xffff  }
0x207: {  	s24 =	simm.s32 $0x4  }
0x208: {  	v5 =	vor.u32 s24, v1  }
0x209: {  	v6 =	vshll.u32 v5, $0x3  }
0x20a: {  	v6 =	vor.u32 v2, v6  }
0x20b: {  	v3 =	vmul.f32 v4, v3;
	_ =	sdelay $0x1  }
0x20c: {  	[tilespmem:v7+s31+$0x0] =	vst.idx.msk $0xffff, v3  }
0x20d: {  	v3 =	vld.idx.msk [tilespmem:v5+s26+$0x0], $0xffff  }
0x20e: {  	v4 =	vld.idx.msk [tilespmem:v6+s16+$0x0], $0xffff  }
0x20f: {  	s6 =	simm.s32 $0x6  }
0x210: {  	v5 =	vor.u32 s6, v1  }
0x211: {  	v7 =	vshll.u32 v5, $0x3  }
0x212: {  	v7 =	vor.u32 v2, v7  }
0x213: {  	v3 =	vmul.f32 v4, v3;
	_ =	sdelay $0x1  }
0x214: {  	[tilespmem:v6+s31+$0x0] =	vst.idx.msk $0xffff, v3  }
0x215: {  	v3 =	vld.idx.msk [tilespmem:v5+s26+$0x0], $0xffff  }
0x216: {  	v4 =	vld.idx.msk [tilespmem:v7+s16+$0x0], $0xffff  }
0x217: {  	s24 =	simm.s32 $0x8  }
0x218: {  	v5 =	vor.u32 s24, v1  }
0x219: {  	v6 =	vshll.u32 v5, $0x3  }
0x21a: {  	v6 =	vor.u32 v2, v6  }
0x21b: {  	v3 =	vmul.f32 v4, v3;
	_ =	sdelay $0x1  }
0x21c: {  	[tilespmem:v7+s31+$0x0] =	vst.idx.msk $0xffff, v3  }
0x21d: {  	v3 =	vld.idx.msk [tilespmem:v5+s26+$0x0], $0xffff  }
0x21e: {  	v4 =	vld.idx.msk [tilespmem:v6+s16+$0x0], $0xffff  }
0x21f: {  	s6 =	simm.s32 $0xA  }
0x220: {  	v5 =	vor.u32 s6, v1  }
0x221: {  	v7 =	vshll.u32 v5, $0x3  }
0x222: {  	v7 =	vor.u32 v2, v7  }
0x223: {  	v3 =	vmul.f32 v4, v3;
	_ =	sdelay $0x1  }
0x224: {  	[tilespmem:v6+s31+$0x0] =	vst.idx.msk $0xffff, v3  }
0x225: {  	v3 =	vld.idx.msk [tilespmem:v5+s26+$0x0], $0xffff  }
0x226: {  	v4 =	vld.idx.msk [tilespmem:v7+s16+$0x0], $0xffff  }
0x227: {  	s24 =	simm.s32 $0xC  }
0x228: {  	v5 =	vor.u32 s24, v1  }
0x229: {  	v6 =	vshll.u32 v5, $0x3  }
0x22a: {  	v6 =	vor.u32 v2, v6  }
0x22b: {  	v3 =	vmul.f32 v4, v3;
	_ =	sdelay $0x1  }
0x22c: {  	[tilespmem:v7+s31+$0x0] =	vst.idx.msk $0xffff, v3  }
0x22d: {  	v4 =	vld.idx.msk [tilespmem:v5+s26+$0x0], $0xffff  }
0x22e: {  	v5 =	vld.idx.msk [tilespmem:v6+s16+$0x0], $0xffff  }
0x22f: {  	s0 =	simm.s32 $0xE  }
0x230: {  	v7 =	vor.u32 s0, v1  }
0x231: {  	v3 =	vshll.u32 v7, $0x3  }
0x232: {  	v3 =	vor.u32 v2, v3  }
0x233: {  	v4 =	vmul.f32 v5, v4;
	_ =	sdelay $0x1  }
0x234: {  	[tilespmem:v6+s31+$0x0] =	vst.idx.msk $0xffff, v4  }
0x235: {  	v4 =	vld.idx.msk [tilespmem:v7+s26+$0x0], $0xffff  }
0x236: {  	s6 =	simm.s32 $0x0;
	v5 =	vld.idx.msk [tilespmem:v3+s16+$0x0], $0xffff  }
.LBB2_30:
0x237: {  	s6 =	sadd.s32 $0x8, s6;
	s0 =	sadd.s32 $0x10, s0  }
0x238: {  	s24 =	sadd.s32 $0xFFFFFFF2, s0;
	p2 =	slt.u32 s6, $0x3E0  }
0x239: {  	v6 =	vor.u32 s24, v1  }
0x23a: {  	v7 =	vshll.u32 v6, $0x3  }
0x23b: {  	v7 =	vor.u32 v2, v7  }
0x23c: {  	v4 =	vmul.f32 v5, v4;
	_ =	sdelay $0x1  }
0x23d: {  	[tilespmem:v3+s31+$0x0] =	vst.idx.msk $0xffff, v4  }
0x23e: {  	v3 =	vld.idx.msk [tilespmem:v6+s26+$0x0], $0xffff  }
0x23f: {  	v4 =	vld.idx.msk [tilespmem:v7+s16+$0x0], $0xffff  }
0x240: {  	s24 =	sadd.s32 $0xFFFFFFF4, s0  }
0x241: {  	v5 =	vor.u32 s24, v1  }
0x242: {  	v6 =	vshll.u32 v5, $0x3  }
0x243: {  	v6 =	vor.u32 v2, v6;
	_ =	sdelay $0x1  }
0x244: {  	v3 =	vmul.f32 v4, v3;
	_ =	sdelay $0x1  }
0x245: {  	[tilespmem:v7+s31+$0x0] =	vst.idx.msk $0xffff, v3  }
0x246: {  	v3 =	vld.idx.msk [tilespmem:v5+s26+$0x0], $0xffff  }
0x247: {  	v4 =	vld.idx.msk [tilespmem:v6+s16+$0x0], $0xffff  }
0x248: {  	s24 =	sadd.s32 $0xFFFFFFF6, s0  }
0x249: {  	v5 =	vor.u32 s24, v1  }
0x24a: {  	v7 =	vshll.u32 v5, $0x3  }
0x24b: {  	v7 =	vor.u32 v2, v7;
	_ =	sdelay $0x1  }
0x24c: {  	v3 =	vmul.f32 v4, v3;
	_ =	sdelay $0x1  }
0x24d: {  	[tilespmem:v6+s31+$0x0] =	vst.idx.msk $0xffff, v3  }
0x24e: {  	v3 =	vld.idx.msk [tilespmem:v5+s26+$0x0], $0xffff  }
0x24f: {  	v4 =	vld.idx.msk [tilespmem:v7+s16+$0x0], $0xffff  }
0x250: {  	s24 =	sadd.s32 $0xFFFFFFF8, s0  }
0x251: {  	v5 =	vor.u32 s24, v1  }
0x252: {  	v6 =	vshll.u32 v5, $0x3  }
0x253: {  	v6 =	vor.u32 v2, v6;
	_ =	sdelay $0x1  }
0x254: {  	v3 =	vmul.f32 v4, v3;
	_ =	sdelay $0x1  }
0x255: {  	[tilespmem:v7+s31+$0x0] =	vst.idx.msk $0xffff, v3  }
0x256: {  	v3 =	vld.idx.msk [tilespmem:v5+s26+$0x0], $0xffff  }
0x257: {  	v4 =	vld.idx.msk [tilespmem:v6+s16+$0x0], $0xffff  }
0x258: {  	s24 =	sadd.s32 $0xFFFFFFFA, s0  }
0x259: {  	v5 =	vor.u32 s24, v1  }
0x25a: {  	v7 =	vshll.u32 v5, $0x3  }
0x25b: {  	v7 =	vor.u32 v2, v7;
	_ =	sdelay $0x1  }
0x25c: {  	v3 =	vmul.f32 v4, v3;
	_ =	sdelay $0x1  }
0x25d: {  	[tilespmem:v6+s31+$0x0] =	vst.idx.msk $0xffff, v3  }
0x25e: {  	v3 =	vld.idx.msk [tilespmem:v5+s26+$0x0], $0xffff  }
0x25f: {  	v4 =	vld.idx.msk [tilespmem:v7+s16+$0x0], $0xffff  }
0x260: {  	s24 =	sadd.s32 $0xFFFFFFFC, s0  }
0x261: {  	v5 =	vor.u32 s24, v1  }
0x262: {  	v6 =	vshll.u32 v5, $0x3  }
0x263: {  	v6 =	vor.u32 v2, v6;
	_ =	sdelay $0x1  }
0x264: {  	v3 =	vmul.f32 v4, v3;
	_ =	sdelay $0x1  }
0x265: {  	[tilespmem:v7+s31+$0x0] =	vst.idx.msk $0xffff, v3  }
0x266: {  	v3 =	vld.idx.msk [tilespmem:v5+s26+$0x0], $0xffff  }
0x267: {  	v4 =	vld.idx.msk [tilespmem:v6+s16+$0x0], $0xffff  }
0x268: {  	s24 =	sadd.s32 $0xFFFFFFFE, s0  }
0x269: {  	v5 =	vor.u32 s24, v1  }
0x26a: {  	v7 =	vshll.u32 v5, $0x3  }
0x26b: {  	v7 =	vor.u32 v2, v7;
	_ =	sdelay $0x1  }
0x26c: {  	v3 =	vmul.f32 v4, v3;
	_ =	sdelay $0x1  }
0x26d: {  	[tilespmem:v6+s31+$0x0] =	vst.idx.msk $0xffff, v3  }
0x26e: {  	v4 =	vld.idx.msk [tilespmem:v5+s26+$0x0], $0xffff  }
0x26f: {  	v5 =	vld.idx.msk [tilespmem:v7+s16+$0x0], $0xffff;
	_ =	sdelay $0x1  }
0x270: {  	v6 =	vor.u32 s0, v1  }
0x271: {  	v3 =	vshll.u32 v6, $0x3  }
0x272: {  	v3 =	vor.u32 v2, v3;
	_ =	sdelay $0x1  }
.Ltmp16:
0x273: {  	v4 =	vmul.f32 v5, v4;
	(pc) =	sbr.rel @p2 .LBB2_30-.Ltmp16, $4  }
0x274: {  	_ = 	snop  }
0x275: {  	[tilespmem:v7+s31+$0x0] =	vst.idx.msk $0xffff, v4  }
0x276: {  	v4 =	vld.idx.msk [tilespmem:v6+s26+$0x0], $0xffff  }
0x277: {  	v5 =	vld.idx.msk [tilespmem:v3+s16+$0x0], $0xffff  }
0x278: {  	_ =	sdelay $0x2  }
0x279: {  	p2 =	sgt.u32 s21, $0x1D  }
0x27a: {  	s6 =	rddreg [dreg:$0xf];
	s0 =	sshll.u32 @!p2 s19, $0x7;
	v4 =	vmul.f32 v5, v4  }
0x27b: {  	s0 =	sadd.s32 @!p2 s6, s0  }
0x27c: {  	s0 =	smul.u32 @!p2 $0xFA, s0;
	[tilespmem:v3+s31+$0x0] =	vst.idx.msk $0xffff, v4  }
0x27d: {  	[spmem:s5] =	stream.indirect.scatter.add.f32 [tilespmem:s31], [sflag:$0x5], $0x8, s13, s15, $0xb8;
	[tilespmem:$0x1D880] =	vst v63  }
0x27e: {  	s21 =	simm.s32 @!p2 $0x0;
	s24 =	simm.s32 @!p2 $0x8000;
	s6 =	sadd.s32 @!p2 s2, s0  }
0x27f: {  	[tilespmem:s24], [sflag:$0x1] =	stream.linear.gather @!p2 [hbm4b:s6+s21], $0x7D0, $0x38;
	[tilespmem:$0x1D880] =	vst v63  }
0x280: {  	s6 =	sadd.s32 @!p2 s1, s0;
	s24 =	simm.s32 @!p2 $0x8FA0  }
0x281: {  	[tilespmem:s24], [sflag:$0x1] =	stream.linear.gather @!p2 [hbm4b:s6+s21], $0x7D0, $0x38;
	[tilespmem:$0x1D880] =	vst v63  }
0x282: {  	s0 =	sadd.s32 @!p2 s3, s0;
	s6 =	simm.s32 @!p2 $0xAEE0  }
0x283: {  	[tilespmem:s6], [sflag:$0x1] =	stream.linear.gather @!p2 [hbm4b:s0+s21], $0x7D0, $0x38;
	[tilespmem:$0x1D880] =	vst v63  }
0x284: {  	p2 =	sgt.u32 s20, $0x1E  }
0x285: {  	s0 =	simm.s32 @!p2 $0x1  }
0x286: {  	_ =	swait.ge @!p2 [sflag:s0], $0x7D0  }
0x287: {  	[sflag:s0] =	ssyncset.done @!p2 $0x0  }
0x288: {  	[sflag:s0] =	ssyncadd.s32 @!p2 $0xFFFFF830  }
0x289: {  	_ =	swait.ge @!p2 [sflag:s0], $0x7D0  }
0x28a: {  	[sflag:s0] =	ssyncset.done @!p2 $0x0  }
0x28b: {  	[sflag:s0] =	ssyncadd.s32 @!p2 $0xFFFFF830  }
0x28c: {  	_ =	swait.ge @!p2 [sflag:s0], $0x7D0  }
0x28d: {  	s6 =	simm.s32 @!p2 $0x8000;
	[sflag:s0] =	ssyncset.done @!p2 $0x0  }
0x28e: {  	s21 =	simm.s32 @!p2 $0xBE80;
	[sflag:s0] =	ssyncadd.s32 @!p2 $0xFFFFF830;
	s0 =	simm.s32 @!p2 $0x7D0  }
0x28f: {  	[tilespmem:s21], [sflag:$0x3] =	stream.indirect.gather @!p2 [hbm4b:s10+s0], $0x8, s6, s0, $0xb8;
	[tilespmem:$0x1D880] =	vst v63  }
0x290: {  	s21 =	simm.s32 $0x0  }
0x291: {  	_ =	swait.ge [sflag:s4], $0x3E80;
	v3 =	vor.u32 s21, v1  }
0x292: {  	[sflag:s4] =	ssyncset.done $0x0;
	v4 =	vshll.u32 v3, $0x3  }
0x293: {  	[sflag:s4] =	ssyncadd.s32 $0xFFFFC180;
	v4 =	vor.u32 v2, v4  }
0x294: {  	_ =	swait.ge [sflag:s29], $0x3E80  }
0x295: {  	[sflag:s29] =	ssyncset.done $0x0  }
0x296: {  	[sflag:s29] =	ssyncadd.s32 $0xFFFFC180  }
0x297: {  	v3 =	vld.idx.msk [tilespmem:v3+s30+$0x0], $0xffff  }
0x298: {  	v5 =	vld.idx.msk [tilespmem:v4+s22+$0x0], $0xffff;
	_ =	sdelay $0x2  }
0x299: {  	s24 =	simm.s32 $0x2;
	s0 =	simm.f32 $1.000000000e+00  }
0x29a: {  	v6 =	vor.u32 s24, v1;
	s0 =	simm.s32 @!p1 $0x0  }
0x29b: {  	v7 =	vshll.u32 v6, $0x3;
	s0 =	simm.s32 @p0 $0x3F800000;
	v5 =	vmul.f32 v5, v3  }
0x29c: {  	v7 =	vor.u32 v2, v7;
	v3 =	vmov s0  }
0x29d: {  	v5 =	vmul.f32 v5, v3;
	_ =	sdelay $0x1  }
0x29e: {  	[tilespmem:v4+s9+$0x0] =	vst.idx.msk $0xffff, v5  }
0x29f: {  	v4 =	vld.idx.msk [tilespmem:v6+s30+$0x0], $0xffff  }
0x2a0: {  	v5 =	vld.idx.msk [tilespmem:v7+s22+$0x0], $0xffff;
	_ =	sdelay $0x2  }
0x2a1: {  	s21 =	simm.s32 $0x4  }
0x2a2: {  	v6 =	vor.u32 s21, v1  }
0x2a3: {  	v8 =	vshll.u32 v6, $0x3;
	v4 =	vmul.f32 v5, v4  }
0x2a4: {  	v5 =	vor.u32 v2, v8  }
0x2a5: {  	v4 =	vmul.f32 v4, v3;
	_ =	sdelay $0x1  }
0x2a6: {  	[tilespmem:v7+s9+$0x0] =	vst.idx.msk $0xffff, v4  }
0x2a7: {  	v4 =	vld.idx.msk [tilespmem:v6+s30+$0x0], $0xffff  }
0x2a8: {  	v6 =	vld.idx.msk [tilespmem:v5+s22+$0x0], $0xffff;
	_ =	sdelay $0x2  }
0x2a9: {  	s24 =	simm.s32 $0x6  }
0x2aa: {  	v7 =	vor.u32 s24, v1  }
0x2ab: {  	v8 =	vshll.u32 v7, $0x3;
	v4 =	vmul.f32 v6, v4  }
0x2ac: {  	v6 =	vor.u32 v2, v8  }
0x2ad: {  	v4 =	vmul.f32 v4, v3;
	_ =	sdelay $0x1  }
0x2ae: {  	[tilespmem:v5+s9+$0x0] =	vst.idx.msk $0xffff, v4  }
0x2af: {  	v4 =	vld.idx.msk [tilespmem:v7+s30+$0x0], $0xffff  }
0x2b0: {  	v5 =	vld.idx.msk [tilespmem:v6+s22+$0x0], $0xffff;
	_ =	sdelay $0x2  }
0x2b1: {  	s6 =	simm.s32 $0x8  }
0x2b2: {  	v7 =	vor.u32 s6, v1  }
0x2b3: {  	v8 =	vshll.u32 v7, $0x3;
	v4 =	vmul.f32 v5, v4  }
0x2b4: {  	v5 =	vor.u32 v2, v8  }
0x2b5: {  	v4 =	vmul.f32 v4, v3;
	_ =	sdelay $0x1  }
0x2b6: {  	[tilespmem:v6+s9+$0x0] =	vst.idx.msk $0xffff, v4  }
0x2b7: {  	v4 =	vld.idx.msk [tilespmem:v7+s30+$0x0], $0xffff  }
0x2b8: {  	v6 =	vld.idx.msk [tilespmem:v5+s22+$0x0], $0xffff;
	_ =	sdelay $0x2  }
0x2b9: {  	s21 =	simm.s32 $0xA  }
0x2ba: {  	v7 =	vor.u32 s21, v1  }
0x2bb: {  	v8 =	vshll.u32 v7, $0x3;
	v4 =	vmul.f32 v6, v4  }
0x2bc: {  	v6 =	vor.u32 v2, v8  }
0x2bd: {  	v4 =	vmul.f32 v4, v3;
	_ =	sdelay $0x1  }
0x2be: {  	[tilespmem:v5+s9+$0x0] =	vst.idx.msk $0xffff, v4  }
0x2bf: {  	v4 =	vld.idx.msk [tilespmem:v7+s30+$0x0], $0xffff  }
0x2c0: {  	v5 =	vld.idx.msk [tilespmem:v6+s22+$0x0], $0xffff;
	_ =	sdelay $0x2  }
0x2c1: {  	s24 =	simm.s32 $0xC  }
0x2c2: {  	v7 =	vor.u32 s24, v1  }
0x2c3: {  	v8 =	vshll.u32 v7, $0x3;
	v4 =	vmul.f32 v5, v4  }
0x2c4: {  	v5 =	vor.u32 v2, v8  }
0x2c5: {  	v4 =	vmul.f32 v4, v3;
	_ =	sdelay $0x1  }
0x2c6: {  	[tilespmem:v6+s9+$0x0] =	vst.idx.msk $0xffff, v4  }
0x2c7: {  	v4 =	vld.idx.msk [tilespmem:v7+s30+$0x0], $0xffff  }
0x2c8: {  	v6 =	vld.idx.msk [tilespmem:v5+s22+$0x0], $0xffff;
	_ =	sdelay $0x2  }
0x2c9: {  	s21 =	simm.s32 $0xE  }
0x2ca: {  	v7 =	vor.u32 s21, v1  }
0x2cb: {  	v8 =	vshll.u32 v7, $0x3;
	v6 =	vmul.f32 v6, v4  }
0x2cc: {  	v4 =	vor.u32 v2, v8  }
0x2cd: {  	v6 =	vmul.f32 v6, v3;
	_ =	sdelay $0x1  }
0x2ce: {  	[tilespmem:v5+s9+$0x0] =	vst.idx.msk $0xffff, v6  }
0x2cf: {  	v5 =	vld.idx.msk [tilespmem:v7+s30+$0x0], $0xffff  }
0x2d0: {  	s0 =	simm.s32 $0x0;
	v6 =	vld.idx.msk [tilespmem:v4+s22+$0x0], $0xffff  }
.LBB2_32:
0x2d1: {  	_ = 	snop  }
0x2d2: {  	s0 =	sadd.s32 $0x8, s0;
	s21 =	sadd.s32 $0x10, s21  }
0x2d3: {  	s6 =	sadd.s32 $0xFFFFFFF2, s21;
	p1 =	slt.u32 s0, $0x3E0  }
0x2d4: {  	v7 =	vor.u32 s6, v1  }
0x2d5: {  	v8 =	vshll.u32 v7, $0x3;
	v5 =	vmul.f32 v6, v5  }
0x2d6: {  	v6 =	vor.u32 v2, v8  }
0x2d7: {  	v5 =	vmul.f32 v5, v3;
	_ =	sdelay $0x1  }
0x2d8: {  	[tilespmem:v4+s9+$0x0] =	vst.idx.msk $0xffff, v5  }
0x2d9: {  	v4 =	vld.idx.msk [tilespmem:v7+s30+$0x0], $0xffff  }
0x2da: {  	v5 =	vld.idx.msk [tilespmem:v6+s22+$0x0], $0xffff;
	_ =	sdelay $0x2  }
0x2db: {  	s6 =	sadd.s32 $0xFFFFFFF4, s21  }
0x2dc: {  	v7 =	vor.u32 s6, v1  }
0x2dd: {  	v8 =	vshll.u32 v7, $0x3  }
0x2de: {  	v4 =	vmul.f32 v5, v4;
	v5 =	vor.u32 v2, v8;
	_ =	sdelay $0x1  }
0x2df: {  	v4 =	vmul.f32 v4, v3;
	_ =	sdelay $0x1  }
0x2e0: {  	[tilespmem:v6+s9+$0x0] =	vst.idx.msk $0xffff, v4  }
0x2e1: {  	v4 =	vld.idx.msk [tilespmem:v7+s30+$0x0], $0xffff  }
0x2e2: {  	v6 =	vld.idx.msk [tilespmem:v5+s22+$0x0], $0xffff;
	_ =	sdelay $0x2  }
0x2e3: {  	s6 =	sadd.s32 $0xFFFFFFF6, s21  }
0x2e4: {  	v7 =	vor.u32 s6, v1  }
0x2e5: {  	v8 =	vshll.u32 v7, $0x3  }
0x2e6: {  	v4 =	vmul.f32 v6, v4;
	v6 =	vor.u32 v2, v8;
	_ =	sdelay $0x1  }
0x2e7: {  	v4 =	vmul.f32 v4, v3;
	_ =	sdelay $0x1  }
0x2e8: {  	[tilespmem:v5+s9+$0x0] =	vst.idx.msk $0xffff, v4  }
0x2e9: {  	v4 =	vld.idx.msk [tilespmem:v7+s30+$0x0], $0xffff  }
0x2ea: {  	v5 =	vld.idx.msk [tilespmem:v6+s22+$0x0], $0xffff;
	_ =	sdelay $0x2  }
0x2eb: {  	s6 =	sadd.s32 $0xFFFFFFF8, s21  }
0x2ec: {  	v7 =	vor.u32 s6, v1  }
0x2ed: {  	v8 =	vshll.u32 v7, $0x3  }
0x2ee: {  	v4 =	vmul.f32 v5, v4;
	v5 =	vor.u32 v2, v8;
	_ =	sdelay $0x1  }
0x2ef: {  	v4 =	vmul.f32 v4, v3;
	_ =	sdelay $0x1  }
0x2f0: {  	[tilespmem:v6+s9+$0x0] =	vst.idx.msk $0xffff, v4  }
0x2f1: {  	v4 =	vld.idx.msk [tilespmem:v7+s30+$0x0], $0xffff  }
0x2f2: {  	v6 =	vld.idx.msk [tilespmem:v5+s22+$0x0], $0xffff;
	_ =	sdelay $0x2  }
0x2f3: {  	s6 =	sadd.s32 $0xFFFFFFFA, s21  }
0x2f4: {  	v7 =	vor.u32 s6, v1  }
0x2f5: {  	v8 =	vshll.u32 v7, $0x3  }
0x2f6: {  	v4 =	vmul.f32 v6, v4;
	v6 =	vor.u32 v2, v8;
	_ =	sdelay $0x1  }
0x2f7: {  	v4 =	vmul.f32 v4, v3;
	_ =	sdelay $0x1  }
0x2f8: {  	[tilespmem:v5+s9+$0x0] =	vst.idx.msk $0xffff, v4  }
0x2f9: {  	v4 =	vld.idx.msk [tilespmem:v7+s30+$0x0], $0xffff  }
0x2fa: {  	v5 =	vld.idx.msk [tilespmem:v6+s22+$0x0], $0xffff;
	_ =	sdelay $0x2  }
0x2fb: {  	s6 =	sadd.s32 $0xFFFFFFFC, s21  }
0x2fc: {  	v7 =	vor.u32 s6, v1  }
0x2fd: {  	v8 =	vshll.u32 v7, $0x3  }
0x2fe: {  	v4 =	vmul.f32 v5, v4;
	v5 =	vor.u32 v2, v8;
	_ =	sdelay $0x1  }
0x2ff: {  	v4 =	vmul.f32 v4, v3;
	_ =	sdelay $0x1  }
0x300: {  	[tilespmem:v6+s9+$0x0] =	vst.idx.msk $0xffff, v4  }
0x301: {  	v4 =	vld.idx.msk [tilespmem:v7+s30+$0x0], $0xffff  }
0x302: {  	v6 =	vld.idx.msk [tilespmem:v5+s22+$0x0], $0xffff;
	_ =	sdelay $0x2  }
0x303: {  	s6 =	sadd.s32 $0xFFFFFFFE, s21  }
0x304: {  	v7 =	vor.u32 s6, v1  }
0x305: {  	v8 =	vshll.u32 v7, $0x3  }
0x306: {  	v4 =	vmul.f32 v6, v4;
	v6 =	vor.u32 v2, v8;
	_ =	sdelay $0x1  }
0x307: {  	v4 =	vmul.f32 v4, v3;
	_ =	sdelay $0x1  }
0x308: {  	[tilespmem:v5+s9+$0x0] =	vst.idx.msk $0xffff, v4  }
0x309: {  	v4 =	vld.idx.msk [tilespmem:v7+s30+$0x0], $0xffff  }
0x30a: {  	v5 =	vld.idx.msk [tilespmem:v6+s22+$0x0], $0xffff;
	_ =	sdelay $0x3  }
0x30b: {  	v7 =	vor.u32 s21, v1  }
0x30c: {  	v8 =	vshll.u32 v7, $0x3  }
0x30d: {  	v5 =	vmul.f32 v5, v4;
	v4 =	vor.u32 v2, v8;
	_ =	sdelay $0x1  }
.Ltmp17:
0x30e: {  	v5 =	vmul.f32 v5, v3;
	(pc) =	sbr.rel @p1 .LBB2_32-.Ltmp17, $4  }
0x30f: {  	_ = 	snop  }
0x310: {  	[tilespmem:v6+s9+$0x0] =	vst.idx.msk $0xffff, v5  }
0x311: {  	v5 =	vld.idx.msk [tilespmem:v7+s30+$0x0], $0xffff  }
0x312: {  	v6 =	vld.idx.msk [tilespmem:v4+s22+$0x0], $0xffff  }
0x313: {  	_ =	sdelay $0x3  }
0x314: {  	v5 =	vmul.f32 v6, v5  }
0x315: {  	p1 =	sgt.u32 s20, $0x1D  }
0x316: {  	s6 =	rddreg [dreg:$0x10];
	s0 =	sshll.u32 @!p1 s19, $0x7;
	v3 =	vmul.f32 v5, v3  }
0x317: {  	s0 =	sadd.s32 @!p1 s6, s0  }
0x318: {  	s24 =	simm.s32 $0xA710;
	s0 =	smul.u32 @!p1 $0xFA, s0;
	[tilespmem:v4+s9+$0x0] =	vst.idx.msk $0xffff, v3  }
0x319: {  	[spmem:s5] =	stream.indirect.scatter.add.f32 [tilespmem:s9], [sflag:$0x6], $0x8, s24, s15, $0xb8;
	[tilespmem:$0x1D880] =	vst v63  }
0x31a: {  	s20 =	simm.s32 @!p1 $0x0;
	s21 =	simm.s32 @!p1 $0x87D0;
	s6 =	sadd.s32 @!p1 s2, s0  }
0x31b: {  	[tilespmem:s21], [sflag:$0x2] =	stream.linear.gather @!p1 [hbm4b:s6+s20], $0x7D0, $0x38;
	[tilespmem:$0x1D880] =	vst v63  }
0x31c: {  	s6 =	sadd.s32 @!p1 s1, s0;
	s21 =	simm.s32 @!p1 $0x9770  }
0x31d: {  	[tilespmem:s21], [sflag:$0x2] =	stream.linear.gather @!p1 [hbm4b:s6+s20], $0x7D0, $0x38;
	[tilespmem:$0x1D880] =	vst v63  }
0x31e: {  	s19 =	sadd.s32 $0x1, s19;
	s0 =	sadd.s32 @!p1 s3, s0;
	s6 =	simm.s32 @!p1 $0xB6B0  }
0x31f: {  	[tilespmem:s6], [sflag:$0x2] =	stream.linear.gather @!p1 [hbm4b:s0+s20], $0x7D0, $0x38;
	[tilespmem:$0x1D880] =	vst v63  }
0x320: {  	p1 =	sne.s32 s19, $0x8  }
.Ltmp18:
0x321: {  	_ = 	snop;
	(pc) =	sbr.rel @p1 .LBB2_25-.Ltmp18, $1  }
0x322: {  	_ =	sdelay $0x3  }
0x323: {  	_ =	swait.ge [sflag:s25], $0x3E80  }
0x324: {  	[sflag:s25] =	ssyncset.done $0x0  }
0x325: {  	[sflag:s25] =	ssyncadd.s32 $0xFFFFC180  }
0x326: {  	_ =	swait.ge [sflag:s29], $0x3E80  }
0x327: {  	[sflag:s29] =	ssyncset.done $0x0  }
0x328: {  	[sflag:s29] =	ssyncadd.s32 $0xFFFFC180  }
0x329: {  	[bflag:$0x0] =	sbarrier.arrive $0xFFFF  }
0x32a: {  	s0 =	rddreg [dreg:$0x12]  }
0x32b: {  	s6 =	rddreg [dreg:$0x15]  }
0x32c: {  	s20 =	simm.s32 $0x7;
	s19 =	rddreg [dreg:$0x16]  }
0x32d: {  	[hbm:s0], [sflag:s6] =	dma.local [spmem:s19], $0x1000  }
0x32e: {  	_ =	swait.ge [sflag:s20], $0x1000  }
0x32f: {  	s21 =	rddreg [dreg:$0x14]  }
0x330: {  	s24 =	rddreg [dreg:$0x13];
	s19 =	sadd.s32 $0x1, s21  }
0x331: {  	p1 =	sne.s32 s19, s24  }
.Ltmp19:
0x332: {  	_ = 	snop;
	(pc) =	sbr.rel @p1 .LBB2_1-.Ltmp19, $3  }
0x333: {  	_ =	sdelay $0x1  }
0x334: {  	[sflag:s20] =	ssyncset.done $0x0  }
0x335: {  	[sflag:s20] =	ssyncadd.s32 $0xFFFFF000;
	s21 =	stileid.u32  }
0x336: {  	_ =	sfence.sel $0x180000  }
0x337: {  	[bflag:$0x0] =	sbarrier.arrive $0xFFFF  }
0x338: {  	_ =	strace $0x90000047  }
0x339: {  	[bflag:$0x2] =	sbarrier.arrive $0xFFFF  }
0x33a: {  	p0 =	sne.s32 s21, $0x0;
	s0 =	rddreg [dreg:$0x6]  }
0x33b: {  	s0 =	sadd.s32 @!p0 $0x100000, s0  }
0x33c: {  	[sflag:s0] =	ssyncadd.tile.s32 @!p0 $0x1;
	_ =	shalt  }
.Lfunc_end2:
_tile_overlayer_lowered:
.L_overlay_start_2:
0x33d: {  	(tag) =	ssettag $0x2  }
0x33e: {  	s0 =	rddreg [dreg:$0x0];
	s2 =	stileid.u32  }
0x33f: {  	s1 =	rddreg [dreg:$0x1];
	p0 =	sne.s32 s2, $0x0  }
0x340: {  	s3 =	rddreg [dreg:$0x2];
	[bflag:$0x3] =	sbarrier.arrive $0xFFFF;
	s2 =	simm.s32 @!p0 $0x1C07  }
0x341: {  	[timem:s3], [sflag:s2] =	dma.local @!p0 [hbm:s0], s1  }
0x342: {  	s0 =	simm.s32 @!p0 $0x7  }
0x343: {  	_ =	swait.ge @!p0 [sflag:s0], s1  }
0x344: {  	s1 =	ssub.s32 @!p0 $0x0, s1;
	[sflag:s0] =	ssyncset.done @!p0 $0x0  }
0x345: {  	[sflag:s0] =	ssyncadd.s32 @!p0 s1  }
0x346: {  	[bflag:$0x3] =	sbarrier.arrive $0xFFFF  }
0x347: {  	_ =	shalt  }

// kernel: kernel.8.cloned.1.call-start
scs
__scs_entry_jumppad:
0x0: {  	(pc) =	sbr.rel $0x88, $3  }
0x1: {  	(tag) =	ssettag $0x0;
	lr =	simm.s32 $0x1  }
0x2: {  	[smem:$0x3F9A] =	sst lr;
	_ =	strace $0xD0000000  }
0x3: {  	_ = 	snop  }
0x4: {  	_ = 	snop  }
0x5: {  	_ = 	snop  }
0x6: {  	_ = 	snop  }
0x7: {  	_ = 	snop  }
__scs_overlays_trampoline_lowered:
0x8: {  	[smem:$0x3FA9] =	sst s0  }
0x9: {  	[smem:$0x3FAA] =	sst s1  }
0xa: {  	[smem:$0x3FAB] =	sst s2  }
0xb: {  	[smem:$0x3FAC] =	sst s3  }
0xc: {  	[smem:$0x3FAD] =	sst s4  }
0xd: {  	[smem:$0x3FAE] =	sst s5  }
0xe: {  	[smem:$0x3FAF] =	sst s6  }
0xf: {  	[smem:$0x3FB0] =	sst s7  }
0x10: {  	[smem:$0x3FB1] =	sst s8  }
0x11: {  	[smem:$0x3FB2] =	sst s9;
	s0 =	simm.s32 @!p0 $0x0  }
0x12: {  	s1 =	sld [smem:$0x3F98];
	s0 =	simm.s32 @p0 $0x1  }
0x13: {  	[smem:$0x3FB3] =	sst s0;
	s0 =	simm.s32 @!p1 $0x0  }
0x14: {  	s2 =	sld [smem:$0x3F97];
	s0 =	simm.s32 @p1 $0x1  }
0x15: {  	[smem:$0x3FB4] =	sst s0;
	s0 =	simm.s32 @!p2 $0x0  }
0x16: {  	s3 =	sld [smem:$0x3FDB];
	s0 =	simm.s32 @p2 $0x1  }
0x17: {  	s4 =	simm.s32 $0x1BF5;
	[smem:$0x3FB6] =	sst s0  }
0x18: {  	s0 =	sld [smem:$0x3F99];
	_ =	swait.ge [sflag:s4], $0x0  }
0x19: {  	s7 =	sld [smem:$0x3F9A]  }
0x1a: {  	s8 =	sadd.s32 $0xFFFFE003, lr  }
0x1b: {  	s9 =	sadd.s32 $0xFFFFFEF7, lr;
	s5 =	simm.s32 $0xFFFFFFFF;
	p2 =	slt.u32 s8, $0xFFFFF086  }
0x1c: {  	p1 =	slt.u32 s9, $0xF7A;
	s5 =	simm.s32 @!p2 $0x0  }
0x1d: {  	s5 =	simm.s32 @p1 $0x1;
	p0 =	seq.s32 s7, s2  }
0x1e: {  	s7 =	smul.u32 @!p0 $0xF7A, s2;
	p2 =	seq.s32 @!p0 s5, $0x0  }
0x1f: {  	s9 =	smul.u32 $0xF7A, s1;
	s8 =	simm.s32 @!p0 $0x1BF5;
	p2 =	por !p2, p0  }
0x20: {  	[sflag:s8] =	ssyncset.s32 @!p0 $0xFFFFF086;
	s6 =	sadd.s32 @!p0 s3, s7;
	s7 =	simm.s32 @!p0 $0x108  }
0x21: {  	s3 =	sadd.s32 s3, s9;
	s6 =	sadd.s32 @!p0 $0x88, s6;
	s7 =	simm.s32 @p2 $0x1082  }
0x22: {  	[simem:s7], [sflag:s8] =	dma.local @!p0 [hbm:s6], $0xF7A  }
0x23: {  	s9 =	sor.u32 $0xD0000000, s2;
	s6 =	simm.s32 $0x108;
	_ =	swait.ge @!p0 [sflag:s8], $0x0  }
0x24: {  	s3 =	sadd.s32 $0x88, s3;
	s6 =	simm.s32 @!p1 $0x1082;
	[sflag:s4] =	ssyncset.s32 $0xFFFFF086  }
0x25: {  	[simem:s6], [sflag:s4] =	dma.local [hbm:s3], $0xF7A  }
0x26: {  	[smem:$0x3F9A] =	sst s1;
	(tag) =	ssettag s2;
	_ =	strace s9  }
0x27: {  	s1 =	sld [smem:$0x3FAA]  }
0x28: {  	s2 =	sld [smem:$0x3FAB]  }
0x29: {  	s4 =	sld [smem:$0x3FAD]  }
0x2a: {  	p0 =	seq.s32 s5, $0x0;
	s5 =	sld [smem:$0x3FAE]  }
0x2b: {  	s6 =	sld [smem:$0x3FAF]  }
0x2c: {  	s7 =	sld [smem:$0x3FB0]  }
0x2d: {  	s3 =	simm.s32 $0x108;
	s8 =	sld [smem:$0x3FB1]  }
0x2e: {  	s3 =	simm.s32 @!p0 $0x1082;
	s9 =	sld [smem:$0x3FB2]  }
0x2f: {  	lr =	sadd.s32 s0, s3;
	s0 =	sld [smem:$0x3FA9]  }
0x30: {  	s3 =	sld [smem:$0x3FAC]  }
0x31: {  	[smem:$0x3FB5] =	sst s10  }
0x32: {  	s10 =	sld [smem:$0x3FB3];
	_ =	sdelay $0x3  }
0x33: {  	p0 =	seq.s32 s10, $0x1;
	s10 =	sld [smem:$0x3FB5];
	_ =	sdelay $0x3  }
0x34: {  	[smem:$0x3FB5] =	sst s10  }
0x35: {  	s10 =	sld [smem:$0x3FB4];
	_ =	sdelay $0x3  }
0x36: {  	p1 =	seq.s32 s10, $0x1;
	s10 =	sld [smem:$0x3FB5];
	_ =	sdelay $0x3  }
0x37: {  	[smem:$0x3FB5] =	sst s10  }
0x38: {  	s10 =	sld [smem:$0x3FB6]  }
0x39: {  	_ = 	snop;
	(pc) =	sbr.ind lr, $3  }
0x3a: {  	_ = 	snop  }
0x3b: {  	_ = 	snop  }
0x3c: {  	p2 =	seq.s32 s10, $0x1;
	s10 =	sld [smem:$0x3FB5]  }
0x3d: {  	_ =	shalt  }
0x3e: {  	_ =	shalt  }
0x3f: {  	_ =	shalt  }
0x40: {  	_ =	shalt  }
0x41: {  	_ =	shalt  }
0x42: {  	_ =	shalt  }
0x43: {  	_ =	shalt  }
0x44: {  	_ =	shalt  }
0x45: {  	_ =	shalt  }
0x46: {  	_ =	shalt  }
0x47: {  	_ =	shalt  }
0x48: {  	_ =	shalt  }
0x49: {  	_ =	shalt  }
0x4a: {  	_ =	shalt  }
0x4b: {  	_ =	shalt  }
0x4c: {  	_ =	shalt  }
0x4d: {  	_ =	shalt  }
0x4e: {  	_ =	shalt  }
0x4f: {  	_ =	shalt  }
0x50: {  	_ =	shalt  }
0x51: {  	_ =	shalt  }
0x52: {  	_ =	shalt  }
0x53: {  	_ =	shalt  }
0x54: {  	_ =	shalt  }
0x55: {  	_ =	shalt  }
0x56: {  	_ =	shalt  }
0x57: {  	_ =	shalt  }
0x58: {  	_ =	shalt  }
0x59: {  	_ =	shalt  }
0x5a: {  	_ =	shalt  }
0x5b: {  	_ =	shalt  }
0x5c: {  	_ =	shalt  }
0x5d: {  	_ =	shalt  }
0x5e: {  	_ =	shalt  }
0x5f: {  	_ =	shalt  }
0x60: {  	_ =	shalt  }
0x61: {  	_ =	shalt  }
0x62: {  	_ =	shalt  }
0x63: {  	_ =	shalt  }
0x64: {  	_ =	shalt  }
0x65: {  	_ =	shalt  }
0x66: {  	_ =	shalt  }
0x67: {  	_ =	shalt  }
0x68: {  	_ =	shalt  }
0x69: {  	_ =	shalt  }
0x6a: {  	_ =	shalt  }
0x6b: {  	_ =	shalt  }
0x6c: {  	_ =	shalt  }
0x6d: {  	_ =	shalt  }
0x6e: {  	_ =	shalt  }
0x6f: {  	_ =	shalt  }
0x70: {  	_ =	shalt  }
0x71: {  	_ =	shalt  }
0x72: {  	_ =	shalt  }
0x73: {  	_ =	shalt  }
0x74: {  	_ =	shalt  }
0x75: {  	_ =	shalt  }
0x76: {  	_ =	shalt  }
0x77: {  	_ =	shalt  }
0x78: {  	_ =	shalt  }
0x79: {  	_ =	shalt  }
0x7a: {  	_ =	shalt  }
0x7b: {  	_ =	shalt  }
0x7c: {  	_ =	shalt  }
0x7d: {  	_ =	shalt  }
0x7e: {  	_ =	shalt  }
0x7f: {  	_ =	shalt  }
0x80: {  	_ =	shalt  }
0x81: {  	_ =	shalt  }
0x82: {  	_ =	shalt  }
0x83: {  	_ =	shalt  }
0x84: {  	_ =	shalt  }
0x85: {  	_ =	shalt  }
0x86: {  	_ =	shalt  }
0x87: {  	_ =	shalt  }
.Lfunc_end0:
.L_simem_size_0:
called_computation.1_lowered:
.L_overlay_start_0:
0x88: {  	s2 =	sld [smem:$0x3FD9]  }
0x89: {  	s3 =	sld [smem:$0x3FFE];
	_ =	sdelay $0x1  }
0x8a: {  	s1 =	srdreg.scid  }
0x8b: {  	s0 =	sand.u32 $0x1, s1  }
0x8c: {  	s17 =	sshll.u32 s0, $0xA;
	s2 =	sadd.s32 s3, s2  }
0x8d: {  	s2 =	sadd.s32 s2, s17  }
0x8e: {  	[smem:$0x3FC1] =	sst s2  }
0x8f: {  	_ = 	snop  }
0x90: {  	s2 =	sld [smem:$0x3FD0];
	(tm) =	ssettm $0x1  }
0x91: {  	s18 =	sld [smem:$0x3FFB];
	_ =	sdelay $0x3  }
0x92: {  	_ =	strace s18  }
0x93: {  	s3 =	sld [smem:$0x3FFC];
	_ =	sdelay $0x3  }
0x94: {  	_ =	strace s3  }
0x95: {  	s3 =	sld [smem:$0x3FFD];
	_ =	sdelay $0x3  }
0x96: {  	_ =	strace s3  }
0x97: {  	_ =	strace $0x8FFFFFFF  }
0x98: {  	s19 =	sld [smem:$0x3FDB];
	_ =	sdelay $0x1  }
0x99: {  	s4 =	simm.s32 $_scs_section_size  }
0x9a: {  	s5 =	simm.s32 $_size__tile_overlayer_lowered;
	s6 =	simm.s32 $_tile_overlayer_lowered  }
0x9b: {  	s22 =	simm.s32 $0x1BFF;
	s21 =	sshll.u32 s6, $0x1;
	s3 =	sadd.s32 s4, s19  }
0x9c: {  	s7 =	simm.s32 $0x0;
	s20 =	sshll.u32 s5, $0x1;
	s5 =	sadd.s32 s21, s3  }
0x9d: {  	[timem:s7], [sflag:s22] =	dma.local [hbm:s5], s20  }
0x9e: {  	_ =	swait.ge [sflag:s22], s20  }
0x9f: {  	s4 =	ssub.s32 $0x0, s20;
	[sflag:s22] =	ssyncset.done $0x0  }
0xa0: {  	[sflag:s22] =	ssyncadd.s32 s4;
	_ =	sdelay $0x1  }
0xa1: {  	s23 =	simm.s32 $0x1B8B  }
0xa2: {  	_ =	swait.ge [sflag:s23], $0x1  }
0xa3: {  	[sflag:s23] =	ssyncset.done $0x0  }
0xa4: {  	s25 =	simm.s32 $0x1B8E;
	s24 =	sld [smem:$0x3FFE];
	[sflag:s23] =	ssyncadd.s32 $0xFFFFFFFF  }
0xa5: {  	s26 =	simm.s32 $execute0_lowered;
	[smem:$0x3FD2] =	sst s25  }
0xa6: {  	s5 =	sshll.u32 s26, $0x1;
	_ =	strace $0x80000049;
	[dreg:$0x1] =	wrdreg $0xFFFFFFFF  }
0xa7: {  	s28 =	simm.s32 $_size_execute0_lowered;
	s3 =	sadd.s32 s3, s5;
	[dreg:$0x0] =	wrdreg $0x0  }
0xa8: {  	s5 =	sshll.u32 s28, $0x1;
	[dreg:$0x2] =	wrdreg s3  }
0xa9: {  	[dreg:$0x3] =	wrdreg s5  }
0xaa: {  	[dreg:$0x4] =	wrdreg $0xC0  }
0xab: {  	_ =	task [dreg:s7], $0x5FFFF  }
0xac: {  	[dreg:$0x1] =	wrdreg $0xFFFFFFFF  }
0xad: {  	[dreg:$0x0] =	wrdreg $0x60  }
0xae: {  	[dreg:$0x2] =	wrdreg s24  }
0xaf: {  	[dreg:$0x3] =	wrdreg s2  }
0xb0: {  	[dreg:$0x4] =	wrdreg $0x9  }
0xb1: {  	_ =	task.clear_ibuf [dreg:s7], $0x5FFFF;
	_ =	strace $0x90000049  }
0xb2: {  	s29 =	simm.s32 $0x9;
	_ =	strace $0x8000004B  }
0xb3: {  	_ =	swait.ge [sflag:s29], $0x1  }
0xb4: {  	[sflag:s29] =	ssyncadd.s32 $0xFFFFFFFF  }
0xb5: {  	_ =	strace $0x9000004B  }
0xb6: {  	_ =	sfence  }
0xb7: {  	s30 =	sld [smem:$0x0];
	_ =	sdelay $0x2  }
0xb8: {  	s31 =	sshll.u32 s1, $0xD;
	s1 =	sshrl.u32 s1, $0x2  }
0xb9: {  	s3 =	sand.u32 $0x4000, s31;
	s1 =	sadd.s32 s1, s30  }
0xba: {  	s0 =	sor.u32 s3, s0;
	s1 =	sshll.u32 s1, $0x11  }
0xbb: {  	s0 =	sor.u32 s1, s0  }
0xbc: {  	s0 =	sadd.s32 $0x8F2B, s0  }
0xbd: {  	[sflag:s0] =	ssyncadd.remote.s32 $0x1  }
0xbe: {  	_ =	sfence.sel $0xFFFF  }
0xbf: {  	[dreg:$0x0] =	wrdreg $0xFFFFFFFF;
	(pc) =	sbr.abs _section_cstart, $3  }
0xc0: {  	[dreg:$0x1] =	wrdreg $0xFFFFFFFF  }
0xc1: {  	_ =	task.clear_ibuf [dreg:s7], $0x2FFFF;
	_ =	strace $0x9FFFFFFF  }
0xc2: {  	(tm) =	ssettm $0x7FFFFFFF  }
0xc3: {  	_ =	shalt  }
tec
execute0_lowered:
.L_overlay_start_1:
0x0: {  	(tag) =	ssettag $0x1  }
0x1: {  	s3 =	rddreg [dreg:$0x0]  }
0x2: {  	s0 =	srdreg.scid;
	s5 =	rddreg [dreg:$0x1]  }
0x3: {  	s1 =	stileid.u32;
	s2 =	simm.s32 $0x0;
	s9 =	simm.s32 $0x800  }
0x4: {  	s10 =	simm.s32 $0x10000;
	s11 =	simm.s32 $0x8000;
	s4 =	sand.u32 $0x1, s0  }
0x5: {  	v0 =	vlaneseq.u32;
	s12 =	simm.s32 $0x0;
	s0 =	rddreg [dreg:$0x2];
	s6 =	sshll.u32 s4, $0x4  }
0x6: {  	[smem:$0x7FF] =	sst s2;
	v0 =	vmul.u32 $0x8, v0;
	s4 =	ssub.s32 $0x2, s4;
	s6 =	sor.u32 s1, s6  }
0x7: {  	_ =	strace $0x8000004A;
	s31 =	sshrl.u32 s4, $0x1;
	s7 =	sshll.u32 s6, $0xB  }
0x8: {  	v1 =	vor.u32 $0x1, v0;
	s8 =	ssub.s32 s4, s31;
	s6 =	sshll.u32 s6, $0x8;
	s7 =	sadd.s32 s7, s3  }
0x9: {  	v2 =	vor.u32 $0x2, v0;
	v3 =	vor.u32 $0x3, v0;
	v4 =	vor.u32 $0x4, v0;
	s5 =	sadd.s32 s5, s6;
	s6 =	smax.u32 s8, $0x1;
	s8 =	simm.s32 $0x4000  }
0xa: {  	v5 =	vor.u32 $0x5, v0;
	v6 =	vor.u32 $0x6, v0;
	v7 =	vor.u32 $0x7, v0;
	s3 =	sadd.s32 $0x40800, s7;
	s4 =	sadd.s32 $0x50800, s7;
	s7 =	simm.s32 $0x1  }
.LBB2_1:
0xb: {  	[tilespmem:s2], [sflag:$0x1] =	stream.linear.gather [hbm4b:s3+s2], $0x4000, $0x38;
	[tilespmem:$0xC000] =	vst v63  }
0xc: {  	_ =	swait.ge [sflag:s7], $0x4000  }
0xd: {  	[sflag:s7] =	ssyncset.done $0x0  }
0xe: {  	v8 =	vor.u32 s2, v0;
	[sflag:s7] =	ssyncadd.s32 $0xFFFFC000  }
0xf: {  	[tilespmem:s8], [sflag:$0x1] =	stream.linear.gather [hbm4b:s4+s2], $0x4000, $0x38;
	[tilespmem:$0xC000] =	vst v63  }
0x10: {  	_ =	swait.ge [sflag:s7], $0x4000  }
0x11: {  	[sflag:s7] =	ssyncset.done $0x0  }
0x12: {  	[sflag:s7] =	ssyncadd.s32 $0xFFFFC000  }
0x13: {  	v9 =	vld.idx.msk [tilespmem:v8+s2+$0x0], $0xffff  }
0x14: {  	v8 =	vld.idx.msk [tilespmem:v8+s8+$0x0], $0xffff;
	_ =	sdelay $0x3  }
0x15: {  	s13 =	simm.s32 $0x80  }
0x16: {  	v8 =	vadd.f32 v8, v9;
	v9 =	vor.u32 s13, v0;
	_ =	sdelay $0x1  }
0x17: {  	v8 =	vmax.f32 v8, $0.0e+00  }
0x18: {  	s15 =	simm.s32 $0x8040;
	v8 =	vmin.f32 v8, $1.000000000e+00  }
0x19: {  	[tilespmem:s15+$0xFFFFFFC0] =	vst v8  }
0x1a: {  	v8 =	vld.idx.msk [tilespmem:v9+s2+$0x0], $0xffff  }
0x1b: {  	v9 =	vld.idx.msk [tilespmem:v9+s8+$0x0], $0xffff;
	_ =	sdelay $0x3  }
0x1c: {  	s25 =	simm.s32 $0x100  }
0x1d: {  	v8 =	vadd.f32 v9, v8;
	v9 =	vor.u32 s25, v0;
	_ =	sdelay $0x1  }
0x1e: {  	v8 =	vmax.f32 v8, $0.0e+00  }
0x1f: {  	v8 =	vmin.f32 v8, $1.000000000e+00  }
0x20: {  	[tilespmem:s15+$0xFFFFFFD0] =	vst v8  }
0x21: {  	v8 =	vld.idx.msk [tilespmem:v9+s2+$0x0], $0xffff  }
0x22: {  	v9 =	vld.idx.msk [tilespmem:v9+s8+$0x0], $0xffff;
	_ =	sdelay $0x3  }
0x23: {  	s26 =	simm.s32 $0x180  }
0x24: {  	v8 =	vadd.f32 v9, v8;
	v9 =	vor.u32 s26, v0;
	_ =	sdelay $0x1  }
0x25: {  	v8 =	vmax.f32 v8, $0.0e+00  }
0x26: {  	v8 =	vmin.f32 v8, $1.000000000e+00  }
0x27: {  	[tilespmem:s15+$0xFFFFFFE0] =	vst v8  }
0x28: {  	v8 =	vld.idx.msk [tilespmem:v9+s2+$0x0], $0xffff  }
0x29: {  	v9 =	vld.idx.msk [tilespmem:v9+s8+$0x0], $0xffff;
	_ =	sdelay $0x3  }
0x2a: {  	s28 =	simm.s32 $0x200  }
0x2b: {  	v8 =	vadd.f32 v9, v8;
	v9 =	vor.u32 s28, v0;
	_ =	sdelay $0x1  }
0x2c: {  	v8 =	vmax.f32 v8, $0.0e+00  }
0x2d: {  	v8 =	vmin.f32 v8, $1.000000000e+00  }
0x2e: {  	[tilespmem:s15+$0xFFFFFFF0] =	vst v8  }
0x2f: {  	v8 =	vld.idx.msk [tilespmem:v9+s2+$0x0], $0xffff  }
0x30: {  	v9 =	vld.idx.msk [tilespmem:v9+s8+$0x0], $0xffff;
	_ =	sdelay $0x3  }
0x31: {  	s29 =	simm.s32 $0x280  }
0x32: {  	v8 =	vadd.f32 v9, v8;
	v9 =	vor.u32 s29, v0;
	_ =	sdelay $0x1  }
0x33: {  	v8 =	vmax.f32 v8, $0.0e+00  }
0x34: {  	v8 =	vmin.f32 v8, $1.000000000e+00  }
0x35: {  	[tilespmem:s15+$0x0] =	vst v8  }
0x36: {  	v8 =	vld.idx.msk [tilespmem:v9+s2+$0x0], $0xffff  }
0x37: {  	v9 =	vld.idx.msk [tilespmem:v9+s8+$0x0], $0xffff;
	_ =	sdelay $0x3  }
0x38: {  	s30 =	simm.s32 $0x300  }
0x39: {  	v8 =	vadd.f32 v9, v8;
	v9 =	vor.u32 s30, v0;
	_ =	sdelay $0x1  }
0x3a: {  	v8 =	vmax.f32 v8, $0.0e+00  }
0x3b: {  	v8 =	vmin.f32 v8, $1.000000000e+00  }
0x3c: {  	[tilespmem:s15+$0x10] =	vst v8  }
0x3d: {  	v8 =	vld.idx.msk [tilespmem:v9+s2+$0x0], $0xffff  }
0x3e: {  	v9 =	vld.idx.msk [tilespmem:v9+s8+$0x0], $0xffff;
	_ =	sdelay $0x3  }
0x3f: {  	s31 =	simm.s32 $0x380  }
0x40: {  	v8 =	vadd.f32 v9, v8;
	v9 =	vor.u32 s31, v0;
	_ =	sdelay $0x1  }
0x41: {  	v8 =	vmax.f32 v8, $0.0e+00  }
0x42: {  	v8 =	vmin.f32 v8, $1.000000000e+00  }
0x43: {  	[tilespmem:s15+$0x20] =	vst v8  }
0x44: {  	s16 =	simm.s32 $0x0;
	v8 =	vld.idx.msk [tilespmem:v9+s2+$0x0], $0xffff  }
0x45: {  	s18 =	simm.s32 $0x0;
	s17 =	simm.s32 $0x8040;
	s13 =	simm.s32 $0x8870;
	v9 =	vld.idx.msk [tilespmem:v9+s8+$0x0], $0xffff  }
.LBB2_2:
0x46: {  	s16 =	sadd.s32 $0x8, s16;
	s18 =	sadd.s32 $0x400, s18;
	s15 =	sadd.s32 $0x80, s15  }
0x47: {  	p0 =	slt.u32 s16, $0x78;
	_ =	sdelay $0x2  }
0x48: {  	v10 =	vor.u32 s18, v0;
	v8 =	vadd.f32 v9, v8;
	_ =	sdelay $0x1  }
0x49: {  	v8 =	vmax.f32 v8, $0.0e+00  }
0x4a: {  	v8 =	vmin.f32 v8, $1.000000000e+00  }
0x4b: {  	s14 =	simm.s32 $0x0;
	[tilespmem:s17+$0x30] =	vst v8;
	s17 =	smov.u32 s15  }
0x4c: {  	v8 =	vld.idx.msk [tilespmem:v10+s14+$0x0], $0xffff  }
0x4d: {  	v9 =	vld.idx.msk [tilespmem:v10+s8+$0x0], $0xffff;
	_ =	sdelay $0x4  }
0x4e: {  	s19 =	sadd.s32 $0x80, s18  }
0x4f: {  	v8 =	vadd.f32 v9, v8;
	v9 =	vor.u32 s19, v0;
	_ =	sdelay $0x1  }
0x50: {  	v8 =	vmax.f32 v8, $0.0e+00  }
0x51: {  	v8 =	vmin.f32 v8, $1.000000000e+00  }
0x52: {  	[tilespmem:s15+$0xFFFFFFC0] =	vst v8  }
0x53: {  	v8 =	vld.idx.msk [tilespmem:v9+s14+$0x0], $0xffff  }
0x54: {  	v9 =	vld.idx.msk [tilespmem:v9+s8+$0x0], $0xffff;
	_ =	sdelay $0x4  }
0x55: {  	s19 =	sadd.s32 $0x100, s18  }
0x56: {  	v8 =	vadd.f32 v9, v8;
	v9 =	vor.u32 s19, v0;
	_ =	sdelay $0x1  }
0x57: {  	v8 =	vmax.f32 v8, $0.0e+00  }
0x58: {  	v8 =	vmin.f32 v8, $1.000000000e+00  }
0x59: {  	[tilespmem:s15+$0xFFFFFFD0] =	vst v8  }
0x5a: {  	v8 =	vld.idx.msk [tilespmem:v9+s14+$0x0], $0xffff  }
0x5b: {  	v9 =	vld.idx.msk [tilespmem:v9+s8+$0x0], $0xffff;
	_ =	sdelay $0x4  }
0x5c: {  	s19 =	sadd.s32 $0x180, s18  }
0x5d: {  	v8 =	vadd.f32 v9, v8;
	v9 =	vor.u32 s19, v0;
	_ =	sdelay $0x1  }
0x5e: {  	v8 =	vmax.f32 v8, $0.0e+00  }
0x5f: {  	v8 =	vmin.f32 v8, $1.000000000e+00  }
0x60: {  	[tilespmem:s15+$0xFFFFFFE0] =	vst v8  }
0x61: {  	v8 =	vld.idx.msk [tilespmem:v9+s14+$0x0], $0xffff  }
0x62: {  	v9 =	vld.idx.msk [tilespmem:v9+s8+$0x0], $0xffff;
	_ =	sdelay $0x4  }
0x63: {  	s19 =	sadd.s32 $0x200, s18  }
0x64: {  	v8 =	vadd.f32 v9, v8;
	v9 =	vor.u32 s19, v0;
	_ =	sdelay $0x1  }
0x65: {  	v8 =	vmax.f32 v8, $0.0e+00  }
0x66: {  	v8 =	vmin.f32 v8, $1.000000000e+00  }
0x67: {  	[tilespmem:s15+$0xFFFFFFF0] =	vst v8  }
0x68: {  	v8 =	vld.idx.msk [tilespmem:v9+s14+$0x0], $0xffff  }
0x69: {  	v9 =	vld.idx.msk [tilespmem:v9+s8+$0x0], $0xffff;
	_ =	sdelay $0x4  }
0x6a: {  	s19 =	sadd.s32 $0x280, s18  }
0x6b: {  	v8 =	vadd.f32 v9, v8;
	v9 =	vor.u32 s19, v0;
	_ =	sdelay $0x1  }
0x6c: {  	v8 =	vmax.f32 v8, $0.0e+00  }
0x6d: {  	v8 =	vmin.f32 v8, $1.000000000e+00  }
0x6e: {  	[tilespmem:s15+$0x0] =	vst v8  }
0x6f: {  	v8 =	vld.idx.msk [tilespmem:v9+s14+$0x0], $0xffff  }
0x70: {  	v9 =	vld.idx.msk [tilespmem:v9+s8+$0x0], $0xffff;
	_ =	sdelay $0x4  }
0x71: {  	s19 =	sadd.s32 $0x300, s18  }
0x72: {  	v8 =	vadd.f32 v9, v8;
	v9 =	vor.u32 s19, v0;
	_ =	sdelay $0x1  }
0x73: {  	v8 =	vmax.f32 v8, $0.0e+00  }
0x74: {  	v8 =	vmin.f32 v8, $1.000000000e+00  }
0x75: {  	[tilespmem:s15+$0x10] =	vst v8  }
0x76: {  	v8 =	vld.idx.msk [tilespmem:v9+s14+$0x0], $0xffff  }
0x77: {  	v9 =	vld.idx.msk [tilespmem:v9+s8+$0x0], $0xffff;
	_ =	sdelay $0x4  }
0x78: {  	s19 =	sadd.s32 $0x380, s18  }
0x79: {  	v8 =	vadd.f32 v9, v8;
	v9 =	vor.u32 s19, v0;
	_ =	sdelay $0x1  }
0x7a: {  	v8 =	vmax.f32 v8, $0.0e+00  }
.Ltmp0:
0x7b: {  	v8 =	vmin.f32 v8, $1.000000000e+00;
	(pc) =	sbr.rel @p0 .LBB2_2-.Ltmp0, $3  }
0x7c: {  	[tilespmem:s15+$0x20] =	vst v8  }
0x7d: {  	v8 =	vld.idx.msk [tilespmem:v9+s14+$0x0], $0xffff  }
0x7e: {  	v9 =	vld.idx.msk [tilespmem:v9+s8+$0x0], $0xffff;
	_ =	sdelay $0x1  }
0x7f: {  	_ =	sdelay $0x2  }
0x80: {  	v8 =	vadd.f32 v9, v8;
	v9 =	vor.u32 s14, v1;
	_ =	sdelay $0x1  }
0x81: {  	v8 =	vmax.f32 v8, $0.0e+00  }
0x82: {  	v8 =	vmin.f32 v8, $1.000000000e+00  }
0x83: {  	[tilespmem:s17+$0x30] =	vst v8  }
0x84: {  	v8 =	vld.idx.msk [tilespmem:v9+s14+$0x0], $0xffff  }
0x85: {  	v9 =	vld.idx.msk [tilespmem:v9+s8+$0x0], $0xffff;
	_ =	sdelay $0x3  }
0x86: {  	s15 =	simm.s32 $0x80  }
0x87: {  	v8 =	vadd.f32 v9, v8;
	v9 =	vor.u32 s15, v1;
	_ =	sdelay $0x1  }
0x88: {  	v8 =	vmax.f32 v8, $0.0e+00  }
0x89: {  	v8 =	vmin.f32 v8, $1.000000000e+00  }
0x8a: {  	[tilespmem:s13+$0xFFFFFF90] =	vst v8  }
0x8b: {  	v8 =	vld.idx.msk [tilespmem:v9+s14+$0x0], $0xffff  }
0x8c: {  	v9 =	vld.idx.msk [tilespmem:v9+s8+$0x0], $0xffff;
	_ =	sdelay $0x3  }
0x8d: {  	s17 =	simm.s32 $0x100  }
0x8e: {  	v8 =	vadd.f32 v9, v8;
	v9 =	vor.u32 s17, v1;
	_ =	sdelay $0x1  }
0x8f: {  	v8 =	vmax.f32 v8, $0.0e+00  }
0x90: {  	v8 =	vmin.f32 v8, $1.000000000e+00  }
0x91: {  	[tilespmem:s13+$0xFFFFFFA0] =	vst v8  }
0x92: {  	v8 =	vld.idx.msk [tilespmem:v9+s14+$0x0], $0xffff  }
0x93: {  	v9 =	vld.idx.msk [tilespmem:v9+s8+$0x0], $0xffff;
	_ =	sdelay $0x3  }
0x94: {  	s18 =	simm.s32 $0x180  }
0x95: {  	v8 =	vadd.f32 v9, v8;
	v9 =	vor.u32 s18, v1;
	_ =	sdelay $0x1  }
0x96: {  	v8 =	vmax.f32 v8, $0.0e+00  }
0x97: {  	v8 =	vmin.f32 v8, $1.000000000e+00  }
0x98: {  	[tilespmem:s13+$0xFFFFFFB0] =	vst v8  }
0x99: {  	v8 =	vld.idx.msk [tilespmem:v9+s14+$0x0], $0xffff  }
0x9a: {  	v9 =	vld.idx.msk [tilespmem:v9+s8+$0x0], $0xffff;
	_ =	sdelay $0x3  }
0x9b: {  	s19 =	simm.s32 $0x200  }
0x9c: {  	v8 =	vadd.f32 v9, v8;
	v9 =	vor.u32 s19, v1;
	_ =	sdelay $0x1  }
0x9d: {  	v8 =	vmax.f32 v8, $0.0e+00  }
0x9e: {  	v8 =	vmin.f32 v8, $1.000000000e+00  }
0x9f: {  	[tilespmem:s13+$0xFFFFFFC0] =	vst v8  }
0xa0: {  	v8 =	vld.idx.msk [tilespmem:v9+s14+$0x0], $0xffff  }
0xa1: {  	v9 =	vld.idx.msk [tilespmem:v9+s8+$0x0], $0xffff;
	_ =	sdelay $0x3  }
0xa2: {  	s20 =	simm.s32 $0x280  }
0xa3: {  	v8 =	vadd.f32 v9, v8;
	v9 =	vor.u32 s20, v1;
	_ =	sdelay $0x1  }
0xa4: {  	v8 =	vmax.f32 v8, $0.0e+00  }
0xa5: {  	v8 =	vmin.f32 v8, $1.000000000e+00  }
0xa6: {  	[tilespmem:s13+$0xFFFFFFD0] =	vst v8  }
0xa7: {  	v8 =	vld.idx.msk [tilespmem:v9+s14+$0x0], $0xffff  }
0xa8: {  	v9 =	vld.idx.msk [tilespmem:v9+s8+$0x0], $0xffff;
	_ =	sdelay $0x3  }
0xa9: {  	s21 =	simm.s32 $0x300  }
0xaa: {  	v8 =	vadd.f32 v9, v8;
	v9 =	vor.u32 s21, v1;
	_ =	sdelay $0x1  }
0xab: {  	v8 =	vmax.f32 v8, $0.0e+00  }
0xac: {  	v8 =	vmin.f32 v8, $1.000000000e+00  }
0xad: {  	[tilespmem:s13+$0xFFFFFFE0] =	vst v8  }
0xae: {  	v8 =	vld.idx.msk [tilespmem:v9+s14+$0x0], $0xffff  }
0xaf: {  	v9 =	vld.idx.msk [tilespmem:v9+s8+$0x0], $0xffff;
	_ =	sdelay $0x3  }
0xb0: {  	s22 =	simm.s32 $0x380  }
0xb1: {  	v8 =	vadd.f32 v9, v8;
	v9 =	vor.u32 s22, v1;
	_ =	sdelay $0x1  }
0xb2: {  	v8 =	vmax.f32 v8, $0.0e+00  }
0xb3: {  	v8 =	vmin.f32 v8, $1.000000000e+00  }
0xb4: {  	[tilespmem:s13+$0xFFFFFFF0] =	vst v8  }
0xb5: {  	s23 =	simm.s32 $0x0;
	v8 =	vld.idx.msk [tilespmem:v9+s14+$0x0], $0xffff  }
0xb6: {  	s16 =	simm.s32 $0x9070;
	s25 =	simm.s32 $0x0;
	s24 =	simm.s32 $0x8870;
	v9 =	vld.idx.msk [tilespmem:v9+s8+$0x0], $0xffff  }
.LBB2_4:
0xb7: {  	s23 =	sadd.s32 $0x8, s23;
	s25 =	sadd.s32 $0x400, s25;
	s13 =	sadd.s32 $0x80, s13  }
0xb8: {  	p0 =	slt.u32 s23, $0x78;
	_ =	sdelay $0x2  }
0xb9: {  	v10 =	vor.u32 s25, v1;
	v8 =	vadd.f32 v9, v8;
	_ =	sdelay $0x1  }
0xba: {  	v8 =	vmax.f32 v8, $0.0e+00  }
0xbb: {  	v8 =	vmin.f32 v8, $1.000000000e+00  }
0xbc: {  	[tilespmem:s24+$0x0] =	vst v8;
	s24 =	smov.u32 s13  }
0xbd: {  	v8 =	vld.idx.msk [tilespmem:v10+s14+$0x0], $0xffff  }
0xbe: {  	v9 =	vld.idx.msk [tilespmem:v10+s8+$0x0], $0xffff;
	_ =	sdelay $0x4  }
0xbf: {  	s26 =	sadd.s32 $0x80, s25  }
0xc0: {  	v8 =	vadd.f32 v9, v8;
	v9 =	vor.u32 s26, v1;
	_ =	sdelay $0x1  }
0xc1: {  	v8 =	vmax.f32 v8, $0.0e+00  }
0xc2: {  	v8 =	vmin.f32 v8, $1.000000000e+00  }
0xc3: {  	[tilespmem:s13+$0xFFFFFF90] =	vst v8  }
0xc4: {  	v8 =	vld.idx.msk [tilespmem:v9+s14+$0x0], $0xffff  }
0xc5: {  	v9 =	vld.idx.msk [tilespmem:v9+s8+$0x0], $0xffff;
	_ =	sdelay $0x4  }
0xc6: {  	s26 =	sadd.s32 $0x100, s25  }
0xc7: {  	v8 =	vadd.f32 v9, v8;
	v9 =	vor.u32 s26, v1;
	_ =	sdelay $0x1  }
0xc8: {  	v8 =	vmax.f32 v8, $0.0e+00  }
0xc9: {  	v8 =	vmin.f32 v8, $1.000000000e+00  }
0xca: {  	[tilespmem:s13+$0xFFFFFFA0] =	vst v8  }
0xcb: {  	v8 =	vld.idx.msk [tilespmem:v9+s14+$0x0], $0xffff  }
0xcc: {  	v9 =	vld.idx.msk [tilespmem:v9+s8+$0x0], $0xffff;
	_ =	sdelay $0x4  }
0xcd: {  	s26 =	sadd.s32 $0x180, s25  }
0xce: {  	v8 =	vadd.f32 v9, v8;
	v9 =	vor.u32 s26, v1;
	_ =	sdelay $0x1  }
0xcf: {  	v8 =	vmax.f32 v8, $0.0e+00  }
0xd0: {  	v8 =	vmin.f32 v8, $1.000000000e+00  }
0xd1: {  	[tilespmem:s13+$0xFFFFFFB0] =	vst v8  }
0xd2: {  	v8 =	vld.idx.msk [tilespmem:v9+s14+$0x0], $0xffff  }
0xd3: {  	v9 =	vld.idx.msk [tilespmem:v9+s8+$0x0], $0xffff;
	_ =	sdelay $0x4  }
0xd4: {  	s26 =	sadd.s32 $0x200, s25  }
0xd5: {  	v8 =	vadd.f32 v9, v8;
	v9 =	vor.u32 s26, v1;
	_ =	sdelay $0x1  }
0xd6: {  	v8 =	vmax.f32 v8, $0.0e+00  }
0xd7: {  	v8 =	vmin.f32 v8, $1.000000000e+00  }
0xd8: {  	[tilespmem:s13+$0xFFFFFFC0] =	vst v8  }
0xd9: {  	v8 =	vld.idx.msk [tilespmem:v9+s14+$0x0], $0xffff  }
0xda: {  	v9 =	vld.idx.msk [tilespmem:v9+s8+$0x0], $0xffff;
	_ =	sdelay $0x4  }
0xdb: {  	s26 =	sadd.s32 $0x280, s25  }
0xdc: {  	v8 =	vadd.f32 v9, v8;
	v9 =	vor.u32 s26, v1;
	_ =	sdelay $0x1  }
0xdd: {  	v8 =	vmax.f32 v8, $0.0e+00  }
0xde: {  	v8 =	vmin.f32 v8, $1.000000000e+00  }
0xdf: {  	[tilespmem:s13+$0xFFFFFFD0] =	vst v8  }
0xe0: {  	v8 =	vld.idx.msk [tilespmem:v9+s14+$0x0], $0xffff  }
0xe1: {  	v9 =	vld.idx.msk [tilespmem:v9+s8+$0x0], $0xffff;
	_ =	sdelay $0x4  }
0xe2: {  	s26 =	sadd.s32 $0x300, s25  }
0xe3: {  	v8 =	vadd.f32 v9, v8;
	v9 =	vor.u32 s26, v1;
	_ =	sdelay $0x1  }
0xe4: {  	v8 =	vmax.f32 v8, $0.0e+00  }
0xe5: {  	v8 =	vmin.f32 v8, $1.000000000e+00  }
0xe6: {  	[tilespmem:s13+$0xFFFFFFE0] =	vst v8  }
0xe7: {  	v8 =	vld.idx.msk [tilespmem:v9+s14+$0x0], $0xffff  }
0xe8: {  	v9 =	vld.idx.msk [tilespmem:v9+s8+$0x0], $0xffff;
	_ =	sdelay $0x4  }
0xe9: {  	s26 =	sadd.s32 $0x380, s25  }
0xea: {  	v8 =	vadd.f32 v9, v8;
	v9 =	vor.u32 s26, v1;
	_ =	sdelay $0x1  }
0xeb: {  	v8 =	vmax.f32 v8, $0.0e+00  }
.Ltmp1:
0xec: {  	v8 =	vmin.f32 v8, $1.000000000e+00;
	(pc) =	sbr.rel @p0 .LBB2_4-.Ltmp1, $3  }
0xed: {  	[tilespmem:s13+$0xFFFFFFF0] =	vst v8  }
0xee: {  	v8 =	vld.idx.msk [tilespmem:v9+s14+$0x0], $0xffff  }
0xef: {  	v9 =	vld.idx.msk [tilespmem:v9+s8+$0x0], $0xffff;
	_ =	sdelay $0x1  }
0xf0: {  	_ =	sdelay $0x2  }
0xf1: {  	v8 =	vadd.f32 v9, v8;
	v9 =	vor.u32 s14, v2;
	_ =	sdelay $0x1  }
0xf2: {  	v8 =	vmax.f32 v8, $0.0e+00  }
0xf3: {  	v8 =	vmin.f32 v8, $1.000000000e+00  }
0xf4: {  	s13 =	simm.s32 $0x0;
	[tilespmem:s24+$0x0] =	vst v8  }
0xf5: {  	v8 =	vld.idx.msk [tilespmem:v9+s13+$0x0], $0xffff  }
0xf6: {  	v9 =	vld.idx.msk [tilespmem:v9+s8+$0x0], $0xffff;
	_ =	sdelay $0x4  }
0xf7: {  	v8 =	vadd.f32 v9, v8;
	v9 =	vor.u32 s15, v2;
	_ =	sdelay $0x1  }
0xf8: {  	v8 =	vmax.f32 v8, $0.0e+00  }
0xf9: {  	v8 =	vmin.f32 v8, $1.000000000e+00  }
0xfa: {  	[tilespmem:s16+$0xFFFFFF90] =	vst v8  }
0xfb: {  	v8 =	vld.idx.msk [tilespmem:v9+s13+$0x0], $0xffff  }
0xfc: {  	v9 =	vld.idx.msk [tilespmem:v9+s8+$0x0], $0xffff;
	_ =	sdelay $0x4  }
0xfd: {  	v8 =	vadd.f32 v9, v8;
	v9 =	vor.u32 s17, v2;
	_ =	sdelay $0x1  }
0xfe: {  	v8 =	vmax.f32 v8, $0.0e+00  }
0xff: {  	v8 =	vmin.f32 v8, $1.000000000e+00  }
0x100: {  	[tilespmem:s16+$0xFFFFFFA0] =	vst v8  }
0x101: {  	v8 =	vld.idx.msk [tilespmem:v9+s13+$0x0], $0xffff  }
0x102: {  	v9 =	vld.idx.msk [tilespmem:v9+s8+$0x0], $0xffff;
	_ =	sdelay $0x4  }
0x103: {  	v8 =	vadd.f32 v9, v8;
	v9 =	vor.u32 s18, v2;
	_ =	sdelay $0x1  }
0x104: {  	v8 =	vmax.f32 v8, $0.0e+00  }
0x105: {  	v8 =	vmin.f32 v8, $1.000000000e+00  }
0x106: {  	[tilespmem:s16+$0xFFFFFFB0] =	vst v8  }
0x107: {  	v8 =	vld.idx.msk [tilespmem:v9+s13+$0x0], $0xffff  }
0x108: {  	v9 =	vld.idx.msk [tilespmem:v9+s8+$0x0], $0xffff;
	_ =	sdelay $0x4  }
0x109: {  	v8 =	vadd.f32 v9, v8;
	v9 =	vor.u32 s19, v2;
	_ =	sdelay $0x1  }
0x10a: {  	v8 =	vmax.f32 v8, $0.0e+00  }
0x10b: {  	v8 =	vmin.f32 v8, $1.000000000e+00  }
0x10c: {  	[tilespmem:s16+$0xFFFFFFC0] =	vst v8  }
0x10d: {  	v8 =	vld.idx.msk [tilespmem:v9+s13+$0x0], $0xffff  }
0x10e: {  	v9 =	vld.idx.msk [tilespmem:v9+s8+$0x0], $0xffff;
	_ =	sdelay $0x4  }
0x10f: {  	v8 =	vadd.f32 v9, v8;
	v9 =	vor.u32 s20, v2;
	_ =	sdelay $0x1  }
0x110: {  	v8 =	vmax.f32 v8, $0.0e+00  }
0x111: {  	v8 =	vmin.f32 v8, $1.000000000e+00  }
0x112: {  	[tilespmem:s16+$0xFFFFFFD0] =	vst v8  }
0x113: {  	v8 =	vld.idx.msk [tilespmem:v9+s13+$0x0], $0xffff  }
0x114: {  	v9 =	vld.idx.msk [tilespmem:v9+s8+$0x0], $0xffff;
	_ =	sdelay $0x4  }
0x115: {  	v8 =	vadd.f32 v9, v8;
	v9 =	vor.u32 s21, v2;
	_ =	sdelay $0x1  }
0x116: {  	v8 =	vmax.f32 v8, $0.0e+00  }
0x117: {  	v8 =	vmin.f32 v8, $1.000000000e+00  }
0x118: {  	[tilespmem:s16+$0xFFFFFFE0] =	vst v8  }
0x119: {  	v8 =	vld.idx.msk [tilespmem:v9+s13+$0x0], $0xffff  }
0x11a: {  	v9 =	vld.idx.msk [tilespmem:v9+s8+$0x0], $0xffff;
	_ =	sdelay $0x4  }
0x11b: {  	v8 =	vadd.f32 v9, v8;
	v9 =	vor.u32 s22, v2;
	_ =	sdelay $0x1  }
0x11c: {  	v8 =	vmax.f32 v8, $0.0e+00  }
0x11d: {  	v8 =	vmin.f32 v8, $1.000000000e+00  }
0x11e: {  	[tilespmem:s16+$0xFFFFFFF0] =	vst v8  }
0x11f: {  	v8 =	vld.idx.msk [tilespmem:v9+s13+$0x0], $0xffff  }
0x120: {  	s15 =	simm.s32 $0x9870;
	s17 =	simm.s32 $0x9070;
	s18 =	simm.s32 $0x0;
	v9 =	vld.idx.msk [tilespmem:v9+s8+$0x0], $0xffff  }
.LBB2_6:
0x121: {  	s18 =	sadd.s32 $0x8, s18;
	s14 =	sadd.s32 $0x400, s14;
	s16 =	sadd.s32 $0x80, s16  }
0x122: {  	p0 =	slt.u32 s18, $0x78;
	_ =	sdelay $0x2  }
0x123: {  	v10 =	vor.u32 s14, v2;
	v8 =	vadd.f32 v9, v8;
	_ =	sdelay $0x1  }
0x124: {  	v8 =	vmax.f32 v8, $0.0e+00  }
0x125: {  	v8 =	vmin.f32 v8, $1.000000000e+00  }
0x126: {  	[tilespmem:s17+$0x0] =	vst v8;
	s17 =	smov.u32 s16  }
0x127: {  	v8 =	vld.idx.msk [tilespmem:v10+s13+$0x0], $0xffff  }
0x128: {  	v9 =	vld.idx.msk [tilespmem:v10+s8+$0x0], $0xffff;
	_ =	sdelay $0x4  }
0x129: {  	s19 =	sadd.s32 $0x80, s14  }
0x12a: {  	v8 =	vadd.f32 v9, v8;
	v9 =	vor.u32 s19, v2;
	_ =	sdelay $0x1  }
0x12b: {  	v8 =	vmax.f32 v8, $0.0e+00  }
0x12c: {  	v8 =	vmin.f32 v8, $1.000000000e+00  }
0x12d: {  	[tilespmem:s16+$0xFFFFFF90] =	vst v8  }
0x12e: {  	v8 =	vld.idx.msk [tilespmem:v9+s13+$0x0], $0xffff  }
0x12f: {  	v9 =	vld.idx.msk [tilespmem:v9+s8+$0x0], $0xffff;
	_ =	sdelay $0x4  }
0x130: {  	s19 =	sadd.s32 $0x100, s14  }
0x131: {  	v8 =	vadd.f32 v9, v8;
	v9 =	vor.u32 s19, v2;
	_ =	sdelay $0x1  }
0x132: {  	v8 =	vmax.f32 v8, $0.0e+00  }
0x133: {  	v8 =	vmin.f32 v8, $1.000000000e+00  }
0x134: {  	[tilespmem:s16+$0xFFFFFFA0] =	vst v8  }
0x135: {  	v8 =	vld.idx.msk [tilespmem:v9+s13+$0x0], $0xffff  }
0x136: {  	v9 =	vld.idx.msk [tilespmem:v9+s8+$0x0], $0xffff;
	_ =	sdelay $0x4  }
0x137: {  	s19 =	sadd.s32 $0x180, s14  }
0x138: {  	v8 =	vadd.f32 v9, v8;
	v9 =	vor.u32 s19, v2;
	_ =	sdelay $0x1  }
0x139: {  	v8 =	vmax.f32 v8, $0.0e+00  }
0x13a: {  	v8 =	vmin.f32 v8, $1.000000000e+00  }
0x13b: {  	[tilespmem:s16+$0xFFFFFFB0] =	vst v8  }
0x13c: {  	v8 =	vld.idx.msk [tilespmem:v9+s13+$0x0], $0xffff  }
0x13d: {  	v9 =	vld.idx.msk [tilespmem:v9+s8+$0x0], $0xffff;
	_ =	sdelay $0x4  }
0x13e: {  	s19 =	sadd.s32 $0x200, s14  }
0x13f: {  	v8 =	vadd.f32 v9, v8;
	v9 =	vor.u32 s19, v2;
	_ =	sdelay $0x1  }
0x140: {  	v8 =	vmax.f32 v8, $0.0e+00  }
0x141: {  	v8 =	vmin.f32 v8, $1.000000000e+00  }
0x142: {  	[tilespmem:s16+$0xFFFFFFC0] =	vst v8  }
0x143: {  	v8 =	vld.idx.msk [tilespmem:v9+s13+$0x0], $0xffff  }
0x144: {  	v9 =	vld.idx.msk [tilespmem:v9+s8+$0x0], $0xffff;
	_ =	sdelay $0x4  }
0x145: {  	s19 =	sadd.s32 $0x280, s14  }
0x146: {  	v8 =	vadd.f32 v9, v8;
	v9 =	vor.u32 s19, v2;
	_ =	sdelay $0x1  }
0x147: {  	v8 =	vmax.f32 v8, $0.0e+00  }
0x148: {  	v8 =	vmin.f32 v8, $1.000000000e+00  }
0x149: {  	[tilespmem:s16+$0xFFFFFFD0] =	vst v8  }
0x14a: {  	v8 =	vld.idx.msk [tilespmem:v9+s13+$0x0], $0xffff  }
0x14b: {  	v9 =	vld.idx.msk [tilespmem:v9+s8+$0x0], $0xffff;
	_ =	sdelay $0x4  }
0x14c: {  	s19 =	sadd.s32 $0x300, s14  }
0x14d: {  	v8 =	vadd.f32 v9, v8;
	v9 =	vor.u32 s19, v2;
	_ =	sdelay $0x1  }
0x14e: {  	v8 =	vmax.f32 v8, $0.0e+00  }
0x14f: {  	v8 =	vmin.f32 v8, $1.000000000e+00  }
0x150: {  	[tilespmem:s16+$0xFFFFFFE0] =	vst v8  }
0x151: {  	v8 =	vld.idx.msk [tilespmem:v9+s13+$0x0], $0xffff  }
0x152: {  	v9 =	vld.idx.msk [tilespmem:v9+s8+$0x0], $0xffff;
	_ =	sdelay $0x4  }
0x153: {  	s19 =	sadd.s32 $0x380, s14  }
0x154: {  	v8 =	vadd.f32 v9, v8;
	v9 =	vor.u32 s19, v2;
	_ =	sdelay $0x1  }
0x155: {  	v8 =	vmax.f32 v8, $0.0e+00  }
.Ltmp2:
0x156: {  	v8 =	vmin.f32 v8, $1.000000000e+00;
	(pc) =	sbr.rel @p0 .LBB2_6-.Ltmp2, $3  }
0x157: {  	[tilespmem:s16+$0xFFFFFFF0] =	vst v8  }
0x158: {  	v8 =	vld.idx.msk [tilespmem:v9+s13+$0x0], $0xffff  }
0x159: {  	v9 =	vld.idx.msk [tilespmem:v9+s8+$0x0], $0xffff;
	_ =	sdelay $0x1  }
0x15a: {  	_ =	sdelay $0x2  }
0x15b: {  	v8 =	vadd.f32 v9, v8;
	v9 =	vor.u32 s13, v3;
	_ =	sdelay $0x1  }
0x15c: {  	v8 =	vmax.f32 v8, $0.0e+00  }
0x15d: {  	v8 =	vmin.f32 v8, $1.000000000e+00  }
0x15e: {  	[tilespmem:s17+$0x0] =	vst v8  }
0x15f: {  	v8 =	vld.idx.msk [tilespmem:v9+s13+$0x0], $0xffff  }
0x160: {  	v9 =	vld.idx.msk [tilespmem:v9+s8+$0x0], $0xffff;
	_ =	sdelay $0x3  }
0x161: {  	s17 =	simm.s32 $0x80  }
0x162: {  	v8 =	vadd.f32 v9, v8;
	v9 =	vor.u32 s17, v3;
	_ =	sdelay $0x1  }
0x163: {  	v8 =	vmax.f32 v8, $0.0e+00  }
0x164: {  	v8 =	vmin.f32 v8, $1.000000000e+00  }
0x165: {  	[tilespmem:s15+$0xFFFFFF90] =	vst v8  }
0x166: {  	v8 =	vld.idx.msk [tilespmem:v9+s13+$0x0], $0xffff  }
0x167: {  	v9 =	vld.idx.msk [tilespmem:v9+s8+$0x0], $0xffff;
	_ =	sdelay $0x3  }
0x168: {  	s18 =	simm.s32 $0x100  }
0x169: {  	v8 =	vadd.f32 v9, v8;
	v9 =	vor.u32 s18, v3;
	_ =	sdelay $0x1  }
0x16a: {  	v8 =	vmax.f32 v8, $0.0e+00  }
0x16b: {  	v8 =	vmin.f32 v8, $1.000000000e+00  }
0x16c: {  	[tilespmem:s15+$0xFFFFFFA0] =	vst v8  }
0x16d: {  	v8 =	vld.idx.msk [tilespmem:v9+s13+$0x0], $0xffff  }
0x16e: {  	v9 =	vld.idx.msk [tilespmem:v9+s8+$0x0], $0xffff;
	_ =	sdelay $0x3  }
0x16f: {  	s19 =	simm.s32 $0x180  }
0x170: {  	v8 =	vadd.f32 v9, v8;
	v9 =	vor.u32 s19, v3;
	_ =	sdelay $0x1  }
0x171: {  	v8 =	vmax.f32 v8, $0.0e+00  }
0x172: {  	v8 =	vmin.f32 v8, $1.000000000e+00  }
0x173: {  	[tilespmem:s15+$0xFFFFFFB0] =	vst v8  }
0x174: {  	v8 =	vld.idx.msk [tilespmem:v9+s13+$0x0], $0xffff  }
0x175: {  	v9 =	vld.idx.msk [tilespmem:v9+s8+$0x0], $0xffff;
	_ =	sdelay $0x3  }
0x176: {  	s20 =	simm.s32 $0x200  }
0x177: {  	v8 =	vadd.f32 v9, v8;
	v9 =	vor.u32 s20, v3;
	_ =	sdelay $0x1  }
0x178: {  	v8 =	vmax.f32 v8, $0.0e+00  }
0x179: {  	v8 =	vmin.f32 v8, $1.000000000e+00  }
0x17a: {  	[tilespmem:s15+$0xFFFFFFC0] =	vst v8  }
0x17b: {  	v8 =	vld.idx.msk [tilespmem:v9+s13+$0x0], $0xffff  }
0x17c: {  	v9 =	vld.idx.msk [tilespmem:v9+s8+$0x0], $0xffff;
	_ =	sdelay $0x3  }
0x17d: {  	s21 =	simm.s32 $0x280  }
0x17e: {  	v8 =	vadd.f32 v9, v8;
	v9 =	vor.u32 s21, v3;
	_ =	sdelay $0x1  }
0x17f: {  	v8 =	vmax.f32 v8, $0.0e+00  }
0x180: {  	v8 =	vmin.f32 v8, $1.000000000e+00  }
0x181: {  	[tilespmem:s15+$0xFFFFFFD0] =	vst v8  }
0x182: {  	v8 =	vld.idx.msk [tilespmem:v9+s13+$0x0], $0xffff  }
0x183: {  	v9 =	vld.idx.msk [tilespmem:v9+s8+$0x0], $0xffff;
	_ =	sdelay $0x3  }
0x184: {  	s22 =	simm.s32 $0x300  }
0x185: {  	v8 =	vadd.f32 v9, v8;
	v9 =	vor.u32 s22, v3;
	_ =	sdelay $0x1  }
0x186: {  	v8 =	vmax.f32 v8, $0.0e+00  }
0x187: {  	v8 =	vmin.f32 v8, $1.000000000e+00  }
0x188: {  	[tilespmem:s15+$0xFFFFFFE0] =	vst v8  }
0x189: {  	v8 =	vld.idx.msk [tilespmem:v9+s13+$0x0], $0xffff  }
0x18a: {  	v9 =	vld.idx.msk [tilespmem:v9+s8+$0x0], $0xffff;
	_ =	sdelay $0x3  }
0x18b: {  	s23 =	simm.s32 $0x380  }
0x18c: {  	v8 =	vadd.f32 v9, v8;
	v9 =	vor.u32 s23, v3;
	_ =	sdelay $0x1  }
0x18d: {  	v8 =	vmax.f32 v8, $0.0e+00  }
0x18e: {  	v8 =	vmin.f32 v8, $1.000000000e+00  }
0x18f: {  	[tilespmem:s15+$0xFFFFFFF0] =	vst v8  }
0x190: {  	s14 =	simm.s32 $0x0;
	v8 =	vld.idx.msk [tilespmem:v9+s13+$0x0], $0xffff  }
0x191: {  	s16 =	simm.s32 $0xA070;
	s25 =	simm.s32 $0x0;
	s24 =	simm.s32 $0x9870;
	v9 =	vld.idx.msk [tilespmem:v9+s8+$0x0], $0xffff  }
.LBB2_8:
0x192: {  	s14 =	sadd.s32 $0x8, s14;
	s25 =	sadd.s32 $0x400, s25;
	s15 =	sadd.s32 $0x80, s15  }
0x193: {  	p0 =	slt.u32 s14, $0x78;
	_ =	sdelay $0x2  }
0x194: {  	v10 =	vor.u32 s25, v3;
	v8 =	vadd.f32 v9, v8;
	_ =	sdelay $0x1  }
0x195: {  	v8 =	vmax.f32 v8, $0.0e+00  }
0x196: {  	v8 =	vmin.f32 v8, $1.000000000e+00  }
0x197: {  	[tilespmem:s24+$0x0] =	vst v8;
	s24 =	smov.u32 s15  }
0x198: {  	v8 =	vld.idx.msk [tilespmem:v10+s13+$0x0], $0xffff  }
0x199: {  	v9 =	vld.idx.msk [tilespmem:v10+s8+$0x0], $0xffff;
	_ =	sdelay $0x4  }
0x19a: {  	s26 =	sadd.s32 $0x80, s25  }
0x19b: {  	v8 =	vadd.f32 v9, v8;
	v9 =	vor.u32 s26, v3;
	_ =	sdelay $0x1  }
0x19c: {  	v8 =	vmax.f32 v8, $0.0e+00  }
0x19d: {  	v8 =	vmin.f32 v8, $1.000000000e+00  }
0x19e: {  	[tilespmem:s15+$0xFFFFFF90] =	vst v8  }
0x19f: {  	v8 =	vld.idx.msk [tilespmem:v9+s13+$0x0], $0xffff  }
0x1a0: {  	v9 =	vld.idx.msk [tilespmem:v9+s8+$0x0], $0xffff;
	_ =	sdelay $0x4  }
0x1a1: {  	s26 =	sadd.s32 $0x100, s25  }
0x1a2: {  	v8 =	vadd.f32 v9, v8;
	v9 =	vor.u32 s26, v3;
	_ =	sdelay $0x1  }
0x1a3: {  	v8 =	vmax.f32 v8, $0.0e+00  }
0x1a4: {  	v8 =	vmin.f32 v8, $1.000000000e+00  }
0x1a5: {  	[tilespmem:s15+$0xFFFFFFA0] =	vst v8  }
0x1a6: {  	v8 =	vld.idx.msk [tilespmem:v9+s13+$0x0], $0xffff  }
0x1a7: {  	v9 =	vld.idx.msk [tilespmem:v9+s8+$0x0], $0xffff;
	_ =	sdelay $0x4  }
0x1a8: {  	s26 =	sadd.s32 $0x180, s25  }
0x1a9: {  	v8 =	vadd.f32 v9, v8;
	v9 =	vor.u32 s26, v3;
	_ =	sdelay $0x1  }
0x1aa: {  	v8 =	vmax.f32 v8, $0.0e+00  }
0x1ab: {  	v8 =	vmin.f32 v8, $1.000000000e+00  }
0x1ac: {  	[tilespmem:s15+$0xFFFFFFB0] =	vst v8  }
0x1ad: {  	v8 =	vld.idx.msk [tilespmem:v9+s13+$0x0], $0xffff  }
0x1ae: {  	v9 =	vld.idx.msk [tilespmem:v9+s8+$0x0], $0xffff;
	_ =	sdelay $0x4  }
0x1af: {  	s26 =	sadd.s32 $0x200, s25  }
0x1b0: {  	v8 =	vadd.f32 v9, v8;
	v9 =	vor.u32 s26, v3;
	_ =	sdelay $0x1  }
0x1b1: {  	v8 =	vmax.f32 v8, $0.0e+00  }
0x1b2: {  	v8 =	vmin.f32 v8, $1.000000000e+00  }
0x1b3: {  	[tilespmem:s15+$0xFFFFFFC0] =	vst v8  }
0x1b4: {  	v8 =	vld.idx.msk [tilespmem:v9+s13+$0x0], $0xffff  }
0x1b5: {  	v9 =	vld.idx.msk [tilespmem:v9+s8+$0x0], $0xffff;
	_ =	sdelay $0x4  }
0x1b6: {  	s26 =	sadd.s32 $0x280, s25  }
0x1b7: {  	v8 =	vadd.f32 v9, v8;
	v9 =	vor.u32 s26, v3;
	_ =	sdelay $0x1  }
0x1b8: {  	v8 =	vmax.f32 v8, $0.0e+00  }
0x1b9: {  	v8 =	vmin.f32 v8, $1.000000000e+00  }
0x1ba: {  	[tilespmem:s15+$0xFFFFFFD0] =	vst v8  }
0x1bb: {  	v8 =	vld.idx.msk [tilespmem:v9+s13+$0x0], $0xffff  }
0x1bc: {  	v9 =	vld.idx.msk [tilespmem:v9+s8+$0x0], $0xffff;
	_ =	sdelay $0x4  }
0x1bd: {  	s26 =	sadd.s32 $0x300, s25  }
0x1be: {  	v8 =	vadd.f32 v9, v8;
	v9 =	vor.u32 s26, v3;
	_ =	sdelay $0x1  }
0x1bf: {  	v8 =	vmax.f32 v8, $0.0e+00  }
0x1c0: {  	v8 =	vmin.f32 v8, $1.000000000e+00  }
0x1c1: {  	[tilespmem:s15+$0xFFFFFFE0] =	vst v8  }
0x1c2: {  	v8 =	vld.idx.msk [tilespmem:v9+s13+$0x0], $0xffff  }
0x1c3: {  	v9 =	vld.idx.msk [tilespmem:v9+s8+$0x0], $0xffff;
	_ =	sdelay $0x4  }
0x1c4: {  	s26 =	sadd.s32 $0x380, s25  }
0x1c5: {  	v8 =	vadd.f32 v9, v8;
	v9 =	vor.u32 s26, v3;
	_ =	sdelay $0x1  }
0x1c6: {  	v8 =	vmax.f32 v8, $0.0e+00  }
.Ltmp3:
0x1c7: {  	v8 =	vmin.f32 v8, $1.000000000e+00;
	(pc) =	sbr.rel @p0 .LBB2_8-.Ltmp3, $3  }
0x1c8: {  	[tilespmem:s15+$0xFFFFFFF0] =	vst v8  }
0x1c9: {  	v8 =	vld.idx.msk [tilespmem:v9+s13+$0x0], $0xffff  }
0x1ca: {  	v9 =	vld.idx.msk [tilespmem:v9+s8+$0x0], $0xffff;
	_ =	sdelay $0x1  }
0x1cb: {  	_ =	sdelay $0x2  }
0x1cc: {  	v8 =	vadd.f32 v9, v8;
	v9 =	vor.u32 s13, v4;
	_ =	sdelay $0x1  }
0x1cd: {  	v8 =	vmax.f32 v8, $0.0e+00  }
0x1ce: {  	v8 =	vmin.f32 v8, $1.000000000e+00  }
0x1cf: {  	s14 =	simm.s32 $0x0;
	[tilespmem:s24+$0x0] =	vst v8  }
0x1d0: {  	v8 =	vld.idx.msk [tilespmem:v9+s14+$0x0], $0xffff  }
0x1d1: {  	v9 =	vld.idx.msk [tilespmem:v9+s8+$0x0], $0xffff;
	_ =	sdelay $0x4  }
0x1d2: {  	v8 =	vadd.f32 v9, v8;
	v9 =	vor.u32 s17, v4;
	_ =	sdelay $0x1  }
0x1d3: {  	v8 =	vmax.f32 v8, $0.0e+00  }
0x1d4: {  	v8 =	vmin.f32 v8, $1.000000000e+00  }
0x1d5: {  	[tilespmem:s16+$0xFFFFFF90] =	vst v8  }
0x1d6: {  	v8 =	vld.idx.msk [tilespmem:v9+s14+$0x0], $0xffff  }
0x1d7: {  	v9 =	vld.idx.msk [tilespmem:v9+s8+$0x0], $0xffff;
	_ =	sdelay $0x4  }
0x1d8: {  	v8 =	vadd.f32 v9, v8;
	v9 =	vor.u32 s18, v4;
	_ =	sdelay $0x1  }
0x1d9: {  	v8 =	vmax.f32 v8, $0.0e+00  }
0x1da: {  	v8 =	vmin.f32 v8, $1.000000000e+00  }
0x1db: {  	[tilespmem:s16+$0xFFFFFFA0] =	vst v8  }
0x1dc: {  	v8 =	vld.idx.msk [tilespmem:v9+s14+$0x0], $0xffff  }
0x1dd: {  	v9 =	vld.idx.msk [tilespmem:v9+s8+$0x0], $0xffff;
	_ =	sdelay $0x4  }
0x1de: {  	v8 =	vadd.f32 v9, v8;
	v9 =	vor.u32 s19, v4;
	_ =	sdelay $0x1  }
0x1df: {  	v8 =	vmax.f32 v8, $0.0e+00  }
0x1e0: {  	v8 =	vmin.f32 v8, $1.000000000e+00  }
0x1e1: {  	[tilespmem:s16+$0xFFFFFFB0] =	vst v8  }
0x1e2: {  	v8 =	vld.idx.msk [tilespmem:v9+s14+$0x0], $0xffff  }
0x1e3: {  	v9 =	vld.idx.msk [tilespmem:v9+s8+$0x0], $0xffff;
	_ =	sdelay $0x4  }
0x1e4: {  	v8 =	vadd.f32 v9, v8;
	v9 =	vor.u32 s20, v4;
	_ =	sdelay $0x1  }
0x1e5: {  	v8 =	vmax.f32 v8, $0.0e+00  }
0x1e6: {  	v8 =	vmin.f32 v8, $1.000000000e+00  }
0x1e7: {  	[tilespmem:s16+$0xFFFFFFC0] =	vst v8  }
0x1e8: {  	v8 =	vld.idx.msk [tilespmem:v9+s14+$0x0], $0xffff  }
0x1e9: {  	v9 =	vld.idx.msk [tilespmem:v9+s8+$0x0], $0xffff;
	_ =	sdelay $0x4  }
0x1ea: {  	v8 =	vadd.f32 v9, v8;
	v9 =	vor.u32 s21, v4;
	_ =	sdelay $0x1  }
0x1eb: {  	v8 =	vmax.f32 v8, $0.0e+00  }
0x1ec: {  	v8 =	vmin.f32 v8, $1.000000000e+00  }
0x1ed: {  	[tilespmem:s16+$0xFFFFFFD0] =	vst v8  }
0x1ee: {  	v8 =	vld.idx.msk [tilespmem:v9+s14+$0x0], $0xffff  }
0x1ef: {  	v9 =	vld.idx.msk [tilespmem:v9+s8+$0x0], $0xffff;
	_ =	sdelay $0x4  }
0x1f0: {  	v8 =	vadd.f32 v9, v8;
	v9 =	vor.u32 s22, v4;
	_ =	sdelay $0x1  }
0x1f1: {  	v8 =	vmax.f32 v8, $0.0e+00  }
0x1f2: {  	v8 =	vmin.f32 v8, $1.000000000e+00  }
0x1f3: {  	[tilespmem:s16+$0xFFFFFFE0] =	vst v8  }
0x1f4: {  	v8 =	vld.idx.msk [tilespmem:v9+s14+$0x0], $0xffff  }
0x1f5: {  	v9 =	vld.idx.msk [tilespmem:v9+s8+$0x0], $0xffff;
	_ =	sdelay $0x4  }
0x1f6: {  	v8 =	vadd.f32 v9, v8;
	v9 =	vor.u32 s23, v4;
	_ =	sdelay $0x1  }
0x1f7: {  	v8 =	vmax.f32 v8, $0.0e+00  }
0x1f8: {  	v8 =	vmin.f32 v8, $1.000000000e+00  }
0x1f9: {  	[tilespmem:s16+$0xFFFFFFF0] =	vst v8  }
0x1fa: {  	v8 =	vld.idx.msk [tilespmem:v9+s14+$0x0], $0xffff  }
0x1fb: {  	s15 =	simm.s32 $0xA870;
	s17 =	simm.s32 $0xA070;
	s18 =	simm.s32 $0x0;
	v9 =	vld.idx.msk [tilespmem:v9+s8+$0x0], $0xffff  }
.LBB2_10:
0x1fc: {  	s18 =	sadd.s32 $0x8, s18;
	s13 =	sadd.s32 $0x400, s13;
	s16 =	sadd.s32 $0x80, s16  }
0x1fd: {  	p0 =	slt.u32 s18, $0x78;
	_ =	sdelay $0x2  }
0x1fe: {  	v10 =	vor.u32 s13, v4;
	v8 =	vadd.f32 v9, v8;
	_ =	sdelay $0x1  }
0x1ff: {  	v8 =	vmax.f32 v8, $0.0e+00  }
0x200: {  	v8 =	vmin.f32 v8, $1.000000000e+00  }
0x201: {  	[tilespmem:s17+$0x0] =	vst v8;
	s17 =	smov.u32 s16  }
0x202: {  	v8 =	vld.idx.msk [tilespmem:v10+s14+$0x0], $0xffff  }
0x203: {  	v9 =	vld.idx.msk [tilespmem:v10+s8+$0x0], $0xffff;
	_ =	sdelay $0x4  }
0x204: {  	s19 =	sadd.s32 $0x80, s13  }
0x205: {  	v8 =	vadd.f32 v9, v8;
	v9 =	vor.u32 s19, v4;
	_ =	sdelay $0x1  }
0x206: {  	v8 =	vmax.f32 v8, $0.0e+00  }
0x207: {  	v8 =	vmin.f32 v8, $1.000000000e+00  }
0x208: {  	[tilespmem:s16+$0xFFFFFF90] =	vst v8  }
0x209: {  	v8 =	vld.idx.msk [tilespmem:v9+s14+$0x0], $0xffff  }
0x20a: {  	v9 =	vld.idx.msk [tilespmem:v9+s8+$0x0], $0xffff;
	_ =	sdelay $0x4  }
0x20b: {  	s19 =	sadd.s32 $0x100, s13  }
0x20c: {  	v8 =	vadd.f32 v9, v8;
	v9 =	vor.u32 s19, v4;
	_ =	sdelay $0x1  }
0x20d: {  	v8 =	vmax.f32 v8, $0.0e+00  }
0x20e: {  	v8 =	vmin.f32 v8, $1.000000000e+00  }
0x20f: {  	[tilespmem:s16+$0xFFFFFFA0] =	vst v8  }
0x210: {  	v8 =	vld.idx.msk [tilespmem:v9+s14+$0x0], $0xffff  }
0x211: {  	v9 =	vld.idx.msk [tilespmem:v9+s8+$0x0], $0xffff;
	_ =	sdelay $0x4  }
0x212: {  	s19 =	sadd.s32 $0x180, s13  }
0x213: {  	v8 =	vadd.f32 v9, v8;
	v9 =	vor.u32 s19, v4;
	_ =	sdelay $0x1  }
0x214: {  	v8 =	vmax.f32 v8, $0.0e+00  }
0x215: {  	v8 =	vmin.f32 v8, $1.000000000e+00  }
0x216: {  	[tilespmem:s16+$0xFFFFFFB0] =	vst v8  }
0x217: {  	v8 =	vld.idx.msk [tilespmem:v9+s14+$0x0], $0xffff  }
0x218: {  	v9 =	vld.idx.msk [tilespmem:v9+s8+$0x0], $0xffff;
	_ =	sdelay $0x4  }
0x219: {  	s19 =	sadd.s32 $0x200, s13  }
0x21a: {  	v8 =	vadd.f32 v9, v8;
	v9 =	vor.u32 s19, v4;
	_ =	sdelay $0x1  }
0x21b: {  	v8 =	vmax.f32 v8, $0.0e+00  }
0x21c: {  	v8 =	vmin.f32 v8, $1.000000000e+00  }
0x21d: {  	[tilespmem:s16+$0xFFFFFFC0] =	vst v8  }
0x21e: {  	v8 =	vld.idx.msk [tilespmem:v9+s14+$0x0], $0xffff  }
0x21f: {  	v9 =	vld.idx.msk [tilespmem:v9+s8+$0x0], $0xffff;
	_ =	sdelay $0x4  }
0x220: {  	s19 =	sadd.s32 $0x280, s13  }
0x221: {  	v8 =	vadd.f32 v9, v8;
	v9 =	vor.u32 s19, v4;
	_ =	sdelay $0x1  }
0x222: {  	v8 =	vmax.f32 v8, $0.0e+00  }
0x223: {  	v8 =	vmin.f32 v8, $1.000000000e+00  }
0x224: {  	[tilespmem:s16+$0xFFFFFFD0] =	vst v8  }
0x225: {  	v8 =	vld.idx.msk [tilespmem:v9+s14+$0x0], $0xffff  }
0x226: {  	v9 =	vld.idx.msk [tilespmem:v9+s8+$0x0], $0xffff;
	_ =	sdelay $0x4  }
0x227: {  	s19 =	sadd.s32 $0x300, s13  }
0x228: {  	v8 =	vadd.f32 v9, v8;
	v9 =	vor.u32 s19, v4;
	_ =	sdelay $0x1  }
0x229: {  	v8 =	vmax.f32 v8, $0.0e+00  }
0x22a: {  	v8 =	vmin.f32 v8, $1.000000000e+00  }
0x22b: {  	[tilespmem:s16+$0xFFFFFFE0] =	vst v8  }
0x22c: {  	v8 =	vld.idx.msk [tilespmem:v9+s14+$0x0], $0xffff  }
0x22d: {  	v9 =	vld.idx.msk [tilespmem:v9+s8+$0x0], $0xffff;
	_ =	sdelay $0x4  }
0x22e: {  	s19 =	sadd.s32 $0x380, s13  }
0x22f: {  	v8 =	vadd.f32 v9, v8;
	v9 =	vor.u32 s19, v4;
	_ =	sdelay $0x1  }
0x230: {  	v8 =	vmax.f32 v8, $0.0e+00  }
.Ltmp4:
0x231: {  	v8 =	vmin.f32 v8, $1.000000000e+00;
	(pc) =	sbr.rel @p0 .LBB2_10-.Ltmp4, $3  }
0x232: {  	[tilespmem:s16+$0xFFFFFFF0] =	vst v8  }
0x233: {  	v8 =	vld.idx.msk [tilespmem:v9+s14+$0x0], $0xffff  }
0x234: {  	v9 =	vld.idx.msk [tilespmem:v9+s8+$0x0], $0xffff;
	_ =	sdelay $0x1  }
0x235: {  	_ =	sdelay $0x2  }
0x236: {  	v8 =	vadd.f32 v9, v8;
	v9 =	vor.u32 s14, v5;
	_ =	sdelay $0x1  }
0x237: {  	v8 =	vmax.f32 v8, $0.0e+00  }
0x238: {  	v8 =	vmin.f32 v8, $1.000000000e+00  }
0x239: {  	[tilespmem:s17+$0x0] =	vst v8  }
0x23a: {  	v8 =	vld.idx.msk [tilespmem:v9+s14+$0x0], $0xffff  }
0x23b: {  	v9 =	vld.idx.msk [tilespmem:v9+s8+$0x0], $0xffff;
	_ =	sdelay $0x3  }
0x23c: {  	s17 =	simm.s32 $0x80  }
0x23d: {  	v8 =	vadd.f32 v9, v8;
	v9 =	vor.u32 s17, v5;
	_ =	sdelay $0x1  }
0x23e: {  	v8 =	vmax.f32 v8, $0.0e+00  }
0x23f: {  	v8 =	vmin.f32 v8, $1.000000000e+00  }
0x240: {  	[tilespmem:s15+$0xFFFFFF90] =	vst v8  }
0x241: {  	v8 =	vld.idx.msk [tilespmem:v9+s14+$0x0], $0xffff  }
0x242: {  	v9 =	vld.idx.msk [tilespmem:v9+s8+$0x0], $0xffff;
	_ =	sdelay $0x3  }
0x243: {  	s18 =	simm.s32 $0x100  }
0x244: {  	v8 =	vadd.f32 v9, v8;
	v9 =	vor.u32 s18, v5;
	_ =	sdelay $0x1  }
0x245: {  	v8 =	vmax.f32 v8, $0.0e+00  }
0x246: {  	v8 =	vmin.f32 v8, $1.000000000e+00  }
0x247: {  	[tilespmem:s15+$0xFFFFFFA0] =	vst v8  }
0x248: {  	v8 =	vld.idx.msk [tilespmem:v9+s14+$0x0], $0xffff  }
0x249: {  	v9 =	vld.idx.msk [tilespmem:v9+s8+$0x0], $0xffff;
	_ =	sdelay $0x3  }
0x24a: {  	s19 =	simm.s32 $0x180  }
0x24b: {  	v8 =	vadd.f32 v9, v8;
	v9 =	vor.u32 s19, v5;
	_ =	sdelay $0x1  }
0x24c: {  	v8 =	vmax.f32 v8, $0.0e+00  }
0x24d: {  	v8 =	vmin.f32 v8, $1.000000000e+00  }
0x24e: {  	[tilespmem:s15+$0xFFFFFFB0] =	vst v8  }
0x24f: {  	v8 =	vld.idx.msk [tilespmem:v9+s14+$0x0], $0xffff  }
0x250: {  	v9 =	vld.idx.msk [tilespmem:v9+s8+$0x0], $0xffff;
	_ =	sdelay $0x3  }
0x251: {  	s20 =	simm.s32 $0x200  }
0x252: {  	v8 =	vadd.f32 v9, v8;
	v9 =	vor.u32 s20, v5;
	_ =	sdelay $0x1  }
0x253: {  	v8 =	vmax.f32 v8, $0.0e+00  }
0x254: {  	v8 =	vmin.f32 v8, $1.000000000e+00  }
0x255: {  	[tilespmem:s15+$0xFFFFFFC0] =	vst v8  }
0x256: {  	v8 =	vld.idx.msk [tilespmem:v9+s14+$0x0], $0xffff  }
0x257: {  	v9 =	vld.idx.msk [tilespmem:v9+s8+$0x0], $0xffff;
	_ =	sdelay $0x3  }
0x258: {  	s21 =	simm.s32 $0x280  }
0x259: {  	v8 =	vadd.f32 v9, v8;
	v9 =	vor.u32 s21, v5;
	_ =	sdelay $0x1  }
0x25a: {  	v8 =	vmax.f32 v8, $0.0e+00  }
0x25b: {  	v8 =	vmin.f32 v8, $1.000000000e+00  }
0x25c: {  	[tilespmem:s15+$0xFFFFFFD0] =	vst v8  }
0x25d: {  	v8 =	vld.idx.msk [tilespmem:v9+s14+$0x0], $0xffff  }
0x25e: {  	v9 =	vld.idx.msk [tilespmem:v9+s8+$0x0], $0xffff;
	_ =	sdelay $0x3  }
0x25f: {  	s22 =	simm.s32 $0x300  }
0x260: {  	v8 =	vadd.f32 v9, v8;
	v9 =	vor.u32 s22, v5;
	_ =	sdelay $0x1  }
0x261: {  	v8 =	vmax.f32 v8, $0.0e+00  }
0x262: {  	v8 =	vmin.f32 v8, $1.000000000e+00  }
0x263: {  	[tilespmem:s15+$0xFFFFFFE0] =	vst v8  }
0x264: {  	v8 =	vld.idx.msk [tilespmem:v9+s14+$0x0], $0xffff  }
0x265: {  	v9 =	vld.idx.msk [tilespmem:v9+s8+$0x0], $0xffff;
	_ =	sdelay $0x3  }
0x266: {  	s23 =	simm.s32 $0x380  }
0x267: {  	v8 =	vadd.f32 v9, v8;
	v9 =	vor.u32 s23, v5;
	_ =	sdelay $0x1  }
0x268: {  	v8 =	vmax.f32 v8, $0.0e+00  }
0x269: {  	v8 =	vmin.f32 v8, $1.000000000e+00  }
0x26a: {  	[tilespmem:s15+$0xFFFFFFF0] =	vst v8  }
0x26b: {  	s13 =	simm.s32 $0x0;
	v8 =	vld.idx.msk [tilespmem:v9+s14+$0x0], $0xffff  }
0x26c: {  	s16 =	simm.s32 $0xB070;
	s25 =	simm.s32 $0x0;
	s24 =	simm.s32 $0xA870;
	v9 =	vld.idx.msk [tilespmem:v9+s8+$0x0], $0xffff  }
.LBB2_12:
0x26d: {  	s13 =	sadd.s32 $0x8, s13;
	s25 =	sadd.s32 $0x400, s25;
	s15 =	sadd.s32 $0x80, s15  }
0x26e: {  	p0 =	slt.u32 s13, $0x78;
	_ =	sdelay $0x2  }
0x26f: {  	v10 =	vor.u32 s25, v5;
	v8 =	vadd.f32 v9, v8;
	_ =	sdelay $0x1  }
0x270: {  	v8 =	vmax.f32 v8, $0.0e+00  }
0x271: {  	v8 =	vmin.f32 v8, $1.000000000e+00  }
0x272: {  	[tilespmem:s24+$0x0] =	vst v8;
	s24 =	smov.u32 s15  }
0x273: {  	v8 =	vld.idx.msk [tilespmem:v10+s14+$0x0], $0xffff  }
0x274: {  	v9 =	vld.idx.msk [tilespmem:v10+s8+$0x0], $0xffff;
	_ =	sdelay $0x4  }
0x275: {  	s26 =	sadd.s32 $0x80, s25  }
0x276: {  	v8 =	vadd.f32 v9, v8;
	v9 =	vor.u32 s26, v5;
	_ =	sdelay $0x1  }
0x277: {  	v8 =	vmax.f32 v8, $0.0e+00  }
0x278: {  	v8 =	vmin.f32 v8, $1.000000000e+00  }
0x279: {  	[tilespmem:s15+$0xFFFFFF90] =	vst v8  }
0x27a: {  	v8 =	vld.idx.msk [tilespmem:v9+s14+$0x0], $0xffff  }
0x27b: {  	v9 =	vld.idx.msk [tilespmem:v9+s8+$0x0], $0xffff;
	_ =	sdelay $0x4  }
0x27c: {  	s26 =	sadd.s32 $0x100, s25  }
0x27d: {  	v8 =	vadd.f32 v9, v8;
	v9 =	vor.u32 s26, v5;
	_ =	sdelay $0x1  }
0x27e: {  	v8 =	vmax.f32 v8, $0.0e+00  }
0x27f: {  	v8 =	vmin.f32 v8, $1.000000000e+00  }
0x280: {  	[tilespmem:s15+$0xFFFFFFA0] =	vst v8  }
0x281: {  	v8 =	vld.idx.msk [tilespmem:v9+s14+$0x0], $0xffff  }
0x282: {  	v9 =	vld.idx.msk [tilespmem:v9+s8+$0x0], $0xffff;
	_ =	sdelay $0x4  }
0x283: {  	s26 =	sadd.s32 $0x180, s25  }
0x284: {  	v8 =	vadd.f32 v9, v8;
	v9 =	vor.u32 s26, v5;
	_ =	sdelay $0x1  }
0x285: {  	v8 =	vmax.f32 v8, $0.0e+00  }
0x286: {  	v8 =	vmin.f32 v8, $1.000000000e+00  }
0x287: {  	[tilespmem:s15+$0xFFFFFFB0] =	vst v8  }
0x288: {  	v8 =	vld.idx.msk [tilespmem:v9+s14+$0x0], $0xffff  }
0x289: {  	v9 =	vld.idx.msk [tilespmem:v9+s8+$0x0], $0xffff;
	_ =	sdelay $0x4  }
0x28a: {  	s26 =	sadd.s32 $0x200, s25  }
0x28b: {  	v8 =	vadd.f32 v9, v8;
	v9 =	vor.u32 s26, v5;
	_ =	sdelay $0x1  }
0x28c: {  	v8 =	vmax.f32 v8, $0.0e+00  }
0x28d: {  	v8 =	vmin.f32 v8, $1.000000000e+00  }
0x28e: {  	[tilespmem:s15+$0xFFFFFFC0] =	vst v8  }
0x28f: {  	v8 =	vld.idx.msk [tilespmem:v9+s14+$0x0], $0xffff  }
0x290: {  	v9 =	vld.idx.msk [tilespmem:v9+s8+$0x0], $0xffff;
	_ =	sdelay $0x4  }
0x291: {  	s26 =	sadd.s32 $0x280, s25  }
0x292: {  	v8 =	vadd.f32 v9, v8;
	v9 =	vor.u32 s26, v5;
	_ =	sdelay $0x1  }
0x293: {  	v8 =	vmax.f32 v8, $0.0e+00  }
0x294: {  	v8 =	vmin.f32 v8, $1.000000000e+00  }
0x295: {  	[tilespmem:s15+$0xFFFFFFD0] =	vst v8  }
0x296: {  	v8 =	vld.idx.msk [tilespmem:v9+s14+$0x0], $0xffff  }
0x297: {  	v9 =	vld.idx.msk [tilespmem:v9+s8+$0x0], $0xffff;
	_ =	sdelay $0x4  }
0x298: {  	s26 =	sadd.s32 $0x300, s25  }
0x299: {  	v8 =	vadd.f32 v9, v8;
	v9 =	vor.u32 s26, v5;
	_ =	sdelay $0x1  }
0x29a: {  	v8 =	vmax.f32 v8, $0.0e+00  }
0x29b: {  	v8 =	vmin.f32 v8, $1.000000000e+00  }
0x29c: {  	[tilespmem:s15+$0xFFFFFFE0] =	vst v8  }
0x29d: {  	v8 =	vld.idx.msk [tilespmem:v9+s14+$0x0], $0xffff  }
0x29e: {  	v9 =	vld.idx.msk [tilespmem:v9+s8+$0x0], $0xffff;
	_ =	sdelay $0x4  }
0x29f: {  	s26 =	sadd.s32 $0x380, s25  }
0x2a0: {  	v8 =	vadd.f32 v9, v8;
	v9 =	vor.u32 s26, v5;
	_ =	sdelay $0x1  }
0x2a1: {  	v8 =	vmax.f32 v8, $0.0e+00  }
.Ltmp5:
0x2a2: {  	v8 =	vmin.f32 v8, $1.000000000e+00;
	(pc) =	sbr.rel @p0 .LBB2_12-.Ltmp5, $3  }
0x2a3: {  	[tilespmem:s15+$0xFFFFFFF0] =	vst v8  }
0x2a4: {  	v8 =	vld.idx.msk [tilespmem:v9+s14+$0x0], $0xffff  }
0x2a5: {  	v9 =	vld.idx.msk [tilespmem:v9+s8+$0x0], $0xffff;
	_ =	sdelay $0x1  }
0x2a6: {  	_ =	sdelay $0x2  }
0x2a7: {  	v8 =	vadd.f32 v9, v8;
	v9 =	vor.u32 s14, v6;
	_ =	sdelay $0x1  }
0x2a8: {  	v8 =	vmax.f32 v8, $0.0e+00  }
0x2a9: {  	v8 =	vmin.f32 v8, $1.000000000e+00  }
0x2aa: {  	s13 =	simm.s32 $0x0;
	[tilespmem:s24+$0x0] =	vst v8  }
0x2ab: {  	v8 =	vld.idx.msk [tilespmem:v9+s13+$0x0], $0xffff  }
0x2ac: {  	v9 =	vld.idx.msk [tilespmem:v9+s8+$0x0], $0xffff;
	_ =	sdelay $0x4  }
0x2ad: {  	v8 =	vadd.f32 v9, v8;
	v9 =	vor.u32 s17, v6;
	_ =	sdelay $0x1  }
0x2ae: {  	v8 =	vmax.f32 v8, $0.0e+00  }
0x2af: {  	v8 =	vmin.f32 v8, $1.000000000e+00  }
0x2b0: {  	[tilespmem:s16+$0xFFFFFF90] =	vst v8  }
0x2b1: {  	v8 =	vld.idx.msk [tilespmem:v9+s13+$0x0], $0xffff  }
0x2b2: {  	v9 =	vld.idx.msk [tilespmem:v9+s8+$0x0], $0xffff;
	_ =	sdelay $0x4  }
0x2b3: {  	v8 =	vadd.f32 v9, v8;
	v9 =	vor.u32 s18, v6;
	_ =	sdelay $0x1  }
0x2b4: {  	v8 =	vmax.f32 v8, $0.0e+00  }
0x2b5: {  	v8 =	vmin.f32 v8, $1.000000000e+00  }
0x2b6: {  	[tilespmem:s16+$0xFFFFFFA0] =	vst v8  }
0x2b7: {  	v8 =	vld.idx.msk [tilespmem:v9+s13+$0x0], $0xffff  }
0x2b8: {  	v9 =	vld.idx.msk [tilespmem:v9+s8+$0x0], $0xffff;
	_ =	sdelay $0x4  }
0x2b9: {  	v8 =	vadd.f32 v9, v8;
	v9 =	vor.u32 s19, v6;
	_ =	sdelay $0x1  }
0x2ba: {  	v8 =	vmax.f32 v8, $0.0e+00  }
0x2bb: {  	v8 =	vmin.f32 v8, $1.000000000e+00  }
0x2bc: {  	[tilespmem:s16+$0xFFFFFFB0] =	vst v8  }
0x2bd: {  	v8 =	vld.idx.msk [tilespmem:v9+s13+$0x0], $0xffff  }
0x2be: {  	v9 =	vld.idx.msk [tilespmem:v9+s8+$0x0], $0xffff;
	_ =	sdelay $0x4  }
0x2bf: {  	v8 =	vadd.f32 v9, v8;
	v9 =	vor.u32 s20, v6;
	_ =	sdelay $0x1  }
0x2c0: {  	v8 =	vmax.f32 v8, $0.0e+00  }
0x2c1: {  	v8 =	vmin.f32 v8, $1.000000000e+00  }
0x2c2: {  	[tilespmem:s16+$0xFFFFFFC0] =	vst v8  }
0x2c3: {  	v8 =	vld.idx.msk [tilespmem:v9+s13+$0x0], $0xffff  }
0x2c4: {  	v9 =	vld.idx.msk [tilespmem:v9+s8+$0x0], $0xffff;
	_ =	sdelay $0x4  }
0x2c5: {  	v8 =	vadd.f32 v9, v8;
	v9 =	vor.u32 s21, v6;
	_ =	sdelay $0x1  }
0x2c6: {  	v8 =	vmax.f32 v8, $0.0e+00  }
0x2c7: {  	v8 =	vmin.f32 v8, $1.000000000e+00  }
0x2c8: {  	[tilespmem:s16+$0xFFFFFFD0] =	vst v8  }
0x2c9: {  	v8 =	vld.idx.msk [tilespmem:v9+s13+$0x0], $0xffff  }
0x2ca: {  	v9 =	vld.idx.msk [tilespmem:v9+s8+$0x0], $0xffff;
	_ =	sdelay $0x4  }
0x2cb: {  	v8 =	vadd.f32 v9, v8;
	v9 =	vor.u32 s22, v6;
	_ =	sdelay $0x1  }
0x2cc: {  	v8 =	vmax.f32 v8, $0.0e+00  }
0x2cd: {  	v8 =	vmin.f32 v8, $1.000000000e+00  }
0x2ce: {  	[tilespmem:s16+$0xFFFFFFE0] =	vst v8  }
0x2cf: {  	v8 =	vld.idx.msk [tilespmem:v9+s13+$0x0], $0xffff  }
0x2d0: {  	v9 =	vld.idx.msk [tilespmem:v9+s8+$0x0], $0xffff;
	_ =	sdelay $0x4  }
0x2d1: {  	v8 =	vadd.f32 v9, v8;
	v9 =	vor.u32 s23, v6;
	_ =	sdelay $0x1  }
0x2d2: {  	v8 =	vmax.f32 v8, $0.0e+00  }
0x2d3: {  	v8 =	vmin.f32 v8, $1.000000000e+00  }
0x2d4: {  	[tilespmem:s16+$0xFFFFFFF0] =	vst v8  }
0x2d5: {  	v8 =	vld.idx.msk [tilespmem:v9+s13+$0x0], $0xffff  }
0x2d6: {  	s15 =	simm.s32 $0xB870;
	s17 =	simm.s32 $0xB070;
	s18 =	simm.s32 $0x0;
	v9 =	vld.idx.msk [tilespmem:v9+s8+$0x0], $0xffff  }
.LBB2_14:
0x2d7: {  	s18 =	sadd.s32 $0x8, s18;
	s14 =	sadd.s32 $0x400, s14;
	s16 =	sadd.s32 $0x80, s16  }
0x2d8: {  	p0 =	slt.u32 s18, $0x78;
	_ =	sdelay $0x2  }
0x2d9: {  	v10 =	vor.u32 s14, v6;
	v8 =	vadd.f32 v9, v8;
	_ =	sdelay $0x1  }
0x2da: {  	v8 =	vmax.f32 v8, $0.0e+00  }
0x2db: {  	v8 =	vmin.f32 v8, $1.000000000e+00  }
0x2dc: {  	[tilespmem:s17+$0x0] =	vst v8;
	s17 =	smov.u32 s16  }
0x2dd: {  	v8 =	vld.idx.msk [tilespmem:v10+s13+$0x0], $0xffff  }
0x2de: {  	v9 =	vld.idx.msk [tilespmem:v10+s8+$0x0], $0xffff;
	_ =	sdelay $0x4  }
0x2df: {  	s19 =	sadd.s32 $0x80, s14  }
0x2e0: {  	v8 =	vadd.f32 v9, v8;
	v9 =	vor.u32 s19, v6;
	_ =	sdelay $0x1  }
0x2e1: {  	v8 =	vmax.f32 v8, $0.0e+00  }
0x2e2: {  	v8 =	vmin.f32 v8, $1.000000000e+00  }
0x2e3: {  	[tilespmem:s16+$0xFFFFFF90] =	vst v8  }
0x2e4: {  	v8 =	vld.idx.msk [tilespmem:v9+s13+$0x0], $0xffff  }
0x2e5: {  	v9 =	vld.idx.msk [tilespmem:v9+s8+$0x0], $0xffff;
	_ =	sdelay $0x4  }
0x2e6: {  	s19 =	sadd.s32 $0x100, s14  }
0x2e7: {  	v8 =	vadd.f32 v9, v8;
	v9 =	vor.u32 s19, v6;
	_ =	sdelay $0x1  }
0x2e8: {  	v8 =	vmax.f32 v8, $0.0e+00  }
0x2e9: {  	v8 =	vmin.f32 v8, $1.000000000e+00  }
0x2ea: {  	[tilespmem:s16+$0xFFFFFFA0] =	vst v8  }
0x2eb: {  	v8 =	vld.idx.msk [tilespmem:v9+s13+$0x0], $0xffff  }
0x2ec: {  	v9 =	vld.idx.msk [tilespmem:v9+s8+$0x0], $0xffff;
	_ =	sdelay $0x4  }
0x2ed: {  	s19 =	sadd.s32 $0x180, s14  }
0x2ee: {  	v8 =	vadd.f32 v9, v8;
	v9 =	vor.u32 s19, v6;
	_ =	sdelay $0x1  }
0x2ef: {  	v8 =	vmax.f32 v8, $0.0e+00  }
0x2f0: {  	v8 =	vmin.f32 v8, $1.000000000e+00  }
0x2f1: {  	[tilespmem:s16+$0xFFFFFFB0] =	vst v8  }
0x2f2: {  	v8 =	vld.idx.msk [tilespmem:v9+s13+$0x0], $0xffff  }
0x2f3: {  	v9 =	vld.idx.msk [tilespmem:v9+s8+$0x0], $0xffff;
	_ =	sdelay $0x4  }
0x2f4: {  	s19 =	sadd.s32 $0x200, s14  }
0x2f5: {  	v8 =	vadd.f32 v9, v8;
	v9 =	vor.u32 s19, v6;
	_ =	sdelay $0x1  }
0x2f6: {  	v8 =	vmax.f32 v8, $0.0e+00  }
0x2f7: {  	v8 =	vmin.f32 v8, $1.000000000e+00  }
0x2f8: {  	[tilespmem:s16+$0xFFFFFFC0] =	vst v8  }
0x2f9: {  	v8 =	vld.idx.msk [tilespmem:v9+s13+$0x0], $0xffff  }
0x2fa: {  	v9 =	vld.idx.msk [tilespmem:v9+s8+$0x0], $0xffff;
	_ =	sdelay $0x4  }
0x2fb: {  	s19 =	sadd.s32 $0x280, s14  }
0x2fc: {  	v8 =	vadd.f32 v9, v8;
	v9 =	vor.u32 s19, v6;
	_ =	sdelay $0x1  }
0x2fd: {  	v8 =	vmax.f32 v8, $0.0e+00  }
0x2fe: {  	v8 =	vmin.f32 v8, $1.000000000e+00  }
0x2ff: {  	[tilespmem:s16+$0xFFFFFFD0] =	vst v8  }
0x300: {  	v8 =	vld.idx.msk [tilespmem:v9+s13+$0x0], $0xffff  }
0x301: {  	v9 =	vld.idx.msk [tilespmem:v9+s8+$0x0], $0xffff;
	_ =	sdelay $0x4  }
0x302: {  	s19 =	sadd.s32 $0x300, s14  }
0x303: {  	v8 =	vadd.f32 v9, v8;
	v9 =	vor.u32 s19, v6;
	_ =	sdelay $0x1  }
0x304: {  	v8 =	vmax.f32 v8, $0.0e+00  }
0x305: {  	v8 =	vmin.f32 v8, $1.000000000e+00  }
0x306: {  	[tilespmem:s16+$0xFFFFFFE0] =	vst v8  }
0x307: {  	v8 =	vld.idx.msk [tilespmem:v9+s13+$0x0], $0xffff  }
0x308: {  	v9 =	vld.idx.msk [tilespmem:v9+s8+$0x0], $0xffff;
	_ =	sdelay $0x4  }
0x309: {  	s19 =	sadd.s32 $0x380, s14  }
0x30a: {  	v8 =	vadd.f32 v9, v8;
	v9 =	vor.u32 s19, v6;
	_ =	sdelay $0x1  }
0x30b: {  	v8 =	vmax.f32 v8, $0.0e+00  }
.Ltmp6:
0x30c: {  	v8 =	vmin.f32 v8, $1.000000000e+00;
	(pc) =	sbr.rel @p0 .LBB2_14-.Ltmp6, $3  }
0x30d: {  	[tilespmem:s16+$0xFFFFFFF0] =	vst v8  }
0x30e: {  	v8 =	vld.idx.msk [tilespmem:v9+s13+$0x0], $0xffff  }
0x30f: {  	v9 =	vld.idx.msk [tilespmem:v9+s8+$0x0], $0xffff;
	_ =	sdelay $0x1  }
0x310: {  	_ =	sdelay $0x2  }
0x311: {  	v8 =	vadd.f32 v9, v8;
	v9 =	vor.u32 s13, v7;
	_ =	sdelay $0x1  }
0x312: {  	v8 =	vmax.f32 v8, $0.0e+00  }
0x313: {  	v8 =	vmin.f32 v8, $1.000000000e+00  }
0x314: {  	[tilespmem:s17+$0x0] =	vst v8  }
0x315: {  	v8 =	vld.idx.msk [tilespmem:v9+s2+$0x0], $0xffff  }
0x316: {  	v9 =	vld.idx.msk [tilespmem:v9+s8+$0x0], $0xffff;
	_ =	sdelay $0x3  }
0x317: {  	s14 =	simm.s32 $0x80  }
0x318: {  	v8 =	vadd.f32 v9, v8;
	v9 =	vor.u32 s14, v7;
	_ =	sdelay $0x1  }
0x319: {  	v8 =	vmax.f32 v8, $0.0e+00  }
0x31a: {  	v8 =	vmin.f32 v8, $1.000000000e+00  }
0x31b: {  	[tilespmem:s15+$0xFFFFFF90] =	vst v8  }
0x31c: {  	v8 =	vld.idx.msk [tilespmem:v9+s2+$0x0], $0xffff  }
0x31d: {  	v9 =	vld.idx.msk [tilespmem:v9+s8+$0x0], $0xffff;
	_ =	sdelay $0x3  }
0x31e: {  	s25 =	simm.s32 $0x100  }
0x31f: {  	v8 =	vadd.f32 v9, v8;
	v9 =	vor.u32 s25, v7;
	_ =	sdelay $0x1  }
0x320: {  	v8 =	vmax.f32 v8, $0.0e+00  }
0x321: {  	v8 =	vmin.f32 v8, $1.000000000e+00  }
0x322: {  	[tilespmem:s15+$0xFFFFFFA0] =	vst v8  }
0x323: {  	v8 =	vld.idx.msk [tilespmem:v9+s2+$0x0], $0xffff  }
0x324: {  	v9 =	vld.idx.msk [tilespmem:v9+s8+$0x0], $0xffff;
	_ =	sdelay $0x3  }
0x325: {  	s26 =	simm.s32 $0x180  }
0x326: {  	v8 =	vadd.f32 v9, v8;
	v9 =	vor.u32 s26, v7;
	_ =	sdelay $0x1  }
0x327: {  	v8 =	vmax.f32 v8, $0.0e+00  }
0x328: {  	v8 =	vmin.f32 v8, $1.000000000e+00  }
0x329: {  	[tilespmem:s15+$0xFFFFFFB0] =	vst v8  }
0x32a: {  	v8 =	vld.idx.msk [tilespmem:v9+s2+$0x0], $0xffff  }
0x32b: {  	v9 =	vld.idx.msk [tilespmem:v9+s8+$0x0], $0xffff;
	_ =	sdelay $0x3  }
0x32c: {  	s28 =	simm.s32 $0x200  }
0x32d: {  	v8 =	vadd.f32 v9, v8;
	v9 =	vor.u32 s28, v7;
	_ =	sdelay $0x1  }
0x32e: {  	v8 =	vmax.f32 v8, $0.0e+00  }
0x32f: {  	v8 =	vmin.f32 v8, $1.000000000e+00  }
0x330: {  	[tilespmem:s15+$0xFFFFFFC0] =	vst v8  }
0x331: {  	v8 =	vld.idx.msk [tilespmem:v9+s2+$0x0], $0xffff  }
0x332: {  	v9 =	vld.idx.msk [tilespmem:v9+s8+$0x0], $0xffff;
	_ =	sdelay $0x3  }
0x333: {  	s29 =	simm.s32 $0x280  }
0x334: {  	v8 =	vadd.f32 v9, v8;
	v9 =	vor.u32 s29, v7;
	_ =	sdelay $0x1  }
0x335: {  	v8 =	vmax.f32 v8, $0.0e+00  }
0x336: {  	v8 =	vmin.f32 v8, $1.000000000e+00  }
0x337: {  	[tilespmem:s15+$0xFFFFFFD0] =	vst v8  }
0x338: {  	v8 =	vld.idx.msk [tilespmem:v9+s2+$0x0], $0xffff  }
0x339: {  	v9 =	vld.idx.msk [tilespmem:v9+s8+$0x0], $0xffff;
	_ =	sdelay $0x3  }
0x33a: {  	s30 =	simm.s32 $0x300  }
0x33b: {  	v8 =	vadd.f32 v9, v8;
	v9 =	vor.u32 s30, v7;
	_ =	sdelay $0x1  }
0x33c: {  	v8 =	vmax.f32 v8, $0.0e+00  }
0x33d: {  	v8 =	vmin.f32 v8, $1.000000000e+00  }
0x33e: {  	[tilespmem:s15+$0xFFFFFFE0] =	vst v8  }
0x33f: {  	v8 =	vld.idx.msk [tilespmem:v9+s2+$0x0], $0xffff  }
0x340: {  	v9 =	vld.idx.msk [tilespmem:v9+s8+$0x0], $0xffff;
	_ =	sdelay $0x3  }
0x341: {  	s31 =	simm.s32 $0x380  }
0x342: {  	v8 =	vadd.f32 v9, v8;
	v9 =	vor.u32 s31, v7;
	_ =	sdelay $0x1  }
0x343: {  	v8 =	vmax.f32 v8, $0.0e+00  }
0x344: {  	v8 =	vmin.f32 v8, $1.000000000e+00  }
0x345: {  	[tilespmem:s15+$0xFFFFFFF0] =	vst v8  }
0x346: {  	v8 =	vld.idx.msk [tilespmem:v9+s2+$0x0], $0xffff  }
0x347: {  	s16 =	simm.s32 $0x0;
	s14 =	simm.s32 $0xB870;
	v9 =	vld.idx.msk [tilespmem:v9+s8+$0x0], $0xffff  }
.LBB2_16:
0x348: {  	s16 =	sadd.s32 $0x8, s16;
	s13 =	sadd.s32 $0x400, s13;
	s15 =	sadd.s32 $0x80, s15  }
0x349: {  	p0 =	slt.u32 s16, $0x78;
	_ =	sdelay $0x2  }
0x34a: {  	v10 =	vor.u32 s13, v7;
	v8 =	vadd.f32 v9, v8;
	_ =	sdelay $0x1  }
0x34b: {  	v8 =	vmax.f32 v8, $0.0e+00  }
0x34c: {  	v8 =	vmin.f32 v8, $1.000000000e+00  }
0x34d: {  	[tilespmem:s14+$0x0] =	vst v8;
	s14 =	smov.u32 s15  }
0x34e: {  	v8 =	vld.idx.msk [tilespmem:v10+s2+$0x0], $0xffff  }
0x34f: {  	v9 =	vld.idx.msk [tilespmem:v10+s8+$0x0], $0xffff;
	_ =	sdelay $0x4  }
0x350: {  	s17 =	sadd.s32 $0x80, s13  }
0x351: {  	v8 =	vadd.f32 v9, v8;
	v9 =	vor.u32 s17, v7;
	_ =	sdelay $0x1  }
0x352: {  	v8 =	vmax.f32 v8, $0.0e+00  }
0x353: {  	v8 =	vmin.f32 v8, $1.000000000e+00  }
0x354: {  	[tilespmem:s15+$0xFFFFFF90] =	vst v8  }
0x355: {  	v8 =	vld.idx.msk [tilespmem:v9+s2+$0x0], $0xffff  }
0x356: {  	v9 =	vld.idx.msk [tilespmem:v9+s8+$0x0], $0xffff;
	_ =	sdelay $0x4  }
0x357: {  	s17 =	sadd.s32 $0x100, s13  }
0x358: {  	v8 =	vadd.f32 v9, v8;
	v9 =	vor.u32 s17, v7;
	_ =	sdelay $0x1  }
0x359: {  	v8 =	vmax.f32 v8, $0.0e+00  }
0x35a: {  	v8 =	vmin.f32 v8, $1.000000000e+00  }
0x35b: {  	[tilespmem:s15+$0xFFFFFFA0] =	vst v8  }
0x35c: {  	v8 =	vld.idx.msk [tilespmem:v9+s2+$0x0], $0xffff  }
0x35d: {  	v9 =	vld.idx.msk [tilespmem:v9+s8+$0x0], $0xffff;
	_ =	sdelay $0x4  }
0x35e: {  	s17 =	sadd.s32 $0x180, s13  }
0x35f: {  	v8 =	vadd.f32 v9, v8;
	v9 =	vor.u32 s17, v7;
	_ =	sdelay $0x1  }
0x360: {  	v8 =	vmax.f32 v8, $0.0e+00  }
0x361: {  	v8 =	vmin.f32 v8, $1.000000000e+00  }
0x362: {  	[tilespmem:s15+$0xFFFFFFB0] =	vst v8  }
0x363: {  	v8 =	vld.idx.msk [tilespmem:v9+s2+$0x0], $0xffff  }
0x364: {  	v9 =	vld.idx.msk [tilespmem:v9+s8+$0x0], $0xffff;
	_ =	sdelay $0x4  }
0x365: {  	s17 =	sadd.s32 $0x200, s13  }
0x366: {  	v8 =	vadd.f32 v9, v8;
	v9 =	vor.u32 s17, v7;
	_ =	sdelay $0x1  }
0x367: {  	v8 =	vmax.f32 v8, $0.0e+00  }
0x368: {  	v8 =	vmin.f32 v8, $1.000000000e+00  }
0x369: {  	[tilespmem:s15+$0xFFFFFFC0] =	vst v8  }
0x36a: {  	v8 =	vld.idx.msk [tilespmem:v9+s2+$0x0], $0xffff  }
0x36b: {  	v9 =	vld.idx.msk [tilespmem:v9+s8+$0x0], $0xffff;
	_ =	sdelay $0x4  }
0x36c: {  	s17 =	sadd.s32 $0x280, s13  }
0x36d: {  	v8 =	vadd.f32 v9, v8;
	v9 =	vor.u32 s17, v7;
	_ =	sdelay $0x1  }
0x36e: {  	v8 =	vmax.f32 v8, $0.0e+00  }
0x36f: {  	v8 =	vmin.f32 v8, $1.000000000e+00  }
0x370: {  	[tilespmem:s15+$0xFFFFFFD0] =	vst v8  }
0x371: {  	v8 =	vld.idx.msk [tilespmem:v9+s2+$0x0], $0xffff  }
0x372: {  	v9 =	vld.idx.msk [tilespmem:v9+s8+$0x0], $0xffff;
	_ =	sdelay $0x4  }
0x373: {  	s17 =	sadd.s32 $0x300, s13  }
0x374: {  	v8 =	vadd.f32 v9, v8;
	v9 =	vor.u32 s17, v7;
	_ =	sdelay $0x1  }
0x375: {  	v8 =	vmax.f32 v8, $0.0e+00  }
0x376: {  	v8 =	vmin.f32 v8, $1.000000000e+00  }
0x377: {  	[tilespmem:s15+$0xFFFFFFE0] =	vst v8  }
0x378: {  	v8 =	vld.idx.msk [tilespmem:v9+s2+$0x0], $0xffff  }
0x379: {  	v9 =	vld.idx.msk [tilespmem:v9+s8+$0x0], $0xffff;
	_ =	sdelay $0x4  }
0x37a: {  	s17 =	sadd.s32 $0x380, s13  }
0x37b: {  	v8 =	vadd.f32 v9, v8;
	v9 =	vor.u32 s17, v7;
	_ =	sdelay $0x1  }
.Ltmp7:
0x37c: {  	v8 =	vmax.f32 v8, $0.0e+00;
	(pc) =	sbr.rel @p0 .LBB2_16-.Ltmp7, $4  }
0x37d: {  	v8 =	vmin.f32 v8, $1.000000000e+00  }
0x37e: {  	[tilespmem:s15+$0xFFFFFFF0] =	vst v8  }
0x37f: {  	v8 =	vld.idx.msk [tilespmem:v9+s2+$0x0], $0xffff  }
0x380: {  	v9 =	vld.idx.msk [tilespmem:v9+s8+$0x0], $0xffff  }
0x381: {  	_ =	sdelay $0x3  }
0x382: {  	v8 =	vadd.f32 v9, v8;
	_ =	sdelay $0x1  }
0x383: {  	s12 =	sadd.s32 $0x1, s12;
	v8 =	vmax.f32 v8, $0.0e+00  }
0x384: {  	p0 =	sne.s32 s12, s6;
	v8 =	vmin.f32 v8, $1.000000000e+00  }
.Ltmp8:
0x385: {  	[tilespmem:s14+$0x0] =	vst v8;
	(pc) =	sbr.rel @p0 .LBB2_1-.Ltmp8, $4  }
0x386: {  	[hbm4b:s5+s9] =	stream.strided.scatter [tilespmem:s11], [sflag:$0x1], $0x4000, s10, s9, $0x38;
	[tilespmem:$0xC000] =	vst v63  }
0x387: {  	_ =	swait.ge [sflag:s7], $0x4000  }
0x388: {  	[sflag:s7] =	ssyncset.done $0x0  }
0x389: {  	[sflag:s7] =	ssyncadd.s32 $0xFFFFC000  }
0x38a: {  	_ =	sfence.sel $0x180000  }
0x38b: {  	[bflag:$0x0] =	sbarrier.arrive $0xFFFF  }
0x38c: {  	p0 =	sne.s32 s1, $0x0;
	_ =	strace $0x9000004A  }
0x38d: {  	s0 =	sadd.s32 @!p0 $0x100000, s0;
	[bflag:$0x2] =	sbarrier.arrive $0xFFFF  }
0x38e: {  	[sflag:s0] =	ssyncadd.tile.s32 @!p0 $0x1;
	_ =	shalt  }
.Lfunc_end2:
_tile_overlayer_lowered:
.L_overlay_start_2:
0x38f: {  	(tag) =	ssettag $0x2  }
0x390: {  	s0 =	rddreg [dreg:$0x0];
	s2 =	stileid.u32  }
0x391: {  	s1 =	rddreg [dreg:$0x1];
	p0 =	sne.s32 s2, $0x0  }
0x392: {  	s3 =	rddreg [dreg:$0x2];
	[bflag:$0x3] =	sbarrier.arrive $0xFFFF;
	s2 =	simm.s32 @!p0 $0x1C01  }
0x393: {  	[timem:s3], [sflag:s2] =	dma.local @!p0 [hbm:s0], s1  }
0x394: {  	s0 =	simm.s32 @!p0 $0x1  }
0x395: {  	_ =	swait.ge @!p0 [sflag:s0], s1  }
0x396: {  	s1 =	ssub.s32 @!p0 $0x0, s1;
	[sflag:s0] =	ssyncset.done @!p0 $0x0  }
0x397: {  	[sflag:s0] =	ssyncadd.s32 @!p0 s1  }
0x398: {  	[bflag:$0x3] =	sbarrier.arrive $0xFFFF  }
0x399: {  	_ =	shalt  }

</sc_bundles>
